<compile_context>
chip_gen: v7x
topology: tpu7x:2x2x1
jax: 0.10.2.dev20260603
libtpu: 0.0.44.dev20260713+nightly
codegen_flags: <defaults>
</compile_context>

<pallas_src>
import functools

import jax
import jax.numpy as jnp
from jax import lax
from jax.experimental import pallas as pl
from jax.experimental.pallas import tpu as pltpu
from jax.experimental.pallas import tpu_sc as plsc

N = 10000
NP = 10240
E = 320000
EP = 327680
T = 4
ND = 128
ED = 16
OD = 64
NW = 32
EPT = EP // NW
CH12 = 2048
NCH12 = EPT // CH12
CH3 = 256
NCH3 = EPT // CH3
G3 = CH3 // 128
RPT = NP // 16

_f32 = jnp.float32


def _a1_body(nf, wn, wfc2, wattn, u_o, ssrc_o, sdst_o):
    z = lax.dot_general(nf[...], wn[...], (((1,), (1,)), ((), ())),
                        preferred_element_type=_f32)
    w2 = wfc2[...]
    ub = lax.dot_general(z, w2[:, :OD], (((1,), (1,)), ((), ())),
                         preferred_element_type=_f32)
    u_o[...] = jnp.concatenate([ub, jnp.zeros((256, ND - OD), _f32)], axis=1)
    wa = wattn[...]
    ssrc_o[...] = lax.dot_general(z, wa[0, :OD], (((1,), (0,)), ((), ())),
                                  preferred_element_type=_f32).reshape(1, 1, 256)
    sdst_o[...] = lax.dot_general(z, wa[0, OD + ED:], (((1,), (0,)), ((), ())),
                                  preferred_element_type=_f32).reshape(1, 1, 256)


def _a1(nf, wn, wfc2, wattn):
    nblk = NP // 256
    return pl.pallas_call(
        _a1_body,
        grid=(nblk,),
        in_specs=[
            pl.BlockSpec((256, ND), lambda i: (i, 0)),
            pl.BlockSpec((OD, ND), lambda i: (0, 0)),
            pl.BlockSpec((OD, OD + ED), lambda i: (0, 0)),
            pl.BlockSpec((1, 2 * OD + ED), lambda i: (0, 0)),
        ],
        out_specs=[
            pl.BlockSpec((256, ND), lambda i: (i, 0)),
            pl.BlockSpec((1, 1, 256), lambda i: (i, 0, 0)),
            pl.BlockSpec((1, 1, 256), lambda i: (i, 0, 0)),
        ],
        out_shape=[
            jax.ShapeDtypeStruct((NP, ND), _f32),
            jax.ShapeDtypeStruct((nblk, 1, 256), _f32),
            jax.ShapeDtypeStruct((nblk, 1, 256), _f32),
        ],
    )(nf, wn, wfc2, wattn)


_EB = 2560


def _a2_body(ef, et, we, wattn, se_o, eft_o, *ett_o):
    ve = lax.dot_general(wattn[...][0, OD:OD + ED], we[...],
                         (((0,), (0,)), ((), ())), preferred_element_type=_f32)
    e = ef[...]
    se_o[...] = lax.dot_general(e, ve, (((1,), (0,)), ((), ())),
                                preferred_element_type=_f32).reshape(1, 1, _EB)
    eft_o[...] = lax.dot_general(jnp.eye(ED, dtype=_f32), e,
                                 (((1,), (1,)), ((), ())),
                                 preferred_element_type=_f32)
    ett = lax.dot_general(jnp.eye(T, dtype=_f32), et[...],
                          (((1,), (1,)), ((), ())),
                          preferred_element_type=_f32)
    for t in range(T):
        ett_o[t][...] = ett[t].reshape(1, 1, _EB)


def _a2(ef, et, we, wattn):
    nblk = E // _EB
    return pl.pallas_call(
        _a2_body,
        grid=(nblk,),
        in_specs=[
            pl.BlockSpec((_EB, ED), lambda i: (i, 0)),
            pl.BlockSpec((_EB, T), lambda i: (i, 0)),
            pl.BlockSpec((ED, ED), lambda i: (0, 0)),
            pl.BlockSpec((1, 2 * OD + ED), lambda i: (0, 0)),
        ],
        out_specs=[pl.BlockSpec((1, 1, _EB), lambda i: (i, 0, 0)),
                   pl.BlockSpec((ED, _EB), lambda i: (0, i))]
        + [pl.BlockSpec((1, 1, _EB), lambda i: (i, 0, 0)) for _ in range(T)],
        out_shape=[jax.ShapeDtypeStruct((nblk, 1, _EB), _f32),
                   jax.ShapeDtypeStruct((ED, E), _f32)]
        + [jax.ShapeDtypeStruct((nblk, 1, _EB), _f32) for _ in range(T)],
    )(ef, et, we, wattn)


def _build_pass1():
    mesh = plsc.VectorSubcoreMesh(core_axis_name="c", subcore_axis_name="s")

    @functools.partial(
        pl.kernel,
        out_type=(jax.ShapeDtypeStruct((EP,), _f32),
                  jax.ShapeDtypeStruct((NW, NP), _f32)),
        mesh=mesh,
        compiler_params=pltpu.CompilerParams(needs_layout_passes=False),
        scratch_types=[
            pltpu.VMEM((NP,), _f32),
            pltpu.VMEM((NP,), _f32),
            pltpu.VMEM((NP,), _f32),
            pltpu.VMEM((CH12,), jnp.int32),
            pltpu.VMEM((CH12,), jnp.int32),
            pltpu.VMEM((CH12,), _f32),
            pltpu.VMEM((CH12,), _f32),
        ],
    )
    def pass1(src_h, dst_h, se_h, ssrc_h, sdst_h, p_h, den_h,
              ssrc_v, sdst_v, den_v, src_b, dst_b, se_b, p_b):
        cid = lax.axis_index("c")
        sid = lax.axis_index("s")
        wid = cid * 16 + sid
        pltpu.sync_copy(ssrc_h, ssrc_v)
        pltpu.sync_copy(sdst_h, sdst_v)
        zv = jnp.zeros((16,), _f32)

        def _zero(i, carry):
            den_v[pl.ds(i * 16, 16)] = zv
            return carry

        lax.fori_loop(0, NP // 16, _zero, 0)

        def _chunk(ch, carry):
            base = wid * EPT + ch * CH12
            pltpu.sync_copy(src_h.at[pl.ds(base, CH12)], src_b)
            pltpu.sync_copy(dst_h.at[pl.ds(base, CH12)], dst_b)
            pltpu.sync_copy(se_h.at[pl.ds(base, CH12)], se_b)

            def _grp(g, c2):
                sl = pl.ds(g * 16, 16)
                isrc = src_b[sl]
                idst = dst_b[sl]
                s1 = plsc.load_gather(ssrc_v, [isrc])
                s2 = plsc.load_gather(sdst_v, [idst])
                sc = s1 + se_b[sl] + s2
                sc = jnp.where(sc >= 0.0, sc, 0.01 * sc)
                pv = jnp.exp(sc)
                p_b[sl] = pv
                plsc.addupdate_scatter(den_v, [idst], pv)
                return c2

            lax.fori_loop(0, CH12 // 16, _grp, 0)
            pltpu.sync_copy(p_b, p_h.at[pl.ds(base, CH12)])
            return carry

        lax.fori_loop(0, NCH12, _chunk, 0)
        pltpu.sync_copy(den_v, den_h.at[wid])

    return pass1


def _b2_body(d32, out):
    out[...] = jnp.sum(d32[...], axis=0, keepdims=True).reshape(1, 1, 2048)


def _b2(den32):
    nblk = NP // 2048
    return pl.pallas_call(
        _b2_body,
        grid=(nblk,),
        in_specs=[pl.BlockSpec((NW, 2048), lambda i: (0, i))],
        out_specs=pl.BlockSpec((1, 1, 2048), lambda i: (i, 0, 0)),
        out_shape=jax.ShapeDtypeStruct((nblk, 1, 2048), _f32),
    )(den32)


def _build_pass2():
    mesh = plsc.VectorSubcoreMesh(core_axis_name="c", subcore_axis_name="s")

    @functools.partial(
        pl.kernel,
        out_type=(jax.ShapeDtypeStruct((8, EP), _f32),
                  jax.ShapeDtypeStruct((NW, T * NP), _f32)),
        mesh=mesh,
        compiler_params=pltpu.CompilerParams(needs_layout_passes=False),
        scratch_types=[
            pltpu.VMEM((NP,), _f32),
            pltpu.VMEM((T * NP,), _f32),
            pltpu.VMEM((CH12,), jnp.int32),
            pltpu.VMEM((CH12,), jnp.int32),
            pltpu.VMEM((CH12,), _f32),
            pltpu.VMEM((T * CH12,), _f32),
            pltpu.VMEM((8, CH12), _f32),
        ],
    )
    def pass2(src_h, dst_h, p_h, et0_h, et1_h, et2_h, et3_h, den_h, ct_h, g_h,
              den_v, g_v, src_b, dst_b, p_b, et_b, ct_b):
        et_hs = (et0_h, et1_h, et2_h, et3_h)
        cid = lax.axis_index("c")
        sid = lax.axis_index("s")
        wid = cid * 16 + sid
        pltpu.sync_copy(den_h, den_v)
        zv = jnp.zeros((16,), _f32)

        def _zero(i, carry):
            g_v[pl.ds(i * 16, 16)] = zv
            return carry

        lax.fori_loop(0, T * NP // 16, _zero, 0)
        for t2 in range(T, 8):
            def _zc(i, carry, _t2=t2):
                ct_b[_t2, pl.ds(i * 16, 16)] = zv
                return carry
            lax.fori_loop(0, CH12 // 16, _zc, 0)

        def _chunk(ch, carry):
            base = wid * EPT + ch * CH12
            pltpu.sync_copy(src_h.at[pl.ds(base, CH12)], src_b)
            pltpu.sync_copy(dst_h.at[pl.ds(base, CH12)], dst_b)
            pltpu.sync_copy(p_h.at[pl.ds(base, CH12)], p_b)
            for t in range(T):
                pltpu.sync_copy(et_hs[t].at[pl.ds(base, CH12)],
                                et_b.at[pl.ds(t * CH12, CH12)])

            def _grp(g, c2):
                sl = pl.ds(g * 16, 16)
                idst = dst_b[sl]
                isrc = src_b[sl]
                dn = plsc.load_gather(den_v, [idst])
                al = p_b[sl] / (dn + 1e-16)
                for t in range(T):
                    c_t = et_b[pl.ds(t * CH12 + g * 16, 16)] * al
                    ct_b[t, pl.ds(g * 16, 16)] = c_t
                    plsc.addupdate_scatter(g_v, [isrc + t * NP], c_t)
                return c2

            lax.fori_loop(0, CH12 // 16, _grp, 0)
            pltpu.sync_copy(ct_b, ct_h.at[:, pl.ds(base, CH12)])
            return carry

        lax.fori_loop(0, NCH12, _chunk, 0)
        pltpu.sync_copy(g_v, g_h.at[wid])

    return pass2


def _d1_body(ct, eft, g32, u, wfc2, we, wsem, beta_o, zphi_acc, r_acc):
    i = pl.program_id(0)

    @pl.when(i == 0)
    def _init():
        zphi_acc[...] = jnp.zeros_like(zphi_acc)
        r_acc[...] = jnp.zeros_like(r_acc)

    gsum = jnp.sum(g32[...], axis=0)
    zphi_acc[...] += lax.dot_general(gsum, u[...][:, :OD],
                                     (((1,), (0,)), ((), ())),
                                     preferred_element_type=_f32)
    r_acc[...] += lax.dot_general(ct[...][:T, :], eft[...],
                                  (((1,), (1,)), ((), ())),
                                  preferred_element_type=_f32)

    @pl.when(i == pl.num_programs(0) - 1)
    def _fin():
        wfe = lax.dot_general(wfc2[...][:, OD:], we[...], (((1,), (0,)), ((), ())),
                              preferred_element_type=_f32)
        zphi = zphi_acc[...] + lax.dot_general(r_acc[...], wfe,
                                               (((1,), (1,)), ((), ())),
                                               preferred_element_type=_f32)
        wphi = lax.dot_general(zphi, wsem[...], (((1,), (1,)), ((), ())),
                               preferred_element_type=_f32)
        wphi = jnp.where(wphi >= 0.0, wphi, 0.01 * wphi)
        m = jnp.max(wphi, axis=0, keepdims=True)
        ex = jnp.exp(wphi - m)
        beta = ex / jnp.sum(ex, axis=0, keepdims=True)
        full = jnp.concatenate([beta, jnp.zeros((T, 127), _f32)], axis=1)
        full = jnp.concatenate([full, jnp.zeros((8 - T, 128), _f32)], axis=0)
        beta_o[...] = full


def _d1(ct, eft, g32r, u, wfc2, we, wsem):
    nblk = EP // 8192
    return pl.pallas_call(
        _d1_body,
        grid=(nblk,),
        in_specs=[
            pl.BlockSpec((8, 8192), lambda i: (0, i)),
            pl.BlockSpec((ED, 8192), lambda i: (0, i)),
            pl.BlockSpec((NW, T, 256), lambda i: (0, 0, i)),
            pl.BlockSpec((256, ND), lambda i: (i, 0)),
            pl.BlockSpec((OD, OD + ED), lambda i: (0, 0)),
            pl.BlockSpec((ED, ED), lambda i: (0, 0)),
            pl.BlockSpec((1, OD), lambda i: (0, 0)),
        ],
        out_specs=pl.BlockSpec((8, 128), lambda i: (0, 0)),
        out_shape=jax.ShapeDtypeStruct((8, 128), _f32),
        scratch_shapes=[pltpu.VMEM((T, OD), _f32), pltpu.VMEM((T, ED), _f32)],
    )(ct, eft, g32r, u, wfc2, we, wsem)


def _build_pass3():
    mesh = plsc.VectorSubcoreMesh(core_axis_name="c", subcore_axis_name="s")

    @functools.partial(
        pl.kernel,
        out_type=jax.ShapeDtypeStruct((2 * NP, ND), _f32),
        mesh=mesh,
        compiler_params=pltpu.CompilerParams(needs_layout_passes=False),
        scratch_types=[
            pltpu.VMEM((CH3, ND), _f32),
            pltpu.VMEM((2, CH3 * ED), _f32),
            pltpu.VMEM((CH3,), _f32),
            pltpu.VMEM((16, CH3), _f32),
            pltpu.VMEM((2 * G3, 128), jnp.int32),
            pltpu.VMEM((2 * G3, 128), jnp.int32),
            pltpu.VMEM((8, 128), _f32),
            pltpu.VMEM_SHARED((NP, ND), _f32),
            pltpu.SemaphoreType.DMA,
            pltpu.SemaphoreType.DMA,
            pltpu.SemaphoreType.DMA,
            pltpu.SemaphoreType.DMA,
            pltpu.SemaphoreType.DMA,
        ],
    )
    def pass3(src2_h, dst2_h, ef_h, u_h, ct_h, beta_h, zq_h,
              urows, ef_b, w_b, ct_b, sidx, didx, beta_v, zq_sh,
              sem, sem_idx0, sem_idx1, sem_in0, sem_in1):
        cid = lax.axis_index("c")
        sid = lax.axis_index("s")
        wid = cid * 16 + sid
        sem_idx = (sem_idx0, sem_idx1)
        sem_in = (sem_in0, sem_in1)
        pltpu.sync_copy(beta_h, beta_v)
        z16 = jnp.zeros((16,), _f32)

        def _zrow(r, carry):
            for kq in range(ND // 16):
                urows[r, pl.ds(kq * 16, 16)] = z16
            return carry

        lax.fori_loop(0, CH3, _zrow, 0)
        for off in range(0, RPT, CH3):
            sz = min(CH3, RPT - off)
            pltpu.sync_copy(urows.at[pl.ds(0, sz)],
                            zq_sh.at[pl.ds(sid * RPT + off, sz)])
        plsc.subcore_barrier()
        b0 = beta_v[0, pl.ds(0, 16)][0]
        b1 = beta_v[1, pl.ds(0, 16)][0]
        b2 = beta_v[2, pl.ds(0, 16)][0]
        b3 = beta_v[3, pl.ds(0, 16)][0]

        def _in_copies(n, p):
            base = wid * EPT + n * CH3
            rb = wid * (EPT // 128) + n * G3
            return (
                pltpu.make_async_copy(src2_h.at[pl.ds(rb, G3)],
                                      sidx.at[pl.ds(p * G3, G3)], sem_idx[p]),
                pltpu.make_async_copy(dst2_h.at[pl.ds(rb, G3)],
                                      didx.at[pl.ds(p * G3, G3)], sem_idx[p]),
                pltpu.make_async_copy(ef_h.at[pl.ds(base * ED, CH3 * ED)],
                                      ef_b.at[p], sem_in[p]),
                pltpu.make_async_copy(ct_h.at[:, pl.ds(base, CH3)],
                                      ct_b.at[pl.ds(p * 8, 8)], sem_in[p]),
            )

        def _issue_in(n, p):
            for c_ in _in_copies(n, p):
                c_.start()

        def _half(n, p):
            for c_ in _in_copies(n, p)[:2]:
                c_.wait()
            cps = []
            for j in range(G3):
                cps.append(pltpu.async_copy(u_h.at[sidx.at[p * G3 + j]],
                                            urows.at[pl.ds(j * 128, 128)],
                                            sem))
            for c_ in _in_copies(n, p)[2:]:
                c_.wait()

            def _wg(g, c2):
                sl = pl.ds(g * 16, 16)
                w_b[sl] = (ct_b[p * 8 + 0, sl] * b0 + ct_b[p * 8 + 1, sl] * b1
                           + ct_b[p * 8 + 2, sl] * b2
                           + ct_b[p * 8 + 3, sl] * b3)
                return c2

            lax.fori_loop(0, CH3 // 16, _wg, 0)
            for cp in cps:
                cp.wait()

            def _rowg(g, c2):
                wv = w_b[pl.ds(g * 16, 16)]
                for i in range(16):
                    r = g * 16 + i
                    wr = wv[i]
                    for kq in range(OD // 16):
                        slq = pl.ds(kq * 16, 16)
                        urows[r, slq] = urows[r, slq] * wr
                    urows[r, pl.ds(OD, 16)] = ef_b[p, pl.ds(r * ED, 16)] * wr
                return c2

            lax.fori_loop(0, CH3 // 16, _rowg, 0)
            for j in range(G3):
                pltpu.sync_copy(urows.at[pl.ds(j * 128, 128)],
                                zq_sh.at[didx.at[p * G3 + j]], add=True)

            @pl.when(n + 2 < NCH3)
            def _():
                _issue_in(n + 2, p)

        _issue_in(jnp.int32(0), 0)
        _issue_in(jnp.int32(1), 1)

        def _chunk2(i2, carry):
            _half(2 * i2, 0)
            _half(2 * i2 + 1, 1)
            return carry

        lax.fori_loop(0, NCH3 // 2, _chunk2, 0)
        plsc.subcore_barrier()
        for off in range(0, RPT, CH3):
            sz = min(CH3, RPT - off)
            pltpu.sync_copy(zq_sh.at[pl.ds(sid * RPT + off, sz)],
                            zq_h.at[pl.ds(cid * NP + sid * RPT + off, sz)])

    return pass3


def _f_body(zq, wfc2, we, z_o):
    s = zq[...][0] + zq[...][1]
    wfe = lax.dot_general(wfc2[...][:, OD:], we[...], (((1,), (0,)), ((), ())),
                          preferred_element_type=_f32)
    z_o[...] = s[:, :OD] + lax.dot_general(s[:, OD:OD + ED], wfe,
                                           (((1,), (1,)), ((), ())),
                                           preferred_element_type=_f32)


def _f(zq, wfc2, we):
    nblk = NP // 256
    return pl.pallas_call(
        _f_body,
        grid=(nblk,),
        in_specs=[
            pl.BlockSpec((2, 256, ND), lambda i: (0, i, 0)),
            pl.BlockSpec((OD, OD + ED), lambda i: (0, 0)),
            pl.BlockSpec((ED, ED), lambda i: (0, 0)),
        ],
        out_specs=pl.BlockSpec((256, OD), lambda i: (i, 0)),
        out_shape=jax.ShapeDtypeStruct((NP, OD), _f32),
    )(zq, wfc2, we)


_pass1 = _build_pass1()
_pass2 = _build_pass2()
_pass3 = _build_pass3()


def kernel(node_features, edges_features, edge_types, edge_index,
           W_n, W_e, W_attn, W_fc2, W_sem):
    nf = jnp.pad(node_features, ((0, NP - N), (0, 0)))
    npad = EP - E
    tail = jnp.arange(npad, dtype=jnp.int32)
    src = jnp.concatenate([edge_index[0], tail % N])
    dst = jnp.concatenate([edge_index[1], N + tail % (NP - N)])
    src2 = src.reshape(EP // 128, 128)
    dst2 = dst.reshape(EP // 128, 128)

    u, ssrc_2d, sdst_2d = _a1(nf, W_n, W_fc2, W_attn)
    ssrc = ssrc_2d.reshape(NP)
    sdst = sdst_2d.reshape(NP)
    se_2d, eft, ett0, ett1, ett2, ett3 = _a2(edges_features, edge_types,
                                             W_e, W_attn)
    se = jnp.pad(se_2d.reshape(E), (0, npad))
    ets = [jnp.pad(x.reshape(E), (0, npad)) for x in (ett0, ett1, ett2, ett3)]
    eft_pad = jnp.pad(eft, ((0, 0), (0, npad)))
    ef_lin = jnp.pad(edges_features.reshape(E * ED), (0, npad * ED))

    p, den32 = _pass1(src, dst, se, ssrc, sdst)
    den = _b2(den32).reshape(NP)
    ct, g32 = _pass2(src, dst, p, ets[0], ets[1], ets[2], ets[3], den)
    beta_pad = _d1(ct, eft_pad, g32.reshape(NW, T, NP), u,
                   W_fc2, W_e, W_sem)
    zq = _pass3(src2, dst2, ef_lin, u, ct, beta_pad)
    z = _f(zq.reshape(2, NP, ND), W_fc2, W_e)
    return z[:N]

# --- scband reference (transcript-rebuilt; emitter-appended) ---
"""Pipeline reference for scband-gatlayer-5446018531915 (READ-ONLY COPY).

The authoritative reference and input builder live on the scoring server;
editing this copy changes nothing except your own understanding.
"""

import jax, jax.numpy as jnp
import numpy as np

N = 10000
E = 320000
T = 4
NODE_DIM = 128
EDGE_DIM = 16
EDGE_FT_OUT = 16
OUT_DIM = 64


def _leaky_relu(x):
    return jnp.where(x >= 0, x, 0.01 * x)


def _segment_softmax(scores, seg, num_segments):
    smax = jax.ops.segment_max(scores, seg, num_segments=num_segments)
    smax = jnp.where(jnp.isfinite(smax), smax, 0.0)
    ex = jnp.exp(scores - smax[seg])
    denom = jax.ops.segment_sum(ex, seg, num_segments=num_segments)
    return ex / (denom[seg] + 1e-16)


def setup_inputs(seed: int = 0):
    key = jax.random.key(seed)
    ks = jax.random.split(key, 9)
    node_features = jax.random.normal(ks[0], (N, NODE_DIM), dtype=jnp.float32)
    edges_features = jax.random.normal(ks[1], (E, EDGE_DIM), dtype=jnp.float32)
    edge_types = jax.random.uniform(ks[2], (E, T), dtype=jnp.float32)
    edge_index = jax.random.randint(ks[3], (2, E), 0, N, dtype=jnp.int32)
    W_n = jax.random.normal(ks[4], (OUT_DIM, NODE_DIM), dtype=jnp.float32) * 0.05
    W_e = jax.random.normal(ks[5], (EDGE_FT_OUT, EDGE_DIM), dtype=jnp.float32) * 0.05
    W_attn = jax.random.normal(ks[6], (1, OUT_DIM + EDGE_FT_OUT + OUT_DIM), dtype=jnp.float32) * 0.05
    W_fc2 = jax.random.normal(ks[7], (OUT_DIM, OUT_DIM + EDGE_FT_OUT), dtype=jnp.float32) * 0.05
    W_sem = jax.random.normal(ks[8], (1, OUT_DIM), dtype=jnp.float32) * 0.05
    return {"node_features": node_features, "edges_features": edges_features, "edge_types": edge_types, "edge_index": edge_index, "W_n": W_n, "W_e": W_e, "W_attn": W_attn, "W_fc2": W_fc2, "W_sem": W_sem}


def reference(node_features, edges_features, edge_types, edge_index, W_n, W_e, W_attn, W_fc2, W_sem):
    src = edge_index[0]
    dst = edge_index[1]
    # Node-level GAT
    z = node_features @ W_n.T                     # [N, OUT_DIM]
    e_ft = edges_features @ W_e.T                 # [E, EDGE_FT_OUT]
    zne = jnp.concatenate([z[src], e_ft], axis=1) # [E, OUT_DIM+EDGE_FT_OUT]
    z2 = jnp.concatenate([zne, z[dst]], axis=1)   # [E, 2*OUT_DIM+EDGE_FT_OUT]
    e = _leaky_relu(z2 @ W_attn.T)                # [E, 1]
    alpha = _segment_softmax(e, dst, N)           # [E, 1] softmax over in-edges per dst
    weighted = alpha * zne                        # [E, OUT_DIM+EDGE_FT_OUT]
    # per-edge-type weighted aggregation: h[v,t,:] = sum_{e: dst(e)=v} edge_types[e,t]*weighted[e,:]
    h = jnp.stack([jax.ops.segment_sum(edge_types[:, t:t + 1] * weighted, dst, num_segments=N) for t in range(T)], axis=1)  # [N, T, D]
    h = h @ W_fc2.T                               # [N, T, OUT_DIM]
    # Semantic-level attention
    zphi = jnp.sum(h, axis=0)                     # [T, OUT_DIM]
    w_phi = _leaky_relu(zphi @ W_sem.T)           # [T, 1]
    beta = jax.nn.softmax(w_phi, axis=0)          # [T, 1]
    Z = jnp.sum(beta[None, :, :] * h, axis=1)     # [N, OUT_DIM]
    return Z

if __name__ == "__main__":
    import jax
    _d = setup_inputs()
    print(jax.jit(kernel)(*tuple(_d.values())))

</pallas_src>

<mosaic_0001>
#map = affine_map<(d0, d1) -> (0)>
#map1 = affine_map<(d0, d1) -> (0, 0)>
module attributes {stable_mosaic.version = 14 : i64} {
  func.func @pass1(%arg0: i32, %arg1: i32, %arg2: memref<327680xi32, #tpu.memory_space<hbm>>, %arg3: memref<327680xi32, #tpu.memory_space<hbm>>, %arg4: memref<327680xf32, #tpu.memory_space<hbm>>, %arg5: memref<10240xf32, #tpu.memory_space<hbm>>, %arg6: memref<10240xf32, #tpu.memory_space<hbm>>, %arg7: memref<327680xf32, #tpu.memory_space<hbm>>, %arg8: memref<32x10240xf32, #tpu.memory_space<hbm>>, %arg9: memref<10240xf32, #tpu.memory_space<vmem>>, %arg10: memref<10240xf32, #tpu.memory_space<vmem>>, %arg11: memref<10240xf32, #tpu.memory_space<vmem>>, %arg12: memref<2048xi32, #tpu.memory_space<vmem>>, %arg13: memref<2048xi32, #tpu.memory_space<vmem>>, %arg14: memref<2048xf32, #tpu.memory_space<vmem>>, %arg15: memref<2048xf32, #tpu.memory_space<vmem>>) attributes {dimension_semantics = [#tpu.dimension_semantics<core_parallel>, #tpu.dimension_semantics<subcore_parallel>], iteration_bounds = array<i64: 2, 16>, scalar_prefetch = 0 : i64, scratch_operands = 7 : i64, tpu.core_type = #tpu.core_type<sc_vector_subcore>, window_params = [{transform_indices = #map}, {transform_indices = #map}, {transform_indices = #map}, {transform_indices = #map}, {transform_indices = #map}, {transform_indices = #map}, {transform_indices = #map1}]} {
    %mul3A = arith.constant 16 : i32
    %mul3A_0 = arith.muli %arg0, %mul3A : i32
    %add3A = arith.addi %mul3A_0, %arg1 : i32
    "tpu.region"() ({
      %run_scoped3A = tpu.sem_alloc : memref<!tpu.dma_semaphore, #tpu.memory_space<semaphore_mem>>
      tpu.enqueue_dma source(%arg5 : memref<10240xf32, #tpu.memory_space<hbm>>) target(%arg9 : memref<10240xf32, #tpu.memory_space<vmem>>) target_semaphore(%run_scoped3A : memref<!tpu.dma_semaphore, #tpu.memory_space<semaphore_mem>>)
      tpu.wait_dma2 semaphore(%run_scoped3A : memref<!tpu.dma_semaphore, #tpu.memory_space<semaphore_mem>>) src(%arg5 : memref<10240xf32, #tpu.memory_space<hbm>>) dst(%arg9 : memref<10240xf32, #tpu.memory_space<vmem>>)
      tpu.yield
    }) : () -> ()
    "tpu.region"() ({
      %run_scoped3A = tpu.sem_alloc : memref<!tpu.dma_semaphore, #tpu.memory_space<semaphore_mem>>
      tpu.enqueue_dma source(%arg6 : memref<10240xf32, #tpu.memory_space<hbm>>) target(%arg10 : memref<10240xf32, #tpu.memory_space<vmem>>) target_semaphore(%run_scoped3A : memref<!tpu.dma_semaphore, #tpu.memory_space<semaphore_mem>>)
      tpu.wait_dma2 semaphore(%run_scoped3A : memref<!tpu.dma_semaphore, #tpu.memory_space<semaphore_mem>>) src(%arg6 : memref<10240xf32, #tpu.memory_space<hbm>>) dst(%arg10 : memref<10240xf32, #tpu.memory_space<vmem>>)
      tpu.yield
    }) : () -> ()
    %broadcast_in_dim3A = arith.constant 0.000000e+00 : f32
    %broadcast_in_dim3A_1 = vector.broadcast %broadcast_in_dim3A : f32 to vector<16xf32>
    %scan3A = arith.constant 0 : i32
    %scan3A_2 = arith.constant 0 : i32
    %scan3A_3 = arith.constant 640 : i32
    %scan3A_4 = arith.addi %scan3A_2, %scan3A_3 : i32
    %scan3A_5 = arith.constant 1 : i32
    scf.for %scan3A_13 = %scan3A_2 to %scan3A_4 step %scan3A_5  : i32 {
      %mul3A_14 = arith.constant 16 : i32
      %mul3A_15 = arith.muli %scan3A_13, %mul3A_14 : i32
      %swap3A = arith.index_cast %mul3A_15 : i32 to index
      %swap3A_16 = tpu.vector_load %arg11[%swap3A] {strides = array<i32>} : memref<10240xf32, #tpu.memory_space<vmem>>, vector<16xf32>,
      tpu.vector_store %arg11[%swap3A], %broadcast_in_dim3A_1 {strides = array<i32>} : memref<10240xf32, #tpu.memory_space<vmem>>, vector<16xf32>,
    }
    %scan3A_6 = arith.constant 640 : i32
    %scan3A_7 = arith.constant 0 : i32
    %scan3A_8 = arith.constant 0 : i32
    %scan3A_9 = arith.constant 5 : i32
    %scan3A_10 = arith.addi %scan3A_8, %scan3A_9 : i32
    %scan3A_11 = arith.constant 1 : i32
    scf.for %scan3A_13 = %scan3A_8 to %scan3A_10 step %scan3A_11  : i32 {
      %mul3A_14 = arith.constant 10240 : i32
      %mul3A_15 = arith.muli %add3A, %mul3A_14 : i32
      %mul3A_16 = arith.constant 2048 : i32
      %mul3A_17 = arith.muli %scan3A_13, %mul3A_16 : i32
      %add3A_18 = arith.addi %mul3A_15, %mul3A_17 : i32
      "tpu.region"() ({
        %run_scoped3A = tpu.sem_alloc : memref<!tpu.dma_semaphore, #tpu.memory_space<semaphore_mem>>
        %dma_start3A = tpu.memref_slice %arg2[%add3A_18] : memref<327680xi32, #tpu.memory_space<hbm>> -> memref<2048xi32, #tpu.memory_space<hbm>>
        %dma_start3A_25 = tpu.memref_slice %arg2[%add3A_18] : memref<327680xi32, #tpu.memory_space<hbm>> -> memref<2048xi32, #tpu.memory_space<hbm>>
        tpu.enqueue_dma source(%dma_start3A_25 : memref<2048xi32, #tpu.memory_space<hbm>>) target(%arg12 : memref<2048xi32, #tpu.memory_space<vmem>>) target_semaphore(%run_scoped3A : memref<!tpu.dma_semaphore, #tpu.memory_space<semaphore_mem>>)
        %dma_wait3A = tpu.memref_slice %arg2[%add3A_18] : memref<327680xi32, #tpu.memory_space<hbm>> -> memref<2048xi32, #tpu.memory_space<hbm>>
        %dma_wait3A_26 = tpu.memref_slice %arg2[%add3A_18] : memref<327680xi32, #tpu.memory_space<hbm>> -> memref<2048xi32, #tpu.memory_space<hbm>>
        tpu.wait_dma2 semaphore(%run_scoped3A : memref<!tpu.dma_semaphore, #tpu.memory_space<semaphore_mem>>) src(%dma_wait3A_26 : memref<2048xi32, #tpu.memory_space<hbm>>) dst(%arg12 : memref<2048xi32, #tpu.memory_space<vmem>>)
        tpu.yield
      }) : () -> ()
      "tpu.region"() ({
        %run_scoped3A = tpu.sem_alloc : memref<!tpu.dma_semaphore, #tpu.memory_space<semaphore_mem>>
        %dma_start3A = tpu.memref_slice %arg3[%add3A_18] : memref<327680xi32, #tpu.memory_space<hbm>> -> memref<2048xi32, #tpu.memory_space<hbm>>
        %dma_start3A_25 = tpu.memref_slice %arg3[%add3A_18] : memref<327680xi32, #tpu.memory_space<hbm>> -> memref<2048xi32, #tpu.memory_space<hbm>>
        tpu.enqueue_dma source(%dma_start3A_25 : memref<2048xi32, #tpu.memory_space<hbm>>) target(%arg13 : memref<2048xi32, #tpu.memory_space<vmem>>) target_semaphore(%run_scoped3A : memref<!tpu.dma_semaphore, #tpu.memory_space<semaphore_mem>>)
        %dma_wait3A = tpu.memref_slice %arg3[%add3A_18] : memref<327680xi32, #tpu.memory_space<hbm>> -> memref<2048xi32, #tpu.memory_space<hbm>>
        %dma_wait3A_26 = tpu.memref_slice %arg3[%add3A_18] : memref<327680xi32, #tpu.memory_space<hbm>> -> memref<2048xi32, #tpu.memory_space<hbm>>
        tpu.wait_dma2 semaphore(%run_scoped3A : memref<!tpu.dma_semaphore, #tpu.memory_space<semaphore_mem>>) src(%dma_wait3A_26 : memref<2048xi32, #tpu.memory_space<hbm>>) dst(%arg13 : memref<2048xi32, #tpu.memory_space<vmem>>)
        tpu.yield
      }) : () -> ()
      "tpu.region"() ({
        %run_scoped3A = tpu.sem_alloc : memref<!tpu.dma_semaphore, #tpu.memory_space<semaphore_mem>>
        %dma_start3A = tpu.memref_slice %arg4[%add3A_18] : memref<327680xf32, #tpu.memory_space<hbm>> -> memref<2048xf32, #tpu.memory_space<hbm>>
        %dma_start3A_25 = tpu.memref_slice %arg4[%add3A_18] : memref<327680xf32, #tpu.memory_space<hbm>> -> memref<2048xf32, #tpu.memory_space<hbm>>
        tpu.enqueue_dma source(%dma_start3A_25 : memref<2048xf32, #tpu.memory_space<hbm>>) target(%arg14 : memref<2048xf32, #tpu.memory_space<vmem>>) target_semaphore(%run_scoped3A : memref<!tpu.dma_semaphore, #tpu.memory_space<semaphore_mem>>)
        %dma_wait3A = tpu.memref_slice %arg4[%add3A_18] : memref<327680xf32, #tpu.memory_space<hbm>> -> memref<2048xf32, #tpu.memory_space<hbm>>
        %dma_wait3A_26 = tpu.memref_slice %arg4[%add3A_18] : memref<327680xf32, #tpu.memory_space<hbm>> -> memref<2048xf32, #tpu.memory_space<hbm>>
        tpu.wait_dma2 semaphore(%run_scoped3A : memref<!tpu.dma_semaphore, #tpu.memory_space<semaphore_mem>>) src(%dma_wait3A_26 : memref<2048xf32, #tpu.memory_space<hbm>>) dst(%arg14 : memref<2048xf32, #tpu.memory_space<vmem>>)
        tpu.yield
      }) : () -> ()
      %scan3A_19 = arith.constant 0 : i32
      %scan3A_20 = arith.constant 0 : i32
      %scan3A_21 = arith.constant 128 : i32
      %scan3A_22 = arith.addi %scan3A_20, %scan3A_21 : i32
      %scan3A_23 = arith.constant 1 : i32
      scf.for %scan3A_25 = %scan3A_20 to %scan3A_22 step %scan3A_23  : i32 {
        %mul3A_26 = arith.constant 16 : i32
        %mul3A_27 = arith.muli %scan3A_25, %mul3A_26 : i32
        %get3A = arith.index_cast %mul3A_27 : i32 to index
        %get3A_28 = tpu.vector_load %arg12[%get3A] {strides = array<i32>} : memref<2048xi32, #tpu.memory_space<vmem>>, vector<16xi32>,
        %get3A_29 = arith.index_cast %mul3A_27 : i32 to index
        %get3A_30 = tpu.vector_load %arg13[%get3A_29] {strides = array<i32>} : memref<2048xi32, #tpu.memory_space<vmem>>, vector<16xi32>,
        %gather3A = tpu.vector_load_idx %arg9[%get3A_28] : memref<10240xf32, #tpu.memory_space<vmem>>[vector<16xi32>], vector<16xf32>,
        %gather3A_31 = tpu.vector_load_idx %arg10[%get3A_30] : memref<10240xf32, #tpu.memory_space<vmem>>[vector<16xi32>], vector<16xf32>,
        %get3A_32 = arith.index_cast %mul3A_27 : i32 to index
        %get3A_33 = tpu.vector_load %arg14[%get3A_32] {strides = array<i32>} : memref<2048xf32, #tpu.memory_space<vmem>>, vector<16xf32>,
        %add3A_34 = arith.addf %gather3A, %get3A_33 : vector<16xf32>
        %add3A_35 = arith.addf %add3A_34, %gather3A_31 : vector<16xf32>
        %ge3A = arith.constant 0.000000e+00 : f32
        %ge3A_36 = vector.broadcast %ge3A : f32 to vector<16xf32>
        %ge3A_37 = arith.cmpf oge, %add3A_35, %ge3A_36 : vector<16xf32>
        %mul3A_38 = arith.constant 0.00999999977 : f32
        %mul3A_39 = vector.broadcast %mul3A_38 : f32 to vector<16xf32>
        %mul3A_40 = arith.mulf %mul3A_39, %add3A_35 : vector<16xf32>
        %select_n3A = arith.select %ge3A_37, %add3A_35, %mul3A_40 : vector<16xi1>, vector<16xf32>
        %exp3A = math.exp %select_n3A : vector<16xf32>
        %swap3A = arith.index_cast %mul3A_27 : i32 to index
        %swap3A_41 = tpu.vector_load %arg15[%swap3A] {strides = array<i32>} : memref<2048xf32, #tpu.memory_space<vmem>>, vector<16xf32>,
        tpu.vector_store %arg15[%swap3A], %exp3A {strides = array<i32>} : memref<2048xf32, #tpu.memory_space<vmem>>, vector<16xf32>,
        tpu.vector_store_idx %arg11[%get3A_30], %exp3A {add = true} : memref<10240xf32, #tpu.memory_space<vmem>>[vector<16xi32>], vector<16xf32>,
      }
      %scan3A_24 = arith.constant 128 : i32
      "tpu.region"() ({
        %run_scoped3A = tpu.sem_alloc : memref<!tpu.dma_semaphore, #tpu.memory_space<semaphore_mem>>
        %dma_start3A = tpu.memref_slice %arg7[%add3A_18] : memref<327680xf32, #tpu.memory_space<hbm>> -> memref<2048xf32, #tpu.memory_space<hbm>>
        %dma_start3A_25 = tpu.memref_slice %arg7[%add3A_18] : memref<327680xf32, #tpu.memory_space<hbm>> -> memref<2048xf32, #tpu.memory_space<hbm>>
        tpu.enqueue_dma source(%arg15 : memref<2048xf32, #tpu.memory_space<vmem>>) target(%dma_start3A_25 : memref<2048xf32, #tpu.memory_space<hbm>>) target_semaphore(%run_scoped3A : memref<!tpu.dma_semaphore, #tpu.memory_space<semaphore_mem>>)
        %dma_wait3A = tpu.memref_slice %arg7[%add3A_18] : memref<327680xf32, #tpu.memory_space<hbm>> -> memref<2048xf32, #tpu.memory_space<hbm>>
        %dma_wait3A_26 = tpu.memref_slice %arg7[%add3A_18] : memref<327680xf32, #tpu.memory_space<hbm>> -> memref<2048xf32, #tpu.memory_space<hbm>>
        tpu.wait_dma2 semaphore(%run_scoped3A : memref<!tpu.dma_semaphore, #tpu.memory_space<semaphore_mem>>) src(%arg15 : memref<2048xf32, #tpu.memory_space<vmem>>) dst(%dma_wait3A_26 : memref<2048xf32, #tpu.memory_space<hbm>>)
        tpu.yield
      }) : () -> ()
    }
    %scan3A_12 = arith.constant 5 : i32
    "tpu.region"() ({
      %run_scoped3A = tpu.sem_alloc : memref<!tpu.dma_semaphore, #tpu.memory_space<semaphore_mem>>
      %dma_start3A = arith.constant 0 : i32
      %dma_start3A_13 = tpu.memref_slice %arg8[%add3A, %dma_start3A] : memref<32x10240xf32, #tpu.memory_space<hbm>> -> memref<1x10240xf32, #tpu.memory_space<hbm>>
      %dma_start3A_14 = tpu.memref_squeeze %dma_start3A_13 : memref<1x10240xf32, #tpu.memory_space<hbm>> -> memref<10240xf32, #tpu.memory_space<hbm>>
      %dma_start3A_15 = arith.constant 0 : i32
      %dma_start3A_16 = tpu.memref_slice %arg8[%add3A, %dma_start3A_15] : memref<32x10240xf32, #tpu.memory_space<hbm>> -> memref<1x10240xf32, #tpu.memory_space<hbm>>
      %dma_start3A_17 = tpu.memref_squeeze %dma_start3A_16 : memref<1x10240xf32, #tpu.memory_space<hbm>> -> memref<10240xf32, #tpu.memory_space<hbm>>
      tpu.enqueue_dma source(%arg11 : memref<10240xf32, #tpu.memory_space<vmem>>) target(%dma_start3A_17 : memref<10240xf32, #tpu.memory_space<hbm>>) target_semaphore(%run_scoped3A : memref<!tpu.dma_semaphore, #tpu.memory_space<semaphore_mem>>)
      %dma_wait3A = arith.constant 0 : i32
      %dma_wait3A_18 = tpu.memref_slice %arg8[%add3A, %dma_wait3A] : memref<32x10240xf32, #tpu.memory_space<hbm>> -> memref<1x10240xf32, #tpu.memory_space<hbm>>
      %dma_wait3A_19 = tpu.memref_squeeze %dma_wait3A_18 : memref<1x10240xf32, #tpu.memory_space<hbm>> -> memref<10240xf32, #tpu.memory_space<hbm>>
      %dma_wait3A_20 = arith.constant 0 : i32
      %dma_wait3A_21 = tpu.memref_slice %arg8[%add3A, %dma_wait3A_20] : memref<32x10240xf32, #tpu.memory_space<hbm>> -> memref<1x10240xf32, #tpu.memory_space<hbm>>
      %dma_wait3A_22 = tpu.memref_squeeze %dma_wait3A_21 : memref<1x10240xf32, #tpu.memory_space<hbm>> -> memref<10240xf32, #tpu.memory_space<hbm>>
      tpu.wait_dma2 semaphore(%run_scoped3A : memref<!tpu.dma_semaphore, #tpu.memory_space<semaphore_mem>>) src(%arg11 : memref<10240xf32, #tpu.memory_space<vmem>>) dst(%dma_wait3A_22 : memref<10240xf32, #tpu.memory_space<hbm>>)
      tpu.yield
    }) : () -> ()
    return
  }
}

#map = affine_map<(d0, d1) -> (0)>
#map1 = affine_map<(d0, d1) -> (0, 0)>
module attributes {stable_mosaic.version = 14 : i64} {
  func.func @pass2(%arg0: i32, %arg1: i32, %arg2: memref<327680xi32, #tpu.memory_space<hbm>>, %arg3: memref<327680xi32, #tpu.memory_space<hbm>>, %arg4: memref<327680xf32, #tpu.memory_space<hbm>>, %arg5: memref<327680xf32, #tpu.memory_space<hbm>>, %arg6: memref<327680xf32, #tpu.memory_space<hbm>>, %arg7: memref<327680xf32, #tpu.memory_space<hbm>>, %arg8: memref<327680xf32, #tpu.memory_space<hbm>>, %arg9: memref<10240xf32, #tpu.memory_space<hbm>>, %arg10: memref<8x327680xf32, #tpu.memory_space<hbm>>, %arg11: memref<32x40960xf32, #tpu.memory_space<hbm>>, %arg12: memref<10240xf32, #tpu.memory_space<vmem>>, %arg13: memref<40960xf32, #tpu.memory_space<vmem>>, %arg14: memref<2048xi32, #tpu.memory_space<vmem>>, %arg15: memref<2048xi32, #tpu.memory_space<vmem>>, %arg16: memref<2048xf32, #tpu.memory_space<vmem>>, %arg17: memref<8192xf32, #tpu.memory_space<vmem>>, %arg18: memref<8x2048xf32, #tpu.memory_space<vmem>>) attributes {dimension_semantics = [#tpu.dimension_semantics<core_parallel>, #tpu.dimension_semantics<subcore_parallel>], iteration_bounds = array<i64: 2, 16>, scalar_prefetch = 0 : i64, scratch_operands = 7 : i64, tpu.core_type = #tpu.core_type<sc_vector_subcore>, window_params = [{transform_indices = #map}, {transform_indices = #map}, {transform_indices = #map}, {transform_indices = #map}, {transform_indices = #map}, {transform_indices = #map}, {transform_indices = #map}, {transform_indices = #map}, {transform_indices = #map1}, {transform_indices = #map1}]} {
    %mul3A = arith.constant 16 : i32
    %mul3A_0 = arith.muli %arg0, %mul3A : i32
    %add3A = arith.addi %mul3A_0, %arg1 : i32
    "tpu.region"() ({
      %run_scoped3A = tpu.sem_alloc : memref<!tpu.dma_semaphore, #tpu.memory_space<semaphore_mem>>
      tpu.enqueue_dma source(%arg9 : memref<10240xf32, #tpu.memory_space<hbm>>) target(%arg12 : memref<10240xf32, #tpu.memory_space<vmem>>) target_semaphore(%run_scoped3A : memref<!tpu.dma_semaphore, #tpu.memory_space<semaphore_mem>>)
      tpu.wait_dma2 semaphore(%run_scoped3A : memref<!tpu.dma_semaphore, #tpu.memory_space<semaphore_mem>>) src(%arg9 : memref<10240xf32, #tpu.memory_space<hbm>>) dst(%arg12 : memref<10240xf32, #tpu.memory_space<vmem>>)
      tpu.yield
    }) : () -> ()
    %broadcast_in_dim3A = arith.constant 0.000000e+00 : f32
    %broadcast_in_dim3A_1 = vector.broadcast %broadcast_in_dim3A : f32 to vector<16xf32>
    %scan3A = arith.constant 0 : i32
    %scan3A_2 = arith.constant 0 : i32
    %scan3A_3 = arith.constant 2560 : i32
    %scan3A_4 = arith.addi %scan3A_2, %scan3A_3 : i32
    %scan3A_5 = arith.constant 1 : i32
    scf.for %scan3A_37 = %scan3A_2 to %scan3A_4 step %scan3A_5  : i32 {
      %mul3A_38 = arith.constant 16 : i32
      %mul3A_39 = arith.muli %scan3A_37, %mul3A_38 : i32
      %swap3A = arith.index_cast %mul3A_39 : i32 to index
      %swap3A_40 = tpu.vector_load %arg13[%swap3A] {strides = array<i32>} : memref<40960xf32, #tpu.memory_space<vmem>>, vector<16xf32>,
      tpu.vector_store %arg13[%swap3A], %broadcast_in_dim3A_1 {strides = array<i32>} : memref<40960xf32, #tpu.memory_space<vmem>>, vector<16xf32>,
    }
    %scan3A_6 = arith.constant 2560 : i32
    %scan3A_7 = arith.constant 0 : i32
    %scan3A_8 = arith.constant 0 : i32
    %scan3A_9 = arith.constant 128 : i32
    %scan3A_10 = arith.addi %scan3A_8, %scan3A_9 : i32
    %scan3A_11 = arith.constant 1 : i32
    scf.for %scan3A_37 = %scan3A_8 to %scan3A_10 step %scan3A_11  : i32 {
      %mul3A_38 = arith.constant 16 : i32
      %mul3A_39 = arith.muli %scan3A_37, %mul3A_38 : i32
      %swap3A = arith.constant 4 : i32
      %swap3A_40 = arith.index_cast %swap3A : i32 to index
      %swap3A_41 = arith.index_cast %mul3A_39 : i32 to index
      %swap3A_42 = tpu.vector_load %arg18[%swap3A_40, %swap3A_41] {strides = array<i32>} : memref<8x2048xf32, #tpu.memory_space<vmem>>, vector<16xf32>,
      tpu.vector_store %arg18[%swap3A_40, %swap3A_41], %broadcast_in_dim3A_1 {strides = array<i32>} : memref<8x2048xf32, #tpu.memory_space<vmem>>, vector<16xf32>,
    }
    %scan3A_12 = arith.constant 128 : i32
    %scan3A_13 = arith.constant 0 : i32
    %scan3A_14 = arith.constant 0 : i32
    %scan3A_15 = arith.constant 128 : i32
    %scan3A_16 = arith.addi %scan3A_14, %scan3A_15 : i32
    %scan3A_17 = arith.constant 1 : i32
    scf.for %scan3A_37 = %scan3A_14 to %scan3A_16 step %scan3A_17  : i32 {
      %mul3A_38 = arith.constant 16 : i32
      %mul3A_39 = arith.muli %scan3A_37, %mul3A_38 : i32
      %swap3A = arith.constant 5 : i32
      %swap3A_40 = arith.index_cast %swap3A : i32 to index
      %swap3A_41 = arith.index_cast %mul3A_39 : i32 to index
      %swap3A_42 = tpu.vector_load %arg18[%swap3A_40, %swap3A_41] {strides = array<i32>} : memref<8x2048xf32, #tpu.memory_space<vmem>>, vector<16xf32>,
      tpu.vector_store %arg18[%swap3A_40, %swap3A_41], %broadcast_in_dim3A_1 {strides = array<i32>} : memref<8x2048xf32, #tpu.memory_space<vmem>>, vector<16xf32>,
    }
    %scan3A_18 = arith.constant 128 : i32
    %scan3A_19 = arith.constant 0 : i32
    %scan3A_20 = arith.constant 0 : i32
    %scan3A_21 = arith.constant 128 : i32
    %scan3A_22 = arith.addi %scan3A_20, %scan3A_21 : i32
    %scan3A_23 = arith.constant 1 : i32
    scf.for %scan3A_37 = %scan3A_20 to %scan3A_22 step %scan3A_23  : i32 {
      %mul3A_38 = arith.constant 16 : i32
      %mul3A_39 = arith.muli %scan3A_37, %mul3A_38 : i32
      %swap3A = arith.constant 6 : i32
      %swap3A_40 = arith.index_cast %swap3A : i32 to index
      %swap3A_41 = arith.index_cast %mul3A_39 : i32 to index
      %swap3A_42 = tpu.vector_load %arg18[%swap3A_40, %swap3A_41] {strides = array<i32>} : memref<8x2048xf32, #tpu.memory_space<vmem>>, vector<16xf32>,
      tpu.vector_store %arg18[%swap3A_40, %swap3A_41], %broadcast_in_dim3A_1 {strides = array<i32>} : memref<8x2048xf32, #tpu.memory_space<vmem>>, vector<16xf32>,
    }
    %scan3A_24 = arith.constant 128 : i32
    %scan3A_25 = arith.constant 0 : i32
    %scan3A_26 = arith.constant 0 : i32
    %scan3A_27 = arith.constant 128 : i32
    %scan3A_28 = arith.addi %scan3A_26, %scan3A_27 : i32
    %scan3A_29 = arith.constant 1 : i32
    scf.for %scan3A_37 = %scan3A_26 to %scan3A_28 step %scan3A_29  : i32 {
      %mul3A_38 = arith.constant 16 : i32
      %mul3A_39 = arith.muli %scan3A_37, %mul3A_38 : i32
      %swap3A = arith.constant 7 : i32
      %swap3A_40 = arith.index_cast %swap3A : i32 to index
      %swap3A_41 = arith.index_cast %mul3A_39 : i32 to index
      %swap3A_42 = tpu.vector_load %arg18[%swap3A_40, %swap3A_41] {strides = array<i32>} : memref<8x2048xf32, #tpu.memory_space<vmem>>, vector<16xf32>,
      tpu.vector_store %arg18[%swap3A_40, %swap3A_41], %broadcast_in_dim3A_1 {strides = array<i32>} : memref<8x2048xf32, #tpu.memory_space<vmem>>, vector<16xf32>,
    }
    %scan3A_30 = arith.constant 128 : i32
    %scan3A_31 = arith.constant 0 : i32
    %scan3A_32 = arith.constant 0 : i32
    %scan3A_33 = arith.constant 5 : i32
    %scan3A_34 = arith.addi %scan3A_32, %scan3A_33 : i32
    %scan3A_35 = arith.constant 1 : i32
    scf.for %scan3A_37 = %scan3A_32 to %scan3A_34 step %scan3A_35  : i32 {
      %mul3A_38 = arith.constant 10240 : i32
      %mul3A_39 = arith.muli %add3A, %mul3A_38 : i32
      %mul3A_40 = arith.constant 2048 : i32
      %mul3A_41 = arith.muli %scan3A_37, %mul3A_40 : i32
      %add3A_42 = arith.addi %mul3A_39, %mul3A_41 : i32
      "tpu.region"() ({
        %run_scoped3A = tpu.sem_alloc : memref<!tpu.dma_semaphore, #tpu.memory_space<semaphore_mem>>
        %dma_start3A = tpu.memref_slice %arg2[%add3A_42] : memref<327680xi32, #tpu.memory_space<hbm>> -> memref<2048xi32, #tpu.memory_space<hbm>>
        %dma_start3A_49 = tpu.memref_slice %arg2[%add3A_42] : memref<327680xi32, #tpu.memory_space<hbm>> -> memref<2048xi32, #tpu.memory_space<hbm>>
        tpu.enqueue_dma source(%dma_start3A_49 : memref<2048xi32, #tpu.memory_space<hbm>>) target(%arg14 : memref<2048xi32, #tpu.memory_space<vmem>>) target_semaphore(%run_scoped3A : memref<!tpu.dma_semaphore, #tpu.memory_space<semaphore_mem>>)
        %dma_wait3A = tpu.memref_slice %arg2[%add3A_42] : memref<327680xi32, #tpu.memory_space<hbm>> -> memref<2048xi32, #tpu.memory_space<hbm>>
        %dma_wait3A_50 = tpu.memref_slice %arg2[%add3A_42] : memref<327680xi32, #tpu.memory_space<hbm>> -> memref<2048xi32, #tpu.memory_space<hbm>>
        tpu.wait_dma2 semaphore(%run_scoped3A : memref<!tpu.dma_semaphore, #tpu.memory_space<semaphore_mem>>) src(%dma_wait3A_50 : memref<2048xi32, #tpu.memory_space<hbm>>) dst(%arg14 : memref<2048xi32, #tpu.memory_space<vmem>>)
        tpu.yield
      }) : () -> ()
      "tpu.region"() ({
        %run_scoped3A = tpu.sem_alloc : memref<!tpu.dma_semaphore, #tpu.memory_space<semaphore_mem>>
        %dma_start3A = tpu.memref_slice %arg3[%add3A_42] : memref<327680xi32, #tpu.memory_space<hbm>> -> memref<2048xi32, #tpu.memory_space<hbm>>
        %dma_start3A_49 = tpu.memref_slice %arg3[%add3A_42] : memref<327680xi32, #tpu.memory_space<hbm>> -> memref<2048xi32, #tpu.memory_space<hbm>>
        tpu.enqueue_dma source(%dma_start3A_49 : memref<2048xi32, #tpu.memory_space<hbm>>) target(%arg15 : memref<2048xi32, #tpu.memory_space<vmem>>) target_semaphore(%run_scoped3A : memref<!tpu.dma_semaphore, #tpu.memory_space<semaphore_mem>>)
        %dma_wait3A = tpu.memref_slice %arg3[%add3A_42] : memref<327680xi32, #tpu.memory_space<hbm>> -> memref<2048xi32, #tpu.memory_space<hbm>>
        %dma_wait3A_50 = tpu.memref_slice %arg3[%add3A_42] : memref<327680xi32, #tpu.memory_space<hbm>> -> memref<2048xi32, #tpu.memory_space<hbm>>
        tpu.wait_dma2 semaphore(%run_scoped3A : memref<!tpu.dma_semaphore, #tpu.memory_space<semaphore_mem>>) src(%dma_wait3A_50 : memref<2048xi32, #tpu.memory_space<hbm>>) dst(%arg15 : memref<2048xi32, #tpu.memory_space<vmem>>)
        tpu.yield
      }) : () -> ()
      "tpu.region"() ({
        %run_scoped3A = tpu.sem_alloc : memref<!tpu.dma_semaphore, #tpu.memory_space<semaphore_mem>>
        %dma_start3A = tpu.memref_slice %arg4[%add3A_42] : memref<327680xf32, #tpu.memory_space<hbm>> -> memref<2048xf32, #tpu.memory_space<hbm>>
        %dma_start3A_49 = tpu.memref_slice %arg4[%add3A_42] : memref<327680xf32, #tpu.memory_space<hbm>> -> memref<2048xf32, #tpu.memory_space<hbm>>
        tpu.enqueue_dma source(%dma_start3A_49 : memref<2048xf32, #tpu.memory_space<hbm>>) target(%arg16 : memref<2048xf32, #tpu.memory_space<vmem>>) target_semaphore(%run_scoped3A : memref<!tpu.dma_semaphore, #tpu.memory_space<semaphore_mem>>)
        %dma_wait3A = tpu.memref_slice %arg4[%add3A_42] : memref<327680xf32, #tpu.memory_space<hbm>> -> memref<2048xf32, #tpu.memory_space<hbm>>
        %dma_wait3A_50 = tpu.memref_slice %arg4[%add3A_42] : memref<327680xf32, #tpu.memory_space<hbm>> -> memref<2048xf32, #tpu.memory_space<hbm>>
        tpu.wait_dma2 semaphore(%run_scoped3A : memref<!tpu.dma_semaphore, #tpu.memory_space<semaphore_mem>>) src(%dma_wait3A_50 : memref<2048xf32, #tpu.memory_space<hbm>>) dst(%arg16 : memref<2048xf32, #tpu.memory_space<vmem>>)
        tpu.yield
      }) : () -> ()
      "tpu.region"() ({
        %run_scoped3A = tpu.sem_alloc : memref<!tpu.dma_semaphore, #tpu.memory_space<semaphore_mem>>
        %dma_start3A = arith.constant 0 : i32
        %dma_start3A_49 = tpu.memref_slice %arg17[%dma_start3A] : memref<8192xf32, #tpu.memory_space<vmem>> -> memref<2048xf32, #tpu.memory_space<vmem>>
        %dma_start3A_50 = tpu.memref_slice %arg5[%add3A_42] : memref<327680xf32, #tpu.memory_space<hbm>> -> memref<2048xf32, #tpu.memory_space<hbm>>
        %dma_start3A_51 = arith.constant 0 : i32
        %dma_start3A_52 = tpu.memref_slice %arg17[%dma_start3A_51] : memref<8192xf32, #tpu.memory_space<vmem>> -> memref<2048xf32, #tpu.memory_space<vmem>>
        %dma_start3A_53 = tpu.memref_slice %arg5[%add3A_42] : memref<327680xf32, #tpu.memory_space<hbm>> -> memref<2048xf32, #tpu.memory_space<hbm>>
        tpu.enqueue_dma source(%dma_start3A_53 : memref<2048xf32, #tpu.memory_space<hbm>>) target(%dma_start3A_52 : memref<2048xf32, #tpu.memory_space<vmem>>) target_semaphore(%run_scoped3A : memref<!tpu.dma_semaphore, #tpu.memory_space<semaphore_mem>>)
        %dma_wait3A = arith.constant 0 : i32
        %dma_wait3A_54 = tpu.memref_slice %arg17[%dma_wait3A] : memref<8192xf32, #tpu.memory_space<vmem>> -> memref<2048xf32, #tpu.memory_space<vmem>>
        %dma_wait3A_55 = tpu.memref_slice %arg5[%add3A_42] : memref<327680xf32, #tpu.memory_space<hbm>> -> memref<2048xf32, #tpu.memory_space<hbm>>
        %dma_wait3A_56 = arith.constant 0 : i32
        %dma_wait3A_57 = tpu.memref_slice %arg17[%dma_wait3A_56] : memref<8192xf32, #tpu.memory_space<vmem>> -> memref<2048xf32, #tpu.memory_space<vmem>>
        %dma_wait3A_58 = tpu.memref_slice %arg5[%add3A_42] : memref<327680xf32, #tpu.memory_space<hbm>> -> memref<2048xf32, #tpu.memory_space<hbm>>
        tpu.wait_dma2 semaphore(%run_scoped3A : memref<!tpu.dma_semaphore, #tpu.memory_space<semaphore_mem>>) src(%dma_wait3A_58 : memref<2048xf32, #tpu.memory_space<hbm>>) dst(%dma_wait3A_57 : memref<2048xf32, #tpu.memory_space<vmem>>)
        tpu.yield
      }) : () -> ()
      "tpu.region"() ({
        %run_scoped3A = tpu.sem_alloc : memref<!tpu.dma_semaphore, #tpu.memory_space<semaphore_mem>>
        %dma_start3A = arith.constant 2048 : i32
        %dma_start3A_49 = tpu.memref_slice %arg17[%dma_start3A] : memref<8192xf32, #tpu.memory_space<vmem>> -> memref<2048xf32, #tpu.memory_space<vmem>>
        %dma_start3A_50 = tpu.memref_slice %arg6[%add3A_42] : memref<327680xf32, #tpu.memory_space<hbm>> -> memref<2048xf32, #tpu.memory_space<hbm>>
        %dma_start3A_51 = arith.constant 2048 : i32
        %dma_start3A_52 = tpu.memref_slice %arg17[%dma_start3A_51] : memref<8192xf32, #tpu.memory_space<vmem>> -> memref<2048xf32, #tpu.memory_space<vmem>>
        %dma_start3A_53 = tpu.memref_slice %arg6[%add3A_42] : memref<327680xf32, #tpu.memory_space<hbm>> -> memref<2048xf32, #tpu.memory_space<hbm>>
        tpu.enqueue_dma source(%dma_start3A_53 : memref<2048xf32, #tpu.memory_space<hbm>>) target(%dma_start3A_52 : memref<2048xf32, #tpu.memory_space<vmem>>) target_semaphore(%run_scoped3A : memref<!tpu.dma_semaphore, #tpu.memory_space<semaphore_mem>>)
        %dma_wait3A = arith.constant 2048 : i32
        %dma_wait3A_54 = tpu.memref_slice %arg17[%dma_wait3A] : memref<8192xf32, #tpu.memory_space<vmem>> -> memref<2048xf32, #tpu.memory_space<vmem>>
        %dma_wait3A_55 = tpu.memref_slice %arg6[%add3A_42] : memref<327680xf32, #tpu.memory_space<hbm>> -> memref<2048xf32, #tpu.memory_space<hbm>>
        %dma_wait3A_56 = arith.constant 2048 : i32
        %dma_wait3A_57 = tpu.memref_slice %arg17[%dma_wait3A_56] : memref<8192xf32, #tpu.memory_space<vmem>> -> memref<2048xf32, #tpu.memory_space<vmem>>
        %dma_wait3A_58 = tpu.memref_slice %arg6[%add3A_42] : memref<327680xf32, #tpu.memory_space<hbm>> -> memref<2048xf32, #tpu.memory_space<hbm>>
        tpu.wait_dma2 semaphore(%run_scoped3A : memref<!tpu.dma_semaphore, #tpu.memory_space<semaphore_mem>>) src(%dma_wait3A_58 : memref<2048xf32, #tpu.memory_space<hbm>>) dst(%dma_wait3A_57 : memref<2048xf32, #tpu.memory_space<vmem>>)
        tpu.yield
      }) : () -> ()
      "tpu.region"() ({
        %run_scoped3A = tpu.sem_alloc : memref<!tpu.dma_semaphore, #tpu.memory_space<semaphore_mem>>
        %dma_start3A = arith.constant 4096 : i32
        %dma_start3A_49 = tpu.memref_slice %arg17[%dma_start3A] : memref<8192xf32, #tpu.memory_space<vmem>> -> memref<2048xf32, #tpu.memory_space<vmem>>
        %dma_start3A_50 = tpu.memref_slice %arg7[%add3A_42] : memref<327680xf32, #tpu.memory_space<hbm>> -> memref<2048xf32, #tpu.memory_space<hbm>>
        %dma_start3A_51 = arith.constant 4096 : i32
        %dma_start3A_52 = tpu.memref_slice %arg17[%dma_start3A_51] : memref<8192xf32, #tpu.memory_space<vmem>> -> memref<2048xf32, #tpu.memory_space<vmem>>
        %dma_start3A_53 = tpu.memref_slice %arg7[%add3A_42] : memref<327680xf32, #tpu.memory_space<hbm>> -> memref<2048xf32, #tpu.memory_space<hbm>>
        tpu.enqueue_dma source(%dma_start3A_53 : memref<2048xf32, #tpu.memory_space<hbm>>) target(%dma_start3A_52 : memref<2048xf32, #tpu.memory_space<vmem>>) target_semaphore(%run_scoped3A : memref<!tpu.dma_semaphore, #tpu.memory_space<semaphore_mem>>)
        %dma_wait3A = arith.constant 4096 : i32
        %dma_wait3A_54 = tpu.memref_slice %arg17[%dma_wait3A] : memref<8192xf32, #tpu.memory_space<vmem>> -> memref<2048xf32, #tpu.memory_space<vmem>>
        %dma_wait3A_55 = tpu.memref_slice %arg7[%add3A_42] : memref<327680xf32, #tpu.memory_space<hbm>> -> memref<2048xf32, #tpu.memory_space<hbm>>
        %dma_wait3A_56 = arith.constant 4096 : i32
        %dma_wait3A_57 = tpu.memref_slice %arg17[%dma_wait3A_56] : memref<8192xf32, #tpu.memory_space<vmem>> -> memref<2048xf32, #tpu.memory_space<vmem>>
        %dma_wait3A_58 = tpu.memref_slice %arg7[%add3A_42] : memref<327680xf32, #tpu.memory_space<hbm>> -> memref<2048xf32, #tpu.memory_space<hbm>>
        tpu.wait_dma2 semaphore(%run_scoped3A : memref<!tpu.dma_semaphore, #tpu.memory_space<semaphore_mem>>) src(%dma_wait3A_58 : memref<2048xf32, #tpu.memory_space<hbm>>) dst(%dma_wait3A_57 : memref<2048xf32, #tpu.memory_space<vmem>>)
        tpu.yield
      }) : () -> ()
      "tpu.region"() ({
        %run_scoped3A = tpu.sem_alloc : memref<!tpu.dma_semaphore, #tpu.memory_space<semaphore_mem>>
        %dma_start3A = arith.constant 6144 : i32
        %dma_start3A_49 = tpu.memref_slice %arg17[%dma_start3A] : memref<8192xf32, #tpu.memory_space<vmem>> -> memref<2048xf32, #tpu.memory_space<vmem>>
        %dma_start3A_50 = tpu.memref_slice %arg8[%add3A_42] : memref<327680xf32, #tpu.memory_space<hbm>> -> memref<2048xf32, #tpu.memory_space<hbm>>
        %dma_start3A_51 = arith.constant 6144 : i32
        %dma_start3A_52 = tpu.memref_slice %arg17[%dma_start3A_51] : memref<8192xf32, #tpu.memory_space<vmem>> -> memref<2048xf32, #tpu.memory_space<vmem>>
        %dma_start3A_53 = tpu.memref_slice %arg8[%add3A_42] : memref<327680xf32, #tpu.memory_space<hbm>> -> memref<2048xf32, #tpu.memory_space<hbm>>
        tpu.enqueue_dma source(%dma_start3A_53 : memref<2048xf32, #tpu.memory_space<hbm>>) target(%dma_start3A_52 : memref<2048xf32, #tpu.memory_space<vmem>>) target_semaphore(%run_scoped3A : memref<!tpu.dma_semaphore, #tpu.memory_space<semaphore_mem>>)
        %dma_wait3A = arith.constant 6144 : i32
        %dma_wait3A_54 = tpu.memref_slice %arg17[%dma_wait3A] : memref<8192xf32, #tpu.memory_space<vmem>> -> memref<2048xf32, #tpu.memory_space<vmem>>
        %dma_wait3A_55 = tpu.memref_slice %arg8[%add3A_42] : memref<327680xf32, #tpu.memory_space<hbm>> -> memref<2048xf32, #tpu.memory_space<hbm>>
        %dma_wait3A_56 = arith.constant 6144 : i32
        %dma_wait3A_57 = tpu.memref_slice %arg17[%dma_wait3A_56] : memref<8192xf32, #tpu.memory_space<vmem>> -> memref<2048xf32, #tpu.memory_space<vmem>>
        %dma_wait3A_58 = tpu.memref_slice %arg8[%add3A_42] : memref<327680xf32, #tpu.memory_space<hbm>> -> memref<2048xf32, #tpu.memory_space<hbm>>
        tpu.wait_dma2 semaphore(%run_scoped3A : memref<!tpu.dma_semaphore, #tpu.memory_space<semaphore_mem>>) src(%dma_wait3A_58 : memref<2048xf32, #tpu.memory_space<hbm>>) dst(%dma_wait3A_57 : memref<2048xf32, #tpu.memory_space<vmem>>)
        tpu.yield
      }) : () -> ()
      %scan3A_43 = arith.constant 0 : i32
      %scan3A_44 = arith.constant 0 : i32
      %scan3A_45 = arith.constant 128 : i32
      %scan3A_46 = arith.addi %scan3A_44, %scan3A_45 : i32
      %scan3A_47 = arith.constant 1 : i32
      scf.for %scan3A_49 = %scan3A_44 to %scan3A_46 step %scan3A_47  : i32 {
        %mul3A_50 = arith.constant 16 : i32
        %mul3A_51 = arith.muli %scan3A_49, %mul3A_50 : i32
        %get3A = arith.index_cast %mul3A_51 : i32 to index
        %get3A_52 = tpu.vector_load %arg15[%get3A] {strides = array<i32>} : memref<2048xi32, #tpu.memory_space<vmem>>, vector<16xi32>,
        %get3A_53 = arith.index_cast %mul3A_51 : i32 to index
        %get3A_54 = tpu.vector_load %arg14[%get3A_53] {strides = array<i32>} : memref<2048xi32, #tpu.memory_space<vmem>>, vector<16xi32>,
        %gather3A = tpu.vector_load_idx %arg12[%get3A_52] : memref<10240xf32, #tpu.memory_space<vmem>>[vector<16xi32>], vector<16xf32>,
        %get3A_55 = arith.index_cast %mul3A_51 : i32 to index
        %get3A_56 = tpu.vector_load %arg16[%get3A_55] {strides = array<i32>} : memref<2048xf32, #tpu.memory_space<vmem>>, vector<16xf32>,
        %add3A_57 = arith.constant 1.000000e-16 : f32
        %add3A_58 = vector.broadcast %add3A_57 : f32 to vector<16xf32>
        %add3A_59 = arith.addf %gather3A, %add3A_58 : vector<16xf32>
        %div3A = arith.divf %get3A_56, %add3A_59 : vector<16xf32>
        %mul3A_60 = arith.constant 16 : i32
        %mul3A_61 = arith.muli %scan3A_49, %mul3A_60 : i32
        %add3A_62 = arith.constant 0 : i32
        %add3A_63 = arith.addi %add3A_62, %mul3A_61 : i32
        %get3A_64 = arith.index_cast %add3A_63 : i32 to index
        %get3A_65 = tpu.vector_load %arg17[%get3A_64] {strides = array<i32>} : memref<8192xf32, #tpu.memory_space<vmem>>, vector<16xf32>,
        %mul3A_66 = arith.mulf %get3A_65, %div3A : vector<16xf32>
        %mul3A_67 = arith.constant 16 : i32
        %mul3A_68 = arith.muli %scan3A_49, %mul3A_67 : i32
        %swap3A = arith.constant 0 : i32
        %swap3A_69 = arith.index_cast %swap3A : i32 to index
        %swap3A_70 = arith.index_cast %mul3A_68 : i32 to index
        %swap3A_71 = tpu.vector_load %arg18[%swap3A_69, %swap3A_70] {strides = array<i32>} : memref<8x2048xf32, #tpu.memory_space<vmem>>, vector<16xf32>,
        tpu.vector_store %arg18[%swap3A_69, %swap3A_70], %mul3A_66 {strides = array<i32>} : memref<8x2048xf32, #tpu.memory_space<vmem>>, vector<16xf32>,
        %add3A_72 = arith.constant 0 : i32
        %add3A_73 = vector.broadcast %add3A_72 : i32 to vector<16xi32>
        %add3A_74 = arith.addi %get3A_54, %add3A_73 : vector<16xi32>
        tpu.vector_store_idx %arg13[%add3A_74], %mul3A_66 {add = true} : memref<40960xf32, #tpu.memory_space<vmem>>[vector<16xi32>], vector<16xf32>,
        %mul3A_75 = arith.constant 16 : i32
        %mul3A_76 = arith.muli %scan3A_49, %mul3A_75 : i32
        %add3A_77 = arith.constant 2048 : i32
        %add3A_78 = arith.addi %add3A_77, %mul3A_76 : i32
        %get3A_79 = arith.index_cast %add3A_78 : i32 to index
        %get3A_80 = tpu.vector_load %arg17[%get3A_79] {strides = array<i32>} : memref<8192xf32, #tpu.memory_space<vmem>>, vector<16xf32>,
        %mul3A_81 = arith.mulf %get3A_80, %div3A : vector<16xf32>
        %mul3A_82 = arith.constant 16 : i32
        %mul3A_83 = arith.muli %scan3A_49, %mul3A_82 : i32
        %swap3A_84 = arith.constant 1 : i32
        %swap3A_85 = arith.index_cast %swap3A_84 : i32 to index
        %swap3A_86 = arith.index_cast %mul3A_83 : i32 to index
        %swap3A_87 = tpu.vector_load %arg18[%swap3A_85, %swap3A_86] {strides = array<i32>} : memref<8x2048xf32, #tpu.memory_space<vmem>>, vector<16xf32>,
        tpu.vector_store %arg18[%swap3A_85, %swap3A_86], %mul3A_81 {strides = array<i32>} : memref<8x2048xf32, #tpu.memory_space<vmem>>, vector<16xf32>,
        %add3A_88 = arith.constant 10240 : i32
        %add3A_89 = vector.broadcast %add3A_88 : i32 to vector<16xi32>
        %add3A_90 = arith.addi %get3A_54, %add3A_89 : vector<16xi32>
        tpu.vector_store_idx %arg13[%add3A_90], %mul3A_81 {add = true} : memref<40960xf32, #tpu.memory_space<vmem>>[vector<16xi32>], vector<16xf32>,
        %mul3A_91 = arith.constant 16 : i32
        %mul3A_92 = arith.muli %scan3A_49, %mul3A_91 : i32
        %add3A_93 = arith.constant 4096 : i32
        %add3A_94 = arith.addi %add3A_93, %mul3A_92 : i32
        %get3A_95 = arith.index_cast %add3A_94 : i32 to index
        %get3A_96 = tpu.vector_load %arg17[%get3A_95] {strides = array<i32>} : memref<8192xf32, #tpu.memory_space<vmem>>, vector<16xf32>,
        %mul3A_97 = arith.mulf %get3A_96, %div3A : vector<16xf32>
        %mul3A_98 = arith.constant 16 : i32
        %mul3A_99 = arith.muli %scan3A_49, %mul3A_98 : i32
        %swap3A_100 = arith.constant 2 : i32
        %swap3A_101 = arith.index_cast %swap3A_100 : i32 to index
        %swap3A_102 = arith.index_cast %mul3A_99 : i32 to index
        %swap3A_103 = tpu.vector_load %arg18[%swap3A_101, %swap3A_102] {strides = array<i32>} : memref<8x2048xf32, #tpu.memory_space<vmem>>, vector<16xf32>,
        tpu.vector_store %arg18[%swap3A_101, %swap3A_102], %mul3A_97 {strides = array<i32>} : memref<8x2048xf32, #tpu.memory_space<vmem>>, vector<16xf32>,
        %add3A_104 = arith.constant 20480 : i32
        %add3A_105 = vector.broadcast %add3A_104 : i32 to vector<16xi32>
        %add3A_106 = arith.addi %get3A_54, %add3A_105 : vector<16xi32>
        tpu.vector_store_idx %arg13[%add3A_106], %mul3A_97 {add = true} : memref<40960xf32, #tpu.memory_space<vmem>>[vector<16xi32>], vector<16xf32>,
        %mul3A_107 = arith.constant 16 : i32
        %mul3A_108 = arith.muli %scan3A_49, %mul3A_107 : i32
        %add3A_109 = arith.constant 6144 : i32
        %add3A_110 = arith.addi %add3A_109, %mul3A_108 : i32
        %get3A_111 = arith.index_cast %add3A_110 : i32 to index
        %get3A_112 = tpu.vector_load %arg17[%get3A_111] {strides = array<i32>} : memref<8192xf32, #tpu.memory_space<vmem>>, vector<16xf32>,
        %mul3A_113 = arith.mulf %get3A_112, %div3A : vector<16xf32>
        %mul3A_114 = arith.constant 16 : i32
        %mul3A_115 = arith.muli %scan3A_49, %mul3A_114 : i32
        %swap3A_116 = arith.constant 3 : i32
        %swap3A_117 = arith.index_cast %swap3A_116 : i32 to index
        %swap3A_118 = arith.index_cast %mul3A_115 : i32 to index
        %swap3A_119 = tpu.vector_load %arg18[%swap3A_117, %swap3A_118] {strides = array<i32>} : memref<8x2048xf32, #tpu.memory_space<vmem>>, vector<16xf32>,
        tpu.vector_store %arg18[%swap3A_117, %swap3A_118], %mul3A_113 {strides = array<i32>} : memref<8x2048xf32, #tpu.memory_space<vmem>>, vector<16xf32>,
        %add3A_120 = arith.constant 30720 : i32
        %add3A_121 = vector.broadcast %add3A_120 : i32 to vector<16xi32>
        %add3A_122 = arith.addi %get3A_54, %add3A_121 : vector<16xi32>
        tpu.vector_store_idx %arg13[%add3A_122], %mul3A_113 {add = true} : memref<40960xf32, #tpu.memory_space<vmem>>[vector<16xi32>], vector<16xf32>,
      }
      %scan3A_48 = arith.constant 128 : i32
      "tpu.region"() ({
        %run_scoped3A = tpu.sem_alloc : memref<!tpu.dma_semaphore, #tpu.memory_space<semaphore_mem>>
        %dma_start3A = arith.constant 0 : i32
        %dma_start3A_49 = tpu.memref_slice %arg10[%dma_start3A, %add3A_42] : memref<8x327680xf32, #tpu.memory_space<hbm>> -> memref<8x2048xf32, #tpu.memory_space<hbm>>
        %dma_start3A_50 = arith.constant 0 : i32
        %dma_start3A_51 = tpu.memref_slice %arg10[%dma_start3A_50, %add3A_42] : memref<8x327680xf32, #tpu.memory_space<hbm>> -> memref<8x2048xf32, #tpu.memory_space<hbm>>
        tpu.enqueue_dma source(%arg18 : memref<8x2048xf32, #tpu.memory_space<vmem>>) target(%dma_start3A_51 : memref<8x2048xf32, #tpu.memory_space<hbm>>) target_semaphore(%run_scoped3A : memref<!tpu.dma_semaphore, #tpu.memory_space<semaphore_mem>>)
        %dma_wait3A = arith.constant 0 : i32
        %dma_wait3A_52 = tpu.memref_slice %arg10[%dma_wait3A, %add3A_42] : memref<8x327680xf32, #tpu.memory_space<hbm>> -> memref<8x2048xf32, #tpu.memory_space<hbm>>
        %dma_wait3A_53 = arith.constant 0 : i32
        %dma_wait3A_54 = tpu.memref_slice %arg10[%dma_wait3A_53, %add3A_42] : memref<8x327680xf32, #tpu.memory_space<hbm>> -> memref<8x2048xf32, #tpu.memory_space<hbm>>
        tpu.wait_dma2 semaphore(%run_scoped3A : memref<!tpu.dma_semaphore, #tpu.memory_space<semaphore_mem>>) src(%arg18 : memref<8x2048xf32, #tpu.memory_space<vmem>>) dst(%dma_wait3A_54 : memref<8x2048xf32, #tpu.memory_space<hbm>>)
        tpu.yield
      }) : () -> ()
    }
    %scan3A_36 = arith.constant 5 : i32
    "tpu.region"() ({
      %run_scoped3A = tpu.sem_alloc : memref<!tpu.dma_semaphore, #tpu.memory_space<semaphore_mem>>
      %dma_start3A = arith.constant 0 : i32
      %dma_start3A_37 = tpu.memref_slice %arg11[%add3A, %dma_start3A] : memref<32x40960xf32, #tpu.memory_space<hbm>> -> memref<1x40960xf32, #tpu.memory_space<hbm>>
      %dma_start3A_38 = tpu.memref_squeeze %dma_start3A_37 : memref<1x40960xf32, #tpu.memory_space<hbm>> -> memref<40960xf32, #tpu.memory_space<hbm>>
      %dma_start3A_39 = arith.constant 0 : i32
      %dma_start3A_40 = tpu.memref_slice %arg11[%add3A, %dma_start3A_39] : memref<32x40960xf32, #tpu.memory_space<hbm>> -> memref<1x40960xf32, #tpu.memory_space<hbm>>
      %dma_start3A_41 = tpu.memref_squeeze %dma_start3A_40 : memref<1x40960xf32, #tpu.memory_space<hbm>> -> memref<40960xf32, #tpu.memory_space<hbm>>
      tpu.enqueue_dma source(%arg13 : memref<40960xf32, #tpu.memory_space<vmem>>) target(%dma_start3A_41 : memref<40960xf32, #tpu.memory_space<hbm>>) target_semaphore(%run_scoped3A : memref<!tpu.dma_semaphore, #tpu.memory_space<semaphore_mem>>)
      %dma_wait3A = arith.constant 0 : i32
      %dma_wait3A_42 = tpu.memref_slice %arg11[%add3A, %dma_wait3A] : memref<32x40960xf32, #tpu.memory_space<hbm>> -> memref<1x40960xf32, #tpu.memory_space<hbm>>
      %dma_wait3A_43 = tpu.memref_squeeze %dma_wait3A_42 : memref<1x40960xf32, #tpu.memory_space<hbm>> -> memref<40960xf32, #tpu.memory_space<hbm>>
      %dma_wait3A_44 = arith.constant 0 : i32
      %dma_wait3A_45 = tpu.memref_slice %arg11[%add3A, %dma_wait3A_44] : memref<32x40960xf32, #tpu.memory_space<hbm>> -> memref<1x40960xf32, #tpu.memory_space<hbm>>
      %dma_wait3A_46 = tpu.memref_squeeze %dma_wait3A_45 : memref<1x40960xf32, #tpu.memory_space<hbm>> -> memref<40960xf32, #tpu.memory_space<hbm>>
      tpu.wait_dma2 semaphore(%run_scoped3A : memref<!tpu.dma_semaphore, #tpu.memory_space<semaphore_mem>>) src(%arg13 : memref<40960xf32, #tpu.memory_space<vmem>>) dst(%dma_wait3A_46 : memref<40960xf32, #tpu.memory_space<hbm>>)
      tpu.yield
    }) : () -> ()
    return
  }
}

#map = affine_map<(d0, d1) -> (0, 0)>
#map1 = affine_map<(d0, d1) -> (0)>
module attributes {stable_mosaic.version = 14 : i64} {
  func.func @pass3(%arg0: i32, %arg1: i32, %arg2: memref<2560x128xi32, #tpu.memory_space<hbm>>, %arg3: memref<2560x128xi32, #tpu.memory_space<hbm>>, %arg4: memref<5242880xf32, #tpu.memory_space<hbm>>, %arg5: memref<10240x128xf32, #tpu.memory_space<hbm>>, %arg6: memref<8x327680xf32, #tpu.memory_space<hbm>>, %arg7: memref<8x128xf32, #tpu.memory_space<hbm>>, %arg8: memref<20480x128xf32, #tpu.memory_space<hbm>>, %arg9: memref<256x128xf32, #tpu.memory_space<vmem>>, %arg10: memref<2x4096xf32, #tpu.memory_space<vmem>>, %arg11: memref<256xf32, #tpu.memory_space<vmem>>, %arg12: memref<16x256xf32, #tpu.memory_space<vmem>>, %arg13: memref<4x128xi32, #tpu.memory_space<vmem>>, %arg14: memref<4x128xi32, #tpu.memory_space<vmem>>, %arg15: memref<8x128xf32, #tpu.memory_space<vmem>>, %arg16: memref<10240x128xf32, #tpu.memory_space<vmem_shared>>, %arg17: memref<!tpu.dma_semaphore, #tpu.memory_space<semaphore_mem>>, %arg18: memref<!tpu.dma_semaphore, #tpu.memory_space<semaphore_mem>>, %arg19: memref<!tpu.dma_semaphore, #tpu.memory_space<semaphore_mem>>, %arg20: memref<!tpu.dma_semaphore, #tpu.memory_space<semaphore_mem>>, %arg21: memref<!tpu.dma_semaphore, #tpu.memory_space<semaphore_mem>>) attributes {dimension_semantics = [#tpu.dimension_semantics<core_parallel>, #tpu.dimension_semantics<subcore_parallel>], iteration_bounds = array<i64: 2, 16>, scalar_prefetch = 0 : i64, scratch_operands = 13 : i64, tpu.core_type = #tpu.core_type<sc_vector_subcore>, window_params = [{transform_indices = #map}, {transform_indices = #map}, {transform_indices = #map1}, {transform_indices = #map}, {transform_indices = #map}, {transform_indices = #map}, {transform_indices = #map}]} {
    %mul3A = arith.constant 16 : i32
    %mul3A_0 = arith.muli %arg0, %mul3A : i32
    %add3A = arith.addi %mul3A_0, %arg1 : i32
    "tpu.region"() ({
      %run_scoped3A = tpu.sem_alloc : memref<!tpu.dma_semaphore, #tpu.memory_space<semaphore_mem>>
      tpu.enqueue_dma source(%arg7 : memref<8x128xf32, #tpu.memory_space<hbm>>) target(%arg15 : memref<8x128xf32, #tpu.memory_space<vmem>>) target_semaphore(%run_scoped3A : memref<!tpu.dma_semaphore, #tpu.memory_space<semaphore_mem>>)
      tpu.wait_dma2 semaphore(%run_scoped3A : memref<!tpu.dma_semaphore, #tpu.memory_space<semaphore_mem>>) src(%arg7 : memref<8x128xf32, #tpu.memory_space<hbm>>) dst(%arg15 : memref<8x128xf32, #tpu.memory_space<vmem>>)
      tpu.yield
    }) : () -> ()
    %broadcast_in_dim3A = arith.constant 0.000000e+00 : f32
    %broadcast_in_dim3A_1 = vector.broadcast %broadcast_in_dim3A : f32 to vector<16xf32>
    %scan3A = arith.constant 0 : i32
    %scan3A_2 = arith.constant 0 : i32
    %scan3A_3 = arith.constant 256 : i32
    %scan3A_4 = arith.addi %scan3A_2, %scan3A_3 : i32
    %scan3A_5 = arith.constant 1 : i32
    scf.for %scan3A_185 = %scan3A_2 to %scan3A_4 step %scan3A_5  : i32 {
      %swap3A = arith.index_cast %scan3A_185 : i32 to index
      %swap3A_186 = arith.constant 0 : index
      %swap3A_187 = tpu.vector_load %arg9[%swap3A, %swap3A_186] {strides = array<i32>} : memref<256x128xf32, #tpu.memory_space<vmem>>, vector<16xf32>,
      tpu.vector_store %arg9[%swap3A, %swap3A_186], %broadcast_in_dim3A_1 {strides = array<i32>} : memref<256x128xf32, #tpu.memory_space<vmem>>, vector<16xf32>,
      %swap3A_188 = arith.index_cast %scan3A_185 : i32 to index
      %swap3A_189 = arith.constant 16 : index
      %swap3A_190 = tpu.vector_load %arg9[%swap3A_188, %swap3A_189] {strides = array<i32>} : memref<256x128xf32, #tpu.memory_space<vmem>>, vector<16xf32>,
      tpu.vector_store %arg9[%swap3A_188, %swap3A_189], %broadcast_in_dim3A_1 {strides = array<i32>} : memref<256x128xf32, #tpu.memory_space<vmem>>, vector<16xf32>,
      %swap3A_191 = arith.index_cast %scan3A_185 : i32 to index
      %swap3A_192 = arith.constant 32 : index
      %swap3A_193 = tpu.vector_load %arg9[%swap3A_191, %swap3A_192] {strides = array<i32>} : memref<256x128xf32, #tpu.memory_space<vmem>>, vector<16xf32>,
      tpu.vector_store %arg9[%swap3A_191, %swap3A_192], %broadcast_in_dim3A_1 {strides = array<i32>} : memref<256x128xf32, #tpu.memory_space<vmem>>, vector<16xf32>,
      %swap3A_194 = arith.index_cast %scan3A_185 : i32 to index
      %swap3A_195 = arith.constant 48 : index
      %swap3A_196 = tpu.vector_load %arg9[%swap3A_194, %swap3A_195] {strides = array<i32>} : memref<256x128xf32, #tpu.memory_space<vmem>>, vector<16xf32>,
      tpu.vector_store %arg9[%swap3A_194, %swap3A_195], %broadcast_in_dim3A_1 {strides = array<i32>} : memref<256x128xf32, #tpu.memory_space<vmem>>, vector<16xf32>,
      %swap3A_197 = arith.index_cast %scan3A_185 : i32 to index
      %swap3A_198 = arith.constant 64 : index
      %swap3A_199 = tpu.vector_load %arg9[%swap3A_197, %swap3A_198] {strides = array<i32>} : memref<256x128xf32, #tpu.memory_space<vmem>>, vector<16xf32>,
      tpu.vector_store %arg9[%swap3A_197, %swap3A_198], %broadcast_in_dim3A_1 {strides = array<i32>} : memref<256x128xf32, #tpu.memory_space<vmem>>, vector<16xf32>,
      %swap3A_200 = arith.index_cast %scan3A_185 : i32 to index
      %swap3A_201 = arith.constant 80 : index
      %swap3A_202 = tpu.vector_load %arg9[%swap3A_200, %swap3A_201] {strides = array<i32>} : memref<256x128xf32, #tpu.memory_space<vmem>>, vector<16xf32>,
      tpu.vector_store %arg9[%swap3A_200, %swap3A_201], %broadcast_in_dim3A_1 {strides = array<i32>} : memref<256x128xf32, #tpu.memory_space<vmem>>, vector<16xf32>,
      %swap3A_203 = arith.index_cast %scan3A_185 : i32 to index
      %swap3A_204 = arith.constant 96 : index
      %swap3A_205 = tpu.vector_load %arg9[%swap3A_203, %swap3A_204] {strides = array<i32>} : memref<256x128xf32, #tpu.memory_space<vmem>>, vector<16xf32>,
      tpu.vector_store %arg9[%swap3A_203, %swap3A_204], %broadcast_in_dim3A_1 {strides = array<i32>} : memref<256x128xf32, #tpu.memory_space<vmem>>, vector<16xf32>,
      %swap3A_206 = arith.index_cast %scan3A_185 : i32 to index
      %swap3A_207 = arith.constant 112 : index
      %swap3A_208 = tpu.vector_load %arg9[%swap3A_206, %swap3A_207] {strides = array<i32>} : memref<256x128xf32, #tpu.memory_space<vmem>>, vector<16xf32>,
      tpu.vector_store %arg9[%swap3A_206, %swap3A_207], %broadcast_in_dim3A_1 {strides = array<i32>} : memref<256x128xf32, #tpu.memory_space<vmem>>, vector<16xf32>,
    }
    %scan3A_6 = arith.constant 256 : i32
    %mul3A_7 = arith.constant 640 : i32
    %mul3A_8 = arith.muli %arg1, %mul3A_7 : i32
    %add3A_9 = arith.constant 0 : i32
    %add3A_10 = arith.addi %mul3A_8, %add3A_9 : i32
    "tpu.region"() ({
      %run_scoped3A = tpu.sem_alloc : memref<!tpu.dma_semaphore, #tpu.memory_space<semaphore_mem>>
      %dma_start3A_185 = arith.constant 0 : i32
      %dma_start3A_186 = arith.constant 0 : i32
      %dma_start3A_187 = tpu.memref_slice %arg9[%dma_start3A_185, %dma_start3A_186] : memref<256x128xf32, #tpu.memory_space<vmem>> -> memref<256x128xf32, #tpu.memory_space<vmem>>
      %dma_start3A_188 = arith.constant 0 : i32
      %dma_start3A_189 = tpu.memref_slice %arg16[%add3A_10, %dma_start3A_188] : memref<10240x128xf32, #tpu.memory_space<vmem_shared>> -> memref<256x128xf32, #tpu.memory_space<vmem_shared>>
      %dma_start3A_190 = arith.constant 0 : i32
      %dma_start3A_191 = tpu.memref_slice %arg16[%add3A_10, %dma_start3A_190] : memref<10240x128xf32, #tpu.memory_space<vmem_shared>> -> memref<256x128xf32, #tpu.memory_space<vmem_shared>>
      %dma_start3A_192 = arith.constant 0 : i32
      %dma_start3A_193 = arith.constant 0 : i32
      %dma_start3A_194 = tpu.memref_slice %arg9[%dma_start3A_192, %dma_start3A_193] : memref<256x128xf32, #tpu.memory_space<vmem>> -> memref<256x128xf32, #tpu.memory_space<vmem>>
      tpu.enqueue_dma source(%dma_start3A_194 : memref<256x128xf32, #tpu.memory_space<vmem>>) target(%dma_start3A_191 : memref<256x128xf32, #tpu.memory_space<vmem_shared>>) target_semaphore(%run_scoped3A : memref<!tpu.dma_semaphore, #tpu.memory_space<semaphore_mem>>)
      %dma_wait3A = arith.constant 0 : i32
      %dma_wait3A_195 = arith.constant 0 : i32
      %dma_wait3A_196 = tpu.memref_slice %arg9[%dma_wait3A, %dma_wait3A_195] : memref<256x128xf32, #tpu.memory_space<vmem>> -> memref<256x128xf32, #tpu.memory_space<vmem>>
      %dma_wait3A_197 = arith.constant 0 : i32
      %dma_wait3A_198 = tpu.memref_slice %arg16[%add3A_10, %dma_wait3A_197] : memref<10240x128xf32, #tpu.memory_space<vmem_shared>> -> memref<256x128xf32, #tpu.memory_space<vmem_shared>>
      %dma_wait3A_199 = arith.constant 0 : i32
      %dma_wait3A_200 = tpu.memref_slice %arg16[%add3A_10, %dma_wait3A_199] : memref<10240x128xf32, #tpu.memory_space<vmem_shared>> -> memref<256x128xf32, #tpu.memory_space<vmem_shared>>
      %dma_wait3A_201 = arith.constant 0 : i32
      %dma_wait3A_202 = arith.constant 0 : i32
      %dma_wait3A_203 = tpu.memref_slice %arg9[%dma_wait3A_201, %dma_wait3A_202] : memref<256x128xf32, #tpu.memory_space<vmem>> -> memref<256x128xf32, #tpu.memory_space<vmem>>
      tpu.wait_dma2 semaphore(%run_scoped3A : memref<!tpu.dma_semaphore, #tpu.memory_space<semaphore_mem>>) src(%dma_wait3A_203 : memref<256x128xf32, #tpu.memory_space<vmem>>) dst(%dma_wait3A_200 : memref<256x128xf32, #tpu.memory_space<vmem_shared>>)
      tpu.yield
    }) : () -> ()
    %mul3A_11 = arith.constant 640 : i32
    %mul3A_12 = arith.muli %arg1, %mul3A_11 : i32
    %add3A_13 = arith.constant 256 : i32
    %add3A_14 = arith.addi %mul3A_12, %add3A_13 : i32
    "tpu.region"() ({
      %run_scoped3A = tpu.sem_alloc : memref<!tpu.dma_semaphore, #tpu.memory_space<semaphore_mem>>
      %dma_start3A_185 = arith.constant 0 : i32
      %dma_start3A_186 = arith.constant 0 : i32
      %dma_start3A_187 = tpu.memref_slice %arg9[%dma_start3A_185, %dma_start3A_186] : memref<256x128xf32, #tpu.memory_space<vmem>> -> memref<256x128xf32, #tpu.memory_space<vmem>>
      %dma_start3A_188 = arith.constant 0 : i32
      %dma_start3A_189 = tpu.memref_slice %arg16[%add3A_14, %dma_start3A_188] : memref<10240x128xf32, #tpu.memory_space<vmem_shared>> -> memref<256x128xf32, #tpu.memory_space<vmem_shared>>
      %dma_start3A_190 = arith.constant 0 : i32
      %dma_start3A_191 = tpu.memref_slice %arg16[%add3A_14, %dma_start3A_190] : memref<10240x128xf32, #tpu.memory_space<vmem_shared>> -> memref<256x128xf32, #tpu.memory_space<vmem_shared>>
      %dma_start3A_192 = arith.constant 0 : i32
      %dma_start3A_193 = arith.constant 0 : i32
      %dma_start3A_194 = tpu.memref_slice %arg9[%dma_start3A_192, %dma_start3A_193] : memref<256x128xf32, #tpu.memory_space<vmem>> -> memref<256x128xf32, #tpu.memory_space<vmem>>
      tpu.enqueue_dma source(%dma_start3A_194 : memref<256x128xf32, #tpu.memory_space<vmem>>) target(%dma_start3A_191 : memref<256x128xf32, #tpu.memory_space<vmem_shared>>) target_semaphore(%run_scoped3A : memref<!tpu.dma_semaphore, #tpu.memory_space<semaphore_mem>>)
      %dma_wait3A = arith.constant 0 : i32
      %dma_wait3A_195 = arith.constant 0 : i32
      %dma_wait3A_196 = tpu.memref_slice %arg9[%dma_wait3A, %dma_wait3A_195] : memref<256x128xf32, #tpu.memory_space<vmem>> -> memref<256x128xf32, #tpu.memory_space<vmem>>
      %dma_wait3A_197 = arith.constant 0 : i32
      %dma_wait3A_198 = tpu.memref_slice %arg16[%add3A_14, %dma_wait3A_197] : memref<10240x128xf32, #tpu.memory_space<vmem_shared>> -> memref<256x128xf32, #tpu.memory_space<vmem_shared>>
      %dma_wait3A_199 = arith.constant 0 : i32
      %dma_wait3A_200 = tpu.memref_slice %arg16[%add3A_14, %dma_wait3A_199] : memref<10240x128xf32, #tpu.memory_space<vmem_shared>> -> memref<256x128xf32, #tpu.memory_space<vmem_shared>>
      %dma_wait3A_201 = arith.constant 0 : i32
      %dma_wait3A_202 = arith.constant 0 : i32
      %dma_wait3A_203 = tpu.memref_slice %arg9[%dma_wait3A_201, %dma_wait3A_202] : memref<256x128xf32, #tpu.memory_space<vmem>> -> memref<256x128xf32, #tpu.memory_space<vmem>>
      tpu.wait_dma2 semaphore(%run_scoped3A : memref<!tpu.dma_semaphore, #tpu.memory_space<semaphore_mem>>) src(%dma_wait3A_203 : memref<256x128xf32, #tpu.memory_space<vmem>>) dst(%dma_wait3A_200 : memref<256x128xf32, #tpu.memory_space<vmem_shared>>)
      tpu.yield
    }) : () -> ()
    %mul3A_15 = arith.constant 640 : i32
    %mul3A_16 = arith.muli %arg1, %mul3A_15 : i32
    %add3A_17 = arith.constant 512 : i32
    %add3A_18 = arith.addi %mul3A_16, %add3A_17 : i32
    "tpu.region"() ({
      %run_scoped3A = tpu.sem_alloc : memref<!tpu.dma_semaphore, #tpu.memory_space<semaphore_mem>>
      %dma_start3A_185 = arith.constant 0 : i32
      %dma_start3A_186 = arith.constant 0 : i32
      %dma_start3A_187 = tpu.memref_slice %arg9[%dma_start3A_185, %dma_start3A_186] : memref<256x128xf32, #tpu.memory_space<vmem>> -> memref<128x128xf32, #tpu.memory_space<vmem>>
      %dma_start3A_188 = arith.constant 0 : i32
      %dma_start3A_189 = tpu.memref_slice %arg16[%add3A_18, %dma_start3A_188] : memref<10240x128xf32, #tpu.memory_space<vmem_shared>> -> memref<128x128xf32, #tpu.memory_space<vmem_shared>>
      %dma_start3A_190 = arith.constant 0 : i32
      %dma_start3A_191 = tpu.memref_slice %arg16[%add3A_18, %dma_start3A_190] : memref<10240x128xf32, #tpu.memory_space<vmem_shared>> -> memref<128x128xf32, #tpu.memory_space<vmem_shared>>
      %dma_start3A_192 = arith.constant 0 : i32
      %dma_start3A_193 = arith.constant 0 : i32
      %dma_start3A_194 = tpu.memref_slice %arg9[%dma_start3A_192, %dma_start3A_193] : memref<256x128xf32, #tpu.memory_space<vmem>> -> memref<128x128xf32, #tpu.memory_space<vmem>>
      tpu.enqueue_dma source(%dma_start3A_194 : memref<128x128xf32, #tpu.memory_space<vmem>>) target(%dma_start3A_191 : memref<128x128xf32, #tpu.memory_space<vmem_shared>>) target_semaphore(%run_scoped3A : memref<!tpu.dma_semaphore, #tpu.memory_space<semaphore_mem>>)
      %dma_wait3A = arith.constant 0 : i32
      %dma_wait3A_195 = arith.constant 0 : i32
      %dma_wait3A_196 = tpu.memref_slice %arg9[%dma_wait3A, %dma_wait3A_195] : memref<256x128xf32, #tpu.memory_space<vmem>> -> memref<128x128xf32, #tpu.memory_space<vmem>>
      %dma_wait3A_197 = arith.constant 0 : i32
      %dma_wait3A_198 = tpu.memref_slice %arg16[%add3A_18, %dma_wait3A_197] : memref<10240x128xf32, #tpu.memory_space<vmem_shared>> -> memref<128x128xf32, #tpu.memory_space<vmem_shared>>
      %dma_wait3A_199 = arith.constant 0 : i32
      %dma_wait3A_200 = tpu.memref_slice %arg16[%add3A_18, %dma_wait3A_199] : memref<10240x128xf32, #tpu.memory_space<vmem_shared>> -> memref<128x128xf32, #tpu.memory_space<vmem_shared>>
      %dma_wait3A_201 = arith.constant 0 : i32
      %dma_wait3A_202 = arith.constant 0 : i32
      %dma_wait3A_203 = tpu.memref_slice %arg9[%dma_wait3A_201, %dma_wait3A_202] : memref<256x128xf32, #tpu.memory_space<vmem>> -> memref<128x128xf32, #tpu.memory_space<vmem>>
      tpu.wait_dma2 semaphore(%run_scoped3A : memref<!tpu.dma_semaphore, #tpu.memory_space<semaphore_mem>>) src(%dma_wait3A_203 : memref<128x128xf32, #tpu.memory_space<vmem>>) dst(%dma_wait3A_200 : memref<128x128xf32, #tpu.memory_space<vmem_shared>>)
      tpu.yield
    }) : () -> ()
    %barrier3A = arith.constant 0 : index
    tpu.barrier barrier_id(%barrier3A)
    %get3A = arith.constant 0 : i32
    %get3A_19 = arith.index_cast %get3A : i32 to index
    %get3A_20 = arith.constant 0 : index
    %get3A_21 = tpu.vector_load %arg15[%get3A_19, %get3A_20] {strides = array<i32>} : memref<8x128xf32, #tpu.memory_space<vmem>>, vector<16xf32>,
    %slice3A = vector.extract_strided_slice %get3A_21 {offsets = [0], sizes = [1], strides = [1]} : vector<16xf32> to vector<1xf32>
    %squeeze3A = vector.extract %slice3A[0] : f32 from vector<1xf32>
    %get3A_22 = arith.constant 1 : i32
    %get3A_23 = arith.index_cast %get3A_22 : i32 to index
    %get3A_24 = arith.constant 0 : index
    %get3A_25 = tpu.vector_load %arg15[%get3A_23, %get3A_24] {strides = array<i32>} : memref<8x128xf32, #tpu.memory_space<vmem>>, vector<16xf32>,
    %slice3A_26 = vector.extract_strided_slice %get3A_25 {offsets = [0], sizes = [1], strides = [1]} : vector<16xf32> to vector<1xf32>
    %squeeze3A_27 = vector.extract %slice3A_26[0] : f32 from vector<1xf32>
    %get3A_28 = arith.constant 2 : i32
    %get3A_29 = arith.index_cast %get3A_28 : i32 to index
    %get3A_30 = arith.constant 0 : index
    %get3A_31 = tpu.vector_load %arg15[%get3A_29, %get3A_30] {strides = array<i32>} : memref<8x128xf32, #tpu.memory_space<vmem>>, vector<16xf32>,
    %slice3A_32 = vector.extract_strided_slice %get3A_31 {offsets = [0], sizes = [1], strides = [1]} : vector<16xf32> to vector<1xf32>
    %squeeze3A_33 = vector.extract %slice3A_32[0] : f32 from vector<1xf32>
    %get3A_34 = arith.constant 3 : i32
    %get3A_35 = arith.index_cast %get3A_34 : i32 to index
    %get3A_36 = arith.constant 0 : index
    %get3A_37 = tpu.vector_load %arg15[%get3A_35, %get3A_36] {strides = array<i32>} : memref<8x128xf32, #tpu.memory_space<vmem>>, vector<16xf32>,
    %slice3A_38 = vector.extract_strided_slice %get3A_37 {offsets = [0], sizes = [1], strides = [1]} : vector<16xf32> to vector<1xf32>
    %squeeze3A_39 = vector.extract %slice3A_38[0] : f32 from vector<1xf32>
    %mul3A_40 = arith.constant 10240 : i32
    %mul3A_41 = arith.muli %add3A, %mul3A_40 : i32
    %mul3A_42 = arith.constant 0 : i32
    %mul3A_43 = arith.constant 256 : i32
    %mul3A_44 = arith.muli %mul3A_42, %mul3A_43 : i32
    %add3A_45 = arith.addi %mul3A_41, %mul3A_44 : i32
    %mul3A_46 = arith.constant 80 : i32
    %mul3A_47 = arith.muli %add3A, %mul3A_46 : i32
    %mul3A_48 = arith.constant 0 : i32
    %mul3A_49 = arith.constant 2 : i32
    %mul3A_50 = arith.muli %mul3A_48, %mul3A_49 : i32
    %add3A_51 = arith.addi %mul3A_47, %mul3A_50 : i32
    %mul3A_52 = arith.constant 16 : i32
    %mul3A_53 = arith.muli %add3A_45, %mul3A_52 : i32
    %dma_start3A = arith.constant 0 : i32
    %dma_start3A_54 = arith.constant 0 : i32
    %dma_start3A_55 = tpu.memref_slice %arg13[%dma_start3A, %dma_start3A_54] : memref<4x128xi32, #tpu.memory_space<vmem>> -> memref<2x128xi32, #tpu.memory_space<vmem>>
    %dma_start3A_56 = arith.constant 0 : i32
    %dma_start3A_57 = tpu.memref_slice %arg2[%add3A_51, %dma_start3A_56] : memref<2560x128xi32, #tpu.memory_space<hbm>> -> memref<2x128xi32, #tpu.memory_space<hbm>>
    %dma_start3A_58 = arith.constant 0 : i32
    %dma_start3A_59 = arith.constant 0 : i32
    %dma_start3A_60 = tpu.memref_slice %arg13[%dma_start3A_58, %dma_start3A_59] : memref<4x128xi32, #tpu.memory_space<vmem>> -> memref<2x128xi32, #tpu.memory_space<vmem>>
    %dma_start3A_61 = arith.constant 0 : i32
    %dma_start3A_62 = tpu.memref_slice %arg2[%add3A_51, %dma_start3A_61] : memref<2560x128xi32, #tpu.memory_space<hbm>> -> memref<2x128xi32, #tpu.memory_space<hbm>>
    tpu.enqueue_dma source(%dma_start3A_62 : memref<2x128xi32, #tpu.memory_space<hbm>>) target(%dma_start3A_60 : memref<2x128xi32, #tpu.memory_space<vmem>>) target_semaphore(%arg18 : memref<!tpu.dma_semaphore, #tpu.memory_space<semaphore_mem>>)
    %dma_start3A_63 = arith.constant 0 : i32
    %dma_start3A_64 = arith.constant 0 : i32
    %dma_start3A_65 = tpu.memref_slice %arg14[%dma_start3A_63, %dma_start3A_64] : memref<4x128xi32, #tpu.memory_space<vmem>> -> memref<2x128xi32, #tpu.memory_space<vmem>>
    %dma_start3A_66 = arith.constant 0 : i32
    %dma_start3A_67 = tpu.memref_slice %arg3[%add3A_51, %dma_start3A_66] : memref<2560x128xi32, #tpu.memory_space<hbm>> -> memref<2x128xi32, #tpu.memory_space<hbm>>
    %dma_start3A_68 = arith.constant 0 : i32
    %dma_start3A_69 = arith.constant 0 : i32
    %dma_start3A_70 = tpu.memref_slice %arg14[%dma_start3A_68, %dma_start3A_69] : memref<4x128xi32, #tpu.memory_space<vmem>> -> memref<2x128xi32, #tpu.memory_space<vmem>>
    %dma_start3A_71 = arith.constant 0 : i32
    %dma_start3A_72 = tpu.memref_slice %arg3[%add3A_51, %dma_start3A_71] : memref<2560x128xi32, #tpu.memory_space<hbm>> -> memref<2x128xi32, #tpu.memory_space<hbm>>
    tpu.enqueue_dma source(%dma_start3A_72 : memref<2x128xi32, #tpu.memory_space<hbm>>) target(%dma_start3A_70 : memref<2x128xi32, #tpu.memory_space<vmem>>) target_semaphore(%arg18 : memref<!tpu.dma_semaphore, #tpu.memory_space<semaphore_mem>>)
    %dma_start3A_73 = arith.constant 0 : i32
    %dma_start3A_74 = arith.constant 0 : i32
    %dma_start3A_75 = tpu.memref_slice %arg10[%dma_start3A_73, %dma_start3A_74] : memref<2x4096xf32, #tpu.memory_space<vmem>> -> memref<1x4096xf32, #tpu.memory_space<vmem>>
    %dma_start3A_76 = tpu.memref_squeeze %dma_start3A_75 : memref<1x4096xf32, #tpu.memory_space<vmem>> -> memref<4096xf32, #tpu.memory_space<vmem>>
    %dma_start3A_77 = tpu.memref_slice %arg4[%mul3A_53] : memref<5242880xf32, #tpu.memory_space<hbm>> -> memref<4096xf32, #tpu.memory_space<hbm>>
    %dma_start3A_78 = arith.constant 0 : i32
    %dma_start3A_79 = tpu.memref_slice %arg10[%dma_start3A_73, %dma_start3A_78] : memref<2x4096xf32, #tpu.memory_space<vmem>> -> memref<1x4096xf32, #tpu.memory_space<vmem>>
    %dma_start3A_80 = tpu.memref_squeeze %dma_start3A_79 : memref<1x4096xf32, #tpu.memory_space<vmem>> -> memref<4096xf32, #tpu.memory_space<vmem>>
    %dma_start3A_81 = tpu.memref_slice %arg4[%mul3A_53] : memref<5242880xf32, #tpu.memory_space<hbm>> -> memref<4096xf32, #tpu.memory_space<hbm>>
    tpu.enqueue_dma source(%dma_start3A_81 : memref<4096xf32, #tpu.memory_space<hbm>>) target(%dma_start3A_80 : memref<4096xf32, #tpu.memory_space<vmem>>) target_semaphore(%arg20 : memref<!tpu.dma_semaphore, #tpu.memory_space<semaphore_mem>>)
    %dma_start3A_82 = arith.constant 0 : i32
    %dma_start3A_83 = arith.constant 0 : i32
    %dma_start3A_84 = tpu.memref_slice %arg12[%dma_start3A_82, %dma_start3A_83] : memref<16x256xf32, #tpu.memory_space<vmem>> -> memref<8x256xf32, #tpu.memory_space<vmem>>
    %dma_start3A_85 = arith.constant 0 : i32
    %dma_start3A_86 = tpu.memref_slice %arg6[%dma_start3A_85, %add3A_45] : memref<8x327680xf32, #tpu.memory_space<hbm>> -> memref<8x256xf32, #tpu.memory_space<hbm>>
    %dma_start3A_87 = arith.constant 0 : i32
    %dma_start3A_88 = arith.constant 0 : i32
    %dma_start3A_89 = tpu.memref_slice %arg12[%dma_start3A_87, %dma_start3A_88] : memref<16x256xf32, #tpu.memory_space<vmem>> -> memref<8x256xf32, #tpu.memory_space<vmem>>
    %dma_start3A_90 = arith.constant 0 : i32
    %dma_start3A_91 = tpu.memref_slice %arg6[%dma_start3A_90, %add3A_45] : memref<8x327680xf32, #tpu.memory_space<hbm>> -> memref<8x256xf32, #tpu.memory_space<hbm>>
    tpu.enqueue_dma source(%dma_start3A_91 : memref<8x256xf32, #tpu.memory_space<hbm>>) target(%dma_start3A_89 : memref<8x256xf32, #tpu.memory_space<vmem>>) target_semaphore(%arg20 : memref<!tpu.dma_semaphore, #tpu.memory_space<semaphore_mem>>)
    %mul3A_92 = arith.constant 10240 : i32
    %mul3A_93 = arith.muli %add3A, %mul3A_92 : i32
    %mul3A_94 = arith.constant 1 : i32
    %mul3A_95 = arith.constant 256 : i32
    %mul3A_96 = arith.muli %mul3A_94, %mul3A_95 : i32
    %add3A_97 = arith.addi %mul3A_93, %mul3A_96 : i32
    %mul3A_98 = arith.constant 80 : i32
    %mul3A_99 = arith.muli %add3A, %mul3A_98 : i32
    %mul3A_100 = arith.constant 1 : i32
    %mul3A_101 = arith.constant 2 : i32
    %mul3A_102 = arith.muli %mul3A_100, %mul3A_101 : i32
    %add3A_103 = arith.addi %mul3A_99, %mul3A_102 : i32
    %mul3A_104 = arith.constant 16 : i32
    %mul3A_105 = arith.muli %add3A_97, %mul3A_104 : i32
    %dma_start3A_106 = arith.constant 2 : i32
    %dma_start3A_107 = arith.constant 0 : i32
    %dma_start3A_108 = tpu.memref_slice %arg13[%dma_start3A_106, %dma_start3A_107] : memref<4x128xi32, #tpu.memory_space<vmem>> -> memref<2x128xi32, #tpu.memory_space<vmem>>
    %dma_start3A_109 = arith.constant 0 : i32
    %dma_start3A_110 = tpu.memref_slice %arg2[%add3A_103, %dma_start3A_109] : memref<2560x128xi32, #tpu.memory_space<hbm>> -> memref<2x128xi32, #tpu.memory_space<hbm>>
    %dma_start3A_111 = arith.constant 2 : i32
    %dma_start3A_112 = arith.constant 0 : i32
    %dma_start3A_113 = tpu.memref_slice %arg13[%dma_start3A_111, %dma_start3A_112] : memref<4x128xi32, #tpu.memory_space<vmem>> -> memref<2x128xi32, #tpu.memory_space<vmem>>
    %dma_start3A_114 = arith.constant 0 : i32
    %dma_start3A_115 = tpu.memref_slice %arg2[%add3A_103, %dma_start3A_114] : memref<2560x128xi32, #tpu.memory_space<hbm>> -> memref<2x128xi32, #tpu.memory_space<hbm>>
    tpu.enqueue_dma source(%dma_start3A_115 : memref<2x128xi32, #tpu.memory_space<hbm>>) target(%dma_start3A_113 : memref<2x128xi32, #tpu.memory_space<vmem>>) target_semaphore(%arg19 : memref<!tpu.dma_semaphore, #tpu.memory_space<semaphore_mem>>)
    %dma_start3A_116 = arith.constant 2 : i32
    %dma_start3A_117 = arith.constant 0 : i32
    %dma_start3A_118 = tpu.memref_slice %arg14[%dma_start3A_116, %dma_start3A_117] : memref<4x128xi32, #tpu.memory_space<vmem>> -> memref<2x128xi32, #tpu.memory_space<vmem>>
    %dma_start3A_119 = arith.constant 0 : i32
    %dma_start3A_120 = tpu.memref_slice %arg3[%add3A_103, %dma_start3A_119] : memref<2560x128xi32, #tpu.memory_space<hbm>> -> memref<2x128xi32, #tpu.memory_space<hbm>>
    %dma_start3A_121 = arith.constant 2 : i32
    %dma_start3A_122 = arith.constant 0 : i32
    %dma_start3A_123 = tpu.memref_slice %arg14[%dma_start3A_121, %dma_start3A_122] : memref<4x128xi32, #tpu.memory_space<vmem>> -> memref<2x128xi32, #tpu.memory_space<vmem>>
    %dma_start3A_124 = arith.constant 0 : i32
    %dma_start3A_125 = tpu.memref_slice %arg3[%add3A_103, %dma_start3A_124] : memref<2560x128xi32, #tpu.memory_space<hbm>> -> memref<2x128xi32, #tpu.memory_space<hbm>>
    tpu.enqueue_dma source(%dma_start3A_125 : memref<2x128xi32, #tpu.memory_space<hbm>>) target(%dma_start3A_123 : memref<2x128xi32, #tpu.memory_space<vmem>>) target_semaphore(%arg19 : memref<!tpu.dma_semaphore, #tpu.memory_space<semaphore_mem>>)
    %dma_start3A_126 = arith.constant 1 : i32
    %dma_start3A_127 = arith.constant 0 : i32
    %dma_start3A_128 = tpu.memref_slice %arg10[%dma_start3A_126, %dma_start3A_127] : memref<2x4096xf32, #tpu.memory_space<vmem>> -> memref<1x4096xf32, #tpu.memory_space<vmem>>
    %dma_start3A_129 = tpu.memref_squeeze %dma_start3A_128 : memref<1x4096xf32, #tpu.memory_space<vmem>> -> memref<4096xf32, #tpu.memory_space<vmem>>
    %dma_start3A_130 = tpu.memref_slice %arg4[%mul3A_105] : memref<5242880xf32, #tpu.memory_space<hbm>> -> memref<4096xf32, #tpu.memory_space<hbm>>
    %dma_start3A_131 = arith.constant 0 : i32
    %dma_start3A_132 = tpu.memref_slice %arg10[%dma_start3A_126, %dma_start3A_131] : memref<2x4096xf32, #tpu.memory_space<vmem>> -> memref<1x4096xf32, #tpu.memory_space<vmem>>
    %dma_start3A_133 = tpu.memref_squeeze %dma_start3A_132 : memref<1x4096xf32, #tpu.memory_space<vmem>> -> memref<4096xf32, #tpu.memory_space<vmem>>
    %dma_start3A_134 = tpu.memref_slice %arg4[%mul3A_105] : memref<5242880xf32, #tpu.memory_space<hbm>> -> memref<4096xf32, #tpu.memory_space<hbm>>
    tpu.enqueue_dma source(%dma_start3A_134 : memref<4096xf32, #tpu.memory_space<hbm>>) target(%dma_start3A_133 : memref<4096xf32, #tpu.memory_space<vmem>>) target_semaphore(%arg21 : memref<!tpu.dma_semaphore, #tpu.memory_space<semaphore_mem>>)
    %dma_start3A_135 = arith.constant 8 : i32
    %dma_start3A_136 = arith.constant 0 : i32
    %dma_start3A_137 = tpu.memref_slice %arg12[%dma_start3A_135, %dma_start3A_136] : memref<16x256xf32, #tpu.memory_space<vmem>> -> memref<8x256xf32, #tpu.memory_space<vmem>>
    %dma_start3A_138 = arith.constant 0 : i32
    %dma_start3A_139 = tpu.memref_slice %arg6[%dma_start3A_138, %add3A_97] : memref<8x327680xf32, #tpu.memory_space<hbm>> -> memref<8x256xf32, #tpu.memory_space<hbm>>
    %dma_start3A_140 = arith.constant 8 : i32
    %dma_start3A_141 = arith.constant 0 : i32
    %dma_start3A_142 = tpu.memref_slice %arg12[%dma_start3A_140, %dma_start3A_141] : memref<16x256xf32, #tpu.memory_space<vmem>> -> memref<8x256xf32, #tpu.memory_space<vmem>>
    %dma_start3A_143 = arith.constant 0 : i32
    %dma_start3A_144 = tpu.memref_slice %arg6[%dma_start3A_143, %add3A_97] : memref<8x327680xf32, #tpu.memory_space<hbm>> -> memref<8x256xf32, #tpu.memory_space<hbm>>
    tpu.enqueue_dma source(%dma_start3A_144 : memref<8x256xf32, #tpu.memory_space<hbm>>) target(%dma_start3A_142 : memref<8x256xf32, #tpu.memory_space<vmem>>) target_semaphore(%arg21 : memref<!tpu.dma_semaphore, #tpu.memory_space<semaphore_mem>>)
    %scan3A_145 = arith.constant 0 : i32
    %scan3A_146 = arith.constant 0 : i32
    %scan3A_147 = arith.constant 20 : i32
    %scan3A_148 = arith.addi %scan3A_146, %scan3A_147 : i32
    %scan3A_149 = arith.constant 1 : i32
    scf.for %scan3A_185 = %scan3A_146 to %scan3A_148 step %scan3A_149  : i32 {
      %mul3A_186 = arith.constant 2 : i32
      %mul3A_187 = arith.muli %mul3A_186, %scan3A_185 : i32
      %mul3A_188 = arith.constant 10240 : i32
      %mul3A_189 = arith.muli %add3A, %mul3A_188 : i32
      %mul3A_190 = arith.constant 256 : i32
      %mul3A_191 = arith.muli %mul3A_187, %mul3A_190 : i32
      %add3A_192 = arith.addi %mul3A_189, %mul3A_191 : i32
      %mul3A_193 = arith.constant 80 : i32
      %mul3A_194 = arith.muli %add3A, %mul3A_193 : i32
      %mul3A_195 = arith.constant 2 : i32
      %mul3A_196 = arith.muli %mul3A_187, %mul3A_195 : i32
      %add3A_197 = arith.addi %mul3A_194, %mul3A_196 : i32
      %mul3A_198 = arith.constant 16 : i32
      %mul3A_199 = arith.muli %add3A_192, %mul3A_198 : i32
      %dma_wait3A = arith.constant 0 : i32
      %dma_wait3A_200 = arith.constant 0 : i32
      %dma_wait3A_201 = tpu.memref_slice %arg13[%dma_wait3A, %dma_wait3A_200] : memref<4x128xi32, #tpu.memory_space<vmem>> -> memref<2x128xi32, #tpu.memory_space<vmem>>
      %dma_wait3A_202 = arith.constant 0 : i32
      %dma_wait3A_203 = tpu.memref_slice %arg2[%add3A_197, %dma_wait3A_202] : memref<2560x128xi32, #tpu.memory_space<hbm>> -> memref<2x128xi32, #tpu.memory_space<hbm>>
      %dma_wait3A_204 = arith.constant 0 : i32
      %dma_wait3A_205 = arith.constant 0 : i32
      %dma_wait3A_206 = tpu.memref_slice %arg13[%dma_wait3A_204, %dma_wait3A_205] : memref<4x128xi32, #tpu.memory_space<vmem>> -> memref<2x128xi32, #tpu.memory_space<vmem>>
      %dma_wait3A_207 = arith.constant 0 : i32
      %dma_wait3A_208 = tpu.memref_slice %arg2[%add3A_197, %dma_wait3A_207] : memref<2560x128xi32, #tpu.memory_space<hbm>> -> memref<2x128xi32, #tpu.memory_space<hbm>>
      tpu.wait_dma2 semaphore(%arg18 : memref<!tpu.dma_semaphore, #tpu.memory_space<semaphore_mem>>) src(%dma_wait3A_208 : memref<2x128xi32, #tpu.memory_space<hbm>>) dst(%dma_wait3A_206 : memref<2x128xi32, #tpu.memory_space<vmem>>)
      %dma_wait3A_209 = arith.constant 0 : i32
      %dma_wait3A_210 = arith.constant 0 : i32
      %dma_wait3A_211 = tpu.memref_slice %arg14[%dma_wait3A_209, %dma_wait3A_210] : memref<4x128xi32, #tpu.memory_space<vmem>> -> memref<2x128xi32, #tpu.memory_space<vmem>>
      %dma_wait3A_212 = arith.constant 0 : i32
      %dma_wait3A_213 = tpu.memref_slice %arg3[%add3A_197, %dma_wait3A_212] : memref<2560x128xi32, #tpu.memory_space<hbm>> -> memref<2x128xi32, #tpu.memory_space<hbm>>
      %dma_wait3A_214 = arith.constant 0 : i32
      %dma_wait3A_215 = arith.constant 0 : i32
      %dma_wait3A_216 = tpu.memref_slice %arg14[%dma_wait3A_214, %dma_wait3A_215] : memref<4x128xi32, #tpu.memory_space<vmem>> -> memref<2x128xi32, #tpu.memory_space<vmem>>
      %dma_wait3A_217 = arith.constant 0 : i32
      %dma_wait3A_218 = tpu.memref_slice %arg3[%add3A_197, %dma_wait3A_217] : memref<2560x128xi32, #tpu.memory_space<hbm>> -> memref<2x128xi32, #tpu.memory_space<hbm>>
      tpu.wait_dma2 semaphore(%arg18 : memref<!tpu.dma_semaphore, #tpu.memory_space<semaphore_mem>>) src(%dma_wait3A_218 : memref<2x128xi32, #tpu.memory_space<hbm>>) dst(%dma_wait3A_216 : memref<2x128xi32, #tpu.memory_space<vmem>>)
      %dma_start3A_219 = arith.constant 0 : i32
      %dma_start3A_220 = arith.constant 0 : i32
      %dma_start3A_221 = arith.constant 0 : i32
      %dma_start3A_222 = tpu.memref_slice %arg9[%dma_start3A_220, %dma_start3A_221] : memref<256x128xf32, #tpu.memory_space<vmem>> -> memref<128x128xf32, #tpu.memory_space<vmem>>
      %dma_start3A_223 = arith.constant 0 : i32
      %dma_start3A_224 = tpu.memref_slice %arg13[%dma_start3A_219, %dma_start3A_223] : memref<4x128xi32, #tpu.memory_space<vmem>> -> memref<1x128xi32, #tpu.memory_space<vmem>>
      %dma_start3A_225 = tpu.memref_squeeze %dma_start3A_224 : memref<1x128xi32, #tpu.memory_space<vmem>> -> memref<128xi32, #tpu.memory_space<vmem>>
      %dma_start3A_226 = arith.constant 0 : i32
      %dma_start3A_227 = arith.constant 0 : i32
      %dma_start3A_228 = tpu.memref_slice %arg5[%dma_start3A_226, %dma_start3A_227] : memref<10240x128xf32, #tpu.memory_space<hbm>> -> memref<10240x128xf32, #tpu.memory_space<hbm>>
      tpu.enqueue_indirect_dma source(%dma_start3A_228 : memref<10240x128xf32, #tpu.memory_space<hbm>>) target(%dma_start3A_222 : memref<128x128xf32, #tpu.memory_space<vmem>>) offsets(%dma_start3A_225 : memref<128xi32, #tpu.memory_space<vmem>>) semaphore(%arg17 : memref<!tpu.dma_semaphore, #tpu.memory_space<semaphore_mem>>)
      %dma_start3A_229 = arith.constant 1 : i32
      %dma_start3A_230 = arith.constant 128 : i32
      %dma_start3A_231 = arith.constant 0 : i32
      %dma_start3A_232 = tpu.memref_slice %arg9[%dma_start3A_230, %dma_start3A_231] : memref<256x128xf32, #tpu.memory_space<vmem>> -> memref<128x128xf32, #tpu.memory_space<vmem>>
      %dma_start3A_233 = arith.constant 0 : i32
      %dma_start3A_234 = tpu.memref_slice %arg13[%dma_start3A_229, %dma_start3A_233] : memref<4x128xi32, #tpu.memory_space<vmem>> -> memref<1x128xi32, #tpu.memory_space<vmem>>
      %dma_start3A_235 = tpu.memref_squeeze %dma_start3A_234 : memref<1x128xi32, #tpu.memory_space<vmem>> -> memref<128xi32, #tpu.memory_space<vmem>>
      %dma_start3A_236 = arith.constant 0 : i32
      %dma_start3A_237 = arith.constant 0 : i32
      %dma_start3A_238 = tpu.memref_slice %arg5[%dma_start3A_236, %dma_start3A_237] : memref<10240x128xf32, #tpu.memory_space<hbm>> -> memref<10240x128xf32, #tpu.memory_space<hbm>>
      tpu.enqueue_indirect_dma source(%dma_start3A_238 : memref<10240x128xf32, #tpu.memory_space<hbm>>) target(%dma_start3A_232 : memref<128x128xf32, #tpu.memory_space<vmem>>) offsets(%dma_start3A_235 : memref<128xi32, #tpu.memory_space<vmem>>) semaphore(%arg17 : memref<!tpu.dma_semaphore, #tpu.memory_space<semaphore_mem>>)
      %mul3A_239 = arith.constant 10240 : i32
      %mul3A_240 = arith.muli %add3A, %mul3A_239 : i32
      %mul3A_241 = arith.constant 256 : i32
      %mul3A_242 = arith.muli %mul3A_187, %mul3A_241 : i32
      %add3A_243 = arith.addi %mul3A_240, %mul3A_242 : i32
      %mul3A_244 = arith.constant 80 : i32
      %mul3A_245 = arith.muli %add3A, %mul3A_244 : i32
      %mul3A_246 = arith.constant 2 : i32
      %mul3A_247 = arith.muli %mul3A_187, %mul3A_246 : i32
      %add3A_248 = arith.addi %mul3A_245, %mul3A_247 : i32
      %mul3A_249 = arith.constant 16 : i32
      %mul3A_250 = arith.muli %add3A_243, %mul3A_249 : i32
      %dma_wait3A_251 = arith.constant 0 : i32
      %dma_wait3A_252 = arith.constant 0 : i32
      %dma_wait3A_253 = tpu.memref_slice %arg10[%dma_wait3A_251, %dma_wait3A_252] : memref<2x4096xf32, #tpu.memory_space<vmem>> -> memref<1x4096xf32, #tpu.memory_space<vmem>>
      %dma_wait3A_254 = tpu.memref_squeeze %dma_wait3A_253 : memref<1x4096xf32, #tpu.memory_space<vmem>> -> memref<4096xf32, #tpu.memory_space<vmem>>
      %dma_wait3A_255 = tpu.memref_slice %arg4[%mul3A_250] : memref<5242880xf32, #tpu.memory_space<hbm>> -> memref<4096xf32, #tpu.memory_space<hbm>>
      %dma_wait3A_256 = arith.constant 0 : i32
      %dma_wait3A_257 = tpu.memref_slice %arg10[%dma_wait3A_251, %dma_wait3A_256] : memref<2x4096xf32, #tpu.memory_space<vmem>> -> memref<1x4096xf32, #tpu.memory_space<vmem>>
      %dma_wait3A_258 = tpu.memref_squeeze %dma_wait3A_257 : memref<1x4096xf32, #tpu.memory_space<vmem>> -> memref<4096xf32, #tpu.memory_space<vmem>>
      %dma_wait3A_259 = tpu.memref_slice %arg4[%mul3A_250] : memref<5242880xf32, #tpu.memory_space<hbm>> -> memref<4096xf32, #tpu.memory_space<hbm>>
      tpu.wait_dma2 semaphore(%arg20 : memref<!tpu.dma_semaphore, #tpu.memory_space<semaphore_mem>>) src(%dma_wait3A_259 : memref<4096xf32, #tpu.memory_space<hbm>>) dst(%dma_wait3A_258 : memref<4096xf32, #tpu.memory_space<vmem>>)
      %dma_wait3A_260 = arith.constant 0 : i32
      %dma_wait3A_261 = arith.constant 0 : i32
      %dma_wait3A_262 = tpu.memref_slice %arg12[%dma_wait3A_260, %dma_wait3A_261] : memref<16x256xf32, #tpu.memory_space<vmem>> -> memref<8x256xf32, #tpu.memory_space<vmem>>
      %dma_wait3A_263 = arith.constant 0 : i32
      %dma_wait3A_264 = tpu.memref_slice %arg6[%dma_wait3A_263, %add3A_243] : memref<8x327680xf32, #tpu.memory_space<hbm>> -> memref<8x256xf32, #tpu.memory_space<hbm>>
      %dma_wait3A_265 = arith.constant 0 : i32
      %dma_wait3A_266 = arith.constant 0 : i32
      %dma_wait3A_267 = tpu.memref_slice %arg12[%dma_wait3A_265, %dma_wait3A_266] : memref<16x256xf32, #tpu.memory_space<vmem>> -> memref<8x256xf32, #tpu.memory_space<vmem>>
      %dma_wait3A_268 = arith.constant 0 : i32
      %dma_wait3A_269 = tpu.memref_slice %arg6[%dma_wait3A_268, %add3A_243] : memref<8x327680xf32, #tpu.memory_space<hbm>> -> memref<8x256xf32, #tpu.memory_space<hbm>>
      tpu.wait_dma2 semaphore(%arg20 : memref<!tpu.dma_semaphore, #tpu.memory_space<semaphore_mem>>) src(%dma_wait3A_269 : memref<8x256xf32, #tpu.memory_space<hbm>>) dst(%dma_wait3A_267 : memref<8x256xf32, #tpu.memory_space<vmem>>)
      %scan3A_270 = arith.constant 0 : i32
      %scan3A_271 = arith.constant 0 : i32
      %scan3A_272 = arith.constant 16 : i32
      %scan3A_273 = arith.addi %scan3A_271, %scan3A_272 : i32
      %scan3A_274 = arith.constant 1 : i32
      scf.for %scan3A_435 = %scan3A_271 to %scan3A_273 step %scan3A_274  : i32 {
        %mul3A_436 = arith.constant 16 : i32
        %mul3A_437 = arith.muli %scan3A_435, %mul3A_436 : i32
        %get3A_438 = arith.constant 0 : i32
        %get3A_439 = arith.index_cast %get3A_438 : i32 to index
        %get3A_440 = arith.index_cast %mul3A_437 : i32 to index
        %get3A_441 = tpu.vector_load %arg12[%get3A_439, %get3A_440] {strides = array<i32>} : memref<16x256xf32, #tpu.memory_space<vmem>>, vector<16xf32>,
        %mul3A_442 = vector.broadcast %squeeze3A : f32 to vector<16xf32>
        %mul3A_443 = arith.mulf %get3A_441, %mul3A_442 : vector<16xf32>
        %get3A_444 = arith.constant 1 : i32
        %get3A_445 = arith.index_cast %get3A_444 : i32 to index
        %get3A_446 = arith.index_cast %mul3A_437 : i32 to index
        %get3A_447 = tpu.vector_load %arg12[%get3A_445, %get3A_446] {strides = array<i32>} : memref<16x256xf32, #tpu.memory_space<vmem>>, vector<16xf32>,
        %mul3A_448 = vector.broadcast %squeeze3A_27 : f32 to vector<16xf32>
        %mul3A_449 = arith.mulf %get3A_447, %mul3A_448 : vector<16xf32>
        %add3A_450 = arith.addf %mul3A_443, %mul3A_449 : vector<16xf32>
        %get3A_451 = arith.constant 2 : i32
        %get3A_452 = arith.index_cast %get3A_451 : i32 to index
        %get3A_453 = arith.index_cast %mul3A_437 : i32 to index
        %get3A_454 = tpu.vector_load %arg12[%get3A_452, %get3A_453] {strides = array<i32>} : memref<16x256xf32, #tpu.memory_space<vmem>>, vector<16xf32>,
        %mul3A_455 = vector.broadcast %squeeze3A_33 : f32 to vector<16xf32>
        %mul3A_456 = arith.mulf %get3A_454, %mul3A_455 : vector<16xf32>
        %add3A_457 = arith.addf %add3A_450, %mul3A_456 : vector<16xf32>
        %get3A_458 = arith.constant 3 : i32
        %get3A_459 = arith.index_cast %get3A_458 : i32 to index
        %get3A_460 = arith.index_cast %mul3A_437 : i32 to index
        %get3A_461 = tpu.vector_load %arg12[%get3A_459, %get3A_460] {strides = array<i32>} : memref<16x256xf32, #tpu.memory_space<vmem>>, vector<16xf32>,
        %mul3A_462 = vector.broadcast %squeeze3A_39 : f32 to vector<16xf32>
        %mul3A_463 = arith.mulf %get3A_461, %mul3A_462 : vector<16xf32>
        %add3A_464 = arith.addf %add3A_457, %mul3A_463 : vector<16xf32>
        %swap3A = arith.index_cast %mul3A_437 : i32 to index
        %swap3A_465 = tpu.vector_load %arg11[%swap3A] {strides = array<i32>} : memref<256xf32, #tpu.memory_space<vmem>>, vector<16xf32>,
        tpu.vector_store %arg11[%swap3A], %add3A_464 {strides = array<i32>} : memref<256xf32, #tpu.memory_space<vmem>>, vector<16xf32>,
      }
      %scan3A_275 = arith.constant 16 : i32
      %dma_wait3A_276 = arith.constant 0 : i32
      %dma_wait3A_277 = arith.constant 0 : i32
      %dma_wait3A_278 = arith.constant 0 : i32
      %dma_wait3A_279 = tpu.memref_slice %arg9[%dma_wait3A_277, %dma_wait3A_278] : memref<256x128xf32, #tpu.memory_space<vmem>> -> memref<128x128xf32, #tpu.memory_space<vmem>>
      %dma_wait3A_280 = arith.constant 0 : i32
      %dma_wait3A_281 = tpu.memref_slice %arg13[%dma_wait3A_276, %dma_wait3A_280] : memref<4x128xi32, #tpu.memory_space<vmem>> -> memref<1x128xi32, #tpu.memory_space<vmem>>
      %dma_wait3A_282 = tpu.memref_squeeze %dma_wait3A_281 : memref<1x128xi32, #tpu.memory_space<vmem>> -> memref<128xi32, #tpu.memory_space<vmem>>
      %dma_wait3A_283 = arith.constant 0 : i32
      %dma_wait3A_284 = arith.constant 0 : i32
      %dma_wait3A_285 = tpu.memref_slice %arg5[%dma_wait3A_283, %dma_wait3A_284] : memref<10240x128xf32, #tpu.memory_space<hbm>> -> memref<10240x128xf32, #tpu.memory_space<hbm>>
      tpu.wait_indirect_dma semaphore(%arg17 : memref<!tpu.dma_semaphore, #tpu.memory_space<semaphore_mem>>) src(%dma_wait3A_285 : memref<10240x128xf32, #tpu.memory_space<hbm>>) dst(%dma_wait3A_279 : memref<128x128xf32, #tpu.memory_space<vmem>>)
      %dma_wait3A_286 = arith.constant 1 : i32
      %dma_wait3A_287 = arith.constant 128 : i32
      %dma_wait3A_288 = arith.constant 0 : i32
      %dma_wait3A_289 = tpu.memref_slice %arg9[%dma_wait3A_287, %dma_wait3A_288] : memref<256x128xf32, #tpu.memory_space<vmem>> -> memref<128x128xf32, #tpu.memory_space<vmem>>
      %dma_wait3A_290 = arith.constant 0 : i32
      %dma_wait3A_291 = tpu.memref_slice %arg13[%dma_wait3A_286, %dma_wait3A_290] : memref<4x128xi32, #tpu.memory_space<vmem>> -> memref<1x128xi32, #tpu.memory_space<vmem>>
      %dma_wait3A_292 = tpu.memref_squeeze %dma_wait3A_291 : memref<1x128xi32, #tpu.memory_space<vmem>> -> memref<128xi32, #tpu.memory_space<vmem>>
      %dma_wait3A_293 = arith.constant 0 : i32
      %dma_wait3A_294 = arith.constant 0 : i32
      %dma_wait3A_295 = tpu.memref_slice %arg5[%dma_wait3A_293, %dma_wait3A_294] : memref<10240x128xf32, #tpu.memory_space<hbm>> -> memref<10240x128xf32, #tpu.memory_space<hbm>>
      tpu.wait_indirect_dma semaphore(%arg17 : memref<!tpu.dma_semaphore, #tpu.memory_space<semaphore_mem>>) src(%dma_wait3A_295 : memref<10240x128xf32, #tpu.memory_space<hbm>>) dst(%dma_wait3A_289 : memref<128x128xf32, #tpu.memory_space<vmem>>)
      %scan3A_296 = arith.constant 0 : i32
      %scan3A_297 = arith.constant 0 : i32
      %scan3A_298 = arith.constant 16 : i32
      %scan3A_299 = arith.addi %scan3A_297, %scan3A_298 : i32
      %scan3A_300 = arith.constant 1 : i32
      scf.for %scan3A_435 = %scan3A_297 to %scan3A_299 step %scan3A_300  : i32 {
        %mul3A_436 = arith.constant 16 : i32
        %mul3A_437 = arith.muli %scan3A_435, %mul3A_436 : i32
        %get3A_438 = arith.index_cast %mul3A_437 : i32 to index
        %get3A_439 = tpu.vector_load %arg11[%get3A_438] {strides = array<i32>} : memref<256xf32, #tpu.memory_space<vmem>>, vector<16xf32>,
        %mul3A_440 = arith.constant 16 : i32
        %mul3A_441 = arith.muli %scan3A_435, %mul3A_440 : i32
        %add3A_442 = arith.constant 0 : i32
        %add3A_443 = arith.addi %mul3A_441, %add3A_442 : i32
        %slice3A_444 = vector.extract_strided_slice %get3A_439 {offsets = [0], sizes = [1], strides = [1]} : vector<16xf32> to vector<1xf32>
        %squeeze3A_445 = vector.extract %slice3A_444[0] : f32 from vector<1xf32>
        %get3A_446 = arith.index_cast %add3A_443 : i32 to index
        %get3A_447 = arith.constant 0 : index
        %get3A_448 = tpu.vector_load %arg9[%get3A_446, %get3A_447] {strides = array<i32>} : memref<256x128xf32, #tpu.memory_space<vmem>>, vector<16xf32>,
        %mul3A_449 = vector.broadcast %squeeze3A_445 : f32 to vector<16xf32>
        %mul3A_450 = arith.mulf %get3A_448, %mul3A_449 : vector<16xf32>
        %swap3A = arith.index_cast %add3A_443 : i32 to index
        %swap3A_451 = arith.constant 0 : index
        %swap3A_452 = tpu.vector_load %arg9[%swap3A, %swap3A_451] {strides = array<i32>} : memref<256x128xf32, #tpu.memory_space<vmem>>, vector<16xf32>,
        tpu.vector_store %arg9[%swap3A, %swap3A_451], %mul3A_450 {strides = array<i32>} : memref<256x128xf32, #tpu.memory_space<vmem>>, vector<16xf32>,
        %get3A_453 = arith.index_cast %add3A_443 : i32 to index
        %get3A_454 = arith.constant 16 : index
        %get3A_455 = tpu.vector_load %arg9[%get3A_453, %get3A_454] {strides = array<i32>} : memref<256x128xf32, #tpu.memory_space<vmem>>, vector<16xf32>,
        %mul3A_456 = vector.broadcast %squeeze3A_445 : f32 to vector<16xf32>
        %mul3A_457 = arith.mulf %get3A_455, %mul3A_456 : vector<16xf32>
        %swap3A_458 = arith.index_cast %add3A_443 : i32 to index
        %swap3A_459 = arith.constant 16 : index
        %swap3A_460 = tpu.vector_load %arg9[%swap3A_458, %swap3A_459] {strides = array<i32>} : memref<256x128xf32, #tpu.memory_space<vmem>>, vector<16xf32>,
        tpu.vector_store %arg9[%swap3A_458, %swap3A_459], %mul3A_457 {strides = array<i32>} : memref<256x128xf32, #tpu.memory_space<vmem>>, vector<16xf32>,
        %get3A_461 = arith.index_cast %add3A_443 : i32 to index
        %get3A_462 = arith.constant 32 : index
        %get3A_463 = tpu.vector_load %arg9[%get3A_461, %get3A_462] {strides = array<i32>} : memref<256x128xf32, #tpu.memory_space<vmem>>, vector<16xf32>,
        %mul3A_464 = vector.broadcast %squeeze3A_445 : f32 to vector<16xf32>
        %mul3A_465 = arith.mulf %get3A_463, %mul3A_464 : vector<16xf32>
        %swap3A_466 = arith.index_cast %add3A_443 : i32 to index
        %swap3A_467 = arith.constant 32 : index
        %swap3A_468 = tpu.vector_load %arg9[%swap3A_466, %swap3A_467] {strides = array<i32>} : memref<256x128xf32, #tpu.memory_space<vmem>>, vector<16xf32>,
        tpu.vector_store %arg9[%swap3A_466, %swap3A_467], %mul3A_465 {strides = array<i32>} : memref<256x128xf32, #tpu.memory_space<vmem>>, vector<16xf32>,
        %get3A_469 = arith.index_cast %add3A_443 : i32 to index
        %get3A_470 = arith.constant 48 : index
        %get3A_471 = tpu.vector_load %arg9[%get3A_469, %get3A_470] {strides = array<i32>} : memref<256x128xf32, #tpu.memory_space<vmem>>, vector<16xf32>,
        %mul3A_472 = vector.broadcast %squeeze3A_445 : f32 to vector<16xf32>
        %mul3A_473 = arith.mulf %get3A_471, %mul3A_472 : vector<16xf32>
        %swap3A_474 = arith.index_cast %add3A_443 : i32 to index
        %swap3A_475 = arith.constant 48 : index
        %swap3A_476 = tpu.vector_load %arg9[%swap3A_474, %swap3A_475] {strides = array<i32>} : memref<256x128xf32, #tpu.memory_space<vmem>>, vector<16xf32>,
        tpu.vector_store %arg9[%swap3A_474, %swap3A_475], %mul3A_473 {strides = array<i32>} : memref<256x128xf32, #tpu.memory_space<vmem>>, vector<16xf32>,
        %mul3A_477 = arith.constant 16 : i32
        %mul3A_478 = arith.muli %add3A_443, %mul3A_477 : i32
        %get3A_479 = arith.constant 0 : i32
        %get3A_480 = arith.index_cast %get3A_479 : i32 to index
        %get3A_481 = arith.index_cast %mul3A_478 : i32 to index
        %get3A_482 = tpu.vector_load %arg10[%get3A_480, %get3A_481] {strides = array<i32>} : memref<2x4096xf32, #tpu.memory_space<vmem>>, vector<16xf32>,
        %mul3A_483 = vector.broadcast %squeeze3A_445 : f32 to vector<16xf32>
        %mul3A_484 = arith.mulf %get3A_482, %mul3A_483 : vector<16xf32>
        %swap3A_485 = arith.index_cast %add3A_443 : i32 to index
        %swap3A_486 = arith.constant 64 : index
        %swap3A_487 = tpu.vector_load %arg9[%swap3A_485, %swap3A_486] {strides = array<i32>} : memref<256x128xf32, #tpu.memory_space<vmem>>, vector<16xf32>,
        tpu.vector_store %arg9[%swap3A_485, %swap3A_486], %mul3A_484 {strides = array<i32>} : memref<256x128xf32, #tpu.memory_space<vmem>>, vector<16xf32>,
        %mul3A_488 = arith.constant 16 : i32
        %mul3A_489 = arith.muli %scan3A_435, %mul3A_488 : i32
        %add3A_490 = arith.constant 1 : i32
        %add3A_491 = arith.addi %mul3A_489, %add3A_490 : i32
        %slice3A_492 = vector.extract_strided_slice %get3A_439 {offsets = [1], sizes = [1], strides = [1]} : vector<16xf32> to vector<1xf32>
        %squeeze3A_493 = vector.extract %slice3A_492[0] : f32 from vector<1xf32>
        %get3A_494 = arith.index_cast %add3A_491 : i32 to index
        %get3A_495 = arith.constant 0 : index
        %get3A_496 = tpu.vector_load %arg9[%get3A_494, %get3A_495] {strides = array<i32>} : memref<256x128xf32, #tpu.memory_space<vmem>>, vector<16xf32>,
        %mul3A_497 = vector.broadcast %squeeze3A_493 : f32 to vector<16xf32>
        %mul3A_498 = arith.mulf %get3A_496, %mul3A_497 : vector<16xf32>
        %swap3A_499 = arith.index_cast %add3A_491 : i32 to index
        %swap3A_500 = arith.constant 0 : index
        %swap3A_501 = tpu.vector_load %arg9[%swap3A_499, %swap3A_500] {strides = array<i32>} : memref<256x128xf32, #tpu.memory_space<vmem>>, vector<16xf32>,
        tpu.vector_store %arg9[%swap3A_499, %swap3A_500], %mul3A_498 {strides = array<i32>} : memref<256x128xf32, #tpu.memory_space<vmem>>, vector<16xf32>,
        %get3A_502 = arith.index_cast %add3A_491 : i32 to index
        %get3A_503 = arith.constant 16 : index
        %get3A_504 = tpu.vector_load %arg9[%get3A_502, %get3A_503] {strides = array<i32>} : memref<256x128xf32, #tpu.memory_space<vmem>>, vector<16xf32>,
        %mul3A_505 = vector.broadcast %squeeze3A_493 : f32 to vector<16xf32>
        %mul3A_506 = arith.mulf %get3A_504, %mul3A_505 : vector<16xf32>
        %swap3A_507 = arith.index_cast %add3A_491 : i32 to index
        %swap3A_508 = arith.constant 16 : index
        %swap3A_509 = tpu.vector_load %arg9[%swap3A_507, %swap3A_508] {strides = array<i32>} : memref<256x128xf32, #tpu.memory_space<vmem>>, vector<16xf32>,
        tpu.vector_store %arg9[%swap3A_507, %swap3A_508], %mul3A_506 {strides = array<i32>} : memref<256x128xf32, #tpu.memory_space<vmem>>, vector<16xf32>,
        %get3A_510 = arith.index_cast %add3A_491 : i32 to index
        %get3A_511 = arith.constant 32 : index
        %get3A_512 = tpu.vector_load %arg9[%get3A_510, %get3A_511] {strides = array<i32>} : memref<256x128xf32, #tpu.memory_space<vmem>>, vector<16xf32>,
        %mul3A_513 = vector.broadcast %squeeze3A_493 : f32 to vector<16xf32>
        %mul3A_514 = arith.mulf %get3A_512, %mul3A_513 : vector<16xf32>
        %swap3A_515 = arith.index_cast %add3A_491 : i32 to index
        %swap3A_516 = arith.constant 32 : index
        %swap3A_517 = tpu.vector_load %arg9[%swap3A_515, %swap3A_516] {strides = array<i32>} : memref<256x128xf32, #tpu.memory_space<vmem>>, vector<16xf32>,
        tpu.vector_store %arg9[%swap3A_515, %swap3A_516], %mul3A_514 {strides = array<i32>} : memref<256x128xf32, #tpu.memory_space<vmem>>, vector<16xf32>,
        %get3A_518 = arith.index_cast %add3A_491 : i32 to index
        %get3A_519 = arith.constant 48 : index
        %get3A_520 = tpu.vector_load %arg9[%get3A_518, %get3A_519] {strides = array<i32>} : memref<256x128xf32, #tpu.memory_space<vmem>>, vector<16xf32>,
        %mul3A_521 = vector.broadcast %squeeze3A_493 : f32 to vector<16xf32>
        %mul3A_522 = arith.mulf %get3A_520, %mul3A_521 : vector<16xf32>
        %swap3A_523 = arith.index_cast %add3A_491 : i32 to index
        %swap3A_524 = arith.constant 48 : index
        %swap3A_525 = tpu.vector_load %arg9[%swap3A_523, %swap3A_524] {strides = array<i32>} : memref<256x128xf32, #tpu.memory_space<vmem>>, vector<16xf32>,
        tpu.vector_store %arg9[%swap3A_523, %swap3A_524], %mul3A_522 {strides = array<i32>} : memref<256x128xf32, #tpu.memory_space<vmem>>, vector<16xf32>,
        %mul3A_526 = arith.constant 16 : i32
        %mul3A_527 = arith.muli %add3A_491, %mul3A_526 : i32
        %get3A_528 = arith.constant 0 : i32
        %get3A_529 = arith.index_cast %get3A_528 : i32 to index
        %get3A_530 = arith.index_cast %mul3A_527 : i32 to index
        %get3A_531 = tpu.vector_load %arg10[%get3A_529, %get3A_530] {strides = array<i32>} : memref<2x4096xf32, #tpu.memory_space<vmem>>, vector<16xf32>,
        %mul3A_532 = vector.broadcast %squeeze3A_493 : f32 to vector<16xf32>
        %mul3A_533 = arith.mulf %get3A_531, %mul3A_532 : vector<16xf32>
        %swap3A_534 = arith.index_cast %add3A_491 : i32 to index
        %swap3A_535 = arith.constant 64 : index
        %swap3A_536 = tpu.vector_load %arg9[%swap3A_534, %swap3A_535] {strides = array<i32>} : memref<256x128xf32, #tpu.memory_space<vmem>>, vector<16xf32>,
        tpu.vector_store %arg9[%swap3A_534, %swap3A_535], %mul3A_533 {strides = array<i32>} : memref<256x128xf32, #tpu.memory_space<vmem>>, vector<16xf32>,
        %mul3A_537 = arith.constant 16 : i32
        %mul3A_538 = arith.muli %scan3A_435, %mul3A_537 : i32
        %add3A_539 = arith.constant 2 : i32
        %add3A_540 = arith.addi %mul3A_538, %add3A_539 : i32
        %slice3A_541 = vector.extract_strided_slice %get3A_439 {offsets = [2], sizes = [1], strides = [1]} : vector<16xf32> to vector<1xf32>
        %squeeze3A_542 = vector.extract %slice3A_541[0] : f32 from vector<1xf32>
        %get3A_543 = arith.index_cast %add3A_540 : i32 to index
        %get3A_544 = arith.constant 0 : index
        %get3A_545 = tpu.vector_load %arg9[%get3A_543, %get3A_544] {strides = array<i32>} : memref<256x128xf32, #tpu.memory_space<vmem>>, vector<16xf32>,
        %mul3A_546 = vector.broadcast %squeeze3A_542 : f32 to vector<16xf32>
        %mul3A_547 = arith.mulf %get3A_545, %mul3A_546 : vector<16xf32>
        %swap3A_548 = arith.index_cast %add3A_540 : i32 to index
        %swap3A_549 = arith.constant 0 : index
        %swap3A_550 = tpu.vector_load %arg9[%swap3A_548, %swap3A_549] {strides = array<i32>} : memref<256x128xf32, #tpu.memory_space<vmem>>, vector<16xf32>,
        tpu.vector_store %arg9[%swap3A_548, %swap3A_549], %mul3A_547 {strides = array<i32>} : memref<256x128xf32, #tpu.memory_space<vmem>>, vector<16xf32>,
        %get3A_551 = arith.index_cast %add3A_540 : i32 to index
        %get3A_552 = arith.constant 16 : index
        %get3A_553 = tpu.vector_load %arg9[%get3A_551, %get3A_552] {strides = array<i32>} : memref<256x128xf32, #tpu.memory_space<vmem>>, vector<16xf32>,
        %mul3A_554 = vector.broadcast %squeeze3A_542 : f32 to vector<16xf32>
        %mul3A_555 = arith.mulf %get3A_553, %mul3A_554 : vector<16xf32>
        %swap3A_556 = arith.index_cast %add3A_540 : i32 to index
        %swap3A_557 = arith.constant 16 : index
        %swap3A_558 = tpu.vector_load %arg9[%swap3A_556, %swap3A_557] {strides = array<i32>} : memref<256x128xf32, #tpu.memory_space<vmem>>, vector<16xf32>,
        tpu.vector_store %arg9[%swap3A_556, %swap3A_557], %mul3A_555 {strides = array<i32>} : memref<256x128xf32, #tpu.memory_space<vmem>>, vector<16xf32>,
        %get3A_559 = arith.index_cast %add3A_540 : i32 to index
        %get3A_560 = arith.constant 32 : index
        %get3A_561 = tpu.vector_load %arg9[%get3A_559, %get3A_560] {strides = array<i32>} : memref<256x128xf32, #tpu.memory_space<vmem>>, vector<16xf32>,
        %mul3A_562 = vector.broadcast %squeeze3A_542 : f32 to vector<16xf32>
        %mul3A_563 = arith.mulf %get3A_561, %mul3A_562 : vector<16xf32>
        %swap3A_564 = arith.index_cast %add3A_540 : i32 to index
        %swap3A_565 = arith.constant 32 : index
        %swap3A_566 = tpu.vector_load %arg9[%swap3A_564, %swap3A_565] {strides = array<i32>} : memref<256x128xf32, #tpu.memory_space<vmem>>, vector<16xf32>,
        tpu.vector_store %arg9[%swap3A_564, %swap3A_565], %mul3A_563 {strides = array<i32>} : memref<256x128xf32, #tpu.memory_space<vmem>>, vector<16xf32>,
        %get3A_567 = arith.index_cast %add3A_540 : i32 to index
        %get3A_568 = arith.constant 48 : index
        %get3A_569 = tpu.vector_load %arg9[%get3A_567, %get3A_568] {strides = array<i32>} : memref<256x128xf32, #tpu.memory_space<vmem>>, vector<16xf32>,
        %mul3A_570 = vector.broadcast %squeeze3A_542 : f32 to vector<16xf32>
        %mul3A_571 = arith.mulf %get3A_569, %mul3A_570 : vector<16xf32>
        %swap3A_572 = arith.index_cast %add3A_540 : i32 to index
        %swap3A_573 = arith.constant 48 : index
        %swap3A_574 = tpu.vector_load %arg9[%swap3A_572, %swap3A_573] {strides = array<i32>} : memref<256x128xf32, #tpu.memory_space<vmem>>, vector<16xf32>,
        tpu.vector_store %arg9[%swap3A_572, %swap3A_573], %mul3A_571 {strides = array<i32>} : memref<256x128xf32, #tpu.memory_space<vmem>>, vector<16xf32>,
        %mul3A_575 = arith.constant 16 : i32
        %mul3A_576 = arith.muli %add3A_540, %mul3A_575 : i32
        %get3A_577 = arith.constant 0 : i32
        %get3A_578 = arith.index_cast %get3A_577 : i32 to index
        %get3A_579 = arith.index_cast %mul3A_576 : i32 to index
        %get3A_580 = tpu.vector_load %arg10[%get3A_578, %get3A_579] {strides = array<i32>} : memref<2x4096xf32, #tpu.memory_space<vmem>>, vector<16xf32>,
        %mul3A_581 = vector.broadcast %squeeze3A_542 : f32 to vector<16xf32>
        %mul3A_582 = arith.mulf %get3A_580, %mul3A_581 : vector<16xf32>
        %swap3A_583 = arith.index_cast %add3A_540 : i32 to index
        %swap3A_584 = arith.constant 64 : index
        %swap3A_585 = tpu.vector_load %arg9[%swap3A_583, %swap3A_584] {strides = array<i32>} : memref<256x128xf32, #tpu.memory_space<vmem>>, vector<16xf32>,
        tpu.vector_store %arg9[%swap3A_583, %swap3A_584], %mul3A_582 {strides = array<i32>} : memref<256x128xf32, #tpu.memory_space<vmem>>, vector<16xf32>,
        %mul3A_586 = arith.constant 16 : i32
        %mul3A_587 = arith.muli %scan3A_435, %mul3A_586 : i32
        %add3A_588 = arith.constant 3 : i32
        %add3A_589 = arith.addi %mul3A_587, %add3A_588 : i32
        %slice3A_590 = vector.extract_strided_slice %get3A_439 {offsets = [3], sizes = [1], strides = [1]} : vector<16xf32> to vector<1xf32>
        %squeeze3A_591 = vector.extract %slice3A_590[0] : f32 from vector<1xf32>
        %get3A_592 = arith.index_cast %add3A_589 : i32 to index
        %get3A_593 = arith.constant 0 : index
        %get3A_594 = tpu.vector_load %arg9[%get3A_592, %get3A_593] {strides = array<i32>} : memref<256x128xf32, #tpu.memory_space<vmem>>, vector<16xf32>,
        %mul3A_595 = vector.broadcast %squeeze3A_591 : f32 to vector<16xf32>
        %mul3A_596 = arith.mulf %get3A_594, %mul3A_595 : vector<16xf32>
        %swap3A_597 = arith.index_cast %add3A_589 : i32 to index
        %swap3A_598 = arith.constant 0 : index
        %swap3A_599 = tpu.vector_load %arg9[%swap3A_597, %swap3A_598] {strides = array<i32>} : memref<256x128xf32, #tpu.memory_space<vmem>>, vector<16xf32>,
        tpu.vector_store %arg9[%swap3A_597, %swap3A_598], %mul3A_596 {strides = array<i32>} : memref<256x128xf32, #tpu.memory_space<vmem>>, vector<16xf32>,
        %get3A_600 = arith.index_cast %add3A_589 : i32 to index
        %get3A_601 = arith.constant 16 : index
        %get3A_602 = tpu.vector_load %arg9[%get3A_600, %get3A_601] {strides = array<i32>} : memref<256x128xf32, #tpu.memory_space<vmem>>, vector<16xf32>,
        %mul3A_603 = vector.broadcast %squeeze3A_591 : f32 to vector<16xf32>
        %mul3A_604 = arith.mulf %get3A_602, %mul3A_603 : vector<16xf32>
        %swap3A_605 = arith.index_cast %add3A_589 : i32 to index
        %swap3A_606 = arith.constant 16 : index
        %swap3A_607 = tpu.vector_load %arg9[%swap3A_605, %swap3A_606] {strides = array<i32>} : memref<256x128xf32, #tpu.memory_space<vmem>>, vector<16xf32>,
        tpu.vector_store %arg9[%swap3A_605, %swap3A_606], %mul3A_604 {strides = array<i32>} : memref<256x128xf32, #tpu.memory_space<vmem>>, vector<16xf32>,
        %get3A_608 = arith.index_cast %add3A_589 : i32 to index
        %get3A_609 = arith.constant 32 : index
        %get3A_610 = tpu.vector_load %arg9[%get3A_608, %get3A_609] {strides = array<i32>} : memref<256x128xf32, #tpu.memory_space<vmem>>, vector<16xf32>,
        %mul3A_611 = vector.broadcast %squeeze3A_591 : f32 to vector<16xf32>
        %mul3A_612 = arith.mulf %get3A_610, %mul3A_611 : vector<16xf32>
        %swap3A_613 = arith.index_cast %add3A_589 : i32 to index
        %swap3A_614 = arith.constant 32 : index
        %swap3A_615 = tpu.vector_load %arg9[%swap3A_613, %swap3A_614] {strides = array<i32>} : memref<256x128xf32, #tpu.memory_space<vmem>>, vector<16xf32>,
        tpu.vector_store %arg9[%swap3A_613, %swap3A_614], %mul3A_612 {strides = array<i32>} : memref<256x128xf32, #tpu.memory_space<vmem>>, vector<16xf32>,
        %get3A_616 = arith.index_cast %add3A_589 : i32 to index
        %get3A_617 = arith.constant 48 : index
        %get3A_618 = tpu.vector_load %arg9[%get3A_616, %get3A_617] {strides = array<i32>} : memref<256x128xf32, #tpu.memory_space<vmem>>, vector<16xf32>,
        %mul3A_619 = vector.broadcast %squeeze3A_591 : f32 to vector<16xf32>
        %mul3A_620 = arith.mulf %get3A_618, %mul3A_619 : vector<16xf32>
        %swap3A_621 = arith.index_cast %add3A_589 : i32 to index
        %swap3A_622 = arith.constant 48 : index
        %swap3A_623 = tpu.vector_load %arg9[%swap3A_621, %swap3A_622] {strides = array<i32>} : memref<256x128xf32, #tpu.memory_space<vmem>>, vector<16xf32>,
        tpu.vector_store %arg9[%swap3A_621, %swap3A_622], %mul3A_620 {strides = array<i32>} : memref<256x128xf32, #tpu.memory_space<vmem>>, vector<16xf32>,
        %mul3A_624 = arith.constant 16 : i32
        %mul3A_625 = arith.muli %add3A_589, %mul3A_624 : i32
        %get3A_626 = arith.constant 0 : i32
        %get3A_627 = arith.index_cast %get3A_626 : i32 to index
        %get3A_628 = arith.index_cast %mul3A_625 : i32 to index
        %get3A_629 = tpu.vector_load %arg10[%get3A_627, %get3A_628] {strides = array<i32>} : memref<2x4096xf32, #tpu.memory_space<vmem>>, vector<16xf32>,
        %mul3A_630 = vector.broadcast %squeeze3A_591 : f32 to vector<16xf32>
        %mul3A_631 = arith.mulf %get3A_629, %mul3A_630 : vector<16xf32>
        %swap3A_632 = arith.index_cast %add3A_589 : i32 to index
        %swap3A_633 = arith.constant 64 : index
        %swap3A_634 = tpu.vector_load %arg9[%swap3A_632, %swap3A_633] {strides = array<i32>} : memref<256x128xf32, #tpu.memory_space<vmem>>, vector<16xf32>,
        tpu.vector_store %arg9[%swap3A_632, %swap3A_633], %mul3A_631 {strides = array<i32>} : memref<256x128xf32, #tpu.memory_space<vmem>>, vector<16xf32>,
        %mul3A_635 = arith.constant 16 : i32
        %mul3A_636 = arith.muli %scan3A_435, %mul3A_635 : i32
        %add3A_637 = arith.constant 4 : i32
        %add3A_638 = arith.addi %mul3A_636, %add3A_637 : i32
        %slice3A_639 = vector.extract_strided_slice %get3A_439 {offsets = [4], sizes = [1], strides = [1]} : vector<16xf32> to vector<1xf32>
        %squeeze3A_640 = vector.extract %slice3A_639[0] : f32 from vector<1xf32>
        %get3A_641 = arith.index_cast %add3A_638 : i32 to index
        %get3A_642 = arith.constant 0 : index
        %get3A_643 = tpu.vector_load %arg9[%get3A_641, %get3A_642] {strides = array<i32>} : memref<256x128xf32, #tpu.memory_space<vmem>>, vector<16xf32>,
        %mul3A_644 = vector.broadcast %squeeze3A_640 : f32 to vector<16xf32>
        %mul3A_645 = arith.mulf %get3A_643, %mul3A_644 : vector<16xf32>
        %swap3A_646 = arith.index_cast %add3A_638 : i32 to index
        %swap3A_647 = arith.constant 0 : index
        %swap3A_648 = tpu.vector_load %arg9[%swap3A_646, %swap3A_647] {strides = array<i32>} : memref<256x128xf32, #tpu.memory_space<vmem>>, vector<16xf32>,
        tpu.vector_store %arg9[%swap3A_646, %swap3A_647], %mul3A_645 {strides = array<i32>} : memref<256x128xf32, #tpu.memory_space<vmem>>, vector<16xf32>,
        %get3A_649 = arith.index_cast %add3A_638 : i32 to index
        %get3A_650 = arith.constant 16 : index
        %get3A_651 = tpu.vector_load %arg9[%get3A_649, %get3A_650] {strides = array<i32>} : memref<256x128xf32, #tpu.memory_space<vmem>>, vector<16xf32>,
        %mul3A_652 = vector.broadcast %squeeze3A_640 : f32 to vector<16xf32>
        %mul3A_653 = arith.mulf %get3A_651, %mul3A_652 : vector<16xf32>
        %swap3A_654 = arith.index_cast %add3A_638 : i32 to index
        %swap3A_655 = arith.constant 16 : index
        %swap3A_656 = tpu.vector_load %arg9[%swap3A_654, %swap3A_655] {strides = array<i32>} : memref<256x128xf32, #tpu.memory_space<vmem>>, vector<16xf32>,
        tpu.vector_store %arg9[%swap3A_654, %swap3A_655], %mul3A_653 {strides = array<i32>} : memref<256x128xf32, #tpu.memory_space<vmem>>, vector<16xf32>,
        %get3A_657 = arith.index_cast %add3A_638 : i32 to index
        %get3A_658 = arith.constant 32 : index
        %get3A_659 = tpu.vector_load %arg9[%get3A_657, %get3A_658] {strides = array<i32>} : memref<256x128xf32, #tpu.memory_space<vmem>>, vector<16xf32>,
        %mul3A_660 = vector.broadcast %squeeze3A_640 : f32 to vector<16xf32>
        %mul3A_661 = arith.mulf %get3A_659, %mul3A_660 : vector<16xf32>
        %swap3A_662 = arith.index_cast %add3A_638 : i32 to index
        %swap3A_663 = arith.constant 32 : index
        %swap3A_664 = tpu.vector_load %arg9[%swap3A_662, %swap3A_663] {strides = array<i32>} : memref<256x128xf32, #tpu.memory_space<vmem>>, vector<16xf32>,
        tpu.vector_store %arg9[%swap3A_662, %swap3A_663], %mul3A_661 {strides = array<i32>} : memref<256x128xf32, #tpu.memory_space<vmem>>, vector<16xf32>,
        %get3A_665 = arith.index_cast %add3A_638 : i32 to index
        %get3A_666 = arith.constant 48 : index
        %get3A_667 = tpu.vector_load %arg9[%get3A_665, %get3A_666] {strides = array<i32>} : memref<256x128xf32, #tpu.memory_space<vmem>>, vector<16xf32>,
        %mul3A_668 = vector.broadcast %squeeze3A_640 : f32 to vector<16xf32>
        %mul3A_669 = arith.mulf %get3A_667, %mul3A_668 : vector<16xf32>
        %swap3A_670 = arith.index_cast %add3A_638 : i32 to index
        %swap3A_671 = arith.constant 48 : index
        %swap3A_672 = tpu.vector_load %arg9[%swap3A_670, %swap3A_671] {strides = array<i32>} : memref<256x128xf32, #tpu.memory_space<vmem>>, vector<16xf32>,
        tpu.vector_store %arg9[%swap3A_670, %swap3A_671], %mul3A_669 {strides = array<i32>} : memref<256x128xf32, #tpu.memory_space<vmem>>, vector<16xf32>,
        %mul3A_673 = arith.constant 16 : i32
        %mul3A_674 = arith.muli %add3A_638, %mul3A_673 : i32
        %get3A_675 = arith.constant 0 : i32
        %get3A_676 = arith.index_cast %get3A_675 : i32 to index
        %get3A_677 = arith.index_cast %mul3A_674 : i32 to index
        %get3A_678 = tpu.vector_load %arg10[%get3A_676, %get3A_677] {strides = array<i32>} : memref<2x4096xf32, #tpu.memory_space<vmem>>, vector<16xf32>,
        %mul3A_679 = vector.broadcast %squeeze3A_640 : f32 to vector<16xf32>
        %mul3A_680 = arith.mulf %get3A_678, %mul3A_679 : vector<16xf32>
        %swap3A_681 = arith.index_cast %add3A_638 : i32 to index
        %swap3A_682 = arith.constant 64 : index
        %swap3A_683 = tpu.vector_load %arg9[%swap3A_681, %swap3A_682] {strides = array<i32>} : memref<256x128xf32, #tpu.memory_space<vmem>>, vector<16xf32>,
        tpu.vector_store %arg9[%swap3A_681, %swap3A_682], %mul3A_680 {strides = array<i32>} : memref<256x128xf32, #tpu.memory_space<vmem>>, vector<16xf32>,
        %mul3A_684 = arith.constant 16 : i32
        %mul3A_685 = arith.muli %scan3A_435, %mul3A_684 : i32
        %add3A_686 = arith.constant 5 : i32
        %add3A_687 = arith.addi %mul3A_685, %add3A_686 : i32
        %slice3A_688 = vector.extract_strided_slice %get3A_439 {offsets = [5], sizes = [1], strides = [1]} : vector<16xf32> to vector<1xf32>
        %squeeze3A_689 = vector.extract %slice3A_688[0] : f32 from vector<1xf32>
        %get3A_690 = arith.index_cast %add3A_687 : i32 to index
        %get3A_691 = arith.constant 0 : index
        %get3A_692 = tpu.vector_load %arg9[%get3A_690, %get3A_691] {strides = array<i32>} : memref<256x128xf32, #tpu.memory_space<vmem>>, vector<16xf32>,
        %mul3A_693 = vector.broadcast %squeeze3A_689 : f32 to vector<16xf32>
        %mul3A_694 = arith.mulf %get3A_692, %mul3A_693 : vector<16xf32>
        %swap3A_695 = arith.index_cast %add3A_687 : i32 to index
        %swap3A_696 = arith.constant 0 : index
        %swap3A_697 = tpu.vector_load %arg9[%swap3A_695, %swap3A_696] {strides = array<i32>} : memref<256x128xf32, #tpu.memory_space<vmem>>, vector<16xf32>,
        tpu.vector_store %arg9[%swap3A_695, %swap3A_696], %mul3A_694 {strides = array<i32>} : memref<256x128xf32, #tpu.memory_space<vmem>>, vector<16xf32>,
        %get3A_698 = arith.index_cast %add3A_687 : i32 to index
        %get3A_699 = arith.constant 16 : index
        %get3A_700 = tpu.vector_load %arg9[%get3A_698, %get3A_699] {strides = array<i32>} : memref<256x128xf32, #tpu.memory_space<vmem>>, vector<16xf32>,
        %mul3A_701 = vector.broadcast %squeeze3A_689 : f32 to vector<16xf32>
        %mul3A_702 = arith.mulf %get3A_700, %mul3A_701 : vector<16xf32>
        %swap3A_703 = arith.index_cast %add3A_687 : i32 to index
        %swap3A_704 = arith.constant 16 : index
        %swap3A_705 = tpu.vector_load %arg9[%swap3A_703, %swap3A_704] {strides = array<i32>} : memref<256x128xf32, #tpu.memory_space<vmem>>, vector<16xf32>,
        tpu.vector_store %arg9[%swap3A_703, %swap3A_704], %mul3A_702 {strides = array<i32>} : memref<256x128xf32, #tpu.memory_space<vmem>>, vector<16xf32>,
        %get3A_706 = arith.index_cast %add3A_687 : i32 to index
        %get3A_707 = arith.constant 32 : index
        %get3A_708 = tpu.vector_load %arg9[%get3A_706, %get3A_707] {strides = array<i32>} : memref<256x128xf32, #tpu.memory_space<vmem>>, vector<16xf32>,
        %mul3A_709 = vector.broadcast %squeeze3A_689 : f32 to vector<16xf32>
        %mul3A_710 = arith.mulf %get3A_708, %mul3A_709 : vector<16xf32>
        %swap3A_711 = arith.index_cast %add3A_687 : i32 to index
        %swap3A_712 = arith.constant 32 : index
        %swap3A_713 = tpu.vector_load %arg9[%swap3A_711, %swap3A_712] {strides = array<i32>} : memref<256x128xf32, #tpu.memory_space<vmem>>, vector<16xf32>,
        tpu.vector_store %arg9[%swap3A_711, %swap3A_712], %mul3A_710 {strides = array<i32>} : memref<256x128xf32, #tpu.memory_space<vmem>>, vector<16xf32>,
        %get3A_714 = arith.index_cast %add3A_687 : i32 to index
        %get3A_715 = arith.constant 48 : index
        %get3A_716 = tpu.vector_load %arg9[%get3A_714, %get3A_715] {strides = array<i32>} : memref<256x128xf32, #tpu.memory_space<vmem>>, vector<16xf32>,
        %mul3A_717 = vector.broadcast %squeeze3A_689 : f32 to vector<16xf32>
        %mul3A_718 = arith.mulf %get3A_716, %mul3A_717 : vector<16xf32>
        %swap3A_719 = arith.index_cast %add3A_687 : i32 to index
        %swap3A_720 = arith.constant 48 : index
        %swap3A_721 = tpu.vector_load %arg9[%swap3A_719, %swap3A_720] {strides = array<i32>} : memref<256x128xf32, #tpu.memory_space<vmem>>, vector<16xf32>,
        tpu.vector_store %arg9[%swap3A_719, %swap3A_720], %mul3A_718 {strides = array<i32>} : memref<256x128xf32, #tpu.memory_space<vmem>>, vector<16xf32>,
        %mul3A_722 = arith.constant 16 : i32
        %mul3A_723 = arith.muli %add3A_687, %mul3A_722 : i32
        %get3A_724 = arith.constant 0 : i32
        %get3A_725 = arith.index_cast %get3A_724 : i32 to index
        %get3A_726 = arith.index_cast %mul3A_723 : i32 to index
        %get3A_727 = tpu.vector_load %arg10[%get3A_725, %get3A_726] {strides = array<i32>} : memref<2x4096xf32, #tpu.memory_space<vmem>>, vector<16xf32>,
        %mul3A_728 = vector.broadcast %squeeze3A_689 : f32 to vector<16xf32>
        %mul3A_729 = arith.mulf %get3A_727, %mul3A_728 : vector<16xf32>
        %swap3A_730 = arith.index_cast %add3A_687 : i32 to index
        %swap3A_731 = arith.constant 64 : index
        %swap3A_732 = tpu.vector_load %arg9[%swap3A_730, %swap3A_731] {strides = array<i32>} : memref<256x128xf32, #tpu.memory_space<vmem>>, vector<16xf32>,
        tpu.vector_store %arg9[%swap3A_730, %swap3A_731], %mul3A_729 {strides = array<i32>} : memref<256x128xf32, #tpu.memory_space<vmem>>, vector<16xf32>,
        %mul3A_733 = arith.constant 16 : i32
        %mul3A_734 = arith.muli %scan3A_435, %mul3A_733 : i32
        %add3A_735 = arith.constant 6 : i32
        %add3A_736 = arith.addi %mul3A_734, %add3A_735 : i32
        %slice3A_737 = vector.extract_strided_slice %get3A_439 {offsets = [6], sizes = [1], strides = [1]} : vector<16xf32> to vector<1xf32>
        %squeeze3A_738 = vector.extract %slice3A_737[0] : f32 from vector<1xf32>
        %get3A_739 = arith.index_cast %add3A_736 : i32 to index
        %get3A_740 = arith.constant 0 : index
        %get3A_741 = tpu.vector_load %arg9[%get3A_739, %get3A_740] {strides = array<i32>} : memref<256x128xf32, #tpu.memory_space<vmem>>, vector<16xf32>,
        %mul3A_742 = vector.broadcast %squeeze3A_738 : f32 to vector<16xf32>
        %mul3A_743 = arith.mulf %get3A_741, %mul3A_742 : vector<16xf32>
        %swap3A_744 = arith.index_cast %add3A_736 : i32 to index
        %swap3A_745 = arith.constant 0 : index
        %swap3A_746 = tpu.vector_load %arg9[%swap3A_744, %swap3A_745] {strides = array<i32>} : memref<256x128xf32, #tpu.memory_space<vmem>>, vector<16xf32>,
        tpu.vector_store %arg9[%swap3A_744, %swap3A_745], %mul3A_743 {strides = array<i32>} : memref<256x128xf32, #tpu.memory_space<vmem>>, vector<16xf32>,
        %get3A_747 = arith.index_cast %add3A_736 : i32 to index
        %get3A_748 = arith.constant 16 : index
        %get3A_749 = tpu.vector_load %arg9[%get3A_747, %get3A_748] {strides = array<i32>} : memref<256x128xf32, #tpu.memory_space<vmem>>, vector<16xf32>,
        %mul3A_750 = vector.broadcast %squeeze3A_738 : f32 to vector<16xf32>
        %mul3A_751 = arith.mulf %get3A_749, %mul3A_750 : vector<16xf32>
        %swap3A_752 = arith.index_cast %add3A_736 : i32 to index
        %swap3A_753 = arith.constant 16 : index
        %swap3A_754 = tpu.vector_load %arg9[%swap3A_752, %swap3A_753] {strides = array<i32>} : memref<256x128xf32, #tpu.memory_space<vmem>>, vector<16xf32>,
        tpu.vector_store %arg9[%swap3A_752, %swap3A_753], %mul3A_751 {strides = array<i32>} : memref<256x128xf32, #tpu.memory_space<vmem>>, vector<16xf32>,
        %get3A_755 = arith.index_cast %add3A_736 : i32 to index
        %get3A_756 = arith.constant 32 : index
        %get3A_757 = tpu.vector_load %arg9[%get3A_755, %get3A_756] {strides = array<i32>} : memref<256x128xf32, #tpu.memory_space<vmem>>, vector<16xf32>,
        %mul3A_758 = vector.broadcast %squeeze3A_738 : f32 to vector<16xf32>
        %mul3A_759 = arith.mulf %get3A_757, %mul3A_758 : vector<16xf32>
        %swap3A_760 = arith.index_cast %add3A_736 : i32 to index
        %swap3A_761 = arith.constant 32 : index
        %swap3A_762 = tpu.vector_load %arg9[%swap3A_760, %swap3A_761] {strides = array<i32>} : memref<256x128xf32, #tpu.memory_space<vmem>>, vector<16xf32>,
        tpu.vector_store %arg9[%swap3A_760, %swap3A_761], %mul3A_759 {strides = array<i32>} : memref<256x128xf32, #tpu.memory_space<vmem>>, vector<16xf32>,
        %get3A_763 = arith.index_cast %add3A_736 : i32 to index
        %get3A_764 = arith.constant 48 : index
        %get3A_765 = tpu.vector_load %arg9[%get3A_763, %get3A_764] {strides = array<i32>} : memref<256x128xf32, #tpu.memory_space<vmem>>, vector<16xf32>,
        %mul3A_766 = vector.broadcast %squeeze3A_738 : f32 to vector<16xf32>
        %mul3A_767 = arith.mulf %get3A_765, %mul3A_766 : vector<16xf32>
        %swap3A_768 = arith.index_cast %add3A_736 : i32 to index
        %swap3A_769 = arith.constant 48 : index
        %swap3A_770 = tpu.vector_load %arg9[%swap3A_768, %swap3A_769] {strides = array<i32>} : memref<256x128xf32, #tpu.memory_space<vmem>>, vector<16xf32>,
        tpu.vector_store %arg9[%swap3A_768, %swap3A_769], %mul3A_767 {strides = array<i32>} : memref<256x128xf32, #tpu.memory_space<vmem>>, vector<16xf32>,
        %mul3A_771 = arith.constant 16 : i32
        %mul3A_772 = arith.muli %add3A_736, %mul3A_771 : i32
        %get3A_773 = arith.constant 0 : i32
        %get3A_774 = arith.index_cast %get3A_773 : i32 to index
        %get3A_775 = arith.index_cast %mul3A_772 : i32 to index
        %get3A_776 = tpu.vector_load %arg10[%get3A_774, %get3A_775] {strides = array<i32>} : memref<2x4096xf32, #tpu.memory_space<vmem>>, vector<16xf32>,
        %mul3A_777 = vector.broadcast %squeeze3A_738 : f32 to vector<16xf32>
        %mul3A_778 = arith.mulf %get3A_776, %mul3A_777 : vector<16xf32>
        %swap3A_779 = arith.index_cast %add3A_736 : i32 to index
        %swap3A_780 = arith.constant 64 : index
        %swap3A_781 = tpu.vector_load %arg9[%swap3A_779, %swap3A_780] {strides = array<i32>} : memref<256x128xf32, #tpu.memory_space<vmem>>, vector<16xf32>,
        tpu.vector_store %arg9[%swap3A_779, %swap3A_780], %mul3A_778 {strides = array<i32>} : memref<256x128xf32, #tpu.memory_space<vmem>>, vector<16xf32>,
        %mul3A_782 = arith.constant 16 : i32
        %mul3A_783 = arith.muli %scan3A_435, %mul3A_782 : i32
        %add3A_784 = arith.constant 7 : i32
        %add3A_785 = arith.addi %mul3A_783, %add3A_784 : i32
        %slice3A_786 = vector.extract_strided_slice %get3A_439 {offsets = [7], sizes = [1], strides = [1]} : vector<16xf32> to vector<1xf32>
        %squeeze3A_787 = vector.extract %slice3A_786[0] : f32 from vector<1xf32>
        %get3A_788 = arith.index_cast %add3A_785 : i32 to index
        %get3A_789 = arith.constant 0 : index
        %get3A_790 = tpu.vector_load %arg9[%get3A_788, %get3A_789] {strides = array<i32>} : memref<256x128xf32, #tpu.memory_space<vmem>>, vector<16xf32>,
        %mul3A_791 = vector.broadcast %squeeze3A_787 : f32 to vector<16xf32>
        %mul3A_792 = arith.mulf %get3A_790, %mul3A_791 : vector<16xf32>
        %swap3A_793 = arith.index_cast %add3A_785 : i32 to index
        %swap3A_794 = arith.constant 0 : index
        %swap3A_795 = tpu.vector_load %arg9[%swap3A_793, %swap3A_794] {strides = array<i32>} : memref<256x128xf32, #tpu.memory_space<vmem>>, vector<16xf32>,
        tpu.vector_store %arg9[%swap3A_793, %swap3A_794], %mul3A_792 {strides = array<i32>} : memref<256x128xf32, #tpu.memory_space<vmem>>, vector<16xf32>,
        %get3A_796 = arith.index_cast %add3A_785 : i32 to index
        %get3A_797 = arith.constant 16 : index
        %get3A_798 = tpu.vector_load %arg9[%get3A_796, %get3A_797] {strides = array<i32>} : memref<256x128xf32, #tpu.memory_space<vmem>>, vector<16xf32>,
        %mul3A_799 = vector.broadcast %squeeze3A_787 : f32 to vector<16xf32>
        %mul3A_800 = arith.mulf %get3A_798, %mul3A_799 : vector<16xf32>
        %swap3A_801 = arith.index_cast %add3A_785 : i32 to index
        %swap3A_802 = arith.constant 16 : index
        %swap3A_803 = tpu.vector_load %arg9[%swap3A_801, %swap3A_802] {strides = array<i32>} : memref<256x128xf32, #tpu.memory_space<vmem>>, vector<16xf32>,
        tpu.vector_store %arg9[%swap3A_801, %swap3A_802], %mul3A_800 {strides = array<i32>} : memref<256x128xf32, #tpu.memory_space<vmem>>, vector<16xf32>,
        %get3A_804 = arith.index_cast %add3A_785 : i32 to index
        %get3A_805 = arith.constant 32 : index
        %get3A_806 = tpu.vector_load %arg9[%get3A_804, %get3A_805] {strides = array<i32>} : memref<256x128xf32, #tpu.memory_space<vmem>>, vector<16xf32>,
        %mul3A_807 = vector.broadcast %squeeze3A_787 : f32 to vector<16xf32>
        %mul3A_808 = arith.mulf %get3A_806, %mul3A_807 : vector<16xf32>
        %swap3A_809 = arith.index_cast %add3A_785 : i32 to index
        %swap3A_810 = arith.constant 32 : index
        %swap3A_811 = tpu.vector_load %arg9[%swap3A_809, %swap3A_810] {strides = array<i32>} : memref<256x128xf32, #tpu.memory_space<vmem>>, vector<16xf32>,
        tpu.vector_store %arg9[%swap3A_809, %swap3A_810], %mul3A_808 {strides = array<i32>} : memref<256x128xf32, #tpu.memory_space<vmem>>, vector<16xf32>,
        %get3A_812 = arith.index_cast %add3A_785 : i32 to index
        %get3A_813 = arith.constant 48 : index
        %get3A_814 = tpu.vector_load %arg9[%get3A_812, %get3A_813] {strides = array<i32>} : memref<256x128xf32, #tpu.memory_space<vmem>>, vector<16xf32>,
        %mul3A_815 = vector.broadcast %squeeze3A_787 : f32 to vector<16xf32>
        %mul3A_816 = arith.mulf %get3A_814, %mul3A_815 : vector<16xf32>
        %swap3A_817 = arith.index_cast %add3A_785 : i32 to index
        %swap3A_818 = arith.constant 48 : index
        %swap3A_819 = tpu.vector_load %arg9[%swap3A_817, %swap3A_818] {strides = array<i32>} : memref<256x128xf32, #tpu.memory_space<vmem>>, vector<16xf32>,
        tpu.vector_store %arg9[%swap3A_817, %swap3A_818], %mul3A_816 {strides = array<i32>} : memref<256x128xf32, #tpu.memory_space<vmem>>, vector<16xf32>,
        %mul3A_820 = arith.constant 16 : i32
        %mul3A_821 = arith.muli %add3A_785, %mul3A_820 : i32
        %get3A_822 = arith.constant 0 : i32
        %get3A_823 = arith.index_cast %get3A_822 : i32 to index
        %get3A_824 = arith.index_cast %mul3A_821 : i32 to index
        %get3A_825 = tpu.vector_load %arg10[%get3A_823, %get3A_824] {strides = array<i32>} : memref<2x4096xf32, #tpu.memory_space<vmem>>, vector<16xf32>,
        %mul3A_826 = vector.broadcast %squeeze3A_787 : f32 to vector<16xf32>
        %mul3A_827 = arith.mulf %get3A_825, %mul3A_826 : vector<16xf32>
        %swap3A_828 = arith.index_cast %add3A_785 : i32 to index
        %swap3A_829 = arith.constant 64 : index
        %swap3A_830 = tpu.vector_load %arg9[%swap3A_828, %swap3A_829] {strides = array<i32>} : memref<256x128xf32, #tpu.memory_space<vmem>>, vector<16xf32>,
        tpu.vector_store %arg9[%swap3A_828, %swap3A_829], %mul3A_827 {strides = array<i32>} : memref<256x128xf32, #tpu.memory_space<vmem>>, vector<16xf32>,
        %mul3A_831 = arith.constant 16 : i32
        %mul3A_832 = arith.muli %scan3A_435, %mul3A_831 : i32
        %add3A_833 = arith.constant 8 : i32
        %add3A_834 = arith.addi %mul3A_832, %add3A_833 : i32
        %slice3A_835 = vector.extract_strided_slice %get3A_439 {offsets = [8], sizes = [1], strides = [1]} : vector<16xf32> to vector<1xf32>
        %squeeze3A_836 = vector.extract %slice3A_835[0] : f32 from vector<1xf32>
        %get3A_837 = arith.index_cast %add3A_834 : i32 to index
        %get3A_838 = arith.constant 0 : index
        %get3A_839 = tpu.vector_load %arg9[%get3A_837, %get3A_838] {strides = array<i32>} : memref<256x128xf32, #tpu.memory_space<vmem>>, vector<16xf32>,
        %mul3A_840 = vector.broadcast %squeeze3A_836 : f32 to vector<16xf32>
        %mul3A_841 = arith.mulf %get3A_839, %mul3A_840 : vector<16xf32>
        %swap3A_842 = arith.index_cast %add3A_834 : i32 to index
        %swap3A_843 = arith.constant 0 : index
        %swap3A_844 = tpu.vector_load %arg9[%swap3A_842, %swap3A_843] {strides = array<i32>} : memref<256x128xf32, #tpu.memory_space<vmem>>, vector<16xf32>,
        tpu.vector_store %arg9[%swap3A_842, %swap3A_843], %mul3A_841 {strides = array<i32>} : memref<256x128xf32, #tpu.memory_space<vmem>>, vector<16xf32>,
        %get3A_845 = arith.index_cast %add3A_834 : i32 to index
        %get3A_846 = arith.constant 16 : index
        %get3A_847 = tpu.vector_load %arg9[%get3A_845, %get3A_846] {strides = array<i32>} : memref<256x128xf32, #tpu.memory_space<vmem>>, vector<16xf32>,
        %mul3A_848 = vector.broadcast %squeeze3A_836 : f32 to vector<16xf32>
        %mul3A_849 = arith.mulf %get3A_847, %mul3A_848 : vector<16xf32>
        %swap3A_850 = arith.index_cast %add3A_834 : i32 to index
        %swap3A_851 = arith.constant 16 : index
        %swap3A_852 = tpu.vector_load %arg9[%swap3A_850, %swap3A_851] {strides = array<i32>} : memref<256x128xf32, #tpu.memory_space<vmem>>, vector<16xf32>,
        tpu.vector_store %arg9[%swap3A_850, %swap3A_851], %mul3A_849 {strides = array<i32>} : memref<256x128xf32, #tpu.memory_space<vmem>>, vector<16xf32>,
        %get3A_853 = arith.index_cast %add3A_834 : i32 to index
        %get3A_854 = arith.constant 32 : index
        %get3A_855 = tpu.vector_load %arg9[%get3A_853, %get3A_854] {strides = array<i32>} : memref<256x128xf32, #tpu.memory_space<vmem>>, vector<16xf32>,
        %mul3A_856 = vector.broadcast %squeeze3A_836 : f32 to vector<16xf32>
        %mul3A_857 = arith.mulf %get3A_855, %mul3A_856 : vector<16xf32>
        %swap3A_858 = arith.index_cast %add3A_834 : i32 to index
        %swap3A_859 = arith.constant 32 : index
        %swap3A_860 = tpu.vector_load %arg9[%swap3A_858, %swap3A_859] {strides = array<i32>} : memref<256x128xf32, #tpu.memory_space<vmem>>, vector<16xf32>,
        tpu.vector_store %arg9[%swap3A_858, %swap3A_859], %mul3A_857 {strides = array<i32>} : memref<256x128xf32, #tpu.memory_space<vmem>>, vector<16xf32>,
        %get3A_861 = arith.index_cast %add3A_834 : i32 to index
        %get3A_862 = arith.constant 48 : index
        %get3A_863 = tpu.vector_load %arg9[%get3A_861, %get3A_862] {strides = array<i32>} : memref<256x128xf32, #tpu.memory_space<vmem>>, vector<16xf32>,
        %mul3A_864 = vector.broadcast %squeeze3A_836 : f32 to vector<16xf32>
        %mul3A_865 = arith.mulf %get3A_863, %mul3A_864 : vector<16xf32>
        %swap3A_866 = arith.index_cast %add3A_834 : i32 to index
        %swap3A_867 = arith.constant 48 : index
        %swap3A_868 = tpu.vector_load %arg9[%swap3A_866, %swap3A_867] {strides = array<i32>} : memref<256x128xf32, #tpu.memory_space<vmem>>, vector<16xf32>,
        tpu.vector_store %arg9[%swap3A_866, %swap3A_867], %mul3A_865 {strides = array<i32>} : memref<256x128xf32, #tpu.memory_space<vmem>>, vector<16xf32>,
        %mul3A_869 = arith.constant 16 : i32
        %mul3A_870 = arith.muli %add3A_834, %mul3A_869 : i32
        %get3A_871 = arith.constant 0 : i32
        %get3A_872 = arith.index_cast %get3A_871 : i32 to index
        %get3A_873 = arith.index_cast %mul3A_870 : i32 to index
        %get3A_874 = tpu.vector_load %arg10[%get3A_872, %get3A_873] {strides = array<i32>} : memref<2x4096xf32, #tpu.memory_space<vmem>>, vector<16xf32>,
        %mul3A_875 = vector.broadcast %squeeze3A_836 : f32 to vector<16xf32>
        %mul3A_876 = arith.mulf %get3A_874, %mul3A_875 : vector<16xf32>
        %swap3A_877 = arith.index_cast %add3A_834 : i32 to index
        %swap3A_878 = arith.constant 64 : index
        %swap3A_879 = tpu.vector_load %arg9[%swap3A_877, %swap3A_878] {strides = array<i32>} : memref<256x128xf32, #tpu.memory_space<vmem>>, vector<16xf32>,
        tpu.vector_store %arg9[%swap3A_877, %swap3A_878], %mul3A_876 {strides = array<i32>} : memref<256x128xf32, #tpu.memory_space<vmem>>, vector<16xf32>,
        %mul3A_880 = arith.constant 16 : i32
        %mul3A_881 = arith.muli %scan3A_435, %mul3A_880 : i32
        %add3A_882 = arith.constant 9 : i32
        %add3A_883 = arith.addi %mul3A_881, %add3A_882 : i32
        %slice3A_884 = vector.extract_strided_slice %get3A_439 {offsets = [9], sizes = [1], strides = [1]} : vector<16xf32> to vector<1xf32>
        %squeeze3A_885 = vector.extract %slice3A_884[0] : f32 from vector<1xf32>
        %get3A_886 = arith.index_cast %add3A_883 : i32 to index
        %get3A_887 = arith.constant 0 : index
        %get3A_888 = tpu.vector_load %arg9[%get3A_886, %get3A_887] {strides = array<i32>} : memref<256x128xf32, #tpu.memory_space<vmem>>, vector<16xf32>,
        %mul3A_889 = vector.broadcast %squeeze3A_885 : f32 to vector<16xf32>
        %mul3A_890 = arith.mulf %get3A_888, %mul3A_889 : vector<16xf32>
        %swap3A_891 = arith.index_cast %add3A_883 : i32 to index
        %swap3A_892 = arith.constant 0 : index
        %swap3A_893 = tpu.vector_load %arg9[%swap3A_891, %swap3A_892] {strides = array<i32>} : memref<256x128xf32, #tpu.memory_space<vmem>>, vector<16xf32>,
        tpu.vector_store %arg9[%swap3A_891, %swap3A_892], %mul3A_890 {strides = array<i32>} : memref<256x128xf32, #tpu.memory_space<vmem>>, vector<16xf32>,
        %get3A_894 = arith.index_cast %add3A_883 : i32 to index
        %get3A_895 = arith.constant 16 : index
        %get3A_896 = tpu.vector_load %arg9[%get3A_894, %get3A_895] {strides = array<i32>} : memref<256x128xf32, #tpu.memory_space<vmem>>, vector<16xf32>,
        %mul3A_897 = vector.broadcast %squeeze3A_885 : f32 to vector<16xf32>
        %mul3A_898 = arith.mulf %get3A_896, %mul3A_897 : vector<16xf32>
        %swap3A_899 = arith.index_cast %add3A_883 : i32 to index
        %swap3A_900 = arith.constant 16 : index
        %swap3A_901 = tpu.vector_load %arg9[%swap3A_899, %swap3A_900] {strides = array<i32>} : memref<256x128xf32, #tpu.memory_space<vmem>>, vector<16xf32>,
        tpu.vector_store %arg9[%swap3A_899, %swap3A_900], %mul3A_898 {strides = array<i32>} : memref<256x128xf32, #tpu.memory_space<vmem>>, vector<16xf32>,
        %get3A_902 = arith.index_cast %add3A_883 : i32 to index
        %get3A_903 = arith.constant 32 : index
        %get3A_904 = tpu.vector_load %arg9[%get3A_902, %get3A_903] {strides = array<i32>} : memref<256x128xf32, #tpu.memory_space<vmem>>, vector<16xf32>,
        %mul3A_905 = vector.broadcast %squeeze3A_885 : f32 to vector<16xf32>
        %mul3A_906 = arith.mulf %get3A_904, %mul3A_905 : vector<16xf32>
        %swap3A_907 = arith.index_cast %add3A_883 : i32 to index
        %swap3A_908 = arith.constant 32 : index
        %swap3A_909 = tpu.vector_load %arg9[%swap3A_907, %swap3A_908] {strides = array<i32>} : memref<256x128xf32, #tpu.memory_space<vmem>>, vector<16xf32>,
        tpu.vector_store %arg9[%swap3A_907, %swap3A_908], %mul3A_906 {strides = array<i32>} : memref<256x128xf32, #tpu.memory_space<vmem>>, vector<16xf32>,
        %get3A_910 = arith.index_cast %add3A_883 : i32 to index
        %get3A_911 = arith.constant 48 : index
        %get3A_912 = tpu.vector_load %arg9[%get3A_910, %get3A_911] {strides = array<i32>} : memref<256x128xf32, #tpu.memory_space<vmem>>, vector<16xf32>,
        %mul3A_913 = vector.broadcast %squeeze3A_885 : f32 to vector<16xf32>
        %mul3A_914 = arith.mulf %get3A_912, %mul3A_913 : vector<16xf32>
        %swap3A_915 = arith.index_cast %add3A_883 : i32 to index
        %swap3A_916 = arith.constant 48 : index
        %swap3A_917 = tpu.vector_load %arg9[%swap3A_915, %swap3A_916] {strides = array<i32>} : memref<256x128xf32, #tpu.memory_space<vmem>>, vector<16xf32>,
        tpu.vector_store %arg9[%swap3A_915, %swap3A_916], %mul3A_914 {strides = array<i32>} : memref<256x128xf32, #tpu.memory_space<vmem>>, vector<16xf32>,
        %mul3A_918 = arith.constant 16 : i32
        %mul3A_919 = arith.muli %add3A_883, %mul3A_918 : i32
        %get3A_920 = arith.constant 0 : i32
        %get3A_921 = arith.index_cast %get3A_920 : i32 to index
        %get3A_922 = arith.index_cast %mul3A_919 : i32 to index
        %get3A_923 = tpu.vector_load %arg10[%get3A_921, %get3A_922] {strides = array<i32>} : memref<2x4096xf32, #tpu.memory_space<vmem>>, vector<16xf32>,
        %mul3A_924 = vector.broadcast %squeeze3A_885 : f32 to vector<16xf32>
        %mul3A_925 = arith.mulf %get3A_923, %mul3A_924 : vector<16xf32>
        %swap3A_926 = arith.index_cast %add3A_883 : i32 to index
        %swap3A_927 = arith.constant 64 : index
        %swap3A_928 = tpu.vector_load %arg9[%swap3A_926, %swap3A_927] {strides = array<i32>} : memref<256x128xf32, #tpu.memory_space<vmem>>, vector<16xf32>,
        tpu.vector_store %arg9[%swap3A_926, %swap3A_927], %mul3A_925 {strides = array<i32>} : memref<256x128xf32, #tpu.memory_space<vmem>>, vector<16xf32>,
        %mul3A_929 = arith.constant 16 : i32
        %mul3A_930 = arith.muli %scan3A_435, %mul3A_929 : i32
        %add3A_931 = arith.constant 10 : i32
        %add3A_932 = arith.addi %mul3A_930, %add3A_931 : i32
        %slice3A_933 = vector.extract_strided_slice %get3A_439 {offsets = [10], sizes = [1], strides = [1]} : vector<16xf32> to vector<1xf32>
        %squeeze3A_934 = vector.extract %slice3A_933[0] : f32 from vector<1xf32>
        %get3A_935 = arith.index_cast %add3A_932 : i32 to index
        %get3A_936 = arith.constant 0 : index
        %get3A_937 = tpu.vector_load %arg9[%get3A_935, %get3A_936] {strides = array<i32>} : memref<256x128xf32, #tpu.memory_space<vmem>>, vector<16xf32>,
        %mul3A_938 = vector.broadcast %squeeze3A_934 : f32 to vector<16xf32>
        %mul3A_939 = arith.mulf %get3A_937, %mul3A_938 : vector<16xf32>
        %swap3A_940 = arith.index_cast %add3A_932 : i32 to index
        %swap3A_941 = arith.constant 0 : index
        %swap3A_942 = tpu.vector_load %arg9[%swap3A_940, %swap3A_941] {strides = array<i32>} : memref<256x128xf32, #tpu.memory_space<vmem>>, vector<16xf32>,
        tpu.vector_store %arg9[%swap3A_940, %swap3A_941], %mul3A_939 {strides = array<i32>} : memref<256x128xf32, #tpu.memory_space<vmem>>, vector<16xf32>,
        %get3A_943 = arith.index_cast %add3A_932 : i32 to index
        %get3A_944 = arith.constant 16 : index
        %get3A_945 = tpu.vector_load %arg9[%get3A_943, %get3A_944] {strides = array<i32>} : memref<256x128xf32, #tpu.memory_space<vmem>>, vector<16xf32>,
        %mul3A_946 = vector.broadcast %squeeze3A_934 : f32 to vector<16xf32>
        %mul3A_947 = arith.mulf %get3A_945, %mul3A_946 : vector<16xf32>
        %swap3A_948 = arith.index_cast %add3A_932 : i32 to index
        %swap3A_949 = arith.constant 16 : index
        %swap3A_950 = tpu.vector_load %arg9[%swap3A_948, %swap3A_949] {strides = array<i32>} : memref<256x128xf32, #tpu.memory_space<vmem>>, vector<16xf32>,
        tpu.vector_store %arg9[%swap3A_948, %swap3A_949], %mul3A_947 {strides = array<i32>} : memref<256x128xf32, #tpu.memory_space<vmem>>, vector<16xf32>,
        %get3A_951 = arith.index_cast %add3A_932 : i32 to index
        %get3A_952 = arith.constant 32 : index
        %get3A_953 = tpu.vector_load %arg9[%get3A_951, %get3A_952] {strides = array<i32>} : memref<256x128xf32, #tpu.memory_space<vmem>>, vector<16xf32>,
        %mul3A_954 = vector.broadcast %squeeze3A_934 : f32 to vector<16xf32>
        %mul3A_955 = arith.mulf %get3A_953, %mul3A_954 : vector<16xf32>
        %swap3A_956 = arith.index_cast %add3A_932 : i32 to index
        %swap3A_957 = arith.constant 32 : index
        %swap3A_958 = tpu.vector_load %arg9[%swap3A_956, %swap3A_957] {strides = array<i32>} : memref<256x128xf32, #tpu.memory_space<vmem>>, vector<16xf32>,
        tpu.vector_store %arg9[%swap3A_956, %swap3A_957], %mul3A_955 {strides = array<i32>} : memref<256x128xf32, #tpu.memory_space<vmem>>, vector<16xf32>,
        %get3A_959 = arith.index_cast %add3A_932 : i32 to index
        %get3A_960 = arith.constant 48 : index
        %get3A_961 = tpu.vector_load %arg9[%get3A_959, %get3A_960] {strides = array<i32>} : memref<256x128xf32, #tpu.memory_space<vmem>>, vector<16xf32>,
        %mul3A_962 = vector.broadcast %squeeze3A_934 : f32 to vector<16xf32>
        %mul3A_963 = arith.mulf %get3A_961, %mul3A_962 : vector<16xf32>
        %swap3A_964 = arith.index_cast %add3A_932 : i32 to index
        %swap3A_965 = arith.constant 48 : index
        %swap3A_966 = tpu.vector_load %arg9[%swap3A_964, %swap3A_965] {strides = array<i32>} : memref<256x128xf32, #tpu.memory_space<vmem>>, vector<16xf32>,
        tpu.vector_store %arg9[%swap3A_964, %swap3A_965], %mul3A_963 {strides = array<i32>} : memref<256x128xf32, #tpu.memory_space<vmem>>, vector<16xf32>,
        %mul3A_967 = arith.constant 16 : i32
        %mul3A_968 = arith.muli %add3A_932, %mul3A_967 : i32
        %get3A_969 = arith.constant 0 : i32
        %get3A_970 = arith.index_cast %get3A_969 : i32 to index
        %get3A_971 = arith.index_cast %mul3A_968 : i32 to index
        %get3A_972 = tpu.vector_load %arg10[%get3A_970, %get3A_971] {strides = array<i32>} : memref<2x4096xf32, #tpu.memory_space<vmem>>, vector<16xf32>,
        %mul3A_973 = vector.broadcast %squeeze3A_934 : f32 to vector<16xf32>
        %mul3A_974 = arith.mulf %get3A_972, %mul3A_973 : vector<16xf32>
        %swap3A_975 = arith.index_cast %add3A_932 : i32 to index
        %swap3A_976 = arith.constant 64 : index
        %swap3A_977 = tpu.vector_load %arg9[%swap3A_975, %swap3A_976] {strides = array<i32>} : memref<256x128xf32, #tpu.memory_space<vmem>>, vector<16xf32>,
        tpu.vector_store %arg9[%swap3A_975, %swap3A_976], %mul3A_974 {strides = array<i32>} : memref<256x128xf32, #tpu.memory_space<vmem>>, vector<16xf32>,
        %mul3A_978 = arith.constant 16 : i32
        %mul3A_979 = arith.muli %scan3A_435, %mul3A_978 : i32
        %add3A_980 = arith.constant 11 : i32
        %add3A_981 = arith.addi %mul3A_979, %add3A_980 : i32
        %slice3A_982 = vector.extract_strided_slice %get3A_439 {offsets = [11], sizes = [1], strides = [1]} : vector<16xf32> to vector<1xf32>
        %squeeze3A_983 = vector.extract %slice3A_982[0] : f32 from vector<1xf32>
        %get3A_984 = arith.index_cast %add3A_981 : i32 to index
        %get3A_985 = arith.constant 0 : index
        %get3A_986 = tpu.vector_load %arg9[%get3A_984, %get3A_985] {strides = array<i32>} : memref<256x128xf32, #tpu.memory_space<vmem>>, vector<16xf32>,
        %mul3A_987 = vector.broadcast %squeeze3A_983 : f32 to vector<16xf32>
        %mul3A_988 = arith.mulf %get3A_986, %mul3A_987 : vector<16xf32>
        %swap3A_989 = arith.index_cast %add3A_981 : i32 to index
        %swap3A_990 = arith.constant 0 : index
        %swap3A_991 = tpu.vector_load %arg9[%swap3A_989, %swap3A_990] {strides = array<i32>} : memref<256x128xf32, #tpu.memory_space<vmem>>, vector<16xf32>,
        tpu.vector_store %arg9[%swap3A_989, %swap3A_990], %mul3A_988 {strides = array<i32>} : memref<256x128xf32, #tpu.memory_space<vmem>>, vector<16xf32>,
        %get3A_992 = arith.index_cast %add3A_981 : i32 to index
        %get3A_993 = arith.constant 16 : index
        %get3A_994 = tpu.vector_load %arg9[%get3A_992, %get3A_993] {strides = array<i32>} : memref<256x128xf32, #tpu.memory_space<vmem>>, vector<16xf32>,
        %mul3A_995 = vector.broadcast %squeeze3A_983 : f32 to vector<16xf32>
        %mul3A_996 = arith.mulf %get3A_994, %mul3A_995 : vector<16xf32>
        %swap3A_997 = arith.index_cast %add3A_981 : i32 to index
        %swap3A_998 = arith.constant 16 : index
        %swap3A_999 = tpu.vector_load %arg9[%swap3A_997, %swap3A_998] {strides = array<i32>} : memref<256x128xf32, #tpu.memory_space<vmem>>, vector<16xf32>,
        tpu.vector_store %arg9[%swap3A_997, %swap3A_998], %mul3A_996 {strides = array<i32>} : memref<256x128xf32, #tpu.memory_space<vmem>>, vector<16xf32>,
        %get3A_1000 = arith.index_cast %add3A_981 : i32 to index
        %get3A_1001 = arith.constant 32 : index
        %get3A_1002 = tpu.vector_load %arg9[%get3A_1000, %get3A_1001] {strides = array<i32>} : memref<256x128xf32, #tpu.memory_space<vmem>>, vector<16xf32>,
        %mul3A_1003 = vector.broadcast %squeeze3A_983 : f32 to vector<16xf32>
        %mul3A_1004 = arith.mulf %get3A_1002, %mul3A_1003 : vector<16xf32>
        %swap3A_1005 = arith.index_cast %add3A_981 : i32 to index
        %swap3A_1006 = arith.constant 32 : index
        %swap3A_1007 = tpu.vector_load %arg9[%swap3A_1005, %swap3A_1006] {strides = array<i32>} : memref<256x128xf32, #tpu.memory_space<vmem>>, vector<16xf32>,
        tpu.vector_store %arg9[%swap3A_1005, %swap3A_1006], %mul3A_1004 {strides = array<i32>} : memref<256x128xf32, #tpu.memory_space<vmem>>, vector<16xf32>,
        %get3A_1008 = arith.index_cast %add3A_981 : i32 to index
        %get3A_1009 = arith.constant 48 : index
        %get3A_1010 = tpu.vector_load %arg9[%get3A_1008, %get3A_1009] {strides = array<i32>} : memref<256x128xf32, #tpu.memory_space<vmem>>, vector<16xf32>,
        %mul3A_1011 = vector.broadcast %squeeze3A_983 : f32 to vector<16xf32>
        %mul3A_1012 = arith.mulf %get3A_1010, %mul3A_1011 : vector<16xf32>
        %swap3A_1013 = arith.index_cast %add3A_981 : i32 to index
        %swap3A_1014 = arith.constant 48 : index
        %swap3A_1015 = tpu.vector_load %arg9[%swap3A_1013, %swap3A_1014] {strides = array<i32>} : memref<256x128xf32, #tpu.memory_space<vmem>>, vector<16xf32>,
        tpu.vector_store %arg9[%swap3A_1013, %swap3A_1014], %mul3A_1012 {strides = array<i32>} : memref<256x128xf32, #tpu.memory_space<vmem>>, vector<16xf32>,
        %mul3A_1016 = arith.constant 16 : i32
        %mul3A_1017 = arith.muli %add3A_981, %mul3A_1016 : i32
        %get3A_1018 = arith.constant 0 : i32
        %get3A_1019 = arith.index_cast %get3A_1018 : i32 to index
        %get3A_1020 = arith.index_cast %mul3A_1017 : i32 to index
        %get3A_1021 = tpu.vector_load %arg10[%get3A_1019, %get3A_1020] {strides = array<i32>} : memref<2x4096xf32, #tpu.memory_space<vmem>>, vector<16xf32>,
        %mul3A_1022 = vector.broadcast %squeeze3A_983 : f32 to vector<16xf32>
        %mul3A_1023 = arith.mulf %get3A_1021, %mul3A_1022 : vector<16xf32>
        %swap3A_1024 = arith.index_cast %add3A_981 : i32 to index
        %swap3A_1025 = arith.constant 64 : index
        %swap3A_1026 = tpu.vector_load %arg9[%swap3A_1024, %swap3A_1025] {strides = array<i32>} : memref<256x128xf32, #tpu.memory_space<vmem>>, vector<16xf32>,
        tpu.vector_store %arg9[%swap3A_1024, %swap3A_1025], %mul3A_1023 {strides = array<i32>} : memref<256x128xf32, #tpu.memory_space<vmem>>, vector<16xf32>,
        %mul3A_1027 = arith.constant 16 : i32
        %mul3A_1028 = arith.muli %scan3A_435, %mul3A_1027 : i32
        %add3A_1029 = arith.constant 12 : i32
        %add3A_1030 = arith.addi %mul3A_1028, %add3A_1029 : i32
        %slice3A_1031 = vector.extract_strided_slice %get3A_439 {offsets = [12], sizes = [1], strides = [1]} : vector<16xf32> to vector<1xf32>
        %squeeze3A_1032 = vector.extract %slice3A_1031[0] : f32 from vector<1xf32>
        %get3A_1033 = arith.index_cast %add3A_1030 : i32 to index
        %get3A_1034 = arith.constant 0 : index
        %get3A_1035 = tpu.vector_load %arg9[%get3A_1033, %get3A_1034] {strides = array<i32>} : memref<256x128xf32, #tpu.memory_space<vmem>>, vector<16xf32>,
        %mul3A_1036 = vector.broadcast %squeeze3A_1032 : f32 to vector<16xf32>
        %mul3A_1037 = arith.mulf %get3A_1035, %mul3A_1036 : vector<16xf32>
        %swap3A_1038 = arith.index_cast %add3A_1030 : i32 to index
        %swap3A_1039 = arith.constant 0 : index
        %swap3A_1040 = tpu.vector_load %arg9[%swap3A_1038, %swap3A_1039] {strides = array<i32>} : memref<256x128xf32, #tpu.memory_space<vmem>>, vector<16xf32>,
        tpu.vector_store %arg9[%swap3A_1038, %swap3A_1039], %mul3A_1037 {strides = array<i32>} : memref<256x128xf32, #tpu.memory_space<vmem>>, vector<16xf32>,
        %get3A_1041 = arith.index_cast %add3A_1030 : i32 to index
        %get3A_1042 = arith.constant 16 : index
        %get3A_1043 = tpu.vector_load %arg9[%get3A_1041, %get3A_1042] {strides = array<i32>} : memref<256x128xf32, #tpu.memory_space<vmem>>, vector<16xf32>,
        %mul3A_1044 = vector.broadcast %squeeze3A_1032 : f32 to vector<16xf32>
        %mul3A_1045 = arith.mulf %get3A_1043, %mul3A_1044 : vector<16xf32>
        %swap3A_1046 = arith.index_cast %add3A_1030 : i32 to index
        %swap3A_1047 = arith.constant 16 : index
        %swap3A_1048 = tpu.vector_load %arg9[%swap3A_1046, %swap3A_1047] {strides = array<i32>} : memref<256x128xf32, #tpu.memory_space<vmem>>, vector<16xf32>,
        tpu.vector_store %arg9[%swap3A_1046, %swap3A_1047], %mul3A_1045 {strides = array<i32>} : memref<256x128xf32, #tpu.memory_space<vmem>>, vector<16xf32>,
        %get3A_1049 = arith.index_cast %add3A_1030 : i32 to index
        %get3A_1050 = arith.constant 32 : index
        %get3A_1051 = tpu.vector_load %arg9[%get3A_1049, %get3A_1050] {strides = array<i32>} : memref<256x128xf32, #tpu.memory_space<vmem>>, vector<16xf32>,
        %mul3A_1052 = vector.broadcast %squeeze3A_1032 : f32 to vector<16xf32>
        %mul3A_1053 = arith.mulf %get3A_1051, %mul3A_1052 : vector<16xf32>
        %swap3A_1054 = arith.index_cast %add3A_1030 : i32 to index
        %swap3A_1055 = arith.constant 32 : index
        %swap3A_1056 = tpu.vector_load %arg9[%swap3A_1054, %swap3A_1055] {strides = array<i32>} : memref<256x128xf32, #tpu.memory_space<vmem>>, vector<16xf32>,
        tpu.vector_store %arg9[%swap3A_1054, %swap3A_1055], %mul3A_1053 {strides = array<i32>} : memref<256x128xf32, #tpu.memory_space<vmem>>, vector<16xf32>,
        %get3A_1057 = arith.index_cast %add3A_1030 : i32 to index
        %get3A_1058 = arith.constant 48 : index
        %get3A_1059 = tpu.vector_load %arg9[%get3A_1057, %get3A_1058] {strides = array<i32>} : memref<256x128xf32, #tpu.memory_space<vmem>>, vector<16xf32>,
        %mul3A_1060 = vector.broadcast %squeeze3A_1032 : f32 to vector<16xf32>
        %mul3A_1061 = arith.mulf %get3A_1059, %mul3A_1060 : vector<16xf32>
        %swap3A_1062 = arith.index_cast %add3A_1030 : i32 to index
        %swap3A_1063 = arith.constant 48 : index
        %swap3A_1064 = tpu.vector_load %arg9[%swap3A_1062, %swap3A_1063] {strides = array<i32>} : memref<256x128xf32, #tpu.memory_space<vmem>>, vector<16xf32>,
        tpu.vector_store %arg9[%swap3A_1062, %swap3A_1063], %mul3A_1061 {strides = array<i32>} : memref<256x128xf32, #tpu.memory_space<vmem>>, vector<16xf32>,
        %mul3A_1065 = arith.constant 16 : i32
        %mul3A_1066 = arith.muli %add3A_1030, %mul3A_1065 : i32
        %get3A_1067 = arith.constant 0 : i32
        %get3A_1068 = arith.index_cast %get3A_1067 : i32 to index
        %get3A_1069 = arith.index_cast %mul3A_1066 : i32 to index
        %get3A_1070 = tpu.vector_load %arg10[%get3A_1068, %get3A_1069] {strides = array<i32>} : memref<2x4096xf32, #tpu.memory_space<vmem>>, vector<16xf32>,
        %mul3A_1071 = vector.broadcast %squeeze3A_1032 : f32 to vector<16xf32>
        %mul3A_1072 = arith.mulf %get3A_1070, %mul3A_1071 : vector<16xf32>
        %swap3A_1073 = arith.index_cast %add3A_1030 : i32 to index
        %swap3A_1074 = arith.constant 64 : index
        %swap3A_1075 = tpu.vector_load %arg9[%swap3A_1073, %swap3A_1074] {strides = array<i32>} : memref<256x128xf32, #tpu.memory_space<vmem>>, vector<16xf32>,
        tpu.vector_store %arg9[%swap3A_1073, %swap3A_1074], %mul3A_1072 {strides = array<i32>} : memref<256x128xf32, #tpu.memory_space<vmem>>, vector<16xf32>,
        %mul3A_1076 = arith.constant 16 : i32
        %mul3A_1077 = arith.muli %scan3A_435, %mul3A_1076 : i32
        %add3A_1078 = arith.constant 13 : i32
        %add3A_1079 = arith.addi %mul3A_1077, %add3A_1078 : i32
        %slice3A_1080 = vector.extract_strided_slice %get3A_439 {offsets = [13], sizes = [1], strides = [1]} : vector<16xf32> to vector<1xf32>
        %squeeze3A_1081 = vector.extract %slice3A_1080[0] : f32 from vector<1xf32>
        %get3A_1082 = arith.index_cast %add3A_1079 : i32 to index
        %get3A_1083 = arith.constant 0 : index
        %get3A_1084 = tpu.vector_load %arg9[%get3A_1082, %get3A_1083] {strides = array<i32>} : memref<256x128xf32, #tpu.memory_space<vmem>>, vector<16xf32>,
        %mul3A_1085 = vector.broadcast %squeeze3A_1081 : f32 to vector<16xf32>
        %mul3A_1086 = arith.mulf %get3A_1084, %mul3A_1085 : vector<16xf32>
        %swap3A_1087 = arith.index_cast %add3A_1079 : i32 to index
        %swap3A_1088 = arith.constant 0 : index
        %swap3A_1089 = tpu.vector_load %arg9[%swap3A_1087, %swap3A_1088] {strides = array<i32>} : memref<256x128xf32, #tpu.memory_space<vmem>>, vector<16xf32>,
        tpu.vector_store %arg9[%swap3A_1087, %swap3A_1088], %mul3A_1086 {strides = array<i32>} : memref<256x128xf32, #tpu.memory_space<vmem>>, vector<16xf32>,
        %get3A_1090 = arith.index_cast %add3A_1079 : i32 to index
        %get3A_1091 = arith.constant 16 : index
        %get3A_1092 = tpu.vector_load %arg9[%get3A_1090, %get3A_1091] {strides = array<i32>} : memref<256x128xf32, #tpu.memory_space<vmem>>, vector<16xf32>,
        %mul3A_1093 = vector.broadcast %squeeze3A_1081 : f32 to vector<16xf32>
        %mul3A_1094 = arith.mulf %get3A_1092, %mul3A_1093 : vector<16xf32>
        %swap3A_1095 = arith.index_cast %add3A_1079 : i32 to index
        %swap3A_1096 = arith.constant 16 : index
        %swap3A_1097 = tpu.vector_load %arg9[%swap3A_1095, %swap3A_1096] {strides = array<i32>} : memref<256x128xf32, #tpu.memory_space<vmem>>, vector<16xf32>,
        tpu.vector_store %arg9[%swap3A_1095, %swap3A_1096], %mul3A_1094 {strides = array<i32>} : memref<256x128xf32, #tpu.memory_space<vmem>>, vector<16xf32>,
        %get3A_1098 = arith.index_cast %add3A_1079 : i32 to index
        %get3A_1099 = arith.constant 32 : index
        %get3A_1100 = tpu.vector_load %arg9[%get3A_1098, %get3A_1099] {strides = array<i32>} : memref<256x128xf32, #tpu.memory_space<vmem>>, vector<16xf32>,
        %mul3A_1101 = vector.broadcast %squeeze3A_1081 : f32 to vector<16xf32>
        %mul3A_1102 = arith.mulf %get3A_1100, %mul3A_1101 : vector<16xf32>
        %swap3A_1103 = arith.index_cast %add3A_1079 : i32 to index
        %swap3A_1104 = arith.constant 32 : index
        %swap3A_1105 = tpu.vector_load %arg9[%swap3A_1103, %swap3A_1104] {strides = array<i32>} : memref<256x128xf32, #tpu.memory_space<vmem>>, vector<16xf32>,
        tpu.vector_store %arg9[%swap3A_1103, %swap3A_1104], %mul3A_1102 {strides = array<i32>} : memref<256x128xf32, #tpu.memory_space<vmem>>, vector<16xf32>,
        %get3A_1106 = arith.index_cast %add3A_1079 : i32 to index
        %get3A_1107 = arith.constant 48 : index
        %get3A_1108 = tpu.vector_load %arg9[%get3A_1106, %get3A_1107] {strides = array<i32>} : memref<256x128xf32, #tpu.memory_space<vmem>>, vector<16xf32>,
        %mul3A_1109 = vector.broadcast %squeeze3A_1081 : f32 to vector<16xf32>
        %mul3A_1110 = arith.mulf %get3A_1108, %mul3A_1109 : vector<16xf32>
        %swap3A_1111 = arith.index_cast %add3A_1079 : i32 to index
        %swap3A_1112 = arith.constant 48 : index
        %swap3A_1113 = tpu.vector_load %arg9[%swap3A_1111, %swap3A_1112] {strides = array<i32>} : memref<256x128xf32, #tpu.memory_space<vmem>>, vector<16xf32>,
        tpu.vector_store %arg9[%swap3A_1111, %swap3A_1112], %mul3A_1110 {strides = array<i32>} : memref<256x128xf32, #tpu.memory_space<vmem>>, vector<16xf32>,
        %mul3A_1114 = arith.constant 16 : i32
        %mul3A_1115 = arith.muli %add3A_1079, %mul3A_1114 : i32
        %get3A_1116 = arith.constant 0 : i32
        %get3A_1117 = arith.index_cast %get3A_1116 : i32 to index
        %get3A_1118 = arith.index_cast %mul3A_1115 : i32 to index
        %get3A_1119 = tpu.vector_load %arg10[%get3A_1117, %get3A_1118] {strides = array<i32>} : memref<2x4096xf32, #tpu.memory_space<vmem>>, vector<16xf32>,
        %mul3A_1120 = vector.broadcast %squeeze3A_1081 : f32 to vector<16xf32>
        %mul3A_1121 = arith.mulf %get3A_1119, %mul3A_1120 : vector<16xf32>
        %swap3A_1122 = arith.index_cast %add3A_1079 : i32 to index
        %swap3A_1123 = arith.constant 64 : index
        %swap3A_1124 = tpu.vector_load %arg9[%swap3A_1122, %swap3A_1123] {strides = array<i32>} : memref<256x128xf32, #tpu.memory_space<vmem>>, vector<16xf32>,
        tpu.vector_store %arg9[%swap3A_1122, %swap3A_1123], %mul3A_1121 {strides = array<i32>} : memref<256x128xf32, #tpu.memory_space<vmem>>, vector<16xf32>,
        %mul3A_1125 = arith.constant 16 : i32
        %mul3A_1126 = arith.muli %scan3A_435, %mul3A_1125 : i32
        %add3A_1127 = arith.constant 14 : i32
        %add3A_1128 = arith.addi %mul3A_1126, %add3A_1127 : i32
        %slice3A_1129 = vector.extract_strided_slice %get3A_439 {offsets = [14], sizes = [1], strides = [1]} : vector<16xf32> to vector<1xf32>
        %squeeze3A_1130 = vector.extract %slice3A_1129[0] : f32 from vector<1xf32>
        %get3A_1131 = arith.index_cast %add3A_1128 : i32 to index
        %get3A_1132 = arith.constant 0 : index
        %get3A_1133 = tpu.vector_load %arg9[%get3A_1131, %get3A_1132] {strides = array<i32>} : memref<256x128xf32, #tpu.memory_space<vmem>>, vector<16xf32>,
        %mul3A_1134 = vector.broadcast %squeeze3A_1130 : f32 to vector<16xf32>
        %mul3A_1135 = arith.mulf %get3A_1133, %mul3A_1134 : vector<16xf32>
        %swap3A_1136 = arith.index_cast %add3A_1128 : i32 to index
        %swap3A_1137 = arith.constant 0 : index
        %swap3A_1138 = tpu.vector_load %arg9[%swap3A_1136, %swap3A_1137] {strides = array<i32>} : memref<256x128xf32, #tpu.memory_space<vmem>>, vector<16xf32>,
        tpu.vector_store %arg9[%swap3A_1136, %swap3A_1137], %mul3A_1135 {strides = array<i32>} : memref<256x128xf32, #tpu.memory_space<vmem>>, vector<16xf32>,
        %get3A_1139 = arith.index_cast %add3A_1128 : i32 to index
        %get3A_1140 = arith.constant 16 : index
        %get3A_1141 = tpu.vector_load %arg9[%get3A_1139, %get3A_1140] {strides = array<i32>} : memref<256x128xf32, #tpu.memory_space<vmem>>, vector<16xf32>,
        %mul3A_1142 = vector.broadcast %squeeze3A_1130 : f32 to vector<16xf32>
        %mul3A_1143 = arith.mulf %get3A_1141, %mul3A_1142 : vector<16xf32>
        %swap3A_1144 = arith.index_cast %add3A_1128 : i32 to index
        %swap3A_1145 = arith.constant 16 : index
        %swap3A_1146 = tpu.vector_load %arg9[%swap3A_1144, %swap3A_1145] {strides = array<i32>} : memref<256x128xf32, #tpu.memory_space<vmem>>, vector<16xf32>,
        tpu.vector_store %arg9[%swap3A_1144, %swap3A_1145], %mul3A_1143 {strides = array<i32>} : memref<256x128xf32, #tpu.memory_space<vmem>>, vector<16xf32>,
        %get3A_1147 = arith.index_cast %add3A_1128 : i32 to index
        %get3A_1148 = arith.constant 32 : index
        %get3A_1149 = tpu.vector_load %arg9[%get3A_1147, %get3A_1148] {strides = array<i32>} : memref<256x128xf32, #tpu.memory_space<vmem>>, vector<16xf32>,
        %mul3A_1150 = vector.broadcast %squeeze3A_1130 : f32 to vector<16xf32>
        %mul3A_1151 = arith.mulf %get3A_1149, %mul3A_1150 : vector<16xf32>
        %swap3A_1152 = arith.index_cast %add3A_1128 : i32 to index
        %swap3A_1153 = arith.constant 32 : index
        %swap3A_1154 = tpu.vector_load %arg9[%swap3A_1152, %swap3A_1153] {strides = array<i32>} : memref<256x128xf32, #tpu.memory_space<vmem>>, vector<16xf32>,
        tpu.vector_store %arg9[%swap3A_1152, %swap3A_1153], %mul3A_1151 {strides = array<i32>} : memref<256x128xf32, #tpu.memory_space<vmem>>, vector<16xf32>,
        %get3A_1155 = arith.index_cast %add3A_1128 : i32 to index
        %get3A_1156 = arith.constant 48 : index
        %get3A_1157 = tpu.vector_load %arg9[%get3A_1155, %get3A_1156] {strides = array<i32>} : memref<256x128xf32, #tpu.memory_space<vmem>>, vector<16xf32>,
        %mul3A_1158 = vector.broadcast %squeeze3A_1130 : f32 to vector<16xf32>
        %mul3A_1159 = arith.mulf %get3A_1157, %mul3A_1158 : vector<16xf32>
        %swap3A_1160 = arith.index_cast %add3A_1128 : i32 to index
        %swap3A_1161 = arith.constant 48 : index
        %swap3A_1162 = tpu.vector_load %arg9[%swap3A_1160, %swap3A_1161] {strides = array<i32>} : memref<256x128xf32, #tpu.memory_space<vmem>>, vector<16xf32>,
        tpu.vector_store %arg9[%swap3A_1160, %swap3A_1161], %mul3A_1159 {strides = array<i32>} : memref<256x128xf32, #tpu.memory_space<vmem>>, vector<16xf32>,
        %mul3A_1163 = arith.constant 16 : i32
        %mul3A_1164 = arith.muli %add3A_1128, %mul3A_1163 : i32
        %get3A_1165 = arith.constant 0 : i32
        %get3A_1166 = arith.index_cast %get3A_1165 : i32 to index
        %get3A_1167 = arith.index_cast %mul3A_1164 : i32 to index
        %get3A_1168 = tpu.vector_load %arg10[%get3A_1166, %get3A_1167] {strides = array<i32>} : memref<2x4096xf32, #tpu.memory_space<vmem>>, vector<16xf32>,
        %mul3A_1169 = vector.broadcast %squeeze3A_1130 : f32 to vector<16xf32>
        %mul3A_1170 = arith.mulf %get3A_1168, %mul3A_1169 : vector<16xf32>
        %swap3A_1171 = arith.index_cast %add3A_1128 : i32 to index
        %swap3A_1172 = arith.constant 64 : index
        %swap3A_1173 = tpu.vector_load %arg9[%swap3A_1171, %swap3A_1172] {strides = array<i32>} : memref<256x128xf32, #tpu.memory_space<vmem>>, vector<16xf32>,
        tpu.vector_store %arg9[%swap3A_1171, %swap3A_1172], %mul3A_1170 {strides = array<i32>} : memref<256x128xf32, #tpu.memory_space<vmem>>, vector<16xf32>,
        %mul3A_1174 = arith.constant 16 : i32
        %mul3A_1175 = arith.muli %scan3A_435, %mul3A_1174 : i32
        %add3A_1176 = arith.constant 15 : i32
        %add3A_1177 = arith.addi %mul3A_1175, %add3A_1176 : i32
        %slice3A_1178 = vector.extract_strided_slice %get3A_439 {offsets = [15], sizes = [1], strides = [1]} : vector<16xf32> to vector<1xf32>
        %squeeze3A_1179 = vector.extract %slice3A_1178[0] : f32 from vector<1xf32>
        %get3A_1180 = arith.index_cast %add3A_1177 : i32 to index
        %get3A_1181 = arith.constant 0 : index
        %get3A_1182 = tpu.vector_load %arg9[%get3A_1180, %get3A_1181] {strides = array<i32>} : memref<256x128xf32, #tpu.memory_space<vmem>>, vector<16xf32>,
        %mul3A_1183 = vector.broadcast %squeeze3A_1179 : f32 to vector<16xf32>
        %mul3A_1184 = arith.mulf %get3A_1182, %mul3A_1183 : vector<16xf32>
        %swap3A_1185 = arith.index_cast %add3A_1177 : i32 to index
        %swap3A_1186 = arith.constant 0 : index
        %swap3A_1187 = tpu.vector_load %arg9[%swap3A_1185, %swap3A_1186] {strides = array<i32>} : memref<256x128xf32, #tpu.memory_space<vmem>>, vector<16xf32>,
        tpu.vector_store %arg9[%swap3A_1185, %swap3A_1186], %mul3A_1184 {strides = array<i32>} : memref<256x128xf32, #tpu.memory_space<vmem>>, vector<16xf32>,
        %get3A_1188 = arith.index_cast %add3A_1177 : i32 to index
        %get3A_1189 = arith.constant 16 : index
        %get3A_1190 = tpu.vector_load %arg9[%get3A_1188, %get3A_1189] {strides = array<i32>} : memref<256x128xf32, #tpu.memory_space<vmem>>, vector<16xf32>,
        %mul3A_1191 = vector.broadcast %squeeze3A_1179 : f32 to vector<16xf32>
        %mul3A_1192 = arith.mulf %get3A_1190, %mul3A_1191 : vector<16xf32>
        %swap3A_1193 = arith.index_cast %add3A_1177 : i32 to index
        %swap3A_1194 = arith.constant 16 : index
        %swap3A_1195 = tpu.vector_load %arg9[%swap3A_1193, %swap3A_1194] {strides = array<i32>} : memref<256x128xf32, #tpu.memory_space<vmem>>, vector<16xf32>,
        tpu.vector_store %arg9[%swap3A_1193, %swap3A_1194], %mul3A_1192 {strides = array<i32>} : memref<256x128xf32, #tpu.memory_space<vmem>>, vector<16xf32>,
        %get3A_1196 = arith.index_cast %add3A_1177 : i32 to index
        %get3A_1197 = arith.constant 32 : index
        %get3A_1198 = tpu.vector_load %arg9[%get3A_1196, %get3A_1197] {strides = array<i32>} : memref<256x128xf32, #tpu.memory_space<vmem>>, vector<16xf32>,
        %mul3A_1199 = vector.broadcast %squeeze3A_1179 : f32 to vector<16xf32>
        %mul3A_1200 = arith.mulf %get3A_1198, %mul3A_1199 : vector<16xf32>
        %swap3A_1201 = arith.index_cast %add3A_1177 : i32 to index
        %swap3A_1202 = arith.constant 32 : index
        %swap3A_1203 = tpu.vector_load %arg9[%swap3A_1201, %swap3A_1202] {strides = array<i32>} : memref<256x128xf32, #tpu.memory_space<vmem>>, vector<16xf32>,
        tpu.vector_store %arg9[%swap3A_1201, %swap3A_1202], %mul3A_1200 {strides = array<i32>} : memref<256x128xf32, #tpu.memory_space<vmem>>, vector<16xf32>,
        %get3A_1204 = arith.index_cast %add3A_1177 : i32 to index
        %get3A_1205 = arith.constant 48 : index
        %get3A_1206 = tpu.vector_load %arg9[%get3A_1204, %get3A_1205] {strides = array<i32>} : memref<256x128xf32, #tpu.memory_space<vmem>>, vector<16xf32>,
        %mul3A_1207 = vector.broadcast %squeeze3A_1179 : f32 to vector<16xf32>
        %mul3A_1208 = arith.mulf %get3A_1206, %mul3A_1207 : vector<16xf32>
        %swap3A_1209 = arith.index_cast %add3A_1177 : i32 to index
        %swap3A_1210 = arith.constant 48 : index
        %swap3A_1211 = tpu.vector_load %arg9[%swap3A_1209, %swap3A_1210] {strides = array<i32>} : memref<256x128xf32, #tpu.memory_space<vmem>>, vector<16xf32>,
        tpu.vector_store %arg9[%swap3A_1209, %swap3A_1210], %mul3A_1208 {strides = array<i32>} : memref<256x128xf32, #tpu.memory_space<vmem>>, vector<16xf32>,
        %mul3A_1212 = arith.constant 16 : i32
        %mul3A_1213 = arith.muli %add3A_1177, %mul3A_1212 : i32
        %get3A_1214 = arith.constant 0 : i32
        %get3A_1215 = arith.index_cast %get3A_1214 : i32 to index
        %get3A_1216 = arith.index_cast %mul3A_1213 : i32 to index
        %get3A_1217 = tpu.vector_load %arg10[%get3A_1215, %get3A_1216] {strides = array<i32>} : memref<2x4096xf32, #tpu.memory_space<vmem>>, vector<16xf32>,
        %mul3A_1218 = vector.broadcast %squeeze3A_1179 : f32 to vector<16xf32>
        %mul3A_1219 = arith.mulf %get3A_1217, %mul3A_1218 : vector<16xf32>
        %swap3A_1220 = arith.index_cast %add3A_1177 : i32 to index
        %swap3A_1221 = arith.constant 64 : index
        %swap3A_1222 = tpu.vector_load %arg9[%swap3A_1220, %swap3A_1221] {strides = array<i32>} : memref<256x128xf32, #tpu.memory_space<vmem>>, vector<16xf32>,
        tpu.vector_store %arg9[%swap3A_1220, %swap3A_1221], %mul3A_1219 {strides = array<i32>} : memref<256x128xf32, #tpu.memory_space<vmem>>, vector<16xf32>,
      }
      %scan3A_301 = arith.constant 16 : i32
      %run_scoped3A = arith.constant 0 : i32
      "tpu.region"() ({
        %run_scoped3A_435 = tpu.sem_alloc : memref<!tpu.dma_semaphore, #tpu.memory_space<semaphore_mem>>
        %dma_start3A_436 = arith.constant 0 : i32
        %dma_start3A_437 = arith.constant 0 : i32
        %dma_start3A_438 = tpu.memref_slice %arg9[%dma_start3A_436, %dma_start3A_437] : memref<256x128xf32, #tpu.memory_space<vmem>> -> memref<128x128xf32, #tpu.memory_space<vmem>>
        %dma_start3A_439 = arith.constant 0 : i32
        %dma_start3A_440 = tpu.memref_slice %arg14[%run_scoped3A, %dma_start3A_439] : memref<4x128xi32, #tpu.memory_space<vmem>> -> memref<1x128xi32, #tpu.memory_space<vmem>>
        %dma_start3A_441 = tpu.memref_squeeze %dma_start3A_440 : memref<1x128xi32, #tpu.memory_space<vmem>> -> memref<128xi32, #tpu.memory_space<vmem>>
        %dma_start3A_442 = arith.constant 0 : i32
        %dma_start3A_443 = arith.constant 0 : i32
        %dma_start3A_444 = tpu.memref_slice %arg16[%dma_start3A_442, %dma_start3A_443] : memref<10240x128xf32, #tpu.memory_space<vmem_shared>> -> memref<10240x128xf32, #tpu.memory_space<vmem_shared>>
        tpu.enqueue_indirect_dma source(%dma_start3A_438 : memref<128x128xf32, #tpu.memory_space<vmem>>) target(%dma_start3A_444 : memref<10240x128xf32, #tpu.memory_space<vmem_shared>>) offsets(%dma_start3A_441 : memref<128xi32, #tpu.memory_space<vmem>>) semaphore(%run_scoped3A_435 : memref<!tpu.dma_semaphore, #tpu.memory_space<semaphore_mem>>) {add = true}
        %dma_wait3A_445 = arith.constant 0 : i32
        %dma_wait3A_446 = arith.constant 0 : i32
        %dma_wait3A_447 = tpu.memref_slice %arg9[%dma_wait3A_445, %dma_wait3A_446] : memref<256x128xf32, #tpu.memory_space<vmem>> -> memref<128x128xf32, #tpu.memory_space<vmem>>
        %dma_wait3A_448 = arith.constant 0 : i32
        %dma_wait3A_449 = tpu.memref_slice %arg14[%run_scoped3A, %dma_wait3A_448] : memref<4x128xi32, #tpu.memory_space<vmem>> -> memref<1x128xi32, #tpu.memory_space<vmem>>
        %dma_wait3A_450 = tpu.memref_squeeze %dma_wait3A_449 : memref<1x128xi32, #tpu.memory_space<vmem>> -> memref<128xi32, #tpu.memory_space<vmem>>
        %dma_wait3A_451 = arith.constant 0 : i32
        %dma_wait3A_452 = arith.constant 0 : i32
        %dma_wait3A_453 = tpu.memref_slice %arg16[%dma_wait3A_451, %dma_wait3A_452] : memref<10240x128xf32, #tpu.memory_space<vmem_shared>> -> memref<10240x128xf32, #tpu.memory_space<vmem_shared>>
        tpu.wait_indirect_dma semaphore(%run_scoped3A_435 : memref<!tpu.dma_semaphore, #tpu.memory_space<semaphore_mem>>) src(%dma_wait3A_447 : memref<128x128xf32, #tpu.memory_space<vmem>>) dst(%dma_wait3A_453 : memref<10240x128xf32, #tpu.memory_space<vmem_shared>>)
        tpu.yield
      }) : () -> ()
      %run_scoped3A_302 = arith.constant 1 : i32
      "tpu.region"() ({
        %run_scoped3A_435 = tpu.sem_alloc : memref<!tpu.dma_semaphore, #tpu.memory_space<semaphore_mem>>
        %dma_start3A_436 = arith.constant 128 : i32
        %dma_start3A_437 = arith.constant 0 : i32
        %dma_start3A_438 = tpu.memref_slice %arg9[%dma_start3A_436, %dma_start3A_437] : memref<256x128xf32, #tpu.memory_space<vmem>> -> memref<128x128xf32, #tpu.memory_space<vmem>>
        %dma_start3A_439 = arith.constant 0 : i32
        %dma_start3A_440 = tpu.memref_slice %arg14[%run_scoped3A_302, %dma_start3A_439] : memref<4x128xi32, #tpu.memory_space<vmem>> -> memref<1x128xi32, #tpu.memory_space<vmem>>
        %dma_start3A_441 = tpu.memref_squeeze %dma_start3A_440 : memref<1x128xi32, #tpu.memory_space<vmem>> -> memref<128xi32, #tpu.memory_space<vmem>>
        %dma_start3A_442 = arith.constant 0 : i32
        %dma_start3A_443 = arith.constant 0 : i32
        %dma_start3A_444 = tpu.memref_slice %arg16[%dma_start3A_442, %dma_start3A_443] : memref<10240x128xf32, #tpu.memory_space<vmem_shared>> -> memref<10240x128xf32, #tpu.memory_space<vmem_shared>>
        tpu.enqueue_indirect_dma source(%dma_start3A_438 : memref<128x128xf32, #tpu.memory_space<vmem>>) target(%dma_start3A_444 : memref<10240x128xf32, #tpu.memory_space<vmem_shared>>) offsets(%dma_start3A_441 : memref<128xi32, #tpu.memory_space<vmem>>) semaphore(%run_scoped3A_435 : memref<!tpu.dma_semaphore, #tpu.memory_space<semaphore_mem>>) {add = true}
        %dma_wait3A_445 = arith.constant 128 : i32
        %dma_wait3A_446 = arith.constant 0 : i32
        %dma_wait3A_447 = tpu.memref_slice %arg9[%dma_wait3A_445, %dma_wait3A_446] : memref<256x128xf32, #tpu.memory_space<vmem>> -> memref<128x128xf32, #tpu.memory_space<vmem>>
        %dma_wait3A_448 = arith.constant 0 : i32
        %dma_wait3A_449 = tpu.memref_slice %arg14[%run_scoped3A_302, %dma_wait3A_448] : memref<4x128xi32, #tpu.memory_space<vmem>> -> memref<1x128xi32, #tpu.memory_space<vmem>>
        %dma_wait3A_450 = tpu.memref_squeeze %dma_wait3A_449 : memref<1x128xi32, #tpu.memory_space<vmem>> -> memref<128xi32, #tpu.memory_space<vmem>>
        %dma_wait3A_451 = arith.constant 0 : i32
        %dma_wait3A_452 = arith.constant 0 : i32
        %dma_wait3A_453 = tpu.memref_slice %arg16[%dma_wait3A_451, %dma_wait3A_452] : memref<10240x128xf32, #tpu.memory_space<vmem_shared>> -> memref<10240x128xf32, #tpu.memory_space<vmem_shared>>
        tpu.wait_indirect_dma semaphore(%run_scoped3A_435 : memref<!tpu.dma_semaphore, #tpu.memory_space<semaphore_mem>>) src(%dma_wait3A_447 : memref<128x128xf32, #tpu.memory_space<vmem>>) dst(%dma_wait3A_453 : memref<10240x128xf32, #tpu.memory_space<vmem_shared>>)
        tpu.yield
      }) : () -> ()
      %add3A_303 = arith.constant 2 : i32
      %add3A_304 = arith.addi %mul3A_187, %add3A_303 : i32
      %lt3A = arith.constant 40 : i32
      %lt3A_305 = arith.cmpi slt, %add3A_304, %lt3A : i32
      %convert_element_type3A = arith.extui %lt3A_305 : i1 to i32
      %cond3A = arith.constant 0 : i32
      %cond3A_306 = arith.cmpi ne, %convert_element_type3A, %cond3A : i32
      scf.if %cond3A_306 {
        %add3A_435 = arith.constant 2 : i32
        %add3A_436 = arith.addi %mul3A_187, %add3A_435 : i32
        %mul3A_437 = arith.constant 10240 : i32
        %mul3A_438 = arith.muli %add3A, %mul3A_437 : i32
        %mul3A_439 = arith.constant 256 : i32
        %mul3A_440 = arith.muli %add3A_436, %mul3A_439 : i32
        %add3A_441 = arith.addi %mul3A_438, %mul3A_440 : i32
        %mul3A_442 = arith.constant 80 : i32
        %mul3A_443 = arith.muli %add3A, %mul3A_442 : i32
        %mul3A_444 = arith.constant 2 : i32
        %mul3A_445 = arith.muli %add3A_436, %mul3A_444 : i32
        %add3A_446 = arith.addi %mul3A_443, %mul3A_445 : i32
        %mul3A_447 = arith.constant 16 : i32
        %mul3A_448 = arith.muli %add3A_441, %mul3A_447 : i32
        %dma_start3A_449 = arith.constant 0 : i32
        %dma_start3A_450 = arith.constant 0 : i32
        %dma_start3A_451 = tpu.memref_slice %arg13[%dma_start3A_449, %dma_start3A_450] : memref<4x128xi32, #tpu.memory_space<vmem>> -> memref<2x128xi32, #tpu.memory_space<vmem>>
        %dma_start3A_452 = arith.constant 0 : i32
        %dma_start3A_453 = tpu.memref_slice %arg2[%add3A_446, %dma_start3A_452] : memref<2560x128xi32, #tpu.memory_space<hbm>> -> memref<2x128xi32, #tpu.memory_space<hbm>>
        %dma_start3A_454 = arith.constant 0 : i32
        %dma_start3A_455 = arith.constant 0 : i32
        %dma_start3A_456 = tpu.memref_slice %arg13[%dma_start3A_454, %dma_start3A_455] : memref<4x128xi32, #tpu.memory_space<vmem>> -> memref<2x128xi32, #tpu.memory_space<vmem>>
        %dma_start3A_457 = arith.constant 0 : i32
        %dma_start3A_458 = tpu.memref_slice %arg2[%add3A_446, %dma_start3A_457] : memref<2560x128xi32, #tpu.memory_space<hbm>> -> memref<2x128xi32, #tpu.memory_space<hbm>>
        tpu.enqueue_dma source(%dma_start3A_458 : memref<2x128xi32, #tpu.memory_space<hbm>>) target(%dma_start3A_456 : memref<2x128xi32, #tpu.memory_space<vmem>>) target_semaphore(%arg18 : memref<!tpu.dma_semaphore, #tpu.memory_space<semaphore_mem>>)
        %dma_start3A_459 = arith.constant 0 : i32
        %dma_start3A_460 = arith.constant 0 : i32
        %dma_start3A_461 = tpu.memref_slice %arg14[%dma_start3A_459, %dma_start3A_460] : memref<4x128xi32, #tpu.memory_space<vmem>> -> memref<2x128xi32, #tpu.memory_space<vmem>>
        %dma_start3A_462 = arith.constant 0 : i32
        %dma_start3A_463 = tpu.memref_slice %arg3[%add3A_446, %dma_start3A_462] : memref<2560x128xi32, #tpu.memory_space<hbm>> -> memref<2x128xi32, #tpu.memory_space<hbm>>
        %dma_start3A_464 = arith.constant 0 : i32
        %dma_start3A_465 = arith.constant 0 : i32
        %dma_start3A_466 = tpu.memref_slice %arg14[%dma_start3A_464, %dma_start3A_465] : memref<4x128xi32, #tpu.memory_space<vmem>> -> memref<2x128xi32, #tpu.memory_space<vmem>>
        %dma_start3A_467 = arith.constant 0 : i32
        %dma_start3A_468 = tpu.memref_slice %arg3[%add3A_446, %dma_start3A_467] : memref<2560x128xi32, #tpu.memory_space<hbm>> -> memref<2x128xi32, #tpu.memory_space<hbm>>
        tpu.enqueue_dma source(%dma_start3A_468 : memref<2x128xi32, #tpu.memory_space<hbm>>) target(%dma_start3A_466 : memref<2x128xi32, #tpu.memory_space<vmem>>) target_semaphore(%arg18 : memref<!tpu.dma_semaphore, #tpu.memory_space<semaphore_mem>>)
        %dma_start3A_469 = arith.constant 0 : i32
        %dma_start3A_470 = arith.constant 0 : i32
        %dma_start3A_471 = tpu.memref_slice %arg10[%dma_start3A_469, %dma_start3A_470] : memref<2x4096xf32, #tpu.memory_space<vmem>> -> memref<1x4096xf32, #tpu.memory_space<vmem>>
        %dma_start3A_472 = tpu.memref_squeeze %dma_start3A_471 : memref<1x4096xf32, #tpu.memory_space<vmem>> -> memref<4096xf32, #tpu.memory_space<vmem>>
        %dma_start3A_473 = tpu.memref_slice %arg4[%mul3A_448] : memref<5242880xf32, #tpu.memory_space<hbm>> -> memref<4096xf32, #tpu.memory_space<hbm>>
        %dma_start3A_474 = arith.constant 0 : i32
        %dma_start3A_475 = tpu.memref_slice %arg10[%dma_start3A_469, %dma_start3A_474] : memref<2x4096xf32, #tpu.memory_space<vmem>> -> memref<1x4096xf32, #tpu.memory_space<vmem>>
        %dma_start3A_476 = tpu.memref_squeeze %dma_start3A_475 : memref<1x4096xf32, #tpu.memory_space<vmem>> -> memref<4096xf32, #tpu.memory_space<vmem>>
        %dma_start3A_477 = tpu.memref_slice %arg4[%mul3A_448] : memref<5242880xf32, #tpu.memory_space<hbm>> -> memref<4096xf32, #tpu.memory_space<hbm>>
        tpu.enqueue_dma source(%dma_start3A_477 : memref<4096xf32, #tpu.memory_space<hbm>>) target(%dma_start3A_476 : memref<4096xf32, #tpu.memory_space<vmem>>) target_semaphore(%arg20 : memref<!tpu.dma_semaphore, #tpu.memory_space<semaphore_mem>>)
        %dma_start3A_478 = arith.constant 0 : i32
        %dma_start3A_479 = arith.constant 0 : i32
        %dma_start3A_480 = tpu.memref_slice %arg12[%dma_start3A_478, %dma_start3A_479] : memref<16x256xf32, #tpu.memory_space<vmem>> -> memref<8x256xf32, #tpu.memory_space<vmem>>
        %dma_start3A_481 = arith.constant 0 : i32
        %dma_start3A_482 = tpu.memref_slice %arg6[%dma_start3A_481, %add3A_441] : memref<8x327680xf32, #tpu.memory_space<hbm>> -> memref<8x256xf32, #tpu.memory_space<hbm>>
        %dma_start3A_483 = arith.constant 0 : i32
        %dma_start3A_484 = arith.constant 0 : i32
        %dma_start3A_485 = tpu.memref_slice %arg12[%dma_start3A_483, %dma_start3A_484] : memref<16x256xf32, #tpu.memory_space<vmem>> -> memref<8x256xf32, #tpu.memory_space<vmem>>
        %dma_start3A_486 = arith.constant 0 : i32
        %dma_start3A_487 = tpu.memref_slice %arg6[%dma_start3A_486, %add3A_441] : memref<8x327680xf32, #tpu.memory_space<hbm>> -> memref<8x256xf32, #tpu.memory_space<hbm>>
        tpu.enqueue_dma source(%dma_start3A_487 : memref<8x256xf32, #tpu.memory_space<hbm>>) target(%dma_start3A_485 : memref<8x256xf32, #tpu.memory_space<vmem>>) target_semaphore(%arg20 : memref<!tpu.dma_semaphore, #tpu.memory_space<semaphore_mem>>)
      } else {
      }
      %mul3A_307 = arith.constant 2 : i32
      %mul3A_308 = arith.muli %mul3A_307, %scan3A_185 : i32
      %add3A_309 = arith.constant 1 : i32
      %add3A_310 = arith.addi %mul3A_308, %add3A_309 : i32
      %mul3A_311 = arith.constant 10240 : i32
      %mul3A_312 = arith.muli %add3A, %mul3A_311 : i32
      %mul3A_313 = arith.constant 256 : i32
      %mul3A_314 = arith.muli %add3A_310, %mul3A_313 : i32
      %add3A_315 = arith.addi %mul3A_312, %mul3A_314 : i32
      %mul3A_316 = arith.constant 80 : i32
      %mul3A_317 = arith.muli %add3A, %mul3A_316 : i32
      %mul3A_318 = arith.constant 2 : i32
      %mul3A_319 = arith.muli %add3A_310, %mul3A_318 : i32
      %add3A_320 = arith.addi %mul3A_317, %mul3A_319 : i32
      %mul3A_321 = arith.constant 16 : i32
      %mul3A_322 = arith.muli %add3A_315, %mul3A_321 : i32
      %dma_wait3A_323 = arith.constant 2 : i32
      %dma_wait3A_324 = arith.constant 0 : i32
      %dma_wait3A_325 = tpu.memref_slice %arg13[%dma_wait3A_323, %dma_wait3A_324] : memref<4x128xi32, #tpu.memory_space<vmem>> -> memref<2x128xi32, #tpu.memory_space<vmem>>
      %dma_wait3A_326 = arith.constant 0 : i32
      %dma_wait3A_327 = tpu.memref_slice %arg2[%add3A_320, %dma_wait3A_326] : memref<2560x128xi32, #tpu.memory_space<hbm>> -> memref<2x128xi32, #tpu.memory_space<hbm>>
      %dma_wait3A_328 = arith.constant 2 : i32
      %dma_wait3A_329 = arith.constant 0 : i32
      %dma_wait3A_330 = tpu.memref_slice %arg13[%dma_wait3A_328, %dma_wait3A_329] : memref<4x128xi32, #tpu.memory_space<vmem>> -> memref<2x128xi32, #tpu.memory_space<vmem>>
      %dma_wait3A_331 = arith.constant 0 : i32
      %dma_wait3A_332 = tpu.memref_slice %arg2[%add3A_320, %dma_wait3A_331] : memref<2560x128xi32, #tpu.memory_space<hbm>> -> memref<2x128xi32, #tpu.memory_space<hbm>>
      tpu.wait_dma2 semaphore(%arg19 : memref<!tpu.dma_semaphore, #tpu.memory_space<semaphore_mem>>) src(%dma_wait3A_332 : memref<2x128xi32, #tpu.memory_space<hbm>>) dst(%dma_wait3A_330 : memref<2x128xi32, #tpu.memory_space<vmem>>)
      %dma_wait3A_333 = arith.constant 2 : i32
      %dma_wait3A_334 = arith.constant 0 : i32
      %dma_wait3A_335 = tpu.memref_slice %arg14[%dma_wait3A_333, %dma_wait3A_334] : memref<4x128xi32, #tpu.memory_space<vmem>> -> memref<2x128xi32, #tpu.memory_space<vmem>>
      %dma_wait3A_336 = arith.constant 0 : i32
      %dma_wait3A_337 = tpu.memref_slice %arg3[%add3A_320, %dma_wait3A_336] : memref<2560x128xi32, #tpu.memory_space<hbm>> -> memref<2x128xi32, #tpu.memory_space<hbm>>
      %dma_wait3A_338 = arith.constant 2 : i32
      %dma_wait3A_339 = arith.constant 0 : i32
      %dma_wait3A_340 = tpu.memref_slice %arg14[%dma_wait3A_338, %dma_wait3A_339] : memref<4x128xi32, #tpu.memory_space<vmem>> -> memref<2x128xi32, #tpu.memory_space<vmem>>
      %dma_wait3A_341 = arith.constant 0 : i32
      %dma_wait3A_342 = tpu.memref_slice %arg3[%add3A_320, %dma_wait3A_341] : memref<2560x128xi32, #tpu.memory_space<hbm>> -> memref<2x128xi32, #tpu.memory_space<hbm>>
      tpu.wait_dma2 semaphore(%arg19 : memref<!tpu.dma_semaphore, #tpu.memory_space<semaphore_mem>>) src(%dma_wait3A_342 : memref<2x128xi32, #tpu.memory_space<hbm>>) dst(%dma_wait3A_340 : memref<2x128xi32, #tpu.memory_space<vmem>>)
      %dma_start3A_343 = arith.constant 2 : i32
      %dma_start3A_344 = arith.constant 0 : i32
      %dma_start3A_345 = arith.constant 0 : i32
      %dma_start3A_346 = tpu.memref_slice %arg9[%dma_start3A_344, %dma_start3A_345] : memref<256x128xf32, #tpu.memory_space<vmem>> -> memref<128x128xf32, #tpu.memory_space<vmem>>
      %dma_start3A_347 = arith.constant 0 : i32
      %dma_start3A_348 = tpu.memref_slice %arg13[%dma_start3A_343, %dma_start3A_347] : memref<4x128xi32, #tpu.memory_space<vmem>> -> memref<1x128xi32, #tpu.memory_space<vmem>>
      %dma_start3A_349 = tpu.memref_squeeze %dma_start3A_348 : memref<1x128xi32, #tpu.memory_space<vmem>> -> memref<128xi32, #tpu.memory_space<vmem>>
      %dma_start3A_350 = arith.constant 0 : i32
      %dma_start3A_351 = arith.constant 0 : i32
      %dma_start3A_352 = tpu.memref_slice %arg5[%dma_start3A_350, %dma_start3A_351] : memref<10240x128xf32, #tpu.memory_space<hbm>> -> memref<10240x128xf32, #tpu.memory_space<hbm>>
      tpu.enqueue_indirect_dma source(%dma_start3A_352 : memref<10240x128xf32, #tpu.memory_space<hbm>>) target(%dma_start3A_346 : memref<128x128xf32, #tpu.memory_space<vmem>>) offsets(%dma_start3A_349 : memref<128xi32, #tpu.memory_space<vmem>>) semaphore(%arg17 : memref<!tpu.dma_semaphore, #tpu.memory_space<semaphore_mem>>)
      %dma_start3A_353 = arith.constant 3 : i32
      %dma_start3A_354 = arith.constant 128 : i32
      %dma_start3A_355 = arith.constant 0 : i32
      %dma_start3A_356 = tpu.memref_slice %arg9[%dma_start3A_354, %dma_start3A_355] : memref<256x128xf32, #tpu.memory_space<vmem>> -> memref<128x128xf32, #tpu.memory_space<vmem>>
      %dma_start3A_357 = arith.constant 0 : i32
      %dma_start3A_358 = tpu.memref_slice %arg13[%dma_start3A_353, %dma_start3A_357] : memref<4x128xi32, #tpu.memory_space<vmem>> -> memref<1x128xi32, #tpu.memory_space<vmem>>
      %dma_start3A_359 = tpu.memref_squeeze %dma_start3A_358 : memref<1x128xi32, #tpu.memory_space<vmem>> -> memref<128xi32, #tpu.memory_space<vmem>>
      %dma_start3A_360 = arith.constant 0 : i32
      %dma_start3A_361 = arith.constant 0 : i32
      %dma_start3A_362 = tpu.memref_slice %arg5[%dma_start3A_360, %dma_start3A_361] : memref<10240x128xf32, #tpu.memory_space<hbm>> -> memref<10240x128xf32, #tpu.memory_space<hbm>>
      tpu.enqueue_indirect_dma source(%dma_start3A_362 : memref<10240x128xf32, #tpu.memory_space<hbm>>) target(%dma_start3A_356 : memref<128x128xf32, #tpu.memory_space<vmem>>) offsets(%dma_start3A_359 : memref<128xi32, #tpu.memory_space<vmem>>) semaphore(%arg17 : memref<!tpu.dma_semaphore, #tpu.memory_space<semaphore_mem>>)
      %mul3A_363 = arith.constant 10240 : i32
      %mul3A_364 = arith.muli %add3A, %mul3A_363 : i32
      %mul3A_365 = arith.constant 256 : i32
      %mul3A_366 = arith.muli %add3A_310, %mul3A_365 : i32
      %add3A_367 = arith.addi %mul3A_364, %mul3A_366 : i32
      %mul3A_368 = arith.constant 80 : i32
      %mul3A_369 = arith.muli %add3A, %mul3A_368 : i32
      %mul3A_370 = arith.constant 2 : i32
      %mul3A_371 = arith.muli %add3A_310, %mul3A_370 : i32
      %add3A_372 = arith.addi %mul3A_369, %mul3A_371 : i32
      %mul3A_373 = arith.constant 16 : i32
      %mul3A_374 = arith.muli %add3A_367, %mul3A_373 : i32
      %dma_wait3A_375 = arith.constant 1 : i32
      %dma_wait3A_376 = arith.constant 0 : i32
      %dma_wait3A_377 = tpu.memref_slice %arg10[%dma_wait3A_375, %dma_wait3A_376] : memref<2x4096xf32, #tpu.memory_space<vmem>> -> memref<1x4096xf32, #tpu.memory_space<vmem>>
      %dma_wait3A_378 = tpu.memref_squeeze %dma_wait3A_377 : memref<1x4096xf32, #tpu.memory_space<vmem>> -> memref<4096xf32, #tpu.memory_space<vmem>>
      %dma_wait3A_379 = tpu.memref_slice %arg4[%mul3A_374] : memref<5242880xf32, #tpu.memory_space<hbm>> -> memref<4096xf32, #tpu.memory_space<hbm>>
      %dma_wait3A_380 = arith.constant 0 : i32
      %dma_wait3A_381 = tpu.memref_slice %arg10[%dma_wait3A_375, %dma_wait3A_380] : memref<2x4096xf32, #tpu.memory_space<vmem>> -> memref<1x4096xf32, #tpu.memory_space<vmem>>
      %dma_wait3A_382 = tpu.memref_squeeze %dma_wait3A_381 : memref<1x4096xf32, #tpu.memory_space<vmem>> -> memref<4096xf32, #tpu.memory_space<vmem>>
      %dma_wait3A_383 = tpu.memref_slice %arg4[%mul3A_374] : memref<5242880xf32, #tpu.memory_space<hbm>> -> memref<4096xf32, #tpu.memory_space<hbm>>
      tpu.wait_dma2 semaphore(%arg21 : memref<!tpu.dma_semaphore, #tpu.memory_space<semaphore_mem>>) src(%dma_wait3A_383 : memref<4096xf32, #tpu.memory_space<hbm>>) dst(%dma_wait3A_382 : memref<4096xf32, #tpu.memory_space<vmem>>)
      %dma_wait3A_384 = arith.constant 8 : i32
      %dma_wait3A_385 = arith.constant 0 : i32
      %dma_wait3A_386 = tpu.memref_slice %arg12[%dma_wait3A_384, %dma_wait3A_385] : memref<16x256xf32, #tpu.memory_space<vmem>> -> memref<8x256xf32, #tpu.memory_space<vmem>>
      %dma_wait3A_387 = arith.constant 0 : i32
      %dma_wait3A_388 = tpu.memref_slice %arg6[%dma_wait3A_387, %add3A_367] : memref<8x327680xf32, #tpu.memory_space<hbm>> -> memref<8x256xf32, #tpu.memory_space<hbm>>
      %dma_wait3A_389 = arith.constant 8 : i32
      %dma_wait3A_390 = arith.constant 0 : i32
      %dma_wait3A_391 = tpu.memref_slice %arg12[%dma_wait3A_389, %dma_wait3A_390] : memref<16x256xf32, #tpu.memory_space<vmem>> -> memref<8x256xf32, #tpu.memory_space<vmem>>
      %dma_wait3A_392 = arith.constant 0 : i32
      %dma_wait3A_393 = tpu.memref_slice %arg6[%dma_wait3A_392, %add3A_367] : memref<8x327680xf32, #tpu.memory_space<hbm>> -> memref<8x256xf32, #tpu.memory_space<hbm>>
      tpu.wait_dma2 semaphore(%arg21 : memref<!tpu.dma_semaphore, #tpu.memory_space<semaphore_mem>>) src(%dma_wait3A_393 : memref<8x256xf32, #tpu.memory_space<hbm>>) dst(%dma_wait3A_391 : memref<8x256xf32, #tpu.memory_space<vmem>>)
      %scan3A_394 = arith.constant 0 : i32
      %scan3A_395 = arith.constant 0 : i32
      %scan3A_396 = arith.constant 16 : i32
      %scan3A_397 = arith.addi %scan3A_395, %scan3A_396 : i32
      %scan3A_398 = arith.constant 1 : i32
      scf.for %scan3A_435 = %scan3A_395 to %scan3A_397 step %scan3A_398  : i32 {
        %mul3A_436 = arith.constant 16 : i32
        %mul3A_437 = arith.muli %scan3A_435, %mul3A_436 : i32
        %get3A_438 = arith.constant 8 : i32
        %get3A_439 = arith.index_cast %get3A_438 : i32 to index
        %get3A_440 = arith.index_cast %mul3A_437 : i32 to index
        %get3A_441 = tpu.vector_load %arg12[%get3A_439, %get3A_440] {strides = array<i32>} : memref<16x256xf32, #tpu.memory_space<vmem>>, vector<16xf32>,
        %mul3A_442 = vector.broadcast %squeeze3A : f32 to vector<16xf32>
        %mul3A_443 = arith.mulf %get3A_441, %mul3A_442 : vector<16xf32>
        %get3A_444 = arith.constant 9 : i32
        %get3A_445 = arith.index_cast %get3A_444 : i32 to index
        %get3A_446 = arith.index_cast %mul3A_437 : i32 to index
        %get3A_447 = tpu.vector_load %arg12[%get3A_445, %get3A_446] {strides = array<i32>} : memref<16x256xf32, #tpu.memory_space<vmem>>, vector<16xf32>,
        %mul3A_448 = vector.broadcast %squeeze3A_27 : f32 to vector<16xf32>
        %mul3A_449 = arith.mulf %get3A_447, %mul3A_448 : vector<16xf32>
        %add3A_450 = arith.addf %mul3A_443, %mul3A_449 : vector<16xf32>
        %get3A_451 = arith.constant 10 : i32
        %get3A_452 = arith.index_cast %get3A_451 : i32 to index
        %get3A_453 = arith.index_cast %mul3A_437 : i32 to index
        %get3A_454 = tpu.vector_load %arg12[%get3A_452, %get3A_453] {strides = array<i32>} : memref<16x256xf32, #tpu.memory_space<vmem>>, vector<16xf32>,
        %mul3A_455 = vector.broadcast %squeeze3A_33 : f32 to vector<16xf32>
        %mul3A_456 = arith.mulf %get3A_454, %mul3A_455 : vector<16xf32>
        %add3A_457 = arith.addf %add3A_450, %mul3A_456 : vector<16xf32>
        %get3A_458 = arith.constant 11 : i32
        %get3A_459 = arith.index_cast %get3A_458 : i32 to index
        %get3A_460 = arith.index_cast %mul3A_437 : i32 to index
        %get3A_461 = tpu.vector_load %arg12[%get3A_459, %get3A_460] {strides = array<i32>} : memref<16x256xf32, #tpu.memory_space<vmem>>, vector<16xf32>,
        %mul3A_462 = vector.broadcast %squeeze3A_39 : f32 to vector<16xf32>
        %mul3A_463 = arith.mulf %get3A_461, %mul3A_462 : vector<16xf32>
        %add3A_464 = arith.addf %add3A_457, %mul3A_463 : vector<16xf32>
        %swap3A = arith.index_cast %mul3A_437 : i32 to index
        %swap3A_465 = tpu.vector_load %arg11[%swap3A] {strides = array<i32>} : memref<256xf32, #tpu.memory_space<vmem>>, vector<16xf32>,
        tpu.vector_store %arg11[%swap3A], %add3A_464 {strides = array<i32>} : memref<256xf32, #tpu.memory_space<vmem>>, vector<16xf32>,
      }
      %scan3A_399 = arith.constant 16 : i32
      %dma_wait3A_400 = arith.constant 2 : i32
      %dma_wait3A_401 = arith.constant 0 : i32
      %dma_wait3A_402 = arith.constant 0 : i32
      %dma_wait3A_403 = tpu.memref_slice %arg9[%dma_wait3A_401, %dma_wait3A_402] : memref<256x128xf32, #tpu.memory_space<vmem>> -> memref<128x128xf32, #tpu.memory_space<vmem>>
      %dma_wait3A_404 = arith.constant 0 : i32
      %dma_wait3A_405 = tpu.memref_slice %arg13[%dma_wait3A_400, %dma_wait3A_404] : memref<4x128xi32, #tpu.memory_space<vmem>> -> memref<1x128xi32, #tpu.memory_space<vmem>>
      %dma_wait3A_406 = tpu.memref_squeeze %dma_wait3A_405 : memref<1x128xi32, #tpu.memory_space<vmem>> -> memref<128xi32, #tpu.memory_space<vmem>>
      %dma_wait3A_407 = arith.constant 0 : i32
      %dma_wait3A_408 = arith.constant 0 : i32
      %dma_wait3A_409 = tpu.memref_slice %arg5[%dma_wait3A_407, %dma_wait3A_408] : memref<10240x128xf32, #tpu.memory_space<hbm>> -> memref<10240x128xf32, #tpu.memory_space<hbm>>
      tpu.wait_indirect_dma semaphore(%arg17 : memref<!tpu.dma_semaphore, #tpu.memory_space<semaphore_mem>>) src(%dma_wait3A_409 : memref<10240x128xf32, #tpu.memory_space<hbm>>) dst(%dma_wait3A_403 : memref<128x128xf32, #tpu.memory_space<vmem>>)
      %dma_wait3A_410 = arith.constant 3 : i32
      %dma_wait3A_411 = arith.constant 128 : i32
      %dma_wait3A_412 = arith.constant 0 : i32
      %dma_wait3A_413 = tpu.memref_slice %arg9[%dma_wait3A_411, %dma_wait3A_412] : memref<256x128xf32, #tpu.memory_space<vmem>> -> memref<128x128xf32, #tpu.memory_space<vmem>>
      %dma_wait3A_414 = arith.constant 0 : i32
      %dma_wait3A_415 = tpu.memref_slice %arg13[%dma_wait3A_410, %dma_wait3A_414] : memref<4x128xi32, #tpu.memory_space<vmem>> -> memref<1x128xi32, #tpu.memory_space<vmem>>
      %dma_wait3A_416 = tpu.memref_squeeze %dma_wait3A_415 : memref<1x128xi32, #tpu.memory_space<vmem>> -> memref<128xi32, #tpu.memory_space<vmem>>
      %dma_wait3A_417 = arith.constant 0 : i32
      %dma_wait3A_418 = arith.constant 0 : i32
      %dma_wait3A_419 = tpu.memref_slice %arg5[%dma_wait3A_417, %dma_wait3A_418] : memref<10240x128xf32, #tpu.memory_space<hbm>> -> memref<10240x128xf32, #tpu.memory_space<hbm>>
      tpu.wait_indirect_dma semaphore(%arg17 : memref<!tpu.dma_semaphore, #tpu.memory_space<semaphore_mem>>) src(%dma_wait3A_419 : memref<10240x128xf32, #tpu.memory_space<hbm>>) dst(%dma_wait3A_413 : memref<128x128xf32, #tpu.memory_space<vmem>>)
      %scan3A_420 = arith.constant 0 : i32
      %scan3A_421 = arith.constant 0 : i32
      %scan3A_422 = arith.constant 16 : i32
      %scan3A_423 = arith.addi %scan3A_421, %scan3A_422 : i32
      %scan3A_424 = arith.constant 1 : i32
      scf.for %scan3A_435 = %scan3A_421 to %scan3A_423 step %scan3A_424  : i32 {
        %mul3A_436 = arith.constant 16 : i32
        %mul3A_437 = arith.muli %scan3A_435, %mul3A_436 : i32
        %get3A_438 = arith.index_cast %mul3A_437 : i32 to index
        %get3A_439 = tpu.vector_load %arg11[%get3A_438] {strides = array<i32>} : memref<256xf32, #tpu.memory_space<vmem>>, vector<16xf32>,
        %mul3A_440 = arith.constant 16 : i32
        %mul3A_441 = arith.muli %scan3A_435, %mul3A_440 : i32
        %add3A_442 = arith.constant 0 : i32
        %add3A_443 = arith.addi %mul3A_441, %add3A_442 : i32
        %slice3A_444 = vector.extract_strided_slice %get3A_439 {offsets = [0], sizes = [1], strides = [1]} : vector<16xf32> to vector<1xf32>
        %squeeze3A_445 = vector.extract %slice3A_444[0] : f32 from vector<1xf32>
        %get3A_446 = arith.index_cast %add3A_443 : i32 to index
        %get3A_447 = arith.constant 0 : index
        %get3A_448 = tpu.vector_load %arg9[%get3A_446, %get3A_447] {strides = array<i32>} : memref<256x128xf32, #tpu.memory_space<vmem>>, vector<16xf32>,
        %mul3A_449 = vector.broadcast %squeeze3A_445 : f32 to vector<16xf32>
        %mul3A_450 = arith.mulf %get3A_448, %mul3A_449 : vector<16xf32>
        %swap3A = arith.index_cast %add3A_443 : i32 to index
        %swap3A_451 = arith.constant 0 : index
        %swap3A_452 = tpu.vector_load %arg9[%swap3A, %swap3A_451] {strides = array<i32>} : memref<256x128xf32, #tpu.memory_space<vmem>>, vector<16xf32>,
        tpu.vector_store %arg9[%swap3A, %swap3A_451], %mul3A_450 {strides = array<i32>} : memref<256x128xf32, #tpu.memory_space<vmem>>, vector<16xf32>,
        %get3A_453 = arith.index_cast %add3A_443 : i32 to index
        %get3A_454 = arith.constant 16 : index
        %get3A_455 = tpu.vector_load %arg9[%get3A_453, %get3A_454] {strides = array<i32>} : memref<256x128xf32, #tpu.memory_space<vmem>>, vector<16xf32>,
        %mul3A_456 = vector.broadcast %squeeze3A_445 : f32 to vector<16xf32>
        %mul3A_457 = arith.mulf %get3A_455, %mul3A_456 : vector<16xf32>
        %swap3A_458 = arith.index_cast %add3A_443 : i32 to index
        %swap3A_459 = arith.constant 16 : index
        %swap3A_460 = tpu.vector_load %arg9[%swap3A_458, %swap3A_459] {strides = array<i32>} : memref<256x128xf32, #tpu.memory_space<vmem>>, vector<16xf32>,
        tpu.vector_store %arg9[%swap3A_458, %swap3A_459], %mul3A_457 {strides = array<i32>} : memref<256x128xf32, #tpu.memory_space<vmem>>, vector<16xf32>,
        %get3A_461 = arith.index_cast %add3A_443 : i32 to index
        %get3A_462 = arith.constant 32 : index
        %get3A_463 = tpu.vector_load %arg9[%get3A_461, %get3A_462] {strides = array<i32>} : memref<256x128xf32, #tpu.memory_space<vmem>>, vector<16xf32>,
        %mul3A_464 = vector.broadcast %squeeze3A_445 : f32 to vector<16xf32>
        %mul3A_465 = arith.mulf %get3A_463, %mul3A_464 : vector<16xf32>
        %swap3A_466 = arith.index_cast %add3A_443 : i32 to index
        %swap3A_467 = arith.constant 32 : index
        %swap3A_468 = tpu.vector_load %arg9[%swap3A_466, %swap3A_467] {strides = array<i32>} : memref<256x128xf32, #tpu.memory_space<vmem>>, vector<16xf32>,
        tpu.vector_store %arg9[%swap3A_466, %swap3A_467], %mul3A_465 {strides = array<i32>} : memref<256x128xf32, #tpu.memory_space<vmem>>, vector<16xf32>,
        %get3A_469 = arith.index_cast %add3A_443 : i32 to index
        %get3A_470 = arith.constant 48 : index
        %get3A_471 = tpu.vector_load %arg9[%get3A_469, %get3A_470] {strides = array<i32>} : memref<256x128xf32, #tpu.memory_space<vmem>>, vector<16xf32>,
        %mul3A_472 = vector.broadcast %squeeze3A_445 : f32 to vector<16xf32>
        %mul3A_473 = arith.mulf %get3A_471, %mul3A_472 : vector<16xf32>
        %swap3A_474 = arith.index_cast %add3A_443 : i32 to index
        %swap3A_475 = arith.constant 48 : index
        %swap3A_476 = tpu.vector_load %arg9[%swap3A_474, %swap3A_475] {strides = array<i32>} : memref<256x128xf32, #tpu.memory_space<vmem>>, vector<16xf32>,
        tpu.vector_store %arg9[%swap3A_474, %swap3A_475], %mul3A_473 {strides = array<i32>} : memref<256x128xf32, #tpu.memory_space<vmem>>, vector<16xf32>,
        %mul3A_477 = arith.constant 16 : i32
        %mul3A_478 = arith.muli %add3A_443, %mul3A_477 : i32
        %get3A_479 = arith.constant 1 : i32
        %get3A_480 = arith.index_cast %get3A_479 : i32 to index
        %get3A_481 = arith.index_cast %mul3A_478 : i32 to index
        %get3A_482 = tpu.vector_load %arg10[%get3A_480, %get3A_481] {strides = array<i32>} : memref<2x4096xf32, #tpu.memory_space<vmem>>, vector<16xf32>,
        %mul3A_483 = vector.broadcast %squeeze3A_445 : f32 to vector<16xf32>
        %mul3A_484 = arith.mulf %get3A_482, %mul3A_483 : vector<16xf32>
        %swap3A_485 = arith.index_cast %add3A_443 : i32 to index
        %swap3A_486 = arith.constant 64 : index
        %swap3A_487 = tpu.vector_load %arg9[%swap3A_485, %swap3A_486] {strides = array<i32>} : memref<256x128xf32, #tpu.memory_space<vmem>>, vector<16xf32>,
        tpu.vector_store %arg9[%swap3A_485, %swap3A_486], %mul3A_484 {strides = array<i32>} : memref<256x128xf32, #tpu.memory_space<vmem>>, vector<16xf32>,
        %mul3A_488 = arith.constant 16 : i32
        %mul3A_489 = arith.muli %scan3A_435, %mul3A_488 : i32
        %add3A_490 = arith.constant 1 : i32
        %add3A_491 = arith.addi %mul3A_489, %add3A_490 : i32
        %slice3A_492 = vector.extract_strided_slice %get3A_439 {offsets = [1], sizes = [1], strides = [1]} : vector<16xf32> to vector<1xf32>
        %squeeze3A_493 = vector.extract %slice3A_492[0] : f32 from vector<1xf32>
        %get3A_494 = arith.index_cast %add3A_491 : i32 to index
        %get3A_495 = arith.constant 0 : index
        %get3A_496 = tpu.vector_load %arg9[%get3A_494, %get3A_495] {strides = array<i32>} : memref<256x128xf32, #tpu.memory_space<vmem>>, vector<16xf32>,
        %mul3A_497 = vector.broadcast %squeeze3A_493 : f32 to vector<16xf32>
        %mul3A_498 = arith.mulf %get3A_496, %mul3A_497 : vector<16xf32>
        %swap3A_499 = arith.index_cast %add3A_491 : i32 to index
        %swap3A_500 = arith.constant 0 : index
        %swap3A_501 = tpu.vector_load %arg9[%swap3A_499, %swap3A_500] {strides = array<i32>} : memref<256x128xf32, #tpu.memory_space<vmem>>, vector<16xf32>,
        tpu.vector_store %arg9[%swap3A_499, %swap3A_500], %mul3A_498 {strides = array<i32>} : memref<256x128xf32, #tpu.memory_space<vmem>>, vector<16xf32>,
        %get3A_502 = arith.index_cast %add3A_491 : i32 to index
        %get3A_503 = arith.constant 16 : index
        %get3A_504 = tpu.vector_load %arg9[%get3A_502, %get3A_503] {strides = array<i32>} : memref<256x128xf32, #tpu.memory_space<vmem>>, vector<16xf32>,
        %mul3A_505 = vector.broadcast %squeeze3A_493 : f32 to vector<16xf32>
        %mul3A_506 = arith.mulf %get3A_504, %mul3A_505 : vector<16xf32>
        %swap3A_507 = arith.index_cast %add3A_491 : i32 to index
        %swap3A_508 = arith.constant 16 : index
        %swap3A_509 = tpu.vector_load %arg9[%swap3A_507, %swap3A_508] {strides = array<i32>} : memref<256x128xf32, #tpu.memory_space<vmem>>, vector<16xf32>,
        tpu.vector_store %arg9[%swap3A_507, %swap3A_508], %mul3A_506 {strides = array<i32>} : memref<256x128xf32, #tpu.memory_space<vmem>>, vector<16xf32>,
        %get3A_510 = arith.index_cast %add3A_491 : i32 to index
        %get3A_511 = arith.constant 32 : index
        %get3A_512 = tpu.vector_load %arg9[%get3A_510, %get3A_511] {strides = array<i32>} : memref<256x128xf32, #tpu.memory_space<vmem>>, vector<16xf32>,
        %mul3A_513 = vector.broadcast %squeeze3A_493 : f32 to vector<16xf32>
        %mul3A_514 = arith.mulf %get3A_512, %mul3A_513 : vector<16xf32>
        %swap3A_515 = arith.index_cast %add3A_491 : i32 to index
        %swap3A_516 = arith.constant 32 : index
        %swap3A_517 = tpu.vector_load %arg9[%swap3A_515, %swap3A_516] {strides = array<i32>} : memref<256x128xf32, #tpu.memory_space<vmem>>, vector<16xf32>,
        tpu.vector_store %arg9[%swap3A_515, %swap3A_516], %mul3A_514 {strides = array<i32>} : memref<256x128xf32, #tpu.memory_space<vmem>>, vector<16xf32>,
        %get3A_518 = arith.index_cast %add3A_491 : i32 to index
        %get3A_519 = arith.constant 48 : index
        %get3A_520 = tpu.vector_load %arg9[%get3A_518, %get3A_519] {strides = array<i32>} : memref<256x128xf32, #tpu.memory_space<vmem>>, vector<16xf32>,
        %mul3A_521 = vector.broadcast %squeeze3A_493 : f32 to vector<16xf32>
        %mul3A_522 = arith.mulf %get3A_520, %mul3A_521 : vector<16xf32>
        %swap3A_523 = arith.index_cast %add3A_491 : i32 to index
        %swap3A_524 = arith.constant 48 : index
        %swap3A_525 = tpu.vector_load %arg9[%swap3A_523, %swap3A_524] {strides = array<i32>} : memref<256x128xf32, #tpu.memory_space<vmem>>, vector<16xf32>,
        tpu.vector_store %arg9[%swap3A_523, %swap3A_524], %mul3A_522 {strides = array<i32>} : memref<256x128xf32, #tpu.memory_space<vmem>>, vector<16xf32>,
        %mul3A_526 = arith.constant 16 : i32
        %mul3A_527 = arith.muli %add3A_491, %mul3A_526 : i32
        %get3A_528 = arith.constant 1 : i32
        %get3A_529 = arith.index_cast %get3A_528 : i32 to index
        %get3A_530 = arith.index_cast %mul3A_527 : i32 to index
        %get3A_531 = tpu.vector_load %arg10[%get3A_529, %get3A_530] {strides = array<i32>} : memref<2x4096xf32, #tpu.memory_space<vmem>>, vector<16xf32>,
        %mul3A_532 = vector.broadcast %squeeze3A_493 : f32 to vector<16xf32>
        %mul3A_533 = arith.mulf %get3A_531, %mul3A_532 : vector<16xf32>
        %swap3A_534 = arith.index_cast %add3A_491 : i32 to index
        %swap3A_535 = arith.constant 64 : index
        %swap3A_536 = tpu.vector_load %arg9[%swap3A_534, %swap3A_535] {strides = array<i32>} : memref<256x128xf32, #tpu.memory_space<vmem>>, vector<16xf32>,
        tpu.vector_store %arg9[%swap3A_534, %swap3A_535], %mul3A_533 {strides = array<i32>} : memref<256x128xf32, #tpu.memory_space<vmem>>, vector<16xf32>,
        %mul3A_537 = arith.constant 16 : i32
        %mul3A_538 = arith.muli %scan3A_435, %mul3A_537 : i32
        %add3A_539 = arith.constant 2 : i32
        %add3A_540 = arith.addi %mul3A_538, %add3A_539 : i32
        %slice3A_541 = vector.extract_strided_slice %get3A_439 {offsets = [2], sizes = [1], strides = [1]} : vector<16xf32> to vector<1xf32>
        %squeeze3A_542 = vector.extract %slice3A_541[0] : f32 from vector<1xf32>
        %get3A_543 = arith.index_cast %add3A_540 : i32 to index
        %get3A_544 = arith.constant 0 : index
        %get3A_545 = tpu.vector_load %arg9[%get3A_543, %get3A_544] {strides = array<i32>} : memref<256x128xf32, #tpu.memory_space<vmem>>, vector<16xf32>,
        %mul3A_546 = vector.broadcast %squeeze3A_542 : f32 to vector<16xf32>
        %mul3A_547 = arith.mulf %get3A_545, %mul3A_546 : vector<16xf32>
        %swap3A_548 = arith.index_cast %add3A_540 : i32 to index
        %swap3A_549 = arith.constant 0 : index
        %swap3A_550 = tpu.vector_load %arg9[%swap3A_548, %swap3A_549] {strides = array<i32>} : memref<256x128xf32, #tpu.memory_space<vmem>>, vector<16xf32>,
        tpu.vector_store %arg9[%swap3A_548, %swap3A_549], %mul3A_547 {strides = array<i32>} : memref<256x128xf32, #tpu.memory_space<vmem>>, vector<16xf32>,
        %get3A_551 = arith.index_cast %add3A_540 : i32 to index
        %get3A_552 = arith.constant 16 : index
        %get3A_553 = tpu.vector_load %arg9[%get3A_551, %get3A_552] {strides = array<i32>} : memref<256x128xf32, #tpu.memory_space<vmem>>, vector<16xf32>,
        %mul3A_554 = vector.broadcast %squeeze3A_542 : f32 to vector<16xf32>
        %mul3A_555 = arith.mulf %get3A_553, %mul3A_554 : vector<16xf32>
        %swap3A_556 = arith.index_cast %add3A_540 : i32 to index
        %swap3A_557 = arith.constant 16 : index
        %swap3A_558 = tpu.vector_load %arg9[%swap3A_556, %swap3A_557] {strides = array<i32>} : memref<256x128xf32, #tpu.memory_space<vmem>>, vector<16xf32>,
        tpu.vector_store %arg9[%swap3A_556, %swap3A_557], %mul3A_555 {strides = array<i32>} : memref<256x128xf32, #tpu.memory_space<vmem>>, vector<16xf32>,
        %get3A_559 = arith.index_cast %add3A_540 : i32 to index
        %get3A_560 = arith.constant 32 : index
        %get3A_561 = tpu.vector_load %arg9[%get3A_559, %get3A_560] {strides = array<i32>} : memref<256x128xf32, #tpu.memory_space<vmem>>, vector<16xf32>,
        %mul3A_562 = vector.broadcast %squeeze3A_542 : f32 to vector<16xf32>
        %mul3A_563 = arith.mulf %get3A_561, %mul3A_562 : vector<16xf32>
        %swap3A_564 = arith.index_cast %add3A_540 : i32 to index
        %swap3A_565 = arith.constant 32 : index
        %swap3A_566 = tpu.vector_load %arg9[%swap3A_564, %swap3A_565] {strides = array<i32>} : memref<256x128xf32, #tpu.memory_space<vmem>>, vector<16xf32>,
        tpu.vector_store %arg9[%swap3A_564, %swap3A_565], %mul3A_563 {strides = array<i32>} : memref<256x128xf32, #tpu.memory_space<vmem>>, vector<16xf32>,
        %get3A_567 = arith.index_cast %add3A_540 : i32 to index
        %get3A_568 = arith.constant 48 : index
        %get3A_569 = tpu.vector_load %arg9[%get3A_567, %get3A_568] {strides = array<i32>} : memref<256x128xf32, #tpu.memory_space<vmem>>, vector<16xf32>,
        %mul3A_570 = vector.broadcast %squeeze3A_542 : f32 to vector<16xf32>
        %mul3A_571 = arith.mulf %get3A_569, %mul3A_570 : vector<16xf32>
        %swap3A_572 = arith.index_cast %add3A_540 : i32 to index
        %swap3A_573 = arith.constant 48 : index
        %swap3A_574 = tpu.vector_load %arg9[%swap3A_572, %swap3A_573] {strides = array<i32>} : memref<256x128xf32, #tpu.memory_space<vmem>>, vector<16xf32>,
        tpu.vector_store %arg9[%swap3A_572, %swap3A_573], %mul3A_571 {strides = array<i32>} : memref<256x128xf32, #tpu.memory_space<vmem>>, vector<16xf32>,
        %mul3A_575 = arith.constant 16 : i32
        %mul3A_576 = arith.muli %add3A_540, %mul3A_575 : i32
        %get3A_577 = arith.constant 1 : i32
        %get3A_578 = arith.index_cast %get3A_577 : i32 to index
        %get3A_579 = arith.index_cast %mul3A_576 : i32 to index
        %get3A_580 = tpu.vector_load %arg10[%get3A_578, %get3A_579] {strides = array<i32>} : memref<2x4096xf32, #tpu.memory_space<vmem>>, vector<16xf32>,
        %mul3A_581 = vector.broadcast %squeeze3A_542 : f32 to vector<16xf32>
        %mul3A_582 = arith.mulf %get3A_580, %mul3A_581 : vector<16xf32>
        %swap3A_583 = arith.index_cast %add3A_540 : i32 to index
        %swap3A_584 = arith.constant 64 : index
        %swap3A_585 = tpu.vector_load %arg9[%swap3A_583, %swap3A_584] {strides = array<i32>} : memref<256x128xf32, #tpu.memory_space<vmem>>, vector<16xf32>,
        tpu.vector_store %arg9[%swap3A_583, %swap3A_584], %mul3A_582 {strides = array<i32>} : memref<256x128xf32, #tpu.memory_space<vmem>>, vector<16xf32>,
        %mul3A_586 = arith.constant 16 : i32
        %mul3A_587 = arith.muli %scan3A_435, %mul3A_586 : i32
        %add3A_588 = arith.constant 3 : i32
        %add3A_589 = arith.addi %mul3A_587, %add3A_588 : i32
        %slice3A_590 = vector.extract_strided_slice %get3A_439 {offsets = [3], sizes = [1], strides = [1]} : vector<16xf32> to vector<1xf32>
        %squeeze3A_591 = vector.extract %slice3A_590[0] : f32 from vector<1xf32>
        %get3A_592 = arith.index_cast %add3A_589 : i32 to index
        %get3A_593 = arith.constant 0 : index
        %get3A_594 = tpu.vector_load %arg9[%get3A_592, %get3A_593] {strides = array<i32>} : memref<256x128xf32, #tpu.memory_space<vmem>>, vector<16xf32>,
        %mul3A_595 = vector.broadcast %squeeze3A_591 : f32 to vector<16xf32>
        %mul3A_596 = arith.mulf %get3A_594, %mul3A_595 : vector<16xf32>
        %swap3A_597 = arith.index_cast %add3A_589 : i32 to index
        %swap3A_598 = arith.constant 0 : index
        %swap3A_599 = tpu.vector_load %arg9[%swap3A_597, %swap3A_598] {strides = array<i32>} : memref<256x128xf32, #tpu.memory_space<vmem>>, vector<16xf32>,
        tpu.vector_store %arg9[%swap3A_597, %swap3A_598], %mul3A_596 {strides = array<i32>} : memref<256x128xf32, #tpu.memory_space<vmem>>, vector<16xf32>,
        %get3A_600 = arith.index_cast %add3A_589 : i32 to index
        %get3A_601 = arith.constant 16 : index
        %get3A_602 = tpu.vector_load %arg9[%get3A_600, %get3A_601] {strides = array<i32>} : memref<256x128xf32, #tpu.memory_space<vmem>>, vector<16xf32>,
        %mul3A_603 = vector.broadcast %squeeze3A_591 : f32 to vector<16xf32>
        %mul3A_604 = arith.mulf %get3A_602, %mul3A_603 : vector<16xf32>
        %swap3A_605 = arith.index_cast %add3A_589 : i32 to index
        %swap3A_606 = arith.constant 16 : index
        %swap3A_607 = tpu.vector_load %arg9[%swap3A_605, %swap3A_606] {strides = array<i32>} : memref<256x128xf32, #tpu.memory_space<vmem>>, vector<16xf32>,
        tpu.vector_store %arg9[%swap3A_605, %swap3A_606], %mul3A_604 {strides = array<i32>} : memref<256x128xf32, #tpu.memory_space<vmem>>, vector<16xf32>,
        %get3A_608 = arith.index_cast %add3A_589 : i32 to index
        %get3A_609 = arith.constant 32 : index
        %get3A_610 = tpu.vector_load %arg9[%get3A_608, %get3A_609] {strides = array<i32>} : memref<256x128xf32, #tpu.memory_space<vmem>>, vector<16xf32>,
        %mul3A_611 = vector.broadcast %squeeze3A_591 : f32 to vector<16xf32>
        %mul3A_612 = arith.mulf %get3A_610, %mul3A_611 : vector<16xf32>
        %swap3A_613 = arith.index_cast %add3A_589 : i32 to index
        %swap3A_614 = arith.constant 32 : index
        %swap3A_615 = tpu.vector_load %arg9[%swap3A_613, %swap3A_614] {strides = array<i32>} : memref<256x128xf32, #tpu.memory_space<vmem>>, vector<16xf32>,
        tpu.vector_store %arg9[%swap3A_613, %swap3A_614], %mul3A_612 {strides = array<i32>} : memref<256x128xf32, #tpu.memory_space<vmem>>, vector<16xf32>,
        %get3A_616 = arith.index_cast %add3A_589 : i32 to index
        %get3A_617 = arith.constant 48 : index
        %get3A_618 = tpu.vector_load %arg9[%get3A_616, %get3A_617] {strides = array<i32>} : memref<256x128xf32, #tpu.memory_space<vmem>>, vector<16xf32>,
        %mul3A_619 = vector.broadcast %squeeze3A_591 : f32 to vector<16xf32>
        %mul3A_620 = arith.mulf %get3A_618, %mul3A_619 : vector<16xf32>
        %swap3A_621 = arith.index_cast %add3A_589 : i32 to index
        %swap3A_622 = arith.constant 48 : index
        %swap3A_623 = tpu.vector_load %arg9[%swap3A_621, %swap3A_622] {strides = array<i32>} : memref<256x128xf32, #tpu.memory_space<vmem>>, vector<16xf32>,
        tpu.vector_store %arg9[%swap3A_621, %swap3A_622], %mul3A_620 {strides = array<i32>} : memref<256x128xf32, #tpu.memory_space<vmem>>, vector<16xf32>,
        %mul3A_624 = arith.constant 16 : i32
        %mul3A_625 = arith.muli %add3A_589, %mul3A_624 : i32
        %get3A_626 = arith.constant 1 : i32
        %get3A_627 = arith.index_cast %get3A_626 : i32 to index
        %get3A_628 = arith.index_cast %mul3A_625 : i32 to index
        %get3A_629 = tpu.vector_load %arg10[%get3A_627, %get3A_628] {strides = array<i32>} : memref<2x4096xf32, #tpu.memory_space<vmem>>, vector<16xf32>,
        %mul3A_630 = vector.broadcast %squeeze3A_591 : f32 to vector<16xf32>
        %mul3A_631 = arith.mulf %get3A_629, %mul3A_630 : vector<16xf32>
        %swap3A_632 = arith.index_cast %add3A_589 : i32 to index
        %swap3A_633 = arith.constant 64 : index
        %swap3A_634 = tpu.vector_load %arg9[%swap3A_632, %swap3A_633] {strides = array<i32>} : memref<256x128xf32, #tpu.memory_space<vmem>>, vector<16xf32>,
        tpu.vector_store %arg9[%swap3A_632, %swap3A_633], %mul3A_631 {strides = array<i32>} : memref<256x128xf32, #tpu.memory_space<vmem>>, vector<16xf32>,
        %mul3A_635 = arith.constant 16 : i32
        %mul3A_636 = arith.muli %scan3A_435, %mul3A_635 : i32
        %add3A_637 = arith.constant 4 : i32
        %add3A_638 = arith.addi %mul3A_636, %add3A_637 : i32
        %slice3A_639 = vector.extract_strided_slice %get3A_439 {offsets = [4], sizes = [1], strides = [1]} : vector<16xf32> to vector<1xf32>
        %squeeze3A_640 = vector.extract %slice3A_639[0] : f32 from vector<1xf32>
        %get3A_641 = arith.index_cast %add3A_638 : i32 to index
        %get3A_642 = arith.constant 0 : index
        %get3A_643 = tpu.vector_load %arg9[%get3A_641, %get3A_642] {strides = array<i32>} : memref<256x128xf32, #tpu.memory_space<vmem>>, vector<16xf32>,
        %mul3A_644 = vector.broadcast %squeeze3A_640 : f32 to vector<16xf32>
        %mul3A_645 = arith.mulf %get3A_643, %mul3A_644 : vector<16xf32>
        %swap3A_646 = arith.index_cast %add3A_638 : i32 to index
        %swap3A_647 = arith.constant 0 : index
        %swap3A_648 = tpu.vector_load %arg9[%swap3A_646, %swap3A_647] {strides = array<i32>} : memref<256x128xf32, #tpu.memory_space<vmem>>, vector<16xf32>,
        tpu.vector_store %arg9[%swap3A_646, %swap3A_647], %mul3A_645 {strides = array<i32>} : memref<256x128xf32, #tpu.memory_space<vmem>>, vector<16xf32>,
        %get3A_649 = arith.index_cast %add3A_638 : i32 to index
        %get3A_650 = arith.constant 16 : index
        %get3A_651 = tpu.vector_load %arg9[%get3A_649, %get3A_650] {strides = array<i32>} : memref<256x128xf32, #tpu.memory_space<vmem>>, vector<16xf32>,
        %mul3A_652 = vector.broadcast %squeeze3A_640 : f32 to vector<16xf32>
        %mul3A_653 = arith.mulf %get3A_651, %mul3A_652 : vector<16xf32>
        %swap3A_654 = arith.index_cast %add3A_638 : i32 to index
        %swap3A_655 = arith.constant 16 : index
        %swap3A_656 = tpu.vector_load %arg9[%swap3A_654, %swap3A_655] {strides = array<i32>} : memref<256x128xf32, #tpu.memory_space<vmem>>, vector<16xf32>,
        tpu.vector_store %arg9[%swap3A_654, %swap3A_655], %mul3A_653 {strides = array<i32>} : memref<256x128xf32, #tpu.memory_space<vmem>>, vector<16xf32>,
        %get3A_657 = arith.index_cast %add3A_638 : i32 to index
        %get3A_658 = arith.constant 32 : index
        %get3A_659 = tpu.vector_load %arg9[%get3A_657, %get3A_658] {strides = array<i32>} : memref<256x128xf32, #tpu.memory_space<vmem>>, vector<16xf32>,
        %mul3A_660 = vector.broadcast %squeeze3A_640 : f32 to vector<16xf32>
        %mul3A_661 = arith.mulf %get3A_659, %mul3A_660 : vector<16xf32>
        %swap3A_662 = arith.index_cast %add3A_638 : i32 to index
        %swap3A_663 = arith.constant 32 : index
        %swap3A_664 = tpu.vector_load %arg9[%swap3A_662, %swap3A_663] {strides = array<i32>} : memref<256x128xf32, #tpu.memory_space<vmem>>, vector<16xf32>,
        tpu.vector_store %arg9[%swap3A_662, %swap3A_663], %mul3A_661 {strides = array<i32>} : memref<256x128xf32, #tpu.memory_space<vmem>>, vector<16xf32>,
        %get3A_665 = arith.index_cast %add3A_638 : i32 to index
        %get3A_666 = arith.constant 48 : index
        %get3A_667 = tpu.vector_load %arg9[%get3A_665, %get3A_666] {strides = array<i32>} : memref<256x128xf32, #tpu.memory_space<vmem>>, vector<16xf32>,
        %mul3A_668 = vector.broadcast %squeeze3A_640 : f32 to vector<16xf32>
        %mul3A_669 = arith.mulf %get3A_667, %mul3A_668 : vector<16xf32>
        %swap3A_670 = arith.index_cast %add3A_638 : i32 to index
        %swap3A_671 = arith.constant 48 : index
        %swap3A_672 = tpu.vector_load %arg9[%swap3A_670, %swap3A_671] {strides = array<i32>} : memref<256x128xf32, #tpu.memory_space<vmem>>, vector<16xf32>,
        tpu.vector_store %arg9[%swap3A_670, %swap3A_671], %mul3A_669 {strides = array<i32>} : memref<256x128xf32, #tpu.memory_space<vmem>>, vector<16xf32>,
        %mul3A_673 = arith.constant 16 : i32
        %mul3A_674 = arith.muli %add3A_638, %mul3A_673 : i32
        %get3A_675 = arith.constant 1 : i32
        %get3A_676 = arith.index_cast %get3A_675 : i32 to index
        %get3A_677 = arith.index_cast %mul3A_674 : i32 to index
        %get3A_678 = tpu.vector_load %arg10[%get3A_676, %get3A_677] {strides = array<i32>} : memref<2x4096xf32, #tpu.memory_space<vmem>>, vector<16xf32>,
        %mul3A_679 = vector.broadcast %squeeze3A_640 : f32 to vector<16xf32>
        %mul3A_680 = arith.mulf %get3A_678, %mul3A_679 : vector<16xf32>
        %swap3A_681 = arith.index_cast %add3A_638 : i32 to index
        %swap3A_682 = arith.constant 64 : index
        %swap3A_683 = tpu.vector_load %arg9[%swap3A_681, %swap3A_682] {strides = array<i32>} : memref<256x128xf32, #tpu.memory_space<vmem>>, vector<16xf32>,
        tpu.vector_store %arg9[%swap3A_681, %swap3A_682], %mul3A_680 {strides = array<i32>} : memref<256x128xf32, #tpu.memory_space<vmem>>, vector<16xf32>,
        %mul3A_684 = arith.constant 16 : i32
        %mul3A_685 = arith.muli %scan3A_435, %mul3A_684 : i32
        %add3A_686 = arith.constant 5 : i32
        %add3A_687 = arith.addi %mul3A_685, %add3A_686 : i32
        %slice3A_688 = vector.extract_strided_slice %get3A_439 {offsets = [5], sizes = [1], strides = [1]} : vector<16xf32> to vector<1xf32>
        %squeeze3A_689 = vector.extract %slice3A_688[0] : f32 from vector<1xf32>
        %get3A_690 = arith.index_cast %add3A_687 : i32 to index
        %get3A_691 = arith.constant 0 : index
        %get3A_692 = tpu.vector_load %arg9[%get3A_690, %get3A_691] {strides = array<i32>} : memref<256x128xf32, #tpu.memory_space<vmem>>, vector<16xf32>,
        %mul3A_693 = vector.broadcast %squeeze3A_689 : f32 to vector<16xf32>
        %mul3A_694 = arith.mulf %get3A_692, %mul3A_693 : vector<16xf32>
        %swap3A_695 = arith.index_cast %add3A_687 : i32 to index
        %swap3A_696 = arith.constant 0 : index
        %swap3A_697 = tpu.vector_load %arg9[%swap3A_695, %swap3A_696] {strides = array<i32>} : memref<256x128xf32, #tpu.memory_space<vmem>>, vector<16xf32>,
        tpu.vector_store %arg9[%swap3A_695, %swap3A_696], %mul3A_694 {strides = array<i32>} : memref<256x128xf32, #tpu.memory_space<vmem>>, vector<16xf32>,
        %get3A_698 = arith.index_cast %add3A_687 : i32 to index
        %get3A_699 = arith.constant 16 : index
        %get3A_700 = tpu.vector_load %arg9[%get3A_698, %get3A_699] {strides = array<i32>} : memref<256x128xf32, #tpu.memory_space<vmem>>, vector<16xf32>,
        %mul3A_701 = vector.broadcast %squeeze3A_689 : f32 to vector<16xf32>
        %mul3A_702 = arith.mulf %get3A_700, %mul3A_701 : vector<16xf32>
        %swap3A_703 = arith.index_cast %add3A_687 : i32 to index
        %swap3A_704 = arith.constant 16 : index
        %swap3A_705 = tpu.vector_load %arg9[%swap3A_703, %swap3A_704] {strides = array<i32>} : memref<256x128xf32, #tpu.memory_space<vmem>>, vector<16xf32>,
        tpu.vector_store %arg9[%swap3A_703, %swap3A_704], %mul3A_702 {strides = array<i32>} : memref<256x128xf32, #tpu.memory_space<vmem>>, vector<16xf32>,
        %get3A_706 = arith.index_cast %add3A_687 : i32 to index
        %get3A_707 = arith.constant 32 : index
        %get3A_708 = tpu.vector_load %arg9[%get3A_706, %get3A_707] {strides = array<i32>} : memref<256x128xf32, #tpu.memory_space<vmem>>, vector<16xf32>,
        %mul3A_709 = vector.broadcast %squeeze3A_689 : f32 to vector<16xf32>
        %mul3A_710 = arith.mulf %get3A_708, %mul3A_709 : vector<16xf32>
        %swap3A_711 = arith.index_cast %add3A_687 : i32 to index
        %swap3A_712 = arith.constant 32 : index
        %swap3A_713 = tpu.vector_load %arg9[%swap3A_711, %swap3A_712] {strides = array<i32>} : memref<256x128xf32, #tpu.memory_space<vmem>>, vector<16xf32>,
        tpu.vector_store %arg9[%swap3A_711, %swap3A_712], %mul3A_710 {strides = array<i32>} : memref<256x128xf32, #tpu.memory_space<vmem>>, vector<16xf32>,
        %get3A_714 = arith.index_cast %add3A_687 : i32 to index
        %get3A_715 = arith.constant 48 : index
        %get3A_716 = tpu.vector_load %arg9[%get3A_714, %get3A_715] {strides = array<i32>} : memref<256x128xf32, #tpu.memory_space<vmem>>, vector<16xf32>,
        %mul3A_717 = vector.broadcast %squeeze3A_689 : f32 to vector<16xf32>
        %mul3A_718 = arith.mulf %get3A_716, %mul3A_717 : vector<16xf32>
        %swap3A_719 = arith.index_cast %add3A_687 : i32 to index
        %swap3A_720 = arith.constant 48 : index
        %swap3A_721 = tpu.vector_load %arg9[%swap3A_719, %swap3A_720] {strides = array<i32>} : memref<256x128xf32, #tpu.memory_space<vmem>>, vector<16xf32>,
        tpu.vector_store %arg9[%swap3A_719, %swap3A_720], %mul3A_718 {strides = array<i32>} : memref<256x128xf32, #tpu.memory_space<vmem>>, vector<16xf32>,
        %mul3A_722 = arith.constant 16 : i32
        %mul3A_723 = arith.muli %add3A_687, %mul3A_722 : i32
        %get3A_724 = arith.constant 1 : i32
        %get3A_725 = arith.index_cast %get3A_724 : i32 to index
        %get3A_726 = arith.index_cast %mul3A_723 : i32 to index
        %get3A_727 = tpu.vector_load %arg10[%get3A_725, %get3A_726] {strides = array<i32>} : memref<2x4096xf32, #tpu.memory_space<vmem>>, vector<16xf32>,
        %mul3A_728 = vector.broadcast %squeeze3A_689 : f32 to vector<16xf32>
        %mul3A_729 = arith.mulf %get3A_727, %mul3A_728 : vector<16xf32>
        %swap3A_730 = arith.index_cast %add3A_687 : i32 to index
        %swap3A_731 = arith.constant 64 : index
        %swap3A_732 = tpu.vector_load %arg9[%swap3A_730, %swap3A_731] {strides = array<i32>} : memref<256x128xf32, #tpu.memory_space<vmem>>, vector<16xf32>,
        tpu.vector_store %arg9[%swap3A_730, %swap3A_731], %mul3A_729 {strides = array<i32>} : memref<256x128xf32, #tpu.memory_space<vmem>>, vector<16xf32>,
        %mul3A_733 = arith.constant 16 : i32
        %mul3A_734 = arith.muli %scan3A_435, %mul3A_733 : i32
        %add3A_735 = arith.constant 6 : i32
        %add3A_736 = arith.addi %mul3A_734, %add3A_735 : i32
        %slice3A_737 = vector.extract_strided_slice %get3A_439 {offsets = [6], sizes = [1], strides = [1]} : vector<16xf32> to vector<1xf32>
        %squeeze3A_738 = vector.extract %slice3A_737[0] : f32 from vector<1xf32>
        %get3A_739 = arith.index_cast %add3A_736 : i32 to index
        %get3A_740 = arith.constant 0 : index
        %get3A_741 = tpu.vector_load %arg9[%get3A_739, %get3A_740] {strides = array<i32>} : memref<256x128xf32, #tpu.memory_space<vmem>>, vector<16xf32>,
        %mul3A_742 = vector.broadcast %squeeze3A_738 : f32 to vector<16xf32>
        %mul3A_743 = arith.mulf %get3A_741, %mul3A_742 : vector<16xf32>
        %swap3A_744 = arith.index_cast %add3A_736 : i32 to index
        %swap3A_745 = arith.constant 0 : index
        %swap3A_746 = tpu.vector_load %arg9[%swap3A_744, %swap3A_745] {strides = array<i32>} : memref<256x128xf32, #tpu.memory_space<vmem>>, vector<16xf32>,
        tpu.vector_store %arg9[%swap3A_744, %swap3A_745], %mul3A_743 {strides = array<i32>} : memref<256x128xf32, #tpu.memory_space<vmem>>, vector<16xf32>,
        %get3A_747 = arith.index_cast %add3A_736 : i32 to index
        %get3A_748 = arith.constant 16 : index
        %get3A_749 = tpu.vector_load %arg9[%get3A_747, %get3A_748] {strides = array<i32>} : memref<256x128xf32, #tpu.memory_space<vmem>>, vector<16xf32>,
        %mul3A_750 = vector.broadcast %squeeze3A_738 : f32 to vector<16xf32>
        %mul3A_751 = arith.mulf %get3A_749, %mul3A_750 : vector<16xf32>
        %swap3A_752 = arith.index_cast %add3A_736 : i32 to index
        %swap3A_753 = arith.constant 16 : index
        %swap3A_754 = tpu.vector_load %arg9[%swap3A_752, %swap3A_753] {strides = array<i32>} : memref<256x128xf32, #tpu.memory_space<vmem>>, vector<16xf32>,
        tpu.vector_store %arg9[%swap3A_752, %swap3A_753], %mul3A_751 {strides = array<i32>} : memref<256x128xf32, #tpu.memory_space<vmem>>, vector<16xf32>,
        %get3A_755 = arith.index_cast %add3A_736 : i32 to index
        %get3A_756 = arith.constant 32 : index
        %get3A_757 = tpu.vector_load %arg9[%get3A_755, %get3A_756] {strides = array<i32>} : memref<256x128xf32, #tpu.memory_space<vmem>>, vector<16xf32>,
        %mul3A_758 = vector.broadcast %squeeze3A_738 : f32 to vector<16xf32>
        %mul3A_759 = arith.mulf %get3A_757, %mul3A_758 : vector<16xf32>
        %swap3A_760 = arith.index_cast %add3A_736 : i32 to index
        %swap3A_761 = arith.constant 32 : index
        %swap3A_762 = tpu.vector_load %arg9[%swap3A_760, %swap3A_761] {strides = array<i32>} : memref<256x128xf32, #tpu.memory_space<vmem>>, vector<16xf32>,
        tpu.vector_store %arg9[%swap3A_760, %swap3A_761], %mul3A_759 {strides = array<i32>} : memref<256x128xf32, #tpu.memory_space<vmem>>, vector<16xf32>,
        %get3A_763 = arith.index_cast %add3A_736 : i32 to index
        %get3A_764 = arith.constant 48 : index
        %get3A_765 = tpu.vector_load %arg9[%get3A_763, %get3A_764] {strides = array<i32>} : memref<256x128xf32, #tpu.memory_space<vmem>>, vector<16xf32>,
        %mul3A_766 = vector.broadcast %squeeze3A_738 : f32 to vector<16xf32>
        %mul3A_767 = arith.mulf %get3A_765, %mul3A_766 : vector<16xf32>
        %swap3A_768 = arith.index_cast %add3A_736 : i32 to index
        %swap3A_769 = arith.constant 48 : index
        %swap3A_770 = tpu.vector_load %arg9[%swap3A_768, %swap3A_769] {strides = array<i32>} : memref<256x128xf32, #tpu.memory_space<vmem>>, vector<16xf32>,
        tpu.vector_store %arg9[%swap3A_768, %swap3A_769], %mul3A_767 {strides = array<i32>} : memref<256x128xf32, #tpu.memory_space<vmem>>, vector<16xf32>,
        %mul3A_771 = arith.constant 16 : i32
        %mul3A_772 = arith.muli %add3A_736, %mul3A_771 : i32
        %get3A_773 = arith.constant 1 : i32
        %get3A_774 = arith.index_cast %get3A_773 : i32 to index
        %get3A_775 = arith.index_cast %mul3A_772 : i32 to index
        %get3A_776 = tpu.vector_load %arg10[%get3A_774, %get3A_775] {strides = array<i32>} : memref<2x4096xf32, #tpu.memory_space<vmem>>, vector<16xf32>,
        %mul3A_777 = vector.broadcast %squeeze3A_738 : f32 to vector<16xf32>
        %mul3A_778 = arith.mulf %get3A_776, %mul3A_777 : vector<16xf32>
        %swap3A_779 = arith.index_cast %add3A_736 : i32 to index
        %swap3A_780 = arith.constant 64 : index
        %swap3A_781 = tpu.vector_load %arg9[%swap3A_779, %swap3A_780] {strides = array<i32>} : memref<256x128xf32, #tpu.memory_space<vmem>>, vector<16xf32>,
        tpu.vector_store %arg9[%swap3A_779, %swap3A_780], %mul3A_778 {strides = array<i32>} : memref<256x128xf32, #tpu.memory_space<vmem>>, vector<16xf32>,
        %mul3A_782 = arith.constant 16 : i32
        %mul3A_783 = arith.muli %scan3A_435, %mul3A_782 : i32
        %add3A_784 = arith.constant 7 : i32
        %add3A_785 = arith.addi %mul3A_783, %add3A_784 : i32
        %slice3A_786 = vector.extract_strided_slice %get3A_439 {offsets = [7], sizes = [1], strides = [1]} : vector<16xf32> to vector<1xf32>
        %squeeze3A_787 = vector.extract %slice3A_786[0] : f32 from vector<1xf32>
        %get3A_788 = arith.index_cast %add3A_785 : i32 to index
        %get3A_789 = arith.constant 0 : index
        %get3A_790 = tpu.vector_load %arg9[%get3A_788, %get3A_789] {strides = array<i32>} : memref<256x128xf32, #tpu.memory_space<vmem>>, vector<16xf32>,
        %mul3A_791 = vector.broadcast %squeeze3A_787 : f32 to vector<16xf32>
        %mul3A_792 = arith.mulf %get3A_790, %mul3A_791 : vector<16xf32>
        %swap3A_793 = arith.index_cast %add3A_785 : i32 to index
        %swap3A_794 = arith.constant 0 : index
        %swap3A_795 = tpu.vector_load %arg9[%swap3A_793, %swap3A_794] {strides = array<i32>} : memref<256x128xf32, #tpu.memory_space<vmem>>, vector<16xf32>,
        tpu.vector_store %arg9[%swap3A_793, %swap3A_794], %mul3A_792 {strides = array<i32>} : memref<256x128xf32, #tpu.memory_space<vmem>>, vector<16xf32>,
        %get3A_796 = arith.index_cast %add3A_785 : i32 to index
        %get3A_797 = arith.constant 16 : index
        %get3A_798 = tpu.vector_load %arg9[%get3A_796, %get3A_797] {strides = array<i32>} : memref<256x128xf32, #tpu.memory_space<vmem>>, vector<16xf32>,
        %mul3A_799 = vector.broadcast %squeeze3A_787 : f32 to vector<16xf32>
        %mul3A_800 = arith.mulf %get3A_798, %mul3A_799 : vector<16xf32>
        %swap3A_801 = arith.index_cast %add3A_785 : i32 to index
        %swap3A_802 = arith.constant 16 : index
        %swap3A_803 = tpu.vector_load %arg9[%swap3A_801, %swap3A_802] {strides = array<i32>} : memref<256x128xf32, #tpu.memory_space<vmem>>, vector<16xf32>,
        tpu.vector_store %arg9[%swap3A_801, %swap3A_802], %mul3A_800 {strides = array<i32>} : memref<256x128xf32, #tpu.memory_space<vmem>>, vector<16xf32>,
        %get3A_804 = arith.index_cast %add3A_785 : i32 to index
        %get3A_805 = arith.constant 32 : index
        %get3A_806 = tpu.vector_load %arg9[%get3A_804, %get3A_805] {strides = array<i32>} : memref<256x128xf32, #tpu.memory_space<vmem>>, vector<16xf32>,
        %mul3A_807 = vector.broadcast %squeeze3A_787 : f32 to vector<16xf32>
        %mul3A_808 = arith.mulf %get3A_806, %mul3A_807 : vector<16xf32>
        %swap3A_809 = arith.index_cast %add3A_785 : i32 to index
        %swap3A_810 = arith.constant 32 : index
        %swap3A_811 = tpu.vector_load %arg9[%swap3A_809, %swap3A_810] {strides = array<i32>} : memref<256x128xf32, #tpu.memory_space<vmem>>, vector<16xf32>,
        tpu.vector_store %arg9[%swap3A_809, %swap3A_810], %mul3A_808 {strides = array<i32>} : memref<256x128xf32, #tpu.memory_space<vmem>>, vector<16xf32>,
        %get3A_812 = arith.index_cast %add3A_785 : i32 to index
        %get3A_813 = arith.constant 48 : index
        %get3A_814 = tpu.vector_load %arg9[%get3A_812, %get3A_813] {strides = array<i32>} : memref<256x128xf32, #tpu.memory_space<vmem>>, vector<16xf32>,
        %mul3A_815 = vector.broadcast %squeeze3A_787 : f32 to vector<16xf32>
        %mul3A_816 = arith.mulf %get3A_814, %mul3A_815 : vector<16xf32>
        %swap3A_817 = arith.index_cast %add3A_785 : i32 to index
        %swap3A_818 = arith.constant 48 : index
        %swap3A_819 = tpu.vector_load %arg9[%swap3A_817, %swap3A_818] {strides = array<i32>} : memref<256x128xf32, #tpu.memory_space<vmem>>, vector<16xf32>,
        tpu.vector_store %arg9[%swap3A_817, %swap3A_818], %mul3A_816 {strides = array<i32>} : memref<256x128xf32, #tpu.memory_space<vmem>>, vector<16xf32>,
        %mul3A_820 = arith.constant 16 : i32
        %mul3A_821 = arith.muli %add3A_785, %mul3A_820 : i32
        %get3A_822 = arith.constant 1 : i32
        %get3A_823 = arith.index_cast %get3A_822 : i32 to index
        %get3A_824 = arith.index_cast %mul3A_821 : i32 to index
        %get3A_825 = tpu.vector_load %arg10[%get3A_823, %get3A_824] {strides = array<i32>} : memref<2x4096xf32, #tpu.memory_space<vmem>>, vector<16xf32>,
        %mul3A_826 = vector.broadcast %squeeze3A_787 : f32 to vector<16xf32>
        %mul3A_827 = arith.mulf %get3A_825, %mul3A_826 : vector<16xf32>
        %swap3A_828 = arith.index_cast %add3A_785 : i32 to index
        %swap3A_829 = arith.constant 64 : index
        %swap3A_830 = tpu.vector_load %arg9[%swap3A_828, %swap3A_829] {strides = array<i32>} : memref<256x128xf32, #tpu.memory_space<vmem>>, vector<16xf32>,
        tpu.vector_store %arg9[%swap3A_828, %swap3A_829], %mul3A_827 {strides = array<i32>} : memref<256x128xf32, #tpu.memory_space<vmem>>, vector<16xf32>,
        %mul3A_831 = arith.constant 16 : i32
        %mul3A_832 = arith.muli %scan3A_435, %mul3A_831 : i32
        %add3A_833 = arith.constant 8 : i32
        %add3A_834 = arith.addi %mul3A_832, %add3A_833 : i32
        %slice3A_835 = vector.extract_strided_slice %get3A_439 {offsets = [8], sizes = [1], strides = [1]} : vector<16xf32> to vector<1xf32>
        %squeeze3A_836 = vector.extract %slice3A_835[0] : f32 from vector<1xf32>
        %get3A_837 = arith.index_cast %add3A_834 : i32 to index
        %get3A_838 = arith.constant 0 : index
        %get3A_839 = tpu.vector_load %arg9[%get3A_837, %get3A_838] {strides = array<i32>} : memref<256x128xf32, #tpu.memory_space<vmem>>, vector<16xf32>,
        %mul3A_840 = vector.broadcast %squeeze3A_836 : f32 to vector<16xf32>
        %mul3A_841 = arith.mulf %get3A_839, %mul3A_840 : vector<16xf32>
        %swap3A_842 = arith.index_cast %add3A_834 : i32 to index
        %swap3A_843 = arith.constant 0 : index
        %swap3A_844 = tpu.vector_load %arg9[%swap3A_842, %swap3A_843] {strides = array<i32>} : memref<256x128xf32, #tpu.memory_space<vmem>>, vector<16xf32>,
        tpu.vector_store %arg9[%swap3A_842, %swap3A_843], %mul3A_841 {strides = array<i32>} : memref<256x128xf32, #tpu.memory_space<vmem>>, vector<16xf32>,
        %get3A_845 = arith.index_cast %add3A_834 : i32 to index
        %get3A_846 = arith.constant 16 : index
        %get3A_847 = tpu.vector_load %arg9[%get3A_845, %get3A_846] {strides = array<i32>} : memref<256x128xf32, #tpu.memory_space<vmem>>, vector<16xf32>,
        %mul3A_848 = vector.broadcast %squeeze3A_836 : f32 to vector<16xf32>
        %mul3A_849 = arith.mulf %get3A_847, %mul3A_848 : vector<16xf32>
        %swap3A_850 = arith.index_cast %add3A_834 : i32 to index
        %swap3A_851 = arith.constant 16 : index
        %swap3A_852 = tpu.vector_load %arg9[%swap3A_850, %swap3A_851] {strides = array<i32>} : memref<256x128xf32, #tpu.memory_space<vmem>>, vector<16xf32>,
        tpu.vector_store %arg9[%swap3A_850, %swap3A_851], %mul3A_849 {strides = array<i32>} : memref<256x128xf32, #tpu.memory_space<vmem>>, vector<16xf32>,
        %get3A_853 = arith.index_cast %add3A_834 : i32 to index
        %get3A_854 = arith.constant 32 : index
        %get3A_855 = tpu.vector_load %arg9[%get3A_853, %get3A_854] {strides = array<i32>} : memref<256x128xf32, #tpu.memory_space<vmem>>, vector<16xf32>,
        %mul3A_856 = vector.broadcast %squeeze3A_836 : f32 to vector<16xf32>
        %mul3A_857 = arith.mulf %get3A_855, %mul3A_856 : vector<16xf32>
        %swap3A_858 = arith.index_cast %add3A_834 : i32 to index
        %swap3A_859 = arith.constant 32 : index
        %swap3A_860 = tpu.vector_load %arg9[%swap3A_858, %swap3A_859] {strides = array<i32>} : memref<256x128xf32, #tpu.memory_space<vmem>>, vector<16xf32>,
        tpu.vector_store %arg9[%swap3A_858, %swap3A_859], %mul3A_857 {strides = array<i32>} : memref<256x128xf32, #tpu.memory_space<vmem>>, vector<16xf32>,
        %get3A_861 = arith.index_cast %add3A_834 : i32 to index
        %get3A_862 = arith.constant 48 : index
        %get3A_863 = tpu.vector_load %arg9[%get3A_861, %get3A_862] {strides = array<i32>} : memref<256x128xf32, #tpu.memory_space<vmem>>, vector<16xf32>,
        %mul3A_864 = vector.broadcast %squeeze3A_836 : f32 to vector<16xf32>
        %mul3A_865 = arith.mulf %get3A_863, %mul3A_864 : vector<16xf32>
        %swap3A_866 = arith.index_cast %add3A_834 : i32 to index
        %swap3A_867 = arith.constant 48 : index
        %swap3A_868 = tpu.vector_load %arg9[%swap3A_866, %swap3A_867] {strides = array<i32>} : memref<256x128xf32, #tpu.memory_space<vmem>>, vector<16xf32>,
        tpu.vector_store %arg9[%swap3A_866, %swap3A_867], %mul3A_865 {strides = array<i32>} : memref<256x128xf32, #tpu.memory_space<vmem>>, vector<16xf32>,
        %mul3A_869 = arith.constant 16 : i32
        %mul3A_870 = arith.muli %add3A_834, %mul3A_869 : i32
        %get3A_871 = arith.constant 1 : i32
        %get3A_872 = arith.index_cast %get3A_871 : i32 to index
        %get3A_873 = arith.index_cast %mul3A_870 : i32 to index
        %get3A_874 = tpu.vector_load %arg10[%get3A_872, %get3A_873] {strides = array<i32>} : memref<2x4096xf32, #tpu.memory_space<vmem>>, vector<16xf32>,
        %mul3A_875 = vector.broadcast %squeeze3A_836 : f32 to vector<16xf32>
        %mul3A_876 = arith.mulf %get3A_874, %mul3A_875 : vector<16xf32>
        %swap3A_877 = arith.index_cast %add3A_834 : i32 to index
        %swap3A_878 = arith.constant 64 : index
        %swap3A_879 = tpu.vector_load %arg9[%swap3A_877, %swap3A_878] {strides = array<i32>} : memref<256x128xf32, #tpu.memory_space<vmem>>, vector<16xf32>,
        tpu.vector_store %arg9[%swap3A_877, %swap3A_878], %mul3A_876 {strides = array<i32>} : memref<256x128xf32, #tpu.memory_space<vmem>>, vector<16xf32>,
        %mul3A_880 = arith.constant 16 : i32
        %mul3A_881 = arith.muli %scan3A_435, %mul3A_880 : i32
        %add3A_882 = arith.constant 9 : i32
        %add3A_883 = arith.addi %mul3A_881, %add3A_882 : i32
        %slice3A_884 = vector.extract_strided_slice %get3A_439 {offsets = [9], sizes = [1], strides = [1]} : vector<16xf32> to vector<1xf32>
        %squeeze3A_885 = vector.extract %slice3A_884[0] : f32 from vector<1xf32>
        %get3A_886 = arith.index_cast %add3A_883 : i32 to index
        %get3A_887 = arith.constant 0 : index
        %get3A_888 = tpu.vector_load %arg9[%get3A_886, %get3A_887] {strides = array<i32>} : memref<256x128xf32, #tpu.memory_space<vmem>>, vector<16xf32>,
        %mul3A_889 = vector.broadcast %squeeze3A_885 : f32 to vector<16xf32>
        %mul3A_890 = arith.mulf %get3A_888, %mul3A_889 : vector<16xf32>
        %swap3A_891 = arith.index_cast %add3A_883 : i32 to index
        %swap3A_892 = arith.constant 0 : index
        %swap3A_893 = tpu.vector_load %arg9[%swap3A_891, %swap3A_892] {strides = array<i32>} : memref<256x128xf32, #tpu.memory_space<vmem>>, vector<16xf32>,
        tpu.vector_store %arg9[%swap3A_891, %swap3A_892], %mul3A_890 {strides = array<i32>} : memref<256x128xf32, #tpu.memory_space<vmem>>, vector<16xf32>,
        %get3A_894 = arith.index_cast %add3A_883 : i32 to index
        %get3A_895 = arith.constant 16 : index
        %get3A_896 = tpu.vector_load %arg9[%get3A_894, %get3A_895] {strides = array<i32>} : memref<256x128xf32, #tpu.memory_space<vmem>>, vector<16xf32>,
        %mul3A_897 = vector.broadcast %squeeze3A_885 : f32 to vector<16xf32>
        %mul3A_898 = arith.mulf %get3A_896, %mul3A_897 : vector<16xf32>
        %swap3A_899 = arith.index_cast %add3A_883 : i32 to index
        %swap3A_900 = arith.constant 16 : index
        %swap3A_901 = tpu.vector_load %arg9[%swap3A_899, %swap3A_900] {strides = array<i32>} : memref<256x128xf32, #tpu.memory_space<vmem>>, vector<16xf32>,
        tpu.vector_store %arg9[%swap3A_899, %swap3A_900], %mul3A_898 {strides = array<i32>} : memref<256x128xf32, #tpu.memory_space<vmem>>, vector<16xf32>,
        %get3A_902 = arith.index_cast %add3A_883 : i32 to index
        %get3A_903 = arith.constant 32 : index
        %get3A_904 = tpu.vector_load %arg9[%get3A_902, %get3A_903] {strides = array<i32>} : memref<256x128xf32, #tpu.memory_space<vmem>>, vector<16xf32>,
        %mul3A_905 = vector.broadcast %squeeze3A_885 : f32 to vector<16xf32>
        %mul3A_906 = arith.mulf %get3A_904, %mul3A_905 : vector<16xf32>
        %swap3A_907 = arith.index_cast %add3A_883 : i32 to index
        %swap3A_908 = arith.constant 32 : index
        %swap3A_909 = tpu.vector_load %arg9[%swap3A_907, %swap3A_908] {strides = array<i32>} : memref<256x128xf32, #tpu.memory_space<vmem>>, vector<16xf32>,
        tpu.vector_store %arg9[%swap3A_907, %swap3A_908], %mul3A_906 {strides = array<i32>} : memref<256x128xf32, #tpu.memory_space<vmem>>, vector<16xf32>,
        %get3A_910 = arith.index_cast %add3A_883 : i32 to index
        %get3A_911 = arith.constant 48 : index
        %get3A_912 = tpu.vector_load %arg9[%get3A_910, %get3A_911] {strides = array<i32>} : memref<256x128xf32, #tpu.memory_space<vmem>>, vector<16xf32>,
        %mul3A_913 = vector.broadcast %squeeze3A_885 : f32 to vector<16xf32>
        %mul3A_914 = arith.mulf %get3A_912, %mul3A_913 : vector<16xf32>
        %swap3A_915 = arith.index_cast %add3A_883 : i32 to index
        %swap3A_916 = arith.constant 48 : index
        %swap3A_917 = tpu.vector_load %arg9[%swap3A_915, %swap3A_916] {strides = array<i32>} : memref<256x128xf32, #tpu.memory_space<vmem>>, vector<16xf32>,
        tpu.vector_store %arg9[%swap3A_915, %swap3A_916], %mul3A_914 {strides = array<i32>} : memref<256x128xf32, #tpu.memory_space<vmem>>, vector<16xf32>,
        %mul3A_918 = arith.constant 16 : i32
        %mul3A_919 = arith.muli %add3A_883, %mul3A_918 : i32
        %get3A_920 = arith.constant 1 : i32
        %get3A_921 = arith.index_cast %get3A_920 : i32 to index
        %get3A_922 = arith.index_cast %mul3A_919 : i32 to index
        %get3A_923 = tpu.vector_load %arg10[%get3A_921, %get3A_922] {strides = array<i32>} : memref<2x4096xf32, #tpu.memory_space<vmem>>, vector<16xf32>,
        %mul3A_924 = vector.broadcast %squeeze3A_885 : f32 to vector<16xf32>
        %mul3A_925 = arith.mulf %get3A_923, %mul3A_924 : vector<16xf32>
        %swap3A_926 = arith.index_cast %add3A_883 : i32 to index
        %swap3A_927 = arith.constant 64 : index
        %swap3A_928 = tpu.vector_load %arg9[%swap3A_926, %swap3A_927] {strides = array<i32>} : memref<256x128xf32, #tpu.memory_space<vmem>>, vector<16xf32>,
        tpu.vector_store %arg9[%swap3A_926, %swap3A_927], %mul3A_925 {strides = array<i32>} : memref<256x128xf32, #tpu.memory_space<vmem>>, vector<16xf32>,
        %mul3A_929 = arith.constant 16 : i32
        %mul3A_930 = arith.muli %scan3A_435, %mul3A_929 : i32
        %add3A_931 = arith.constant 10 : i32
        %add3A_932 = arith.addi %mul3A_930, %add3A_931 : i32
        %slice3A_933 = vector.extract_strided_slice %get3A_439 {offsets = [10], sizes = [1], strides = [1]} : vector<16xf32> to vector<1xf32>
        %squeeze3A_934 = vector.extract %slice3A_933[0] : f32 from vector<1xf32>
        %get3A_935 = arith.index_cast %add3A_932 : i32 to index
        %get3A_936 = arith.constant 0 : index
        %get3A_937 = tpu.vector_load %arg9[%get3A_935, %get3A_936] {strides = array<i32>} : memref<256x128xf32, #tpu.memory_space<vmem>>, vector<16xf32>,
        %mul3A_938 = vector.broadcast %squeeze3A_934 : f32 to vector<16xf32>
        %mul3A_939 = arith.mulf %get3A_937, %mul3A_938 : vector<16xf32>
        %swap3A_940 = arith.index_cast %add3A_932 : i32 to index
        %swap3A_941 = arith.constant 0 : index
        %swap3A_942 = tpu.vector_load %arg9[%swap3A_940, %swap3A_941] {strides = array<i32>} : memref<256x128xf32, #tpu.memory_space<vmem>>, vector<16xf32>,
        tpu.vector_store %arg9[%swap3A_940, %swap3A_941], %mul3A_939 {strides = array<i32>} : memref<256x128xf32, #tpu.memory_space<vmem>>, vector<16xf32>,
        %get3A_943 = arith.index_cast %add3A_932 : i32 to index
        %get3A_944 = arith.constant 16 : index
        %get3A_945 = tpu.vector_load %arg9[%get3A_943, %get3A_944] {strides = array<i32>} : memref<256x128xf32, #tpu.memory_space<vmem>>, vector<16xf32>,
        %mul3A_946 = vector.broadcast %squeeze3A_934 : f32 to vector<16xf32>
        %mul3A_947 = arith.mulf %get3A_945, %mul3A_946 : vector<16xf32>
        %swap3A_948 = arith.index_cast %add3A_932 : i32 to index
        %swap3A_949 = arith.constant 16 : index
        %swap3A_950 = tpu.vector_load %arg9[%swap3A_948, %swap3A_949] {strides = array<i32>} : memref<256x128xf32, #tpu.memory_space<vmem>>, vector<16xf32>,
        tpu.vector_store %arg9[%swap3A_948, %swap3A_949], %mul3A_947 {strides = array<i32>} : memref<256x128xf32, #tpu.memory_space<vmem>>, vector<16xf32>,
        %get3A_951 = arith.index_cast %add3A_932 : i32 to index
        %get3A_952 = arith.constant 32 : index
        %get3A_953 = tpu.vector_load %arg9[%get3A_951, %get3A_952] {strides = array<i32>} : memref<256x128xf32, #tpu.memory_space<vmem>>, vector<16xf32>,
        %mul3A_954 = vector.broadcast %squeeze3A_934 : f32 to vector<16xf32>
        %mul3A_955 = arith.mulf %get3A_953, %mul3A_954 : vector<16xf32>
        %swap3A_956 = arith.index_cast %add3A_932 : i32 to index
        %swap3A_957 = arith.constant 32 : index
        %swap3A_958 = tpu.vector_load %arg9[%swap3A_956, %swap3A_957] {strides = array<i32>} : memref<256x128xf32, #tpu.memory_space<vmem>>, vector<16xf32>,
        tpu.vector_store %arg9[%swap3A_956, %swap3A_957], %mul3A_955 {strides = array<i32>} : memref<256x128xf32, #tpu.memory_space<vmem>>, vector<16xf32>,
        %get3A_959 = arith.index_cast %add3A_932 : i32 to index
        %get3A_960 = arith.constant 48 : index
        %get3A_961 = tpu.vector_load %arg9[%get3A_959, %get3A_960] {strides = array<i32>} : memref<256x128xf32, #tpu.memory_space<vmem>>, vector<16xf32>,
        %mul3A_962 = vector.broadcast %squeeze3A_934 : f32 to vector<16xf32>
        %mul3A_963 = arith.mulf %get3A_961, %mul3A_962 : vector<16xf32>
        %swap3A_964 = arith.index_cast %add3A_932 : i32 to index
        %swap3A_965 = arith.constant 48 : index
        %swap3A_966 = tpu.vector_load %arg9[%swap3A_964, %swap3A_965] {strides = array<i32>} : memref<256x128xf32, #tpu.memory_space<vmem>>, vector<16xf32>,
        tpu.vector_store %arg9[%swap3A_964, %swap3A_965], %mul3A_963 {strides = array<i32>} : memref<256x128xf32, #tpu.memory_space<vmem>>, vector<16xf32>,
        %mul3A_967 = arith.constant 16 : i32
        %mul3A_968 = arith.muli %add3A_932, %mul3A_967 : i32
        %get3A_969 = arith.constant 1 : i32
        %get3A_970 = arith.index_cast %get3A_969 : i32 to index
        %get3A_971 = arith.index_cast %mul3A_968 : i32 to index
        %get3A_972 = tpu.vector_load %arg10[%get3A_970, %get3A_971] {strides = array<i32>} : memref<2x4096xf32, #tpu.memory_space<vmem>>, vector<16xf32>,
        %mul3A_973 = vector.broadcast %squeeze3A_934 : f32 to vector<16xf32>
        %mul3A_974 = arith.mulf %get3A_972, %mul3A_973 : vector<16xf32>
        %swap3A_975 = arith.index_cast %add3A_932 : i32 to index
        %swap3A_976 = arith.constant 64 : index
        %swap3A_977 = tpu.vector_load %arg9[%swap3A_975, %swap3A_976] {strides = array<i32>} : memref<256x128xf32, #tpu.memory_space<vmem>>, vector<16xf32>,
        tpu.vector_store %arg9[%swap3A_975, %swap3A_976], %mul3A_974 {strides = array<i32>} : memref<256x128xf32, #tpu.memory_space<vmem>>, vector<16xf32>,
        %mul3A_978 = arith.constant 16 : i32
        %mul3A_979 = arith.muli %scan3A_435, %mul3A_978 : i32
        %add3A_980 = arith.constant 11 : i32
        %add3A_981 = arith.addi %mul3A_979, %add3A_980 : i32
        %slice3A_982 = vector.extract_strided_slice %get3A_439 {offsets = [11], sizes = [1], strides = [1]} : vector<16xf32> to vector<1xf32>
        %squeeze3A_983 = vector.extract %slice3A_982[0] : f32 from vector<1xf32>
        %get3A_984 = arith.index_cast %add3A_981 : i32 to index
        %get3A_985 = arith.constant 0 : index
        %get3A_986 = tpu.vector_load %arg9[%get3A_984, %get3A_985] {strides = array<i32>} : memref<256x128xf32, #tpu.memory_space<vmem>>, vector<16xf32>,
        %mul3A_987 = vector.broadcast %squeeze3A_983 : f32 to vector<16xf32>
        %mul3A_988 = arith.mulf %get3A_986, %mul3A_987 : vector<16xf32>
        %swap3A_989 = arith.index_cast %add3A_981 : i32 to index
        %swap3A_990 = arith.constant 0 : index
        %swap3A_991 = tpu.vector_load %arg9[%swap3A_989, %swap3A_990] {strides = array<i32>} : memref<256x128xf32, #tpu.memory_space<vmem>>, vector<16xf32>,
        tpu.vector_store %arg9[%swap3A_989, %swap3A_990], %mul3A_988 {strides = array<i32>} : memref<256x128xf32, #tpu.memory_space<vmem>>, vector<16xf32>,
        %get3A_992 = arith.index_cast %add3A_981 : i32 to index
        %get3A_993 = arith.constant 16 : index
        %get3A_994 = tpu.vector_load %arg9[%get3A_992, %get3A_993] {strides = array<i32>} : memref<256x128xf32, #tpu.memory_space<vmem>>, vector<16xf32>,
        %mul3A_995 = vector.broadcast %squeeze3A_983 : f32 to vector<16xf32>
        %mul3A_996 = arith.mulf %get3A_994, %mul3A_995 : vector<16xf32>
        %swap3A_997 = arith.index_cast %add3A_981 : i32 to index
        %swap3A_998 = arith.constant 16 : index
        %swap3A_999 = tpu.vector_load %arg9[%swap3A_997, %swap3A_998] {strides = array<i32>} : memref<256x128xf32, #tpu.memory_space<vmem>>, vector<16xf32>,
        tpu.vector_store %arg9[%swap3A_997, %swap3A_998], %mul3A_996 {strides = array<i32>} : memref<256x128xf32, #tpu.memory_space<vmem>>, vector<16xf32>,
        %get3A_1000 = arith.index_cast %add3A_981 : i32 to index
        %get3A_1001 = arith.constant 32 : index
        %get3A_1002 = tpu.vector_load %arg9[%get3A_1000, %get3A_1001] {strides = array<i32>} : memref<256x128xf32, #tpu.memory_space<vmem>>, vector<16xf32>,
        %mul3A_1003 = vector.broadcast %squeeze3A_983 : f32 to vector<16xf32>
        %mul3A_1004 = arith.mulf %get3A_1002, %mul3A_1003 : vector<16xf32>
        %swap3A_1005 = arith.index_cast %add3A_981 : i32 to index
        %swap3A_1006 = arith.constant 32 : index
        %swap3A_1007 = tpu.vector_load %arg9[%swap3A_1005, %swap3A_1006] {strides = array<i32>} : memref<256x128xf32, #tpu.memory_space<vmem>>, vector<16xf32>,
        tpu.vector_store %arg9[%swap3A_1005, %swap3A_1006], %mul3A_1004 {strides = array<i32>} : memref<256x128xf32, #tpu.memory_space<vmem>>, vector<16xf32>,
        %get3A_1008 = arith.index_cast %add3A_981 : i32 to index
        %get3A_1009 = arith.constant 48 : index
        %get3A_1010 = tpu.vector_load %arg9[%get3A_1008, %get3A_1009] {strides = array<i32>} : memref<256x128xf32, #tpu.memory_space<vmem>>, vector<16xf32>,
        %mul3A_1011 = vector.broadcast %squeeze3A_983 : f32 to vector<16xf32>
        %mul3A_1012 = arith.mulf %get3A_1010, %mul3A_1011 : vector<16xf32>
        %swap3A_1013 = arith.index_cast %add3A_981 : i32 to index
        %swap3A_1014 = arith.constant 48 : index
        %swap3A_1015 = tpu.vector_load %arg9[%swap3A_1013, %swap3A_1014] {strides = array<i32>} : memref<256x128xf32, #tpu.memory_space<vmem>>, vector<16xf32>,
        tpu.vector_store %arg9[%swap3A_1013, %swap3A_1014], %mul3A_1012 {strides = array<i32>} : memref<256x128xf32, #tpu.memory_space<vmem>>, vector<16xf32>,
        %mul3A_1016 = arith.constant 16 : i32
        %mul3A_1017 = arith.muli %add3A_981, %mul3A_1016 : i32
        %get3A_1018 = arith.constant 1 : i32
        %get3A_1019 = arith.index_cast %get3A_1018 : i32 to index
        %get3A_1020 = arith.index_cast %mul3A_1017 : i32 to index
        %get3A_1021 = tpu.vector_load %arg10[%get3A_1019, %get3A_1020] {strides = array<i32>} : memref<2x4096xf32, #tpu.memory_space<vmem>>, vector<16xf32>,
        %mul3A_1022 = vector.broadcast %squeeze3A_983 : f32 to vector<16xf32>
        %mul3A_1023 = arith.mulf %get3A_1021, %mul3A_1022 : vector<16xf32>
        %swap3A_1024 = arith.index_cast %add3A_981 : i32 to index
        %swap3A_1025 = arith.constant 64 : index
        %swap3A_1026 = tpu.vector_load %arg9[%swap3A_1024, %swap3A_1025] {strides = array<i32>} : memref<256x128xf32, #tpu.memory_space<vmem>>, vector<16xf32>,
        tpu.vector_store %arg9[%swap3A_1024, %swap3A_1025], %mul3A_1023 {strides = array<i32>} : memref<256x128xf32, #tpu.memory_space<vmem>>, vector<16xf32>,
        %mul3A_1027 = arith.constant 16 : i32
        %mul3A_1028 = arith.muli %scan3A_435, %mul3A_1027 : i32
        %add3A_1029 = arith.constant 12 : i32
        %add3A_1030 = arith.addi %mul3A_1028, %add3A_1029 : i32
        %slice3A_1031 = vector.extract_strided_slice %get3A_439 {offsets = [12], sizes = [1], strides = [1]} : vector<16xf32> to vector<1xf32>
        %squeeze3A_1032 = vector.extract %slice3A_1031[0] : f32 from vector<1xf32>
        %get3A_1033 = arith.index_cast %add3A_1030 : i32 to index
        %get3A_1034 = arith.constant 0 : index
        %get3A_1035 = tpu.vector_load %arg9[%get3A_1033, %get3A_1034] {strides = array<i32>} : memref<256x128xf32, #tpu.memory_space<vmem>>, vector<16xf32>,
        %mul3A_1036 = vector.broadcast %squeeze3A_1032 : f32 to vector<16xf32>
        %mul3A_1037 = arith.mulf %get3A_1035, %mul3A_1036 : vector<16xf32>
        %swap3A_1038 = arith.index_cast %add3A_1030 : i32 to index
        %swap3A_1039 = arith.constant 0 : index
        %swap3A_1040 = tpu.vector_load %arg9[%swap3A_1038, %swap3A_1039] {strides = array<i32>} : memref<256x128xf32, #tpu.memory_space<vmem>>, vector<16xf32>,
        tpu.vector_store %arg9[%swap3A_1038, %swap3A_1039], %mul3A_1037 {strides = array<i32>} : memref<256x128xf32, #tpu.memory_space<vmem>>, vector<16xf32>,
        %get3A_1041 = arith.index_cast %add3A_1030 : i32 to index
        %get3A_1042 = arith.constant 16 : index
        %get3A_1043 = tpu.vector_load %arg9[%get3A_1041, %get3A_1042] {strides = array<i32>} : memref<256x128xf32, #tpu.memory_space<vmem>>, vector<16xf32>,
        %mul3A_1044 = vector.broadcast %squeeze3A_1032 : f32 to vector<16xf32>
        %mul3A_1045 = arith.mulf %get3A_1043, %mul3A_1044 : vector<16xf32>
        %swap3A_1046 = arith.index_cast %add3A_1030 : i32 to index
        %swap3A_1047 = arith.constant 16 : index
        %swap3A_1048 = tpu.vector_load %arg9[%swap3A_1046, %swap3A_1047] {strides = array<i32>} : memref<256x128xf32, #tpu.memory_space<vmem>>, vector<16xf32>,
        tpu.vector_store %arg9[%swap3A_1046, %swap3A_1047], %mul3A_1045 {strides = array<i32>} : memref<256x128xf32, #tpu.memory_space<vmem>>, vector<16xf32>,
        %get3A_1049 = arith.index_cast %add3A_1030 : i32 to index
        %get3A_1050 = arith.constant 32 : index
        %get3A_1051 = tpu.vector_load %arg9[%get3A_1049, %get3A_1050] {strides = array<i32>} : memref<256x128xf32, #tpu.memory_space<vmem>>, vector<16xf32>,
        %mul3A_1052 = vector.broadcast %squeeze3A_1032 : f32 to vector<16xf32>
        %mul3A_1053 = arith.mulf %get3A_1051, %mul3A_1052 : vector<16xf32>
        %swap3A_1054 = arith.index_cast %add3A_1030 : i32 to index
        %swap3A_1055 = arith.constant 32 : index
        %swap3A_1056 = tpu.vector_load %arg9[%swap3A_1054, %swap3A_1055] {strides = array<i32>} : memref<256x128xf32, #tpu.memory_space<vmem>>, vector<16xf32>,
        tpu.vector_store %arg9[%swap3A_1054, %swap3A_1055], %mul3A_1053 {strides = array<i32>} : memref<256x128xf32, #tpu.memory_space<vmem>>, vector<16xf32>,
        %get3A_1057 = arith.index_cast %add3A_1030 : i32 to index
        %get3A_1058 = arith.constant 48 : index
        %get3A_1059 = tpu.vector_load %arg9[%get3A_1057, %get3A_1058] {strides = array<i32>} : memref<256x128xf32, #tpu.memory_space<vmem>>, vector<16xf32>,
        %mul3A_1060 = vector.broadcast %squeeze3A_1032 : f32 to vector<16xf32>
        %mul3A_1061 = arith.mulf %get3A_1059, %mul3A_1060 : vector<16xf32>
        %swap3A_1062 = arith.index_cast %add3A_1030 : i32 to index
        %swap3A_1063 = arith.constant 48 : index
        %swap3A_1064 = tpu.vector_load %arg9[%swap3A_1062, %swap3A_1063] {strides = array<i32>} : memref<256x128xf32, #tpu.memory_space<vmem>>, vector<16xf32>,
        tpu.vector_store %arg9[%swap3A_1062, %swap3A_1063], %mul3A_1061 {strides = array<i32>} : memref<256x128xf32, #tpu.memory_space<vmem>>, vector<16xf32>,
        %mul3A_1065 = arith.constant 16 : i32
        %mul3A_1066 = arith.muli %add3A_1030, %mul3A_1065 : i32
        %get3A_1067 = arith.constant 1 : i32
        %get3A_1068 = arith.index_cast %get3A_1067 : i32 to index
        %get3A_1069 = arith.index_cast %mul3A_1066 : i32 to index
        %get3A_1070 = tpu.vector_load %arg10[%get3A_1068, %get3A_1069] {strides = array<i32>} : memref<2x4096xf32, #tpu.memory_space<vmem>>, vector<16xf32>,
        %mul3A_1071 = vector.broadcast %squeeze3A_1032 : f32 to vector<16xf32>
        %mul3A_1072 = arith.mulf %get3A_1070, %mul3A_1071 : vector<16xf32>
        %swap3A_1073 = arith.index_cast %add3A_1030 : i32 to index
        %swap3A_1074 = arith.constant 64 : index
        %swap3A_1075 = tpu.vector_load %arg9[%swap3A_1073, %swap3A_1074] {strides = array<i32>} : memref<256x128xf32, #tpu.memory_space<vmem>>, vector<16xf32>,
        tpu.vector_store %arg9[%swap3A_1073, %swap3A_1074], %mul3A_1072 {strides = array<i32>} : memref<256x128xf32, #tpu.memory_space<vmem>>, vector<16xf32>,
        %mul3A_1076 = arith.constant 16 : i32
        %mul3A_1077 = arith.muli %scan3A_435, %mul3A_1076 : i32
        %add3A_1078 = arith.constant 13 : i32
        %add3A_1079 = arith.addi %mul3A_1077, %add3A_1078 : i32
        %slice3A_1080 = vector.extract_strided_slice %get3A_439 {offsets = [13], sizes = [1], strides = [1]} : vector<16xf32> to vector<1xf32>
        %squeeze3A_1081 = vector.extract %slice3A_1080[0] : f32 from vector<1xf32>
        %get3A_1082 = arith.index_cast %add3A_1079 : i32 to index
        %get3A_1083 = arith.constant 0 : index
        %get3A_1084 = tpu.vector_load %arg9[%get3A_1082, %get3A_1083] {strides = array<i32>} : memref<256x128xf32, #tpu.memory_space<vmem>>, vector<16xf32>,
        %mul3A_1085 = vector.broadcast %squeeze3A_1081 : f32 to vector<16xf32>
        %mul3A_1086 = arith.mulf %get3A_1084, %mul3A_1085 : vector<16xf32>
        %swap3A_1087 = arith.index_cast %add3A_1079 : i32 to index
        %swap3A_1088 = arith.constant 0 : index
        %swap3A_1089 = tpu.vector_load %arg9[%swap3A_1087, %swap3A_1088] {strides = array<i32>} : memref<256x128xf32, #tpu.memory_space<vmem>>, vector<16xf32>,
        tpu.vector_store %arg9[%swap3A_1087, %swap3A_1088], %mul3A_1086 {strides = array<i32>} : memref<256x128xf32, #tpu.memory_space<vmem>>, vector<16xf32>,
        %get3A_1090 = arith.index_cast %add3A_1079 : i32 to index
        %get3A_1091 = arith.constant 16 : index
        %get3A_1092 = tpu.vector_load %arg9[%get3A_1090, %get3A_1091] {strides = array<i32>} : memref<256x128xf32, #tpu.memory_space<vmem>>, vector<16xf32>,
        %mul3A_1093 = vector.broadcast %squeeze3A_1081 : f32 to vector<16xf32>
        %mul3A_1094 = arith.mulf %get3A_1092, %mul3A_1093 : vector<16xf32>
        %swap3A_1095 = arith.index_cast %add3A_1079 : i32 to index
        %swap3A_1096 = arith.constant 16 : index
        %swap3A_1097 = tpu.vector_load %arg9[%swap3A_1095, %swap3A_1096] {strides = array<i32>} : memref<256x128xf32, #tpu.memory_space<vmem>>, vector<16xf32>,
        tpu.vector_store %arg9[%swap3A_1095, %swap3A_1096], %mul3A_1094 {strides = array<i32>} : memref<256x128xf32, #tpu.memory_space<vmem>>, vector<16xf32>,
        %get3A_1098 = arith.index_cast %add3A_1079 : i32 to index
        %get3A_1099 = arith.constant 32 : index
        %get3A_1100 = tpu.vector_load %arg9[%get3A_1098, %get3A_1099] {strides = array<i32>} : memref<256x128xf32, #tpu.memory_space<vmem>>, vector<16xf32>,
        %mul3A_1101 = vector.broadcast %squeeze3A_1081 : f32 to vector<16xf32>
        %mul3A_1102 = arith.mulf %get3A_1100, %mul3A_1101 : vector<16xf32>
        %swap3A_1103 = arith.index_cast %add3A_1079 : i32 to index
        %swap3A_1104 = arith.constant 32 : index
        %swap3A_1105 = tpu.vector_load %arg9[%swap3A_1103, %swap3A_1104] {strides = array<i32>} : memref<256x128xf32, #tpu.memory_space<vmem>>, vector<16xf32>,
        tpu.vector_store %arg9[%swap3A_1103, %swap3A_1104], %mul3A_1102 {strides = array<i32>} : memref<256x128xf32, #tpu.memory_space<vmem>>, vector<16xf32>,
        %get3A_1106 = arith.index_cast %add3A_1079 : i32 to index
        %get3A_1107 = arith.constant 48 : index
        %get3A_1108 = tpu.vector_load %arg9[%get3A_1106, %get3A_1107] {strides = array<i32>} : memref<256x128xf32, #tpu.memory_space<vmem>>, vector<16xf32>,
        %mul3A_1109 = vector.broadcast %squeeze3A_1081 : f32 to vector<16xf32>
        %mul3A_1110 = arith.mulf %get3A_1108, %mul3A_1109 : vector<16xf32>
        %swap3A_1111 = arith.index_cast %add3A_1079 : i32 to index
        %swap3A_1112 = arith.constant 48 : index
        %swap3A_1113 = tpu.vector_load %arg9[%swap3A_1111, %swap3A_1112] {strides = array<i32>} : memref<256x128xf32, #tpu.memory_space<vmem>>, vector<16xf32>,
        tpu.vector_store %arg9[%swap3A_1111, %swap3A_1112], %mul3A_1110 {strides = array<i32>} : memref<256x128xf32, #tpu.memory_space<vmem>>, vector<16xf32>,
        %mul3A_1114 = arith.constant 16 : i32
        %mul3A_1115 = arith.muli %add3A_1079, %mul3A_1114 : i32
        %get3A_1116 = arith.constant 1 : i32
        %get3A_1117 = arith.index_cast %get3A_1116 : i32 to index
        %get3A_1118 = arith.index_cast %mul3A_1115 : i32 to index
        %get3A_1119 = tpu.vector_load %arg10[%get3A_1117, %get3A_1118] {strides = array<i32>} : memref<2x4096xf32, #tpu.memory_space<vmem>>, vector<16xf32>,
        %mul3A_1120 = vector.broadcast %squeeze3A_1081 : f32 to vector<16xf32>
        %mul3A_1121 = arith.mulf %get3A_1119, %mul3A_1120 : vector<16xf32>
        %swap3A_1122 = arith.index_cast %add3A_1079 : i32 to index
        %swap3A_1123 = arith.constant 64 : index
        %swap3A_1124 = tpu.vector_load %arg9[%swap3A_1122, %swap3A_1123] {strides = array<i32>} : memref<256x128xf32, #tpu.memory_space<vmem>>, vector<16xf32>,
        tpu.vector_store %arg9[%swap3A_1122, %swap3A_1123], %mul3A_1121 {strides = array<i32>} : memref<256x128xf32, #tpu.memory_space<vmem>>, vector<16xf32>,
        %mul3A_1125 = arith.constant 16 : i32
        %mul3A_1126 = arith.muli %scan3A_435, %mul3A_1125 : i32
        %add3A_1127 = arith.constant 14 : i32
        %add3A_1128 = arith.addi %mul3A_1126, %add3A_1127 : i32
        %slice3A_1129 = vector.extract_strided_slice %get3A_439 {offsets = [14], sizes = [1], strides = [1]} : vector<16xf32> to vector<1xf32>
        %squeeze3A_1130 = vector.extract %slice3A_1129[0] : f32 from vector<1xf32>
        %get3A_1131 = arith.index_cast %add3A_1128 : i32 to index
        %get3A_1132 = arith.constant 0 : index
        %get3A_1133 = tpu.vector_load %arg9[%get3A_1131, %get3A_1132] {strides = array<i32>} : memref<256x128xf32, #tpu.memory_space<vmem>>, vector<16xf32>,
        %mul3A_1134 = vector.broadcast %squeeze3A_1130 : f32 to vector<16xf32>
        %mul3A_1135 = arith.mulf %get3A_1133, %mul3A_1134 : vector<16xf32>
        %swap3A_1136 = arith.index_cast %add3A_1128 : i32 to index
        %swap3A_1137 = arith.constant 0 : index
        %swap3A_1138 = tpu.vector_load %arg9[%swap3A_1136, %swap3A_1137] {strides = array<i32>} : memref<256x128xf32, #tpu.memory_space<vmem>>, vector<16xf32>,
        tpu.vector_store %arg9[%swap3A_1136, %swap3A_1137], %mul3A_1135 {strides = array<i32>} : memref<256x128xf32, #tpu.memory_space<vmem>>, vector<16xf32>,
        %get3A_1139 = arith.index_cast %add3A_1128 : i32 to index
        %get3A_1140 = arith.constant 16 : index
        %get3A_1141 = tpu.vector_load %arg9[%get3A_1139, %get3A_1140] {strides = array<i32>} : memref<256x128xf32, #tpu.memory_space<vmem>>, vector<16xf32>,
        %mul3A_1142 = vector.broadcast %squeeze3A_1130 : f32 to vector<16xf32>
        %mul3A_1143 = arith.mulf %get3A_1141, %mul3A_1142 : vector<16xf32>
        %swap3A_1144 = arith.index_cast %add3A_1128 : i32 to index
        %swap3A_1145 = arith.constant 16 : index
        %swap3A_1146 = tpu.vector_load %arg9[%swap3A_1144, %swap3A_1145] {strides = array<i32>} : memref<256x128xf32, #tpu.memory_space<vmem>>, vector<16xf32>,
        tpu.vector_store %arg9[%swap3A_1144, %swap3A_1145], %mul3A_1143 {strides = array<i32>} : memref<256x128xf32, #tpu.memory_space<vmem>>, vector<16xf32>,
        %get3A_1147 = arith.index_cast %add3A_1128 : i32 to index
        %get3A_1148 = arith.constant 32 : index
        %get3A_1149 = tpu.vector_load %arg9[%get3A_1147, %get3A_1148] {strides = array<i32>} : memref<256x128xf32, #tpu.memory_space<vmem>>, vector<16xf32>,
        %mul3A_1150 = vector.broadcast %squeeze3A_1130 : f32 to vector<16xf32>
        %mul3A_1151 = arith.mulf %get3A_1149, %mul3A_1150 : vector<16xf32>
        %swap3A_1152 = arith.index_cast %add3A_1128 : i32 to index
        %swap3A_1153 = arith.constant 32 : index
        %swap3A_1154 = tpu.vector_load %arg9[%swap3A_1152, %swap3A_1153] {strides = array<i32>} : memref<256x128xf32, #tpu.memory_space<vmem>>, vector<16xf32>,
        tpu.vector_store %arg9[%swap3A_1152, %swap3A_1153], %mul3A_1151 {strides = array<i32>} : memref<256x128xf32, #tpu.memory_space<vmem>>, vector<16xf32>,
        %get3A_1155 = arith.index_cast %add3A_1128 : i32 to index
        %get3A_1156 = arith.constant 48 : index
        %get3A_1157 = tpu.vector_load %arg9[%get3A_1155, %get3A_1156] {strides = array<i32>} : memref<256x128xf32, #tpu.memory_space<vmem>>, vector<16xf32>,
        %mul3A_1158 = vector.broadcast %squeeze3A_1130 : f32 to vector<16xf32>
        %mul3A_1159 = arith.mulf %get3A_1157, %mul3A_1158 : vector<16xf32>
        %swap3A_1160 = arith.index_cast %add3A_1128 : i32 to index
        %swap3A_1161 = arith.constant 48 : index
        %swap3A_1162 = tpu.vector_load %arg9[%swap3A_1160, %swap3A_1161] {strides = array<i32>} : memref<256x128xf32, #tpu.memory_space<vmem>>, vector<16xf32>,
        tpu.vector_store %arg9[%swap3A_1160, %swap3A_1161], %mul3A_1159 {strides = array<i32>} : memref<256x128xf32, #tpu.memory_space<vmem>>, vector<16xf32>,
        %mul3A_1163 = arith.constant 16 : i32
        %mul3A_1164 = arith.muli %add3A_1128, %mul3A_1163 : i32
        %get3A_1165 = arith.constant 1 : i32
        %get3A_1166 = arith.index_cast %get3A_1165 : i32 to index
        %get3A_1167 = arith.index_cast %mul3A_1164 : i32 to index
        %get3A_1168 = tpu.vector_load %arg10[%get3A_1166, %get3A_1167] {strides = array<i32>} : memref<2x4096xf32, #tpu.memory_space<vmem>>, vector<16xf32>,
        %mul3A_1169 = vector.broadcast %squeeze3A_1130 : f32 to vector<16xf32>
        %mul3A_1170 = arith.mulf %get3A_1168, %mul3A_1169 : vector<16xf32>
        %swap3A_1171 = arith.index_cast %add3A_1128 : i32 to index
        %swap3A_1172 = arith.constant 64 : index
        %swap3A_1173 = tpu.vector_load %arg9[%swap3A_1171, %swap3A_1172] {strides = array<i32>} : memref<256x128xf32, #tpu.memory_space<vmem>>, vector<16xf32>,
        tpu.vector_store %arg9[%swap3A_1171, %swap3A_1172], %mul3A_1170 {strides = array<i32>} : memref<256x128xf32, #tpu.memory_space<vmem>>, vector<16xf32>,
        %mul3A_1174 = arith.constant 16 : i32
        %mul3A_1175 = arith.muli %scan3A_435, %mul3A_1174 : i32
        %add3A_1176 = arith.constant 15 : i32
        %add3A_1177 = arith.addi %mul3A_1175, %add3A_1176 : i32
        %slice3A_1178 = vector.extract_strided_slice %get3A_439 {offsets = [15], sizes = [1], strides = [1]} : vector<16xf32> to vector<1xf32>
        %squeeze3A_1179 = vector.extract %slice3A_1178[0] : f32 from vector<1xf32>
        %get3A_1180 = arith.index_cast %add3A_1177 : i32 to index
        %get3A_1181 = arith.constant 0 : index
        %get3A_1182 = tpu.vector_load %arg9[%get3A_1180, %get3A_1181] {strides = array<i32>} : memref<256x128xf32, #tpu.memory_space<vmem>>, vector<16xf32>,
        %mul3A_1183 = vector.broadcast %squeeze3A_1179 : f32 to vector<16xf32>
        %mul3A_1184 = arith.mulf %get3A_1182, %mul3A_1183 : vector<16xf32>
        %swap3A_1185 = arith.index_cast %add3A_1177 : i32 to index
        %swap3A_1186 = arith.constant 0 : index
        %swap3A_1187 = tpu.vector_load %arg9[%swap3A_1185, %swap3A_1186] {strides = array<i32>} : memref<256x128xf32, #tpu.memory_space<vmem>>, vector<16xf32>,
        tpu.vector_store %arg9[%swap3A_1185, %swap3A_1186], %mul3A_1184 {strides = array<i32>} : memref<256x128xf32, #tpu.memory_space<vmem>>, vector<16xf32>,
        %get3A_1188 = arith.index_cast %add3A_1177 : i32 to index
        %get3A_1189 = arith.constant 16 : index
        %get3A_1190 = tpu.vector_load %arg9[%get3A_1188, %get3A_1189] {strides = array<i32>} : memref<256x128xf32, #tpu.memory_space<vmem>>, vector<16xf32>,
        %mul3A_1191 = vector.broadcast %squeeze3A_1179 : f32 to vector<16xf32>
        %mul3A_1192 = arith.mulf %get3A_1190, %mul3A_1191 : vector<16xf32>
        %swap3A_1193 = arith.index_cast %add3A_1177 : i32 to index
        %swap3A_1194 = arith.constant 16 : index
        %swap3A_1195 = tpu.vector_load %arg9[%swap3A_1193, %swap3A_1194] {strides = array<i32>} : memref<256x128xf32, #tpu.memory_space<vmem>>, vector<16xf32>,
        tpu.vector_store %arg9[%swap3A_1193, %swap3A_1194], %mul3A_1192 {strides = array<i32>} : memref<256x128xf32, #tpu.memory_space<vmem>>, vector<16xf32>,
        %get3A_1196 = arith.index_cast %add3A_1177 : i32 to index
        %get3A_1197 = arith.constant 32 : index
        %get3A_1198 = tpu.vector_load %arg9[%get3A_1196, %get3A_1197] {strides = array<i32>} : memref<256x128xf32, #tpu.memory_space<vmem>>, vector<16xf32>,
        %mul3A_1199 = vector.broadcast %squeeze3A_1179 : f32 to vector<16xf32>
        %mul3A_1200 = arith.mulf %get3A_1198, %mul3A_1199 : vector<16xf32>
        %swap3A_1201 = arith.index_cast %add3A_1177 : i32 to index
        %swap3A_1202 = arith.constant 32 : index
        %swap3A_1203 = tpu.vector_load %arg9[%swap3A_1201, %swap3A_1202] {strides = array<i32>} : memref<256x128xf32, #tpu.memory_space<vmem>>, vector<16xf32>,
        tpu.vector_store %arg9[%swap3A_1201, %swap3A_1202], %mul3A_1200 {strides = array<i32>} : memref<256x128xf32, #tpu.memory_space<vmem>>, vector<16xf32>,
        %get3A_1204 = arith.index_cast %add3A_1177 : i32 to index
        %get3A_1205 = arith.constant 48 : index
        %get3A_1206 = tpu.vector_load %arg9[%get3A_1204, %get3A_1205] {strides = array<i32>} : memref<256x128xf32, #tpu.memory_space<vmem>>, vector<16xf32>,
        %mul3A_1207 = vector.broadcast %squeeze3A_1179 : f32 to vector<16xf32>
        %mul3A_1208 = arith.mulf %get3A_1206, %mul3A_1207 : vector<16xf32>
        %swap3A_1209 = arith.index_cast %add3A_1177 : i32 to index
        %swap3A_1210 = arith.constant 48 : index
        %swap3A_1211 = tpu.vector_load %arg9[%swap3A_1209, %swap3A_1210] {strides = array<i32>} : memref<256x128xf32, #tpu.memory_space<vmem>>, vector<16xf32>,
        tpu.vector_store %arg9[%swap3A_1209, %swap3A_1210], %mul3A_1208 {strides = array<i32>} : memref<256x128xf32, #tpu.memory_space<vmem>>, vector<16xf32>,
        %mul3A_1212 = arith.constant 16 : i32
        %mul3A_1213 = arith.muli %add3A_1177, %mul3A_1212 : i32
        %get3A_1214 = arith.constant 1 : i32
        %get3A_1215 = arith.index_cast %get3A_1214 : i32 to index
        %get3A_1216 = arith.index_cast %mul3A_1213 : i32 to index
        %get3A_1217 = tpu.vector_load %arg10[%get3A_1215, %get3A_1216] {strides = array<i32>} : memref<2x4096xf32, #tpu.memory_space<vmem>>, vector<16xf32>,
        %mul3A_1218 = vector.broadcast %squeeze3A_1179 : f32 to vector<16xf32>
        %mul3A_1219 = arith.mulf %get3A_1217, %mul3A_1218 : vector<16xf32>
        %swap3A_1220 = arith.index_cast %add3A_1177 : i32 to index
        %swap3A_1221 = arith.constant 64 : index
        %swap3A_1222 = tpu.vector_load %arg9[%swap3A_1220, %swap3A_1221] {strides = array<i32>} : memref<256x128xf32, #tpu.memory_space<vmem>>, vector<16xf32>,
        tpu.vector_store %arg9[%swap3A_1220, %swap3A_1221], %mul3A_1219 {strides = array<i32>} : memref<256x128xf32, #tpu.memory_space<vmem>>, vector<16xf32>,
      }
      %scan3A_425 = arith.constant 16 : i32
      %run_scoped3A_426 = arith.constant 2 : i32
      "tpu.region"() ({
        %run_scoped3A_435 = tpu.sem_alloc : memref<!tpu.dma_semaphore, #tpu.memory_space<semaphore_mem>>
        %dma_start3A_436 = arith.constant 0 : i32
        %dma_start3A_437 = arith.constant 0 : i32
        %dma_start3A_438 = tpu.memref_slice %arg9[%dma_start3A_436, %dma_start3A_437] : memref<256x128xf32, #tpu.memory_space<vmem>> -> memref<128x128xf32, #tpu.memory_space<vmem>>
        %dma_start3A_439 = arith.constant 0 : i32
        %dma_start3A_440 = tpu.memref_slice %arg14[%run_scoped3A_426, %dma_start3A_439] : memref<4x128xi32, #tpu.memory_space<vmem>> -> memref<1x128xi32, #tpu.memory_space<vmem>>
        %dma_start3A_441 = tpu.memref_squeeze %dma_start3A_440 : memref<1x128xi32, #tpu.memory_space<vmem>> -> memref<128xi32, #tpu.memory_space<vmem>>
        %dma_start3A_442 = arith.constant 0 : i32
        %dma_start3A_443 = arith.constant 0 : i32
        %dma_start3A_444 = tpu.memref_slice %arg16[%dma_start3A_442, %dma_start3A_443] : memref<10240x128xf32, #tpu.memory_space<vmem_shared>> -> memref<10240x128xf32, #tpu.memory_space<vmem_shared>>
        tpu.enqueue_indirect_dma source(%dma_start3A_438 : memref<128x128xf32, #tpu.memory_space<vmem>>) target(%dma_start3A_444 : memref<10240x128xf32, #tpu.memory_space<vmem_shared>>) offsets(%dma_start3A_441 : memref<128xi32, #tpu.memory_space<vmem>>) semaphore(%run_scoped3A_435 : memref<!tpu.dma_semaphore, #tpu.memory_space<semaphore_mem>>) {add = true}
        %dma_wait3A_445 = arith.constant 0 : i32
        %dma_wait3A_446 = arith.constant 0 : i32
        %dma_wait3A_447 = tpu.memref_slice %arg9[%dma_wait3A_445, %dma_wait3A_446] : memref<256x128xf32, #tpu.memory_space<vmem>> -> memref<128x128xf32, #tpu.memory_space<vmem>>
        %dma_wait3A_448 = arith.constant 0 : i32
        %dma_wait3A_449 = tpu.memref_slice %arg14[%run_scoped3A_426, %dma_wait3A_448] : memref<4x128xi32, #tpu.memory_space<vmem>> -> memref<1x128xi32, #tpu.memory_space<vmem>>
        %dma_wait3A_450 = tpu.memref_squeeze %dma_wait3A_449 : memref<1x128xi32, #tpu.memory_space<vmem>> -> memref<128xi32, #tpu.memory_space<vmem>>
        %dma_wait3A_451 = arith.constant 0 : i32
        %dma_wait3A_452 = arith.constant 0 : i32
        %dma_wait3A_453 = tpu.memref_slice %arg16[%dma_wait3A_451, %dma_wait3A_452] : memref<10240x128xf32, #tpu.memory_space<vmem_shared>> -> memref<10240x128xf32, #tpu.memory_space<vmem_shared>>
        tpu.wait_indirect_dma semaphore(%run_scoped3A_435 : memref<!tpu.dma_semaphore, #tpu.memory_space<semaphore_mem>>) src(%dma_wait3A_447 : memref<128x128xf32, #tpu.memory_space<vmem>>) dst(%dma_wait3A_453 : memref<10240x128xf32, #tpu.memory_space<vmem_shared>>)
        tpu.yield
      }) : () -> ()
      %run_scoped3A_427 = arith.constant 3 : i32
      "tpu.region"() ({
        %run_scoped3A_435 = tpu.sem_alloc : memref<!tpu.dma_semaphore, #tpu.memory_space<semaphore_mem>>
        %dma_start3A_436 = arith.constant 128 : i32
        %dma_start3A_437 = arith.constant 0 : i32
        %dma_start3A_438 = tpu.memref_slice %arg9[%dma_start3A_436, %dma_start3A_437] : memref<256x128xf32, #tpu.memory_space<vmem>> -> memref<128x128xf32, #tpu.memory_space<vmem>>
        %dma_start3A_439 = arith.constant 0 : i32
        %dma_start3A_440 = tpu.memref_slice %arg14[%run_scoped3A_427, %dma_start3A_439] : memref<4x128xi32, #tpu.memory_space<vmem>> -> memref<1x128xi32, #tpu.memory_space<vmem>>
        %dma_start3A_441 = tpu.memref_squeeze %dma_start3A_440 : memref<1x128xi32, #tpu.memory_space<vmem>> -> memref<128xi32, #tpu.memory_space<vmem>>
        %dma_start3A_442 = arith.constant 0 : i32
        %dma_start3A_443 = arith.constant 0 : i32
        %dma_start3A_444 = tpu.memref_slice %arg16[%dma_start3A_442, %dma_start3A_443] : memref<10240x128xf32, #tpu.memory_space<vmem_shared>> -> memref<10240x128xf32, #tpu.memory_space<vmem_shared>>
        tpu.enqueue_indirect_dma source(%dma_start3A_438 : memref<128x128xf32, #tpu.memory_space<vmem>>) target(%dma_start3A_444 : memref<10240x128xf32, #tpu.memory_space<vmem_shared>>) offsets(%dma_start3A_441 : memref<128xi32, #tpu.memory_space<vmem>>) semaphore(%run_scoped3A_435 : memref<!tpu.dma_semaphore, #tpu.memory_space<semaphore_mem>>) {add = true}
        %dma_wait3A_445 = arith.constant 128 : i32
        %dma_wait3A_446 = arith.constant 0 : i32
        %dma_wait3A_447 = tpu.memref_slice %arg9[%dma_wait3A_445, %dma_wait3A_446] : memref<256x128xf32, #tpu.memory_space<vmem>> -> memref<128x128xf32, #tpu.memory_space<vmem>>
        %dma_wait3A_448 = arith.constant 0 : i32
        %dma_wait3A_449 = tpu.memref_slice %arg14[%run_scoped3A_427, %dma_wait3A_448] : memref<4x128xi32, #tpu.memory_space<vmem>> -> memref<1x128xi32, #tpu.memory_space<vmem>>
        %dma_wait3A_450 = tpu.memref_squeeze %dma_wait3A_449 : memref<1x128xi32, #tpu.memory_space<vmem>> -> memref<128xi32, #tpu.memory_space<vmem>>
        %dma_wait3A_451 = arith.constant 0 : i32
        %dma_wait3A_452 = arith.constant 0 : i32
        %dma_wait3A_453 = tpu.memref_slice %arg16[%dma_wait3A_451, %dma_wait3A_452] : memref<10240x128xf32, #tpu.memory_space<vmem_shared>> -> memref<10240x128xf32, #tpu.memory_space<vmem_shared>>
        tpu.wait_indirect_dma semaphore(%run_scoped3A_435 : memref<!tpu.dma_semaphore, #tpu.memory_space<semaphore_mem>>) src(%dma_wait3A_447 : memref<128x128xf32, #tpu.memory_space<vmem>>) dst(%dma_wait3A_453 : memref<10240x128xf32, #tpu.memory_space<vmem_shared>>)
        tpu.yield
      }) : () -> ()
      %add3A_428 = arith.constant 2 : i32
      %add3A_429 = arith.addi %add3A_310, %add3A_428 : i32
      %lt3A_430 = arith.constant 40 : i32
      %lt3A_431 = arith.cmpi slt, %add3A_429, %lt3A_430 : i32
      %convert_element_type3A_432 = arith.extui %lt3A_431 : i1 to i32
      %cond3A_433 = arith.constant 0 : i32
      %cond3A_434 = arith.cmpi ne, %convert_element_type3A_432, %cond3A_433 : i32
      scf.if %cond3A_434 {
        %add3A_435 = arith.constant 2 : i32
        %add3A_436 = arith.addi %add3A_310, %add3A_435 : i32
        %mul3A_437 = arith.constant 10240 : i32
        %mul3A_438 = arith.muli %add3A, %mul3A_437 : i32
        %mul3A_439 = arith.constant 256 : i32
        %mul3A_440 = arith.muli %add3A_436, %mul3A_439 : i32
        %add3A_441 = arith.addi %mul3A_438, %mul3A_440 : i32
        %mul3A_442 = arith.constant 80 : i32
        %mul3A_443 = arith.muli %add3A, %mul3A_442 : i32
        %mul3A_444 = arith.constant 2 : i32
        %mul3A_445 = arith.muli %add3A_436, %mul3A_444 : i32
        %add3A_446 = arith.addi %mul3A_443, %mul3A_445 : i32
        %mul3A_447 = arith.constant 16 : i32
        %mul3A_448 = arith.muli %add3A_441, %mul3A_447 : i32
        %dma_start3A_449 = arith.constant 2 : i32
        %dma_start3A_450 = arith.constant 0 : i32
        %dma_start3A_451 = tpu.memref_slice %arg13[%dma_start3A_449, %dma_start3A_450] : memref<4x128xi32, #tpu.memory_space<vmem>> -> memref<2x128xi32, #tpu.memory_space<vmem>>
        %dma_start3A_452 = arith.constant 0 : i32
        %dma_start3A_453 = tpu.memref_slice %arg2[%add3A_446, %dma_start3A_452] : memref<2560x128xi32, #tpu.memory_space<hbm>> -> memref<2x128xi32, #tpu.memory_space<hbm>>
        %dma_start3A_454 = arith.constant 2 : i32
        %dma_start3A_455 = arith.constant 0 : i32
        %dma_start3A_456 = tpu.memref_slice %arg13[%dma_start3A_454, %dma_start3A_455] : memref<4x128xi32, #tpu.memory_space<vmem>> -> memref<2x128xi32, #tpu.memory_space<vmem>>
        %dma_start3A_457 = arith.constant 0 : i32
        %dma_start3A_458 = tpu.memref_slice %arg2[%add3A_446, %dma_start3A_457] : memref<2560x128xi32, #tpu.memory_space<hbm>> -> memref<2x128xi32, #tpu.memory_space<hbm>>
        tpu.enqueue_dma source(%dma_start3A_458 : memref<2x128xi32, #tpu.memory_space<hbm>>) target(%dma_start3A_456 : memref<2x128xi32, #tpu.memory_space<vmem>>) target_semaphore(%arg19 : memref<!tpu.dma_semaphore, #tpu.memory_space<semaphore_mem>>)
        %dma_start3A_459 = arith.constant 2 : i32
        %dma_start3A_460 = arith.constant 0 : i32
        %dma_start3A_461 = tpu.memref_slice %arg14[%dma_start3A_459, %dma_start3A_460] : memref<4x128xi32, #tpu.memory_space<vmem>> -> memref<2x128xi32, #tpu.memory_space<vmem>>
        %dma_start3A_462 = arith.constant 0 : i32
        %dma_start3A_463 = tpu.memref_slice %arg3[%add3A_446, %dma_start3A_462] : memref<2560x128xi32, #tpu.memory_space<hbm>> -> memref<2x128xi32, #tpu.memory_space<hbm>>
        %dma_start3A_464 = arith.constant 2 : i32
        %dma_start3A_465 = arith.constant 0 : i32
        %dma_start3A_466 = tpu.memref_slice %arg14[%dma_start3A_464, %dma_start3A_465] : memref<4x128xi32, #tpu.memory_space<vmem>> -> memref<2x128xi32, #tpu.memory_space<vmem>>
        %dma_start3A_467 = arith.constant 0 : i32
        %dma_start3A_468 = tpu.memref_slice %arg3[%add3A_446, %dma_start3A_467] : memref<2560x128xi32, #tpu.memory_space<hbm>> -> memref<2x128xi32, #tpu.memory_space<hbm>>
        tpu.enqueue_dma source(%dma_start3A_468 : memref<2x128xi32, #tpu.memory_space<hbm>>) target(%dma_start3A_466 : memref<2x128xi32, #tpu.memory_space<vmem>>) target_semaphore(%arg19 : memref<!tpu.dma_semaphore, #tpu.memory_space<semaphore_mem>>)
        %dma_start3A_469 = arith.constant 1 : i32
        %dma_start3A_470 = arith.constant 0 : i32
        %dma_start3A_471 = tpu.memref_slice %arg10[%dma_start3A_469, %dma_start3A_470] : memref<2x4096xf32, #tpu.memory_space<vmem>> -> memref<1x4096xf32, #tpu.memory_space<vmem>>
        %dma_start3A_472 = tpu.memref_squeeze %dma_start3A_471 : memref<1x4096xf32, #tpu.memory_space<vmem>> -> memref<4096xf32, #tpu.memory_space<vmem>>
        %dma_start3A_473 = tpu.memref_slice %arg4[%mul3A_448] : memref<5242880xf32, #tpu.memory_space<hbm>> -> memref<4096xf32, #tpu.memory_space<hbm>>
        %dma_start3A_474 = arith.constant 0 : i32
        %dma_start3A_475 = tpu.memref_slice %arg10[%dma_start3A_469, %dma_start3A_474] : memref<2x4096xf32, #tpu.memory_space<vmem>> -> memref<1x4096xf32, #tpu.memory_space<vmem>>
        %dma_start3A_476 = tpu.memref_squeeze %dma_start3A_475 : memref<1x4096xf32, #tpu.memory_space<vmem>> -> memref<4096xf32, #tpu.memory_space<vmem>>
        %dma_start3A_477 = tpu.memref_slice %arg4[%mul3A_448] : memref<5242880xf32, #tpu.memory_space<hbm>> -> memref<4096xf32, #tpu.memory_space<hbm>>
        tpu.enqueue_dma source(%dma_start3A_477 : memref<4096xf32, #tpu.memory_space<hbm>>) target(%dma_start3A_476 : memref<4096xf32, #tpu.memory_space<vmem>>) target_semaphore(%arg21 : memref<!tpu.dma_semaphore, #tpu.memory_space<semaphore_mem>>)
        %dma_start3A_478 = arith.constant 8 : i32
        %dma_start3A_479 = arith.constant 0 : i32
        %dma_start3A_480 = tpu.memref_slice %arg12[%dma_start3A_478, %dma_start3A_479] : memref<16x256xf32, #tpu.memory_space<vmem>> -> memref<8x256xf32, #tpu.memory_space<vmem>>
        %dma_start3A_481 = arith.constant 0 : i32
        %dma_start3A_482 = tpu.memref_slice %arg6[%dma_start3A_481, %add3A_441] : memref<8x327680xf32, #tpu.memory_space<hbm>> -> memref<8x256xf32, #tpu.memory_space<hbm>>
        %dma_start3A_483 = arith.constant 8 : i32
        %dma_start3A_484 = arith.constant 0 : i32
        %dma_start3A_485 = tpu.memref_slice %arg12[%dma_start3A_483, %dma_start3A_484] : memref<16x256xf32, #tpu.memory_space<vmem>> -> memref<8x256xf32, #tpu.memory_space<vmem>>
        %dma_start3A_486 = arith.constant 0 : i32
        %dma_start3A_487 = tpu.memref_slice %arg6[%dma_start3A_486, %add3A_441] : memref<8x327680xf32, #tpu.memory_space<hbm>> -> memref<8x256xf32, #tpu.memory_space<hbm>>
        tpu.enqueue_dma source(%dma_start3A_487 : memref<8x256xf32, #tpu.memory_space<hbm>>) target(%dma_start3A_485 : memref<8x256xf32, #tpu.memory_space<vmem>>) target_semaphore(%arg21 : memref<!tpu.dma_semaphore, #tpu.memory_space<semaphore_mem>>)
      } else {
      }
    }
    %scan3A_150 = arith.constant 20 : i32
    %barrier3A_151 = arith.constant 0 : index
    tpu.barrier barrier_id(%barrier3A_151)
    %mul3A_152 = arith.constant 640 : i32
    %mul3A_153 = arith.muli %arg1, %mul3A_152 : i32
    %add3A_154 = arith.constant 0 : i32
    %add3A_155 = arith.addi %mul3A_153, %add3A_154 : i32
    %mul3A_156 = arith.constant 10240 : i32
    %mul3A_157 = arith.muli %arg0, %mul3A_156 : i32
    %mul3A_158 = arith.constant 640 : i32
    %mul3A_159 = arith.muli %arg1, %mul3A_158 : i32
    %add3A_160 = arith.addi %mul3A_157, %mul3A_159 : i32
    %add3A_161 = arith.constant 0 : i32
    %add3A_162 = arith.addi %add3A_160, %add3A_161 : i32
    "tpu.region"() ({
      %run_scoped3A = tpu.sem_alloc : memref<!tpu.dma_semaphore, #tpu.memory_space<semaphore_mem>>
      %dma_start3A_185 = arith.constant 0 : i32
      %dma_start3A_186 = tpu.memref_slice %arg8[%add3A_162, %dma_start3A_185] : memref<20480x128xf32, #tpu.memory_space<hbm>> -> memref<256x128xf32, #tpu.memory_space<hbm>>
      %dma_start3A_187 = arith.constant 0 : i32
      %dma_start3A_188 = tpu.memref_slice %arg16[%add3A_155, %dma_start3A_187] : memref<10240x128xf32, #tpu.memory_space<vmem_shared>> -> memref<256x128xf32, #tpu.memory_space<vmem_shared>>
      tpu.enqueue_dma source(%dma_start3A_188 : memref<256x128xf32, #tpu.memory_space<vmem_shared>>) target(%dma_start3A_186 : memref<256x128xf32, #tpu.memory_space<hbm>>) target_semaphore(%run_scoped3A : memref<!tpu.dma_semaphore, #tpu.memory_space<semaphore_mem>>)
      %dma_wait3A = arith.constant 0 : i32
      %dma_wait3A_189 = tpu.memref_slice %arg8[%add3A_162, %dma_wait3A] : memref<20480x128xf32, #tpu.memory_space<hbm>> -> memref<256x128xf32, #tpu.memory_space<hbm>>
      %dma_wait3A_190 = arith.constant 0 : i32
      %dma_wait3A_191 = tpu.memref_slice %arg16[%add3A_155, %dma_wait3A_190] : memref<10240x128xf32, #tpu.memory_space<vmem_shared>> -> memref<256x128xf32, #tpu.memory_space<vmem_shared>>
      tpu.wait_dma2 semaphore(%run_scoped3A : memref<!tpu.dma_semaphore, #tpu.memory_space<semaphore_mem>>) src(%dma_wait3A_191 : memref<256x128xf32, #tpu.memory_space<vmem_shared>>) dst(%dma_wait3A_189 : memref<256x128xf32, #tpu.memory_space<hbm>>)
      tpu.yield
    }) : () -> ()
    %mul3A_163 = arith.constant 640 : i32
    %mul3A_164 = arith.muli %arg1, %mul3A_163 : i32
    %add3A_165 = arith.constant 256 : i32
    %add3A_166 = arith.addi %mul3A_164, %add3A_165 : i32
    %mul3A_167 = arith.constant 10240 : i32
    %mul3A_168 = arith.muli %arg0, %mul3A_167 : i32
    %mul3A_169 = arith.constant 640 : i32
    %mul3A_170 = arith.muli %arg1, %mul3A_169 : i32
    %add3A_171 = arith.addi %mul3A_168, %mul3A_170 : i32
    %add3A_172 = arith.constant 256 : i32
    %add3A_173 = arith.addi %add3A_171, %add3A_172 : i32
    "tpu.region"() ({
      %run_scoped3A = tpu.sem_alloc : memref<!tpu.dma_semaphore, #tpu.memory_space<semaphore_mem>>
      %dma_start3A_185 = arith.constant 0 : i32
      %dma_start3A_186 = tpu.memref_slice %arg8[%add3A_173, %dma_start3A_185] : memref<20480x128xf32, #tpu.memory_space<hbm>> -> memref<256x128xf32, #tpu.memory_space<hbm>>
      %dma_start3A_187 = arith.constant 0 : i32
      %dma_start3A_188 = tpu.memref_slice %arg16[%add3A_166, %dma_start3A_187] : memref<10240x128xf32, #tpu.memory_space<vmem_shared>> -> memref<256x128xf32, #tpu.memory_space<vmem_shared>>
      tpu.enqueue_dma source(%dma_start3A_188 : memref<256x128xf32, #tpu.memory_space<vmem_shared>>) target(%dma_start3A_186 : memref<256x128xf32, #tpu.memory_space<hbm>>) target_semaphore(%run_scoped3A : memref<!tpu.dma_semaphore, #tpu.memory_space<semaphore_mem>>)
      %dma_wait3A = arith.constant 0 : i32
      %dma_wait3A_189 = tpu.memref_slice %arg8[%add3A_173, %dma_wait3A] : memref<20480x128xf32, #tpu.memory_space<hbm>> -> memref<256x128xf32, #tpu.memory_space<hbm>>
      %dma_wait3A_190 = arith.constant 0 : i32
      %dma_wait3A_191 = tpu.memref_slice %arg16[%add3A_166, %dma_wait3A_190] : memref<10240x128xf32, #tpu.memory_space<vmem_shared>> -> memref<256x128xf32, #tpu.memory_space<vmem_shared>>
      tpu.wait_dma2 semaphore(%run_scoped3A : memref<!tpu.dma_semaphore, #tpu.memory_space<semaphore_mem>>) src(%dma_wait3A_191 : memref<256x128xf32, #tpu.memory_space<vmem_shared>>) dst(%dma_wait3A_189 : memref<256x128xf32, #tpu.memory_space<hbm>>)
      tpu.yield
    }) : () -> ()
    %mul3A_174 = arith.constant 640 : i32
    %mul3A_175 = arith.muli %arg1, %mul3A_174 : i32
    %add3A_176 = arith.constant 512 : i32
    %add3A_177 = arith.addi %mul3A_175, %add3A_176 : i32
    %mul3A_178 = arith.constant 10240 : i32
    %mul3A_179 = arith.muli %arg0, %mul3A_178 : i32
    %mul3A_180 = arith.constant 640 : i32
    %mul3A_181 = arith.muli %arg1, %mul3A_180 : i32
    %add3A_182 = arith.addi %mul3A_179, %mul3A_181 : i32
    %add3A_183 = arith.constant 512 : i32
    %add3A_184 = arith.addi %add3A_182, %add3A_183 : i32
    "tpu.region"() ({
      %run_scoped3A = tpu.sem_alloc : memref<!tpu.dma_semaphore, #tpu.memory_space<semaphore_mem>>
      %dma_start3A_185 = arith.constant 0 : i32
      %dma_start3A_186 = tpu.memref_slice %arg8[%add3A_184, %dma_start3A_185] : memref<20480x128xf32, #tpu.memory_space<hbm>> -> memref<128x128xf32, #tpu.memory_space<hbm>>
      %dma_start3A_187 = arith.constant 0 : i32
      %dma_start3A_188 = tpu.memref_slice %arg16[%add3A_177, %dma_start3A_187] : memref<10240x128xf32, #tpu.memory_space<vmem_shared>> -> memref<128x128xf32, #tpu.memory_space<vmem_shared>>
      tpu.enqueue_dma source(%dma_start3A_188 : memref<128x128xf32, #tpu.memory_space<vmem_shared>>) target(%dma_start3A_186 : memref<128x128xf32, #tpu.memory_space<hbm>>) target_semaphore(%run_scoped3A : memref<!tpu.dma_semaphore, #tpu.memory_space<semaphore_mem>>)
      %dma_wait3A = arith.constant 0 : i32
      %dma_wait3A_189 = tpu.memref_slice %arg8[%add3A_184, %dma_wait3A] : memref<20480x128xf32, #tpu.memory_space<hbm>> -> memref<128x128xf32, #tpu.memory_space<hbm>>
      %dma_wait3A_190 = arith.constant 0 : i32
      %dma_wait3A_191 = tpu.memref_slice %arg16[%add3A_177, %dma_wait3A_190] : memref<10240x128xf32, #tpu.memory_space<vmem_shared>> -> memref<128x128xf32, #tpu.memory_space<vmem_shared>>
      tpu.wait_dma2 semaphore(%run_scoped3A : memref<!tpu.dma_semaphore, #tpu.memory_space<semaphore_mem>>) src(%dma_wait3A_191 : memref<128x128xf32, #tpu.memory_space<vmem_shared>>) dst(%dma_wait3A_189 : memref<128x128xf32, #tpu.memory_space<hbm>>)
      tpu.yield
    }) : () -> ()
    return
  }
}

module attributes {stable_mosaic.version = 14 : i64} {
  func.func @_a2_body(%arg0: i32, %arg1: memref<2560x16xf32, #tpu.memory_space<vmem>>, %arg2: memref<2560x4xf32, #tpu.memory_space<vmem>>, %arg3: memref<16x16xf32, #tpu.memory_space<vmem>>, %arg4: memref<1x144xf32, #tpu.memory_space<vmem>>, %arg5: memref<1x1x2560xf32, #tpu.memory_space<vmem>>, %arg6: memref<16x2560xf32, #tpu.memory_space<vmem>>, %arg7: memref<1x1x2560xf32, #tpu.memory_space<vmem>>, %arg8: memref<1x1x2560xf32, #tpu.memory_space<vmem>>, %arg9: memref<1x1x2560xf32, #tpu.memory_space<vmem>>, %arg10: memref<1x1x2560xf32, #tpu.memory_space<vmem>>) attributes {dimension_semantics = [#tpu.dimension_semantics<arbitrary>], iteration_bounds = array<i64: 125>, scalar_prefetch = 0 : i64, scratch_operands = 0 : i64, tpu.core_type = #tpu.core_type<tc>, window_params = [{transform_indices = @transform_0, window_bounds = array<i64: 2560, 16>}, {transform_indices = @transform_1, window_bounds = array<i64: 2560, 4>}, {pipeline_mode = #tpu.pipeline_mode<synchronous>, transform_indices = @transform_2, window_bounds = array<i64: 16, 16>}, {pipeline_mode = #tpu.pipeline_mode<synchronous>, transform_indices = @transform_3, window_bounds = array<i64: 1, 144>}, {transform_indices = @transform_4, window_bounds = array<i64: 1, 1, 2560>}, {transform_indices = @transform_5, window_bounds = array<i64: 16, 2560>}, {transform_indices = @transform_6, window_bounds = array<i64: 1, 1, 2560>}, {transform_indices = @transform_7, window_bounds = array<i64: 1, 1, 2560>}, {transform_indices = @transform_8, window_bounds = array<i64: 1, 1, 2560>}, {transform_indices = @transform_9, window_bounds = array<i64: 1, 1, 2560>}]} {
    %get3A = arith.constant 0 : index
    %get3A_0 = arith.constant 0 : index
    %get3A_1 = vector.load %arg4[%get3A, %get3A_0] : memref<1x144xf32, #tpu.memory_space<vmem>>, vector<1x144xf32>
    %slice3A = vector.extract_strided_slice %get3A_1 {offsets = [0, 64], sizes = [1, 16], strides = [1, 1]} : vector<1x144xf32> to vector<1x16xf32>
    %squeeze3A = vector.shape_cast %slice3A : vector<1x16xf32> to vector<16xf32>
    %get3A_2 = arith.constant 0 : index
    %get3A_3 = arith.constant 0 : index
    %get3A_4 = vector.load %arg3[%get3A_2, %get3A_3] : memref<16x16xf32, #tpu.memory_space<vmem>>, vector<16x16xf32>
    %dot_general3A = arith.constant dense<0.000000e+00> : vector<16xf32>
    %dot_general3A_5 = tpu.matmul %squeeze3A, %get3A_4, %dot_general3A {dimension_numbers = #tpu.dot_dimension_numbers<[0], [0], [], [1], [1, 1], [], []>, transpose_lhs_hint = false} : vector<16xf32>, vector<16x16xf32>, vector<16xf32> -> vector<16xf32>
    %get3A_6 = arith.constant 0 : index
    %get3A_7 = arith.constant 0 : index
    %get3A_8 = vector.load %arg1[%get3A_6, %get3A_7] : memref<2560x16xf32, #tpu.memory_space<vmem>>, vector<2560x16xf32>
    %dot_general3A_9 = arith.constant dense<0.000000e+00> : vector<2560xf32>
    %dot_general3A_10 = tpu.matmul %get3A_8, %dot_general3A_5, %dot_general3A_9 {dimension_numbers = #tpu.dot_dimension_numbers<[1], [0], [0], [], [0, 0], [], []>, transpose_lhs_hint = false} : vector<2560x16xf32>, vector<16xf32>, vector<2560xf32> -> vector<2560xf32>
    %reshape3A = vector.shape_cast %dot_general3A_10 : vector<2560xf32> to vector<1x1x2560xf32>
    %swap3A = arith.constant 0 : index
    %swap3A_11 = arith.constant 0 : index
    %swap3A_12 = arith.constant 0 : index
    %swap3A_13 = vector.load %arg5[%swap3A, %swap3A_11, %swap3A_12] : memref<1x1x2560xf32, #tpu.memory_space<vmem>>, vector<1x1x2560xf32>
    tpu.vector_store %arg5[%swap3A, %swap3A_11, %swap3A_12], %reshape3A {strides = array<i32>} : memref<1x1x2560xf32, #tpu.memory_space<vmem>>, vector<1x1x2560xf32>,
    %iota3A = tpu.iota {dimensions = array<i32: 0>} : vector<16x16xi32>
    %iota3A_14 = tpu.iota {dimensions = array<i32: 1>} : vector<16x16xi32>
    %add3A = arith.constant 0 : i32
    %add3A_15 = vector.broadcast %add3A : i32 to vector<16x16xi32>
    %add3A_16 = arith.addi %iota3A, %add3A_15 : vector<16x16xi32>
    %eq3A = arith.cmpi eq, %add3A_16, %iota3A_14 : vector<16x16xi32>
    %convert_element_type3A = arith.extui %eq3A : vector<16x16xi1> to vector<16x16xi32>
    %convert_element_type3A_17 = arith.sitofp %convert_element_type3A : vector<16x16xi32> to vector<16x16xf32>
    %dot_general3A_18 = arith.constant dense<0.000000e+00> : vector<16x2560xf32>
    %dot_general3A_19 = tpu.matmul %convert_element_type3A_17, %get3A_8, %dot_general3A_18 {dimension_numbers = #tpu.dot_dimension_numbers<[1], [1], [0], [0], [0, 0, 1, 0], [], []>, transpose_lhs_hint = false} : vector<16x16xf32>, vector<2560x16xf32>, vector<16x2560xf32> -> vector<16x2560xf32>
    %swap3A_20 = arith.constant 0 : index
    %swap3A_21 = arith.constant 0 : index
    %swap3A_22 = vector.load %arg6[%swap3A_20, %swap3A_21] : memref<16x2560xf32, #tpu.memory_space<vmem>>, vector<16x2560xf32>
    tpu.vector_store %arg6[%swap3A_20, %swap3A_21], %dot_general3A_19 {strides = array<i32>} : memref<16x2560xf32, #tpu.memory_space<vmem>>, vector<16x2560xf32>,
    %iota3A_23 = tpu.iota {dimensions = array<i32: 0>} : vector<4x4xi32>
    %iota3A_24 = tpu.iota {dimensions = array<i32: 1>} : vector<4x4xi32>
    %add3A_25 = arith.constant 0 : i32
    %add3A_26 = vector.broadcast %add3A_25 : i32 to vector<4x4xi32>
    %add3A_27 = arith.addi %iota3A_23, %add3A_26 : vector<4x4xi32>
    %eq3A_28 = arith.cmpi eq, %add3A_27, %iota3A_24 : vector<4x4xi32>
    %convert_element_type3A_29 = arith.extui %eq3A_28 : vector<4x4xi1> to vector<4x4xi32>
    %convert_element_type3A_30 = arith.sitofp %convert_element_type3A_29 : vector<4x4xi32> to vector<4x4xf32>
    %get3A_31 = arith.constant 0 : index
    %get3A_32 = arith.constant 0 : index
    %get3A_33 = vector.load %arg2[%get3A_31, %get3A_32] : memref<2560x4xf32, #tpu.memory_space<vmem>>, vector<2560x4xf32>
    %dot_general3A_34 = arith.constant dense<0.000000e+00> : vector<4x2560xf32>
    %dot_general3A_35 = tpu.matmul %convert_element_type3A_30, %get3A_33, %dot_general3A_34 {dimension_numbers = #tpu.dot_dimension_numbers<[1], [1], [0], [0], [0, 0, 1, 0], [], []>, transpose_lhs_hint = false} : vector<4x4xf32>, vector<2560x4xf32>, vector<4x2560xf32> -> vector<4x2560xf32>
    %slice3A_36 = vector.extract_strided_slice %dot_general3A_35 {offsets = [0, 0], sizes = [1, 2560], strides = [1, 1]} : vector<4x2560xf32> to vector<1x2560xf32>
    %squeeze3A_37 = vector.shape_cast %slice3A_36 : vector<1x2560xf32> to vector<2560xf32>
    %reshape3A_38 = vector.shape_cast %squeeze3A_37 : vector<2560xf32> to vector<1x1x2560xf32>
    %swap3A_39 = arith.constant 0 : index
    %swap3A_40 = arith.constant 0 : index
    %swap3A_41 = arith.constant 0 : index
    %swap3A_42 = vector.load %arg7[%swap3A_39, %swap3A_40, %swap3A_41] : memref<1x1x2560xf32, #tpu.memory_space<vmem>>, vector<1x1x2560xf32>
    tpu.vector_store %arg7[%swap3A_39, %swap3A_40, %swap3A_41], %reshape3A_38 {strides = array<i32>} : memref<1x1x2560xf32, #tpu.memory_space<vmem>>, vector<1x1x2560xf32>,
    %slice3A_43 = vector.extract_strided_slice %dot_general3A_35 {offsets = [1, 0], sizes = [1, 2560], strides = [1, 1]} : vector<4x2560xf32> to vector<1x2560xf32>
    %squeeze3A_44 = vector.shape_cast %slice3A_43 : vector<1x2560xf32> to vector<2560xf32>
    %reshape3A_45 = vector.shape_cast %squeeze3A_44 : vector<2560xf32> to vector<1x1x2560xf32>
    %swap3A_46 = arith.constant 0 : index
    %swap3A_47 = arith.constant 0 : index
    %swap3A_48 = arith.constant 0 : index
    %swap3A_49 = vector.load %arg8[%swap3A_46, %swap3A_47, %swap3A_48] : memref<1x1x2560xf32, #tpu.memory_space<vmem>>, vector<1x1x2560xf32>
    tpu.vector_store %arg8[%swap3A_46, %swap3A_47, %swap3A_48], %reshape3A_45 {strides = array<i32>} : memref<1x1x2560xf32, #tpu.memory_space<vmem>>, vector<1x1x2560xf32>,
    %slice3A_50 = vector.extract_strided_slice %dot_general3A_35 {offsets = [2, 0], sizes = [1, 2560], strides = [1, 1]} : vector<4x2560xf32> to vector<1x2560xf32>
    %squeeze3A_51 = vector.shape_cast %slice3A_50 : vector<1x2560xf32> to vector<2560xf32>
    %reshape3A_52 = vector.shape_cast %squeeze3A_51 : vector<2560xf32> to vector<1x1x2560xf32>
    %swap3A_53 = arith.constant 0 : index
    %swap3A_54 = arith.constant 0 : index
    %swap3A_55 = arith.constant 0 : index
    %swap3A_56 = vector.load %arg9[%swap3A_53, %swap3A_54, %swap3A_55] : memref<1x1x2560xf32, #tpu.memory_space<vmem>>, vector<1x1x2560xf32>
    tpu.vector_store %arg9[%swap3A_53, %swap3A_54, %swap3A_55], %reshape3A_52 {strides = array<i32>} : memref<1x1x2560xf32, #tpu.memory_space<vmem>>, vector<1x1x2560xf32>,
    %slice3A_57 = vector.extract_strided_slice %dot_general3A_35 {offsets = [3, 0], sizes = [1, 2560], strides = [1, 1]} : vector<4x2560xf32> to vector<1x2560xf32>
    %squeeze3A_58 = vector.shape_cast %slice3A_57 : vector<1x2560xf32> to vector<2560xf32>
    %reshape3A_59 = vector.shape_cast %squeeze3A_58 : vector<2560xf32> to vector<1x1x2560xf32>
    %swap3A_60 = arith.constant 0 : index
    %swap3A_61 = arith.constant 0 : index
    %swap3A_62 = arith.constant 0 : index
    %swap3A_63 = vector.load %arg10[%swap3A_60, %swap3A_61, %swap3A_62] : memref<1x1x2560xf32, #tpu.memory_space<vmem>>, vector<1x1x2560xf32>
    tpu.vector_store %arg10[%swap3A_60, %swap3A_61, %swap3A_62], %reshape3A_59 {strides = array<i32>} : memref<1x1x2560xf32, #tpu.memory_space<vmem>>, vector<1x1x2560xf32>,
    return
  }
  func.func @transform_0(%arg0: i32) -> (i32, i32) {
    %c0_i32 = arith.constant 0 : i32
    %c0_i32_0 = arith.constant 0 : i32
    return %arg0, %c0_i32 : i32, i32
  }
  func.func @transform_1(%arg0: i32) -> (i32, i32) {
    %c0_i32 = arith.constant 0 : i32
    %c0_i32_0 = arith.constant 0 : i32
    return %arg0, %c0_i32 : i32, i32
  }
  func.func @transform_2(%arg0: i32) -> (i32, i32) {
    %c0_i32 = arith.constant 0 : i32
    %c0_i32_0 = arith.constant 0 : i32
    %c0_i32_1 = arith.constant 0 : i32
    return %c0_i32, %c0_i32_0 : i32, i32
  }
  func.func @transform_3(%arg0: i32) -> (i32, i32) {
    %c0_i32 = arith.constant 0 : i32
    %c0_i32_0 = arith.constant 0 : i32
    %c0_i32_1 = arith.constant 0 : i32
    return %c0_i32, %c0_i32_0 : i32, i32
  }
  func.func @transform_4(%arg0: i32) -> (i32, i32, i32) {
    %c0_i32 = arith.constant 0 : i32
    %c0_i32_0 = arith.constant 0 : i32
    %c0_i32_1 = arith.constant 0 : i32
    return %arg0, %c0_i32, %c0_i32_0 : i32, i32, i32
  }
  func.func @transform_5(%arg0: i32) -> (i32, i32) {
    %c0_i32 = arith.constant 0 : i32
    %c0_i32_0 = arith.constant 0 : i32
    return %c0_i32, %arg0 : i32, i32
  }
  func.func @transform_6(%arg0: i32) -> (i32, i32, i32) {
    %c0_i32 = arith.constant 0 : i32
    %c0_i32_0 = arith.constant 0 : i32
    %c0_i32_1 = arith.constant 0 : i32
    return %arg0, %c0_i32, %c0_i32_0 : i32, i32, i32
  }
  func.func @transform_7(%arg0: i32) -> (i32, i32, i32) {
    %c0_i32 = arith.constant 0 : i32
    %c0_i32_0 = arith.constant 0 : i32
    %c0_i32_1 = arith.constant 0 : i32
    return %arg0, %c0_i32, %c0_i32_0 : i32, i32, i32
  }
  func.func @transform_8(%arg0: i32) -> (i32, i32, i32) {
    %c0_i32 = arith.constant 0 : i32
    %c0_i32_0 = arith.constant 0 : i32
    %c0_i32_1 = arith.constant 0 : i32
    return %arg0, %c0_i32, %c0_i32_0 : i32, i32, i32
  }
  func.func @transform_9(%arg0: i32) -> (i32, i32, i32) {
    %c0_i32 = arith.constant 0 : i32
    %c0_i32_0 = arith.constant 0 : i32
    %c0_i32_1 = arith.constant 0 : i32
    return %arg0, %c0_i32, %c0_i32_0 : i32, i32, i32
  }
}

module attributes {stable_mosaic.version = 14 : i64} {
  func.func @_a1_body(%arg0: i32, %arg1: memref<256x128xf32, #tpu.memory_space<vmem>>, %arg2: memref<64x128xf32, #tpu.memory_space<vmem>>, %arg3: memref<64x80xf32, #tpu.memory_space<vmem>>, %arg4: memref<1x144xf32, #tpu.memory_space<vmem>>, %arg5: memref<256x128xf32, #tpu.memory_space<vmem>>, %arg6: memref<1x1x256xf32, #tpu.memory_space<vmem>>, %arg7: memref<1x1x256xf32, #tpu.memory_space<vmem>>) attributes {dimension_semantics = [#tpu.dimension_semantics<arbitrary>], iteration_bounds = array<i64: 40>, scalar_prefetch = 0 : i64, scratch_operands = 0 : i64, tpu.core_type = #tpu.core_type<tc>, window_params = [{transform_indices = @transform_0, window_bounds = array<i64: 256, 128>}, {pipeline_mode = #tpu.pipeline_mode<synchronous>, transform_indices = @transform_1, window_bounds = array<i64: 64, 128>}, {pipeline_mode = #tpu.pipeline_mode<synchronous>, transform_indices = @transform_2, window_bounds = array<i64: 64, 80>}, {pipeline_mode = #tpu.pipeline_mode<synchronous>, transform_indices = @transform_3, window_bounds = array<i64: 1, 144>}, {transform_indices = @transform_4, window_bounds = array<i64: 256, 128>}, {transform_indices = @transform_5, window_bounds = array<i64: 1, 1, 256>}, {transform_indices = @transform_6, window_bounds = array<i64: 1, 1, 256>}]} {
    %get3A = arith.constant 0 : index
    %get3A_0 = arith.constant 0 : index
    %get3A_1 = vector.load %arg1[%get3A, %get3A_0] : memref<256x128xf32, #tpu.memory_space<vmem>>, vector<256x128xf32>
    %get3A_2 = arith.constant 0 : index
    %get3A_3 = arith.constant 0 : index
    %get3A_4 = vector.load %arg2[%get3A_2, %get3A_3] : memref<64x128xf32, #tpu.memory_space<vmem>>, vector<64x128xf32>
    %dot_general3A = arith.constant dense<0.000000e+00> : vector<256x64xf32>
    %dot_general3A_5 = tpu.matmul %get3A_1, %get3A_4, %dot_general3A {dimension_numbers = #tpu.dot_dimension_numbers<[1], [1], [0], [0], [0, 0, 1, 0], [], []>, transpose_lhs_hint = false} : vector<256x128xf32>, vector<64x128xf32>, vector<256x64xf32> -> vector<256x64xf32>
    %get3A_6 = arith.constant 0 : index
    %get3A_7 = arith.constant 0 : index
    %get3A_8 = vector.load %arg3[%get3A_6, %get3A_7] : memref<64x80xf32, #tpu.memory_space<vmem>>, vector<64x80xf32>
    %slice3A = vector.extract_strided_slice %get3A_8 {offsets = [0, 0], sizes = [64, 64], strides = [1, 1]} : vector<64x80xf32> to vector<64x64xf32>
    %dot_general3A_9 = arith.constant dense<0.000000e+00> : vector<256x64xf32>
    %dot_general3A_10 = tpu.matmul %dot_general3A_5, %slice3A, %dot_general3A_9 {dimension_numbers = #tpu.dot_dimension_numbers<[1], [1], [0], [0], [0, 0, 1, 0], [], []>, transpose_lhs_hint = false} : vector<256x64xf32>, vector<64x64xf32>, vector<256x64xf32> -> vector<256x64xf32>
    %broadcast_in_dim3A = arith.constant 0.000000e+00 : f32
    %broadcast_in_dim3A_11 = vector.broadcast %broadcast_in_dim3A : f32 to vector<256x64xf32>
    %concatenate3A = tpu.concatenate %dot_general3A_10, %broadcast_in_dim3A_11 in 1 : vector<256x64xf32>, vector<256x64xf32> -> vector<256x128xf32>
    %swap3A = arith.constant 0 : index
    %swap3A_12 = arith.constant 0 : index
    %swap3A_13 = vector.load %arg5[%swap3A, %swap3A_12] : memref<256x128xf32, #tpu.memory_space<vmem>>, vector<256x128xf32>
    tpu.vector_store %arg5[%swap3A, %swap3A_12], %concatenate3A {strides = array<i32>} : memref<256x128xf32, #tpu.memory_space<vmem>>, vector<256x128xf32>,
    %get3A_14 = arith.constant 0 : index
    %get3A_15 = arith.constant 0 : index
    %get3A_16 = vector.load %arg4[%get3A_14, %get3A_15] : memref<1x144xf32, #tpu.memory_space<vmem>>, vector<1x144xf32>
    %slice3A_17 = vector.extract_strided_slice %get3A_16 {offsets = [0, 0], sizes = [1, 64], strides = [1, 1]} : vector<1x144xf32> to vector<1x64xf32>
    %squeeze3A = vector.shape_cast %slice3A_17 : vector<1x64xf32> to vector<64xf32>
    %dot_general3A_18 = arith.constant dense<0.000000e+00> : vector<256xf32>
    %dot_general3A_19 = tpu.matmul %dot_general3A_5, %squeeze3A, %dot_general3A_18 {dimension_numbers = #tpu.dot_dimension_numbers<[1], [0], [0], [], [0, 0], [], []>, transpose_lhs_hint = false} : vector<256x64xf32>, vector<64xf32>, vector<256xf32> -> vector<256xf32>
    %reshape3A = vector.shape_cast %dot_general3A_19 : vector<256xf32> to vector<1x1x256xf32>
    %swap3A_20 = arith.constant 0 : index
    %swap3A_21 = arith.constant 0 : index
    %swap3A_22 = arith.constant 0 : index
    %swap3A_23 = vector.load %arg6[%swap3A_20, %swap3A_21, %swap3A_22] : memref<1x1x256xf32, #tpu.memory_space<vmem>>, vector<1x1x256xf32>
    tpu.vector_store %arg6[%swap3A_20, %swap3A_21, %swap3A_22], %reshape3A {strides = array<i32>} : memref<1x1x256xf32, #tpu.memory_space<vmem>>, vector<1x1x256xf32>,
    %slice3A_24 = vector.extract_strided_slice %get3A_16 {offsets = [0, 80], sizes = [1, 64], strides = [1, 1]} : vector<1x144xf32> to vector<1x64xf32>
    %squeeze3A_25 = vector.shape_cast %slice3A_24 : vector<1x64xf32> to vector<64xf32>
    %dot_general3A_26 = arith.constant dense<0.000000e+00> : vector<256xf32>
    %dot_general3A_27 = tpu.matmul %dot_general3A_5, %squeeze3A_25, %dot_general3A_26 {dimension_numbers = #tpu.dot_dimension_numbers<[1], [0], [0], [], [0, 0], [], []>, transpose_lhs_hint = false} : vector<256x64xf32>, vector<64xf32>, vector<256xf32> -> vector<256xf32>
    %reshape3A_28 = vector.shape_cast %dot_general3A_27 : vector<256xf32> to vector<1x1x256xf32>
    %swap3A_29 = arith.constant 0 : index
    %swap3A_30 = arith.constant 0 : index
    %swap3A_31 = arith.constant 0 : index
    %swap3A_32 = vector.load %arg7[%swap3A_29, %swap3A_30, %swap3A_31] : memref<1x1x256xf32, #tpu.memory_space<vmem>>, vector<1x1x256xf32>
    tpu.vector_store %arg7[%swap3A_29, %swap3A_30, %swap3A_31], %reshape3A_28 {strides = array<i32>} : memref<1x1x256xf32, #tpu.memory_space<vmem>>, vector<1x1x256xf32>,
    return
  }
  func.func @transform_0(%arg0: i32) -> (i32, i32) {
    %c0_i32 = arith.constant 0 : i32
    %c0_i32_0 = arith.constant 0 : i32
    return %arg0, %c0_i32 : i32, i32
  }
  func.func @transform_1(%arg0: i32) -> (i32, i32) {
    %c0_i32 = arith.constant 0 : i32
    %c0_i32_0 = arith.constant 0 : i32
    %c0_i32_1 = arith.constant 0 : i32
    return %c0_i32, %c0_i32_0 : i32, i32
  }
  func.func @transform_2(%arg0: i32) -> (i32, i32) {
    %c0_i32 = arith.constant 0 : i32
    %c0_i32_0 = arith.constant 0 : i32
    %c0_i32_1 = arith.constant 0 : i32
    return %c0_i32, %c0_i32_0 : i32, i32
  }
  func.func @transform_3(%arg0: i32) -> (i32, i32) {
    %c0_i32 = arith.constant 0 : i32
    %c0_i32_0 = arith.constant 0 : i32
    %c0_i32_1 = arith.constant 0 : i32
    return %c0_i32, %c0_i32_0 : i32, i32
  }
  func.func @transform_4(%arg0: i32) -> (i32, i32) {
    %c0_i32 = arith.constant 0 : i32
    %c0_i32_0 = arith.constant 0 : i32
    return %arg0, %c0_i32 : i32, i32
  }
  func.func @transform_5(%arg0: i32) -> (i32, i32, i32) {
    %c0_i32 = arith.constant 0 : i32
    %c0_i32_0 = arith.constant 0 : i32
    %c0_i32_1 = arith.constant 0 : i32
    return %arg0, %c0_i32, %c0_i32_0 : i32, i32, i32
  }
  func.func @transform_6(%arg0: i32) -> (i32, i32, i32) {
    %c0_i32 = arith.constant 0 : i32
    %c0_i32_0 = arith.constant 0 : i32
    %c0_i32_1 = arith.constant 0 : i32
    return %arg0, %c0_i32, %c0_i32_0 : i32, i32, i32
  }
}

module attributes {stable_mosaic.version = 14 : i64} {
  func.func @_b2_body(%arg0: i32, %arg1: memref<32x2048xf32, #tpu.memory_space<vmem>>, %arg2: memref<1x1x2048xf32, #tpu.memory_space<vmem>>) attributes {dimension_semantics = [#tpu.dimension_semantics<arbitrary>], iteration_bounds = array<i64: 5>, scalar_prefetch = 0 : i64, scratch_operands = 0 : i64, tpu.core_type = #tpu.core_type<tc>, window_params = [{transform_indices = @transform_0, window_bounds = array<i64: 32, 2048>}, {transform_indices = @transform_1, window_bounds = array<i64: 1, 1, 2048>}]} {
    %get3A = arith.constant 0 : index
    %get3A_0 = arith.constant 0 : index
    %get3A_1 = vector.load %arg1[%get3A, %get3A_0] : memref<32x2048xf32, #tpu.memory_space<vmem>>, vector<32x2048xf32>
    %reduce_sum3A = arith.constant dense<0.000000e+00> : vector<2048xf32>
    %reduce_sum3A_2 = vector.multi_reduction <add>, %get3A_1, %reduce_sum3A [0] : vector<32x2048xf32> to vector<2048xf32>
    %broadcast_in_dim3A = vector.shape_cast %reduce_sum3A_2 : vector<2048xf32> to vector<1x2048xf32>
    %reshape3A = vector.shape_cast %broadcast_in_dim3A : vector<1x2048xf32> to vector<1x1x2048xf32>
    %swap3A = arith.constant 0 : index
    %swap3A_3 = arith.constant 0 : index
    %swap3A_4 = arith.constant 0 : index
    %swap3A_5 = vector.load %arg2[%swap3A, %swap3A_3, %swap3A_4] : memref<1x1x2048xf32, #tpu.memory_space<vmem>>, vector<1x1x2048xf32>
    tpu.vector_store %arg2[%swap3A, %swap3A_3, %swap3A_4], %reshape3A {strides = array<i32>} : memref<1x1x2048xf32, #tpu.memory_space<vmem>>, vector<1x1x2048xf32>,
    return
  }
  func.func @transform_0(%arg0: i32) -> (i32, i32) {
    %c0_i32 = arith.constant 0 : i32
    %c0_i32_0 = arith.constant 0 : i32
    return %c0_i32, %arg0 : i32, i32
  }
  func.func @transform_1(%arg0: i32) -> (i32, i32, i32) {
    %c0_i32 = arith.constant 0 : i32
    %c0_i32_0 = arith.constant 0 : i32
    %c0_i32_1 = arith.constant 0 : i32
    return %arg0, %c0_i32, %c0_i32_0 : i32, i32, i32
  }
}

module attributes {stable_mosaic.version = 14 : i64} {
  func.func @_d1_body(%arg0: i32, %arg1: memref<8x8192xf32, #tpu.memory_space<vmem>>, %arg2: memref<16x8192xf32, #tpu.memory_space<vmem>>, %arg3: memref<32x4x256xf32, #tpu.memory_space<vmem>>, %arg4: memref<256x128xf32, #tpu.memory_space<vmem>>, %arg5: memref<64x80xf32, #tpu.memory_space<vmem>>, %arg6: memref<16x16xf32, #tpu.memory_space<vmem>>, %arg7: memref<1x64xf32, #tpu.memory_space<vmem>>, %arg8: memref<8x128xf32, #tpu.memory_space<vmem>>, %arg9: memref<4x64xf32, #tpu.memory_space<vmem>>, %arg10: memref<4x16xf32, #tpu.memory_space<vmem>>) attributes {dimension_semantics = [#tpu.dimension_semantics<arbitrary>], iteration_bounds = array<i64: 40>, scalar_prefetch = 0 : i64, scratch_operands = 2 : i64, tpu.core_type = #tpu.core_type<tc>, window_params = [{transform_indices = @transform_0, window_bounds = array<i64: 8, 8192>}, {transform_indices = @transform_1, window_bounds = array<i64: 16, 8192>}, {transform_indices = @transform_2, window_bounds = array<i64: 32, 4, 256>}, {transform_indices = @transform_3, window_bounds = array<i64: 256, 128>}, {pipeline_mode = #tpu.pipeline_mode<synchronous>, transform_indices = @transform_4, window_bounds = array<i64: 64, 80>}, {pipeline_mode = #tpu.pipeline_mode<synchronous>, transform_indices = @transform_5, window_bounds = array<i64: 16, 16>}, {pipeline_mode = #tpu.pipeline_mode<synchronous>, transform_indices = @transform_6, window_bounds = array<i64: 1, 64>}, {pipeline_mode = #tpu.pipeline_mode<synchronous>, transform_indices = @transform_7, window_bounds = array<i64: 8, 128>}]} {
    %eq3A = arith.constant 0 : i32
    %eq3A_0 = arith.cmpi eq, %arg0, %eq3A : i32
    %convert_element_type3A = arith.extui %eq3A_0 : i1 to i32
    %cond3A = arith.constant 0 : i32
    %cond3A_1 = arith.cmpi ne, %convert_element_type3A, %cond3A : i32
    scf.if %cond3A_1 {
      %broadcast_in_dim3A = arith.constant 0.000000e+00 : f32
      %broadcast_in_dim3A_36 = vector.broadcast %broadcast_in_dim3A : f32 to vector<4x64xf32>
      %swap3A_37 = arith.constant 0 : index
      %swap3A_38 = arith.constant 0 : index
      %swap3A_39 = vector.load %arg9[%swap3A_37, %swap3A_38] : memref<4x64xf32, #tpu.memory_space<vmem>>, vector<4x64xf32>
      tpu.vector_store %arg9[%swap3A_37, %swap3A_38], %broadcast_in_dim3A_36 {strides = array<i32>} : memref<4x64xf32, #tpu.memory_space<vmem>>, vector<4x64xf32>,
      %broadcast_in_dim3A_40 = arith.constant 0.000000e+00 : f32
      %broadcast_in_dim3A_41 = vector.broadcast %broadcast_in_dim3A_40 : f32 to vector<4x16xf32>
      %swap3A_42 = arith.constant 0 : index
      %swap3A_43 = arith.constant 0 : index
      %swap3A_44 = vector.load %arg10[%swap3A_42, %swap3A_43] : memref<4x16xf32, #tpu.memory_space<vmem>>, vector<4x16xf32>
      tpu.vector_store %arg10[%swap3A_42, %swap3A_43], %broadcast_in_dim3A_41 {strides = array<i32>} : memref<4x16xf32, #tpu.memory_space<vmem>>, vector<4x16xf32>,
    } else {
    }
    %get3A = arith.constant 0 : index
    %get3A_2 = arith.constant 0 : index
    %get3A_3 = arith.constant 0 : index
    %get3A_4 = vector.load %arg3[%get3A, %get3A_2, %get3A_3] : memref<32x4x256xf32, #tpu.memory_space<vmem>>, vector<32x4x256xf32>
    %reduce_sum3A = arith.constant dense<0.000000e+00> : vector<4x256xf32>
    %reduce_sum3A_5 = vector.multi_reduction <add>, %get3A_4, %reduce_sum3A [0] : vector<32x4x256xf32> to vector<4x256xf32>
    %get3A_6 = arith.constant 0 : index
    %get3A_7 = arith.constant 0 : index
    %get3A_8 = vector.load %arg9[%get3A_6, %get3A_7] : memref<4x64xf32, #tpu.memory_space<vmem>>, vector<4x64xf32>
    %get3A_9 = arith.constant 0 : index
    %get3A_10 = arith.constant 0 : index
    %get3A_11 = vector.load %arg4[%get3A_9, %get3A_10] : memref<256x128xf32, #tpu.memory_space<vmem>>, vector<256x128xf32>
    %slice3A = vector.extract_strided_slice %get3A_11 {offsets = [0, 0], sizes = [256, 64], strides = [1, 1]} : vector<256x128xf32> to vector<256x64xf32>
    %dot_general3A = arith.constant dense<0.000000e+00> : vector<4x64xf32>
    %dot_general3A_12 = tpu.matmul %reduce_sum3A_5, %slice3A, %dot_general3A {dimension_numbers = #tpu.dot_dimension_numbers<[1], [0], [0], [1], [0, 0, 1, 1], [], []>, transpose_lhs_hint = false} : vector<4x256xf32>, vector<256x64xf32>, vector<4x64xf32> -> vector<4x64xf32>
    %add3A = arith.addf %get3A_8, %dot_general3A_12 : vector<4x64xf32>
    %swap3A = arith.constant 0 : index
    %swap3A_13 = arith.constant 0 : index
    %swap3A_14 = vector.load %arg9[%swap3A, %swap3A_13] : memref<4x64xf32, #tpu.memory_space<vmem>>, vector<4x64xf32>
    tpu.vector_store %arg9[%swap3A, %swap3A_13], %add3A {strides = array<i32>} : memref<4x64xf32, #tpu.memory_space<vmem>>, vector<4x64xf32>,
    %get3A_15 = arith.constant 0 : index
    %get3A_16 = arith.constant 0 : index
    %get3A_17 = vector.load %arg10[%get3A_15, %get3A_16] : memref<4x16xf32, #tpu.memory_space<vmem>>, vector<4x16xf32>
    %get3A_18 = arith.constant 0 : index
    %get3A_19 = arith.constant 0 : index
    %get3A_20 = vector.load %arg1[%get3A_18, %get3A_19] : memref<8x8192xf32, #tpu.memory_space<vmem>>, vector<8x8192xf32>
    %slice3A_21 = vector.extract_strided_slice %get3A_20 {offsets = [0, 0], sizes = [4, 8192], strides = [1, 1]} : vector<8x8192xf32> to vector<4x8192xf32>
    %get3A_22 = arith.constant 0 : index
    %get3A_23 = arith.constant 0 : index
    %get3A_24 = vector.load %arg2[%get3A_22, %get3A_23] : memref<16x8192xf32, #tpu.memory_space<vmem>>, vector<16x8192xf32>
    %dot_general3A_25 = arith.constant dense<0.000000e+00> : vector<4x16xf32>
    %dot_general3A_26 = tpu.matmul %slice3A_21, %get3A_24, %dot_general3A_25 {dimension_numbers = #tpu.dot_dimension_numbers<[1], [1], [0], [0], [0, 0, 1, 0], [], []>, transpose_lhs_hint = false} : vector<4x8192xf32>, vector<16x8192xf32>, vector<4x16xf32> -> vector<4x16xf32>
    %add3A_27 = arith.addf %get3A_17, %dot_general3A_26 : vector<4x16xf32>
    %swap3A_28 = arith.constant 0 : index
    %swap3A_29 = arith.constant 0 : index
    %swap3A_30 = vector.load %arg10[%swap3A_28, %swap3A_29] : memref<4x16xf32, #tpu.memory_space<vmem>>, vector<4x16xf32>
    tpu.vector_store %arg10[%swap3A_28, %swap3A_29], %add3A_27 {strides = array<i32>} : memref<4x16xf32, #tpu.memory_space<vmem>>, vector<4x16xf32>,
    %eq3A_31 = arith.constant 39 : i32
    %eq3A_32 = arith.cmpi eq, %arg0, %eq3A_31 : i32
    %convert_element_type3A_33 = arith.extui %eq3A_32 : i1 to i32
    %cond3A_34 = arith.constant 0 : i32
    %cond3A_35 = arith.cmpi ne, %convert_element_type3A_33, %cond3A_34 : i32
    scf.if %cond3A_35 {
      %get3A_36 = arith.constant 0 : index
      %get3A_37 = arith.constant 0 : index
      %get3A_38 = vector.load %arg5[%get3A_36, %get3A_37] : memref<64x80xf32, #tpu.memory_space<vmem>>, vector<64x80xf32>
      %slice3A_39 = vector.extract_strided_slice %get3A_38 {offsets = [0, 64], sizes = [64, 16], strides = [1, 1]} : vector<64x80xf32> to vector<64x16xf32>
      %get3A_40 = arith.constant 0 : index
      %get3A_41 = arith.constant 0 : index
      %get3A_42 = vector.load %arg6[%get3A_40, %get3A_41] : memref<16x16xf32, #tpu.memory_space<vmem>>, vector<16x16xf32>
      %dot_general3A_43 = arith.constant dense<0.000000e+00> : vector<64x16xf32>
      %dot_general3A_44 = tpu.matmul %slice3A_39, %get3A_42, %dot_general3A_43 {dimension_numbers = #tpu.dot_dimension_numbers<[1], [0], [0], [1], [0, 0, 1, 1], [], []>, transpose_lhs_hint = false} : vector<64x16xf32>, vector<16x16xf32>, vector<64x16xf32> -> vector<64x16xf32>
      %get3A_45 = arith.constant 0 : index
      %get3A_46 = arith.constant 0 : index
      %get3A_47 = vector.load %arg9[%get3A_45, %get3A_46] : memref<4x64xf32, #tpu.memory_space<vmem>>, vector<4x64xf32>
      %get3A_48 = arith.constant 0 : index
      %get3A_49 = arith.constant 0 : index
      %get3A_50 = vector.load %arg10[%get3A_48, %get3A_49] : memref<4x16xf32, #tpu.memory_space<vmem>>, vector<4x16xf32>
      %dot_general3A_51 = arith.constant dense<0.000000e+00> : vector<4x64xf32>
      %dot_general3A_52 = tpu.matmul %get3A_50, %dot_general3A_44, %dot_general3A_51 {dimension_numbers = #tpu.dot_dimension_numbers<[1], [1], [0], [0], [0, 0, 1, 0], [], []>, transpose_lhs_hint = false} : vector<4x16xf32>, vector<64x16xf32>, vector<4x64xf32> -> vector<4x64xf32>
      %add3A_53 = arith.addf %get3A_47, %dot_general3A_52 : vector<4x64xf32>
      %get3A_54 = arith.constant 0 : index
      %get3A_55 = arith.constant 0 : index
      %get3A_56 = vector.load %arg7[%get3A_54, %get3A_55] : memref<1x64xf32, #tpu.memory_space<vmem>>, vector<1x64xf32>
      %dot_general3A_57 = arith.constant dense<0.000000e+00> : vector<4x1xf32>
      %dot_general3A_58 = tpu.matmul %add3A_53, %get3A_56, %dot_general3A_57 {dimension_numbers = #tpu.dot_dimension_numbers<[1], [1], [0], [0], [0, 0, 1, 0], [], []>, transpose_lhs_hint = false} : vector<4x64xf32>, vector<1x64xf32>, vector<4x1xf32> -> vector<4x1xf32>
      %ge3A = arith.constant 0.000000e+00 : f32
      %ge3A_59 = vector.broadcast %ge3A : f32 to vector<4x1xf32>
      %ge3A_60 = arith.cmpf oge, %dot_general3A_58, %ge3A_59 : vector<4x1xf32>
      %mul3A = arith.constant 0.00999999977 : f32
      %mul3A_61 = vector.broadcast %mul3A : f32 to vector<4x1xf32>
      %mul3A_62 = arith.mulf %mul3A_61, %dot_general3A_58 : vector<4x1xf32>
      %select_n3A = arith.select %ge3A_60, %dot_general3A_58, %mul3A_62 : vector<4x1xi1>, vector<4x1xf32>
      %reduce_max3A = arith.constant dense<0xFF800000> : vector<1xf32>
      %reduce_max3A_63 = vector.multi_reduction <maximumf>, %select_n3A, %reduce_max3A [0] : vector<4x1xf32> to vector<1xf32>
      %broadcast_in_dim3A = vector.shape_cast %reduce_max3A_63 : vector<1xf32> to vector<1x1xf32>
      %sub3A = vector.broadcast %broadcast_in_dim3A : vector<1x1xf32> to vector<4x1xf32>
      %sub3A_64 = arith.subf %select_n3A, %sub3A : vector<4x1xf32>
      %exp3A = math.exp %sub3A_64 : vector<4x1xf32>
      %reduce_sum3A_65 = arith.constant dense<0.000000e+00> : vector<1xf32>
      %reduce_sum3A_66 = vector.multi_reduction <add>, %exp3A, %reduce_sum3A_65 [0] : vector<4x1xf32> to vector<1xf32>
      %broadcast_in_dim3A_67 = vector.shape_cast %reduce_sum3A_66 : vector<1xf32> to vector<1x1xf32>
      %div3A = vector.broadcast %broadcast_in_dim3A_67 : vector<1x1xf32> to vector<4x1xf32>
      %div3A_68 = arith.divf %exp3A, %div3A : vector<4x1xf32>
      %broadcast_in_dim3A_69 = arith.constant 0.000000e+00 : f32
      %broadcast_in_dim3A_70 = vector.broadcast %broadcast_in_dim3A_69 : f32 to vector<4x127xf32>
      %concatenate3A = tpu.concatenate %div3A_68, %broadcast_in_dim3A_70 in 1 : vector<4x1xf32>, vector<4x127xf32> -> vector<4x128xf32>
      %broadcast_in_dim3A_71 = arith.constant 0.000000e+00 : f32
      %broadcast_in_dim3A_72 = vector.broadcast %broadcast_in_dim3A_71 : f32 to vector<4x128xf32>
      %concatenate3A_73 = tpu.concatenate %concatenate3A, %broadcast_in_dim3A_72 in 0 : vector<4x128xf32>, vector<4x128xf32> -> vector<8x128xf32>
      %swap3A_74 = arith.constant 0 : index
      %swap3A_75 = arith.constant 0 : index
      %swap3A_76 = vector.load %arg8[%swap3A_74, %swap3A_75] : memref<8x128xf32, #tpu.memory_space<vmem>>, vector<8x128xf32>
      tpu.vector_store %arg8[%swap3A_74, %swap3A_75], %concatenate3A_73 {strides = array<i32>} : memref<8x128xf32, #tpu.memory_space<vmem>>, vector<8x128xf32>,
    } else {
    }
    return
  }
  func.func @transform_0(%arg0: i32) -> (i32, i32) {
    %c0_i32 = arith.constant 0 : i32
    %c0_i32_0 = arith.constant 0 : i32
    return %c0_i32, %arg0 : i32, i32
  }
  func.func @transform_1(%arg0: i32) -> (i32, i32) {
    %c0_i32 = arith.constant 0 : i32
    %c0_i32_0 = arith.constant 0 : i32
    return %c0_i32, %arg0 : i32, i32
  }
  func.func @transform_2(%arg0: i32) -> (i32, i32, i32) {
    %c0_i32 = arith.constant 0 : i32
    %c0_i32_0 = arith.constant 0 : i32
    %c0_i32_1 = arith.constant 0 : i32
    return %c0_i32, %c0_i32_0, %arg0 : i32, i32, i32
  }
  func.func @transform_3(%arg0: i32) -> (i32, i32) {
    %c0_i32 = arith.constant 0 : i32
    %c0_i32_0 = arith.constant 0 : i32
    return %arg0, %c0_i32 : i32, i32
  }
  func.func @transform_4(%arg0: i32) -> (i32, i32) {
    %c0_i32 = arith.constant 0 : i32
    %c0_i32_0 = arith.constant 0 : i32
    %c0_i32_1 = arith.constant 0 : i32
    return %c0_i32, %c0_i32_0 : i32, i32
  }
  func.func @transform_5(%arg0: i32) -> (i32, i32) {
    %c0_i32 = arith.constant 0 : i32
    %c0_i32_0 = arith.constant 0 : i32
    %c0_i32_1 = arith.constant 0 : i32
    return %c0_i32, %c0_i32_0 : i32, i32
  }
  func.func @transform_6(%arg0: i32) -> (i32, i32) {
    %c0_i32 = arith.constant 0 : i32
    %c0_i32_0 = arith.constant 0 : i32
    %c0_i32_1 = arith.constant 0 : i32
    return %c0_i32, %c0_i32_0 : i32, i32
  }
  func.func @transform_7(%arg0: i32) -> (i32, i32) {
    %c0_i32 = arith.constant 0 : i32
    %c0_i32_0 = arith.constant 0 : i32
    %c0_i32_1 = arith.constant 0 : i32
    return %c0_i32, %c0_i32_0 : i32, i32
  }
}

module attributes {stable_mosaic.version = 14 : i64} {
  func.func @_f_body(%arg0: i32, %arg1: memref<2x256x128xf32, #tpu.memory_space<vmem>>, %arg2: memref<64x80xf32, #tpu.memory_space<vmem>>, %arg3: memref<16x16xf32, #tpu.memory_space<vmem>>, %arg4: memref<256x64xf32, #tpu.memory_space<vmem>>) attributes {dimension_semantics = [#tpu.dimension_semantics<arbitrary>], iteration_bounds = array<i64: 40>, scalar_prefetch = 0 : i64, scratch_operands = 0 : i64, tpu.core_type = #tpu.core_type<tc>, window_params = [{transform_indices = @transform_0, window_bounds = array<i64: 2, 256, 128>}, {pipeline_mode = #tpu.pipeline_mode<synchronous>, transform_indices = @transform_1, window_bounds = array<i64: 64, 80>}, {pipeline_mode = #tpu.pipeline_mode<synchronous>, transform_indices = @transform_2, window_bounds = array<i64: 16, 16>}, {transform_indices = @transform_3, window_bounds = array<i64: 256, 64>}]} {
    %get3A = arith.constant 0 : index
    %get3A_0 = arith.constant 0 : index
    %get3A_1 = arith.constant 0 : index
    %get3A_2 = vector.load %arg1[%get3A, %get3A_0, %get3A_1] : memref<2x256x128xf32, #tpu.memory_space<vmem>>, vector<2x256x128xf32>
    %slice3A = vector.extract_strided_slice %get3A_2 {offsets = [0, 0, 0], sizes = [1, 256, 128], strides = [1, 1, 1]} : vector<2x256x128xf32> to vector<1x256x128xf32>
    %squeeze3A = vector.shape_cast %slice3A : vector<1x256x128xf32> to vector<256x128xf32>
    %get3A_3 = arith.constant 0 : index
    %get3A_4 = arith.constant 0 : index
    %get3A_5 = arith.constant 0 : index
    %get3A_6 = vector.load %arg1[%get3A_3, %get3A_4, %get3A_5] : memref<2x256x128xf32, #tpu.memory_space<vmem>>, vector<2x256x128xf32>
    %slice3A_7 = vector.extract_strided_slice %get3A_6 {offsets = [1, 0, 0], sizes = [1, 256, 128], strides = [1, 1, 1]} : vector<2x256x128xf32> to vector<1x256x128xf32>
    %squeeze3A_8 = vector.shape_cast %slice3A_7 : vector<1x256x128xf32> to vector<256x128xf32>
    %add3A = arith.addf %squeeze3A, %squeeze3A_8 : vector<256x128xf32>
    %get3A_9 = arith.constant 0 : index
    %get3A_10 = arith.constant 0 : index
    %get3A_11 = vector.load %arg2[%get3A_9, %get3A_10] : memref<64x80xf32, #tpu.memory_space<vmem>>, vector<64x80xf32>
    %slice3A_12 = vector.extract_strided_slice %get3A_11 {offsets = [0, 64], sizes = [64, 16], strides = [1, 1]} : vector<64x80xf32> to vector<64x16xf32>
    %get3A_13 = arith.constant 0 : index
    %get3A_14 = arith.constant 0 : index
    %get3A_15 = vector.load %arg3[%get3A_13, %get3A_14] : memref<16x16xf32, #tpu.memory_space<vmem>>, vector<16x16xf32>
    %dot_general3A = arith.constant dense<0.000000e+00> : vector<64x16xf32>
    %dot_general3A_16 = tpu.matmul %slice3A_12, %get3A_15, %dot_general3A {dimension_numbers = #tpu.dot_dimension_numbers<[1], [0], [0], [1], [0, 0, 1, 1], [], []>, transpose_lhs_hint = false} : vector<64x16xf32>, vector<16x16xf32>, vector<64x16xf32> -> vector<64x16xf32>
    %slice3A_17 = vector.extract_strided_slice %add3A {offsets = [0, 0], sizes = [256, 64], strides = [1, 1]} : vector<256x128xf32> to vector<256x64xf32>
    %slice3A_18 = vector.extract_strided_slice %add3A {offsets = [0, 64], sizes = [256, 16], strides = [1, 1]} : vector<256x128xf32> to vector<256x16xf32>
    %dot_general3A_19 = arith.constant dense<0.000000e+00> : vector<256x64xf32>
    %dot_general3A_20 = tpu.matmul %slice3A_18, %dot_general3A_16, %dot_general3A_19 {dimension_numbers = #tpu.dot_dimension_numbers<[1], [1], [0], [0], [0, 0, 1, 0], [], []>, transpose_lhs_hint = false} : vector<256x16xf32>, vector<64x16xf32>, vector<256x64xf32> -> vector<256x64xf32>
    %add3A_21 = arith.addf %slice3A_17, %dot_general3A_20 : vector<256x64xf32>
    %swap3A = arith.constant 0 : index
    %swap3A_22 = arith.constant 0 : index
    %swap3A_23 = vector.load %arg4[%swap3A, %swap3A_22] : memref<256x64xf32, #tpu.memory_space<vmem>>, vector<256x64xf32>
    tpu.vector_store %arg4[%swap3A, %swap3A_22], %add3A_21 {strides = array<i32>} : memref<256x64xf32, #tpu.memory_space<vmem>>, vector<256x64xf32>,
    return
  }
  func.func @transform_0(%arg0: i32) -> (i32, i32, i32) {
    %c0_i32 = arith.constant 0 : i32
    %c0_i32_0 = arith.constant 0 : i32
    %c0_i32_1 = arith.constant 0 : i32
    return %c0_i32, %arg0, %c0_i32_0 : i32, i32, i32
  }
  func.func @transform_1(%arg0: i32) -> (i32, i32) {
    %c0_i32 = arith.constant 0 : i32
    %c0_i32_0 = arith.constant 0 : i32
    %c0_i32_1 = arith.constant 0 : i32
    return %c0_i32, %c0_i32_0 : i32, i32
  }
  func.func @transform_2(%arg0: i32) -> (i32, i32) {
    %c0_i32 = arith.constant 0 : i32
    %c0_i32_0 = arith.constant 0 : i32
    %c0_i32_1 = arith.constant 0 : i32
    return %c0_i32, %c0_i32_0 : i32, i32
  }
  func.func @transform_3(%arg0: i32) -> (i32, i32) {
    %c0_i32 = arith.constant 0 : i32
    %c0_i32_0 = arith.constant 0 : i32
    return %arg0, %c0_i32 : i32, i32
  }
}

</mosaic_0001>

<sc_bundles>
// kernel: kernel.10.cloned.1.call-start
scs
__scs_entry_jumppad:
0x0: {  	(pc) =	sbr.rel $0x88, $3  }
0x1: {  	(tag) =	ssettag $0x0;
	lr =	simm.s32 $0x1  }
0x2: {  	[smem:$0x3F98] =	sst lr;
	_ =	strace $0xD0000000  }
0x3: {  	_ = 	snop  }
0x4: {  	_ = 	snop  }
0x5: {  	_ = 	snop  }
0x6: {  	_ = 	snop  }
0x7: {  	_ = 	snop  }
__scs_overlays_trampoline_lowered:
0x8: {  	[smem:$0x3FA7] =	sst s0  }
0x9: {  	[smem:$0x3FA8] =	sst s1  }
0xa: {  	[smem:$0x3FA9] =	sst s2  }
0xb: {  	[smem:$0x3FAA] =	sst s3  }
0xc: {  	[smem:$0x3FAB] =	sst s4  }
0xd: {  	[smem:$0x3FAC] =	sst s5  }
0xe: {  	[smem:$0x3FAD] =	sst s6  }
0xf: {  	[smem:$0x3FAE] =	sst s7  }
0x10: {  	[smem:$0x3FAF] =	sst s8  }
0x11: {  	[smem:$0x3FB0] =	sst s9;
	s0 =	simm.s32 @!p0 $0x0  }
0x12: {  	s1 =	sld [smem:$0x3F96];
	s0 =	simm.s32 @p0 $0x1  }
0x13: {  	[smem:$0x3FB1] =	sst s0;
	s0 =	simm.s32 @!p1 $0x0  }
0x14: {  	s2 =	sld [smem:$0x3F95];
	s0 =	simm.s32 @p1 $0x1  }
0x15: {  	[smem:$0x3FB2] =	sst s0;
	s0 =	simm.s32 @!p2 $0x0  }
0x16: {  	s3 =	sld [smem:$0x3FDB];
	s0 =	simm.s32 @p2 $0x1  }
0x17: {  	s4 =	simm.s32 $0x1BF5;
	[smem:$0x3FB4] =	sst s0  }
0x18: {  	s0 =	sld [smem:$0x3F97];
	_ =	swait.ge [sflag:s4], $0x0  }
0x19: {  	s7 =	sld [smem:$0x3F98]  }
0x1a: {  	s8 =	sadd.s32 $0xFFFFE003, lr  }
0x1b: {  	s9 =	sadd.s32 $0xFFFFFEF7, lr;
	s5 =	simm.s32 $0xFFFFFFFF;
	p2 =	slt.u32 s8, $0xFFFFF086  }
0x1c: {  	p1 =	slt.u32 s9, $0xF7A;
	s5 =	simm.s32 @!p2 $0x0  }
0x1d: {  	s5 =	simm.s32 @p1 $0x1;
	p0 =	seq.s32 s7, s2  }
0x1e: {  	s7 =	smul.u32 @!p0 $0xF7A, s2;
	p2 =	seq.s32 @!p0 s5, $0x0  }
0x1f: {  	s9 =	smul.u32 $0xF7A, s1;
	s8 =	simm.s32 @!p0 $0x1BF5;
	p2 =	por !p2, p0  }
0x20: {  	[sflag:s8] =	ssyncset.s32 @!p0 $0xFFFFF086;
	s6 =	sadd.s32 @!p0 s3, s7;
	s7 =	simm.s32 @!p0 $0x108  }
0x21: {  	s3 =	sadd.s32 s3, s9;
	s6 =	sadd.s32 @!p0 $0x88, s6;
	s7 =	simm.s32 @p2 $0x1082  }
0x22: {  	[simem:s7], [sflag:s8] =	dma.local @!p0 [hbm:s6], $0xF7A  }
0x23: {  	s9 =	sor.u32 $0xD0000000, s2;
	s6 =	simm.s32 $0x108;
	_ =	swait.ge @!p0 [sflag:s8], $0x0  }
0x24: {  	s3 =	sadd.s32 $0x88, s3;
	s6 =	simm.s32 @!p1 $0x1082;
	[sflag:s4] =	ssyncset.s32 $0xFFFFF086  }
0x25: {  	[simem:s6], [sflag:s4] =	dma.local [hbm:s3], $0xF7A  }
0x26: {  	[smem:$0x3F98] =	sst s1;
	(tag) =	ssettag s2;
	_ =	strace s9  }
0x27: {  	s1 =	sld [smem:$0x3FA8]  }
0x28: {  	s2 =	sld [smem:$0x3FA9]  }
0x29: {  	s4 =	sld [smem:$0x3FAB]  }
0x2a: {  	p0 =	seq.s32 s5, $0x0;
	s5 =	sld [smem:$0x3FAC]  }
0x2b: {  	s6 =	sld [smem:$0x3FAD]  }
0x2c: {  	s7 =	sld [smem:$0x3FAE]  }
0x2d: {  	s3 =	simm.s32 $0x108;
	s8 =	sld [smem:$0x3FAF]  }
0x2e: {  	s3 =	simm.s32 @!p0 $0x1082;
	s9 =	sld [smem:$0x3FB0]  }
0x2f: {  	lr =	sadd.s32 s0, s3;
	s0 =	sld [smem:$0x3FA7]  }
0x30: {  	s3 =	sld [smem:$0x3FAA]  }
0x31: {  	[smem:$0x3FB3] =	sst s10  }
0x32: {  	s10 =	sld [smem:$0x3FB1];
	_ =	sdelay $0x3  }
0x33: {  	p0 =	seq.s32 s10, $0x1;
	s10 =	sld [smem:$0x3FB3];
	_ =	sdelay $0x3  }
0x34: {  	[smem:$0x3FB3] =	sst s10  }
0x35: {  	s10 =	sld [smem:$0x3FB2];
	_ =	sdelay $0x3  }
0x36: {  	p1 =	seq.s32 s10, $0x1;
	s10 =	sld [smem:$0x3FB3];
	_ =	sdelay $0x3  }
0x37: {  	[smem:$0x3FB3] =	sst s10  }
0x38: {  	s10 =	sld [smem:$0x3FB4]  }
0x39: {  	_ = 	snop;
	(pc) =	sbr.ind lr, $3  }
0x3a: {  	_ = 	snop  }
0x3b: {  	_ = 	snop  }
0x3c: {  	p2 =	seq.s32 s10, $0x1;
	s10 =	sld [smem:$0x3FB3]  }
0x3d: {  	_ =	shalt  }
0x3e: {  	_ =	shalt  }
0x3f: {  	_ =	shalt  }
0x40: {  	_ =	shalt  }
0x41: {  	_ =	shalt  }
0x42: {  	_ =	shalt  }
0x43: {  	_ =	shalt  }
0x44: {  	_ =	shalt  }
0x45: {  	_ =	shalt  }
0x46: {  	_ =	shalt  }
0x47: {  	_ =	shalt  }
0x48: {  	_ =	shalt  }
0x49: {  	_ =	shalt  }
0x4a: {  	_ =	shalt  }
0x4b: {  	_ =	shalt  }
0x4c: {  	_ =	shalt  }
0x4d: {  	_ =	shalt  }
0x4e: {  	_ =	shalt  }
0x4f: {  	_ =	shalt  }
0x50: {  	_ =	shalt  }
0x51: {  	_ =	shalt  }
0x52: {  	_ =	shalt  }
0x53: {  	_ =	shalt  }
0x54: {  	_ =	shalt  }
0x55: {  	_ =	shalt  }
0x56: {  	_ =	shalt  }
0x57: {  	_ =	shalt  }
0x58: {  	_ =	shalt  }
0x59: {  	_ =	shalt  }
0x5a: {  	_ =	shalt  }
0x5b: {  	_ =	shalt  }
0x5c: {  	_ =	shalt  }
0x5d: {  	_ =	shalt  }
0x5e: {  	_ =	shalt  }
0x5f: {  	_ =	shalt  }
0x60: {  	_ =	shalt  }
0x61: {  	_ =	shalt  }
0x62: {  	_ =	shalt  }
0x63: {  	_ =	shalt  }
0x64: {  	_ =	shalt  }
0x65: {  	_ =	shalt  }
0x66: {  	_ =	shalt  }
0x67: {  	_ =	shalt  }
0x68: {  	_ =	shalt  }
0x69: {  	_ =	shalt  }
0x6a: {  	_ =	shalt  }
0x6b: {  	_ =	shalt  }
0x6c: {  	_ =	shalt  }
0x6d: {  	_ =	shalt  }
0x6e: {  	_ =	shalt  }
0x6f: {  	_ =	shalt  }
0x70: {  	_ =	shalt  }
0x71: {  	_ =	shalt  }
0x72: {  	_ =	shalt  }
0x73: {  	_ =	shalt  }
0x74: {  	_ =	shalt  }
0x75: {  	_ =	shalt  }
0x76: {  	_ =	shalt  }
0x77: {  	_ =	shalt  }
0x78: {  	_ =	shalt  }
0x79: {  	_ =	shalt  }
0x7a: {  	_ =	shalt  }
0x7b: {  	_ =	shalt  }
0x7c: {  	_ =	shalt  }
0x7d: {  	_ =	shalt  }
0x7e: {  	_ =	shalt  }
0x7f: {  	_ =	shalt  }
0x80: {  	_ =	shalt  }
0x81: {  	_ =	shalt  }
0x82: {  	_ =	shalt  }
0x83: {  	_ =	shalt  }
0x84: {  	_ =	shalt  }
0x85: {  	_ =	shalt  }
0x86: {  	_ =	shalt  }
0x87: {  	_ =	shalt  }
.Lfunc_end0:
.L_simem_size_0:
called_computation_lowered:
.L_overlay_start_0:
0x88: {  	s2 =	sld [smem:$0x3FD9]  }
0x89: {  	s3 =	sld [smem:$0x3FFE];
	_ =	sdelay $0x1  }
0x8a: {  	s1 =	srdreg.scid  }
0x8b: {  	s0 =	sand.u32 $0x1, s1  }
0x8c: {  	s17 =	sshll.u32 s0, $0xA;
	s2 =	sadd.s32 s3, s2  }
0x8d: {  	s2 =	sadd.s32 s2, s17  }
0x8e: {  	[smem:$0x3FBF] =	sst s2  }
0x8f: {  	_ = 	snop  }
0x90: {  	s2 =	sld [smem:$0x3FD0];
	(tm) =	ssettm $0x1  }
0x91: {  	s18 =	sld [smem:$0x3FFB];
	_ =	sdelay $0x3  }
0x92: {  	_ =	strace s18  }
0x93: {  	s3 =	sld [smem:$0x3FFC];
	_ =	sdelay $0x3  }
0x94: {  	_ =	strace s3  }
0x95: {  	s3 =	sld [smem:$0x3FFD];
	_ =	sdelay $0x3  }
0x96: {  	_ =	strace s3  }
0x97: {  	_ =	strace $0x8FFFFFFF  }
0x98: {  	s19 =	sld [smem:$0x3FDB];
	_ =	sdelay $0x1  }
0x99: {  	s4 =	simm.s32 $_scs_section_size  }
0x9a: {  	s5 =	simm.s32 $_size__tile_overlayer_lowered;
	s6 =	simm.s32 $_tile_overlayer_lowered  }
0x9b: {  	s22 =	simm.s32 $0x1BFF;
	s21 =	sshll.u32 s6, $0x1;
	s3 =	sadd.s32 s4, s19  }
0x9c: {  	s7 =	simm.s32 $0x0;
	s20 =	sshll.u32 s5, $0x1;
	s5 =	sadd.s32 s21, s3  }
0x9d: {  	[timem:s7], [sflag:s22] =	dma.local [hbm:s5], s20  }
0x9e: {  	_ =	swait.ge [sflag:s22], s20  }
0x9f: {  	s4 =	ssub.s32 $0x0, s20;
	[sflag:s22] =	ssyncset.done $0x0  }
0xa0: {  	[sflag:s22] =	ssyncadd.s32 s4;
	_ =	sdelay $0x1  }
0xa1: {  	s23 =	simm.s32 $0x1B8B  }
0xa2: {  	_ =	swait.ge [sflag:s23], $0x1  }
0xa3: {  	[sflag:s23] =	ssyncset.done $0x0  }
0xa4: {  	s25 =	simm.s32 $0x1B8E;
	s24 =	sld [smem:$0x3FFE];
	[sflag:s23] =	ssyncadd.s32 $0xFFFFFFFF  }
0xa5: {  	s26 =	simm.s32 $execute0_lowered;
	[smem:$0x3FD2] =	sst s25  }
0xa6: {  	s5 =	sshll.u32 s26, $0x1;
	_ =	strace $0x80000046;
	[dreg:$0x1] =	wrdreg $0xFFFFFFFF  }
0xa7: {  	s28 =	simm.s32 $_size_execute0_lowered;
	s3 =	sadd.s32 s3, s5;
	[dreg:$0x0] =	wrdreg $0x0  }
0xa8: {  	s5 =	sshll.u32 s28, $0x1;
	[dreg:$0x2] =	wrdreg s3  }
0xa9: {  	[dreg:$0x3] =	wrdreg s5  }
0xaa: {  	[dreg:$0x4] =	wrdreg $0xC0  }
0xab: {  	_ =	task [dreg:s7], $0x5FFFF  }
0xac: {  	[dreg:$0x1] =	wrdreg $0xFFFFFFFF  }
0xad: {  	[dreg:$0x0] =	wrdreg $0x60  }
0xae: {  	[dreg:$0x2] =	wrdreg s2  }
0xaf: {  	[dreg:$0x3] =	wrdreg s24  }
0xb0: {  	[dreg:$0x4] =	wrdreg $0x9  }
0xb1: {  	_ =	task.clear_ibuf [dreg:s7], $0x5FFFF;
	_ =	strace $0x90000046  }
0xb2: {  	s29 =	simm.s32 $0x9;
	_ =	strace $0x80000048  }
0xb3: {  	_ =	swait.ge [sflag:s29], $0x1  }
0xb4: {  	[sflag:s29] =	ssyncadd.s32 $0xFFFFFFFF  }
0xb5: {  	_ =	strace $0x90000048  }
0xb6: {  	_ =	sfence  }
0xb7: {  	s30 =	sld [smem:$0x0];
	_ =	sdelay $0x2  }
0xb8: {  	s31 =	sshll.u32 s1, $0xD;
	s1 =	sshrl.u32 s1, $0x2  }
0xb9: {  	s3 =	sand.u32 $0x4000, s31;
	s1 =	sadd.s32 s1, s30  }
0xba: {  	s0 =	sor.u32 s3, s0;
	s1 =	sshll.u32 s1, $0x11  }
0xbb: {  	s0 =	sor.u32 s1, s0  }
0xbc: {  	s0 =	sadd.s32 $0x8F2B, s0  }
0xbd: {  	[sflag:s0] =	ssyncadd.remote.s32 $0x1  }
0xbe: {  	_ =	sfence.sel $0xFFFF  }
0xbf: {  	[dreg:$0x0] =	wrdreg $0xFFFFFFFF;
	(pc) =	sbr.abs _section_cstart, $3  }
0xc0: {  	[dreg:$0x1] =	wrdreg $0xFFFFFFFF  }
0xc1: {  	_ =	task.clear_ibuf [dreg:s7], $0x2FFFF;
	_ =	strace $0x9FFFFFFF  }
0xc2: {  	(tm) =	ssettm $0x7FFFFFFF  }
0xc3: {  	_ =	shalt  }
tec
execute0_lowered:
.L_overlay_start_1:
0x0: {  	(tag) =	ssettag $0x1  }
0x1: {  	s1 =	rddreg [dreg:$0x0]  }
0x2: {  	s9 =	rddreg [dreg:$0x1];
	s2 =	srdreg.scid  }
0x3: {  	s0 =	rddreg [dreg:$0x2];
	s3 =	simm.s32 $0x0;
	s14 =	simm.s32 $0x7800  }
0x4: {  	s15 =	simm.s32 $0x8000;
	s16 =	simm.s32 $0x8800;
	s17 =	simm.s32 $0x5000  }
0x5: {  	s18 =	simm.s32 $0x9000;
	s19 =	simm.s32 $0x80;
	s8 =	sand.u32 $0x1, s2  }
0x6: {  	s20 =	simm.s32 $0x400;
	s2 =	stileid.u32;
	s4 =	sshll.u32 s8, $0x4  }
0x7: {  	[smem:$0x7FF] =	sst s3;
	s5 =	sadd.s32 $0x4E3E00, s9;
	s10 =	sor.u32 s2, s4  }
0x8: {  	_ =	strace $0x80000047;
	s7 =	sshll.u32 s2, $0x7;
	s6 =	sshrl.u32 s10, $0x3  }
0x9: {  	s31 =	ssub.s32 $0x2, s8;
	s8 =	sadd.s32 $0x52AA00, s9;
	s11 =	smul.u32 $0x14000, s6  }
0xa: {  	s21 =	simm.s32 $0x0;
	s4 =	sadd.s32 $0x516A00, s9;
	s12 =	sand.u32 $0x380, s7  }
0xb: {  	s7 =	sadd.s32 $0x4EDE00, s9;
	s13 =	sshrl.u32 s31, $0x1;
	s11 =	sor.u32 s12, s11  }
0xc: {  	s6 =	sadd.s32 $0x4EE400, s9;
	s12 =	ssub.s32 s31, s13;
	s11 =	sshrl.u32 s11, $0x3  }
0xd: {  	s13 =	simm.s32 $0x2800;
	s11 =	sadd.s32 s11, s9;
	s9 =	smul.u32 $0x2800, s10  }
0xe: {  	v0 =	vimm.f32 $0.0e+00;
	s10 =	sadd.s32 $0x520A00, s11;
	s11 =	smax.u32 s12, $0x1;
	s12 =	simm.s32 $0x1  }
.LBB2_1:
0xf: {  	[tilespmem:s3], [sflag:$0x1] =	stream.linear.gather [hbm4b:s6+s3], $0x2800, $0x38;
	[tilespmem:$0x9800] =	vst v63  }
0x10: {  	_ =	swait.ge [sflag:s12], $0x2800  }
0x11: {  	[sflag:s12] =	ssyncset.done $0x0  }
0x12: {  	[sflag:s12] =	ssyncadd.s32 $0xFFFFD800  }
0x13: {  	[tilespmem:s13], [sflag:$0x1] =	stream.linear.gather [hbm4b:s7+s3], $0x2800, $0x38;
	[tilespmem:$0x9800] =	vst v63  }
0x14: {  	_ =	swait.ge [sflag:s12], $0x2800  }
0x15: {  	[sflag:s12] =	ssyncset.done $0x0  }
0x16: {  	s22 =	simm.s32 $0x40;
	s23 =	simm.s32 $0x0;
	[sflag:s12] =	ssyncadd.s32 $0xFFFFD800  }
.LBB2_2:
0x17: {  	p0 =	sne.s32 s22, $0x9FC0;
	[tilespmem:s23+$0x5000] =	vst v0;
	s23 =	smov.u32 s22;
	s22 =	sadd.s32 $0x40, s22  }
.Ltmp0:
0x18: {  	(pc) =	sbr.rel @p0 .LBB2_2-.Ltmp0, $2  }
0x19: {  	_ =	sdelay $0x2  }
0x1a: {  	s23 =	sshra.s32 s23, $0x2  }
0x1b: {  	[tilespmem:s23+$0x5000] =	vst v0;
	s22 =	simm.s32 $0x0;
	s23 =	simm.s32 $0x0  }
.LBB2_4:
0x1c: {  	s24 =	sshll.u32 s23, $0xB  }
0x1d: {  	s24 =	sadd.s32 s9, s24  }
0x1e: {  	s24 =	sshrl.u32 s24, $0x3  }
0x1f: {  	s25 =	sadd.s32 s1, s24  }
0x20: {  	[tilespmem:s14], [sflag:$0x1] =	stream.linear.gather [hbm4b:s25+s22], $0x800, $0x38;
	[tilespmem:$0x9800] =	vst v63  }
0x21: {  	_ =	swait.ge [sflag:s12], $0x800  }
0x22: {  	[sflag:s12] =	ssyncset.done $0x0  }
0x23: {  	s30 =	sadd.s32 s4, s24;
	[sflag:s12] =	ssyncadd.s32 $0xFFFFF800  }
0x24: {  	[tilespmem:s15], [sflag:$0x1] =	stream.linear.gather [hbm4b:s30+s22], $0x800, $0x38;
	[tilespmem:$0x9800] =	vst v63  }
0x25: {  	_ =	swait.ge [sflag:s12], $0x800  }
0x26: {  	[sflag:s12] =	ssyncset.done $0x0  }
0x27: {  	s31 =	sadd.s32 s5, s24;
	[sflag:s12] =	ssyncadd.s32 $0xFFFFF800  }
0x28: {  	[tilespmem:s16], [sflag:$0x1] =	stream.linear.gather [hbm4b:s31+s22], $0x800, $0x38;
	[tilespmem:$0x9800] =	vst v63  }
0x29: {  	_ =	swait.ge [sflag:s12], $0x800  }
0x2a: {  	[sflag:s12] =	ssyncset.done $0x0  }
0x2b: {  	s25 =	simm.s32 $0x0;
	[sflag:s12] =	ssyncadd.s32 $0xFFFFF800  }
0x2c: {  	s26 =	simm.s32 $0x40;
	v1 =	vld [tilespmem:s25+$0x7800]  }
.LBB2_5:
0x2d: {  	p0 =	sne.s32 s26, $0x1FC0  }
0x2e: {  	v2 =	vld [tilespmem:s25+$0x8000];
	_ =	sdelay $0x5  }
0x2f: {  	v1 =	vld.idx.msk [tilespmem:v1+s3+$0x0], $0xffff  }
0x30: {  	v3 =	vld [tilespmem:s25+$0x8800]  }
0x31: {  	v4 =	vld.idx.msk [tilespmem:v2+s13+$0x0], $0xffff;
	_ =	sdelay $0x3  }
0x32: {  	v1 =	vadd.f32 v3, v1;
	_ =	sdelay $0x1  }
0x33: {  	v1 =	vadd.f32 v1, v4;
	_ =	sdelay $0x1  }
0x34: {  	v3 =	vmul.f32 $9.999999770e-03, v1  }
0x35: {  	vm0 =	vge.f32 v1, $0.0e+00  }
0x36: {  	v1 =	vsel vm0, v1, v3  }
0x37: {  	v1 =	vmul.f32 $1.442695020e+00, v1;
	_ =	sdelay $0x1  }
0x38: {  	(erf) = vpow2.f32 v1;
	_ =	sdelay $0x7  }
.Ltmp1:
0x39: {  	(pc) =	sbr.rel @p0 .LBB2_5-.Ltmp1, $4  }
0x3a: {  	v1 =	vpop (erf)  }
0x3b: {  	[tilespmem:s25+$0x9000] =	vst v1  }
0x3c: {  	s25 =	sshra.s32 s26, $0x2;
	[tilespmem:v2+s17+$0x0] =	vst.idx.add.f32.msk $0xffff, v1  }
0x3d: {  	s26 =	sadd.s32 $0x40, s26;
	v1 =	vld [tilespmem:s25+$0x7800]  }
0x3e: {  	_ =	sdelay $0x1  }
0x3f: {  	v2 =	vld [tilespmem:s25+$0x8000];
	_ =	sdelay $0x4  }
0x40: {  	v3 =	vld [tilespmem:s25+$0x8800]  }
0x41: {  	v1 =	vld.idx.msk [tilespmem:v1+s3+$0x0], $0xffff;
	_ =	sdelay $0x1  }
0x42: {  	v4 =	vld.idx.msk [tilespmem:v2+s13+$0x0], $0xffff;
	_ =	sdelay $0x2  }
0x43: {  	v1 =	vadd.f32 v3, v1;
	_ =	sdelay $0x1  }
0x44: {  	v1 =	vadd.f32 v1, v4;
	_ =	sdelay $0x1  }
0x45: {  	v3 =	vmul.f32 $9.999999770e-03, v1  }
0x46: {  	vm0 =	vge.f32 v1, $0.0e+00  }
0x47: {  	v1 =	vsel vm0, v1, v3  }
0x48: {  	v1 =	vmul.f32 $1.442695020e+00, v1;
	_ =	sdelay $0x1  }
0x49: {  	(erf) = vpow2.f32 v1;
	_ =	sdelay $0x8  }
0x4a: {  	s23 =	sadd.s32 $0x1, s23;
	v1 =	vpop (erf)  }
0x4b: {  	p0 =	sne.s32 s23, $0x5;
	[tilespmem:s25+$0x9000] =	vst v1  }
.Ltmp2:
0x4c: {  	s24 =	sadd.s32 s8, s24;
	[tilespmem:v2+s17+$0x0] =	vst.idx.add.f32.msk $0xffff, v1;
	(pc) =	sbr.rel @p0 .LBB2_4-.Ltmp2, $4  }
0x4d: {  	[hbm4b:s24+s3] =	stream.linear.scatter [tilespmem:s18], [sflag:$0x1], $0x800, $0x38;
	[tilespmem:$0x9800] =	vst v63  }
0x4e: {  	_ =	swait.ge [sflag:s12], $0x800  }
0x4f: {  	[sflag:s12] =	ssyncset.done $0x0  }
0x50: {  	[sflag:s12] =	ssyncadd.s32 $0xFFFFF800  }
0x51: {  	s21 =	sadd.s32 $0x1, s21  }
0x52: {  	p0 =	sne.s32 s21, s11  }
.Ltmp3:
0x53: {  	_ = 	snop;
	(pc) =	sbr.rel @p0 .LBB2_1-.Ltmp3, $4  }
0x54: {  	[hbm4b:s10+s19] =	stream.strided.scatter [tilespmem:s17], [sflag:$0x1], $0x2800, s20, s19, $0x38;
	[tilespmem:$0x9800] =	vst v63  }
0x55: {  	_ =	swait.ge [sflag:s12], $0x2800  }
0x56: {  	[sflag:s12] =	ssyncset.done $0x0  }
0x57: {  	[sflag:s12] =	ssyncadd.s32 $0xFFFFD800  }
0x58: {  	_ =	sfence.sel $0x180000  }
0x59: {  	[bflag:$0x0] =	sbarrier.arrive $0xFFFF  }
0x5a: {  	p0 =	sne.s32 s2, $0x0;
	_ =	strace $0x90000047  }
0x5b: {  	s0 =	sadd.s32 @!p0 $0x100000, s0;
	[bflag:$0x2] =	sbarrier.arrive $0xFFFF  }
0x5c: {  	[sflag:s0] =	ssyncadd.tile.s32 @!p0 $0x1;
	_ =	shalt  }
.Lfunc_end2:
_tile_overlayer_lowered:
.L_overlay_start_2:
0x5d: {  	(tag) =	ssettag $0x2  }
0x5e: {  	s0 =	rddreg [dreg:$0x0];
	s2 =	stileid.u32  }
0x5f: {  	s1 =	rddreg [dreg:$0x1];
	p0 =	sne.s32 s2, $0x0  }
0x60: {  	s3 =	rddreg [dreg:$0x2];
	[bflag:$0x3] =	sbarrier.arrive $0xFFFF;
	s2 =	simm.s32 @!p0 $0x1C01  }
0x61: {  	[timem:s3], [sflag:s2] =	dma.local @!p0 [hbm:s0], s1  }
0x62: {  	s0 =	simm.s32 @!p0 $0x1  }
0x63: {  	_ =	swait.ge @!p0 [sflag:s0], s1  }
0x64: {  	s1 =	ssub.s32 @!p0 $0x0, s1;
	[sflag:s0] =	ssyncset.done @!p0 $0x0  }
0x65: {  	[sflag:s0] =	ssyncadd.s32 @!p0 s1  }
0x66: {  	[bflag:$0x3] =	sbarrier.arrive $0xFFFF  }
0x67: {  	_ =	shalt  }

// kernel: kernel.13.cloned.1.call-start
scs
__scs_entry_jumppad:
0x0: {  	(pc) =	sbr.rel $0x88, $3  }
0x1: {  	(tag) =	ssettag $0x0;
	lr =	simm.s32 $0x1  }
0x2: {  	[smem:$0x3F98] =	sst lr;
	_ =	strace $0xD0000000  }
0x3: {  	_ = 	snop  }
0x4: {  	_ = 	snop  }
0x5: {  	_ = 	snop  }
0x6: {  	_ = 	snop  }
0x7: {  	_ = 	snop  }
__scs_overlays_trampoline_lowered:
0x8: {  	[smem:$0x3FA7] =	sst s0  }
0x9: {  	[smem:$0x3FA8] =	sst s1  }
0xa: {  	[smem:$0x3FA9] =	sst s2  }
0xb: {  	[smem:$0x3FAA] =	sst s3  }
0xc: {  	[smem:$0x3FAB] =	sst s4  }
0xd: {  	[smem:$0x3FAC] =	sst s5  }
0xe: {  	[smem:$0x3FAD] =	sst s6  }
0xf: {  	[smem:$0x3FAE] =	sst s7  }
0x10: {  	[smem:$0x3FAF] =	sst s8  }
0x11: {  	[smem:$0x3FB0] =	sst s9;
	s0 =	simm.s32 @!p0 $0x0  }
0x12: {  	s1 =	sld [smem:$0x3F96];
	s0 =	simm.s32 @p0 $0x1  }
0x13: {  	[smem:$0x3FB1] =	sst s0;
	s0 =	simm.s32 @!p1 $0x0  }
0x14: {  	s2 =	sld [smem:$0x3F95];
	s0 =	simm.s32 @p1 $0x1  }
0x15: {  	[smem:$0x3FB2] =	sst s0;
	s0 =	simm.s32 @!p2 $0x0  }
0x16: {  	s3 =	sld [smem:$0x3FDB];
	s0 =	simm.s32 @p2 $0x1  }
0x17: {  	s4 =	simm.s32 $0x1BF5;
	[smem:$0x3FB4] =	sst s0  }
0x18: {  	s0 =	sld [smem:$0x3F97];
	_ =	swait.ge [sflag:s4], $0x0  }
0x19: {  	s7 =	sld [smem:$0x3F98]  }
0x1a: {  	s8 =	sadd.s32 $0xFFFFE003, lr  }
0x1b: {  	s9 =	sadd.s32 $0xFFFFFEF7, lr;
	s5 =	simm.s32 $0xFFFFFFFF;
	p2 =	slt.u32 s8, $0xFFFFF086  }
0x1c: {  	p1 =	slt.u32 s9, $0xF7A;
	s5 =	simm.s32 @!p2 $0x0  }
0x1d: {  	s5 =	simm.s32 @p1 $0x1;
	p0 =	seq.s32 s7, s2  }
0x1e: {  	s7 =	smul.u32 @!p0 $0xF7A, s2;
	p2 =	seq.s32 @!p0 s5, $0x0  }
0x1f: {  	s9 =	smul.u32 $0xF7A, s1;
	s8 =	simm.s32 @!p0 $0x1BF5;
	p2 =	por !p2, p0  }
0x20: {  	[sflag:s8] =	ssyncset.s32 @!p0 $0xFFFFF086;
	s6 =	sadd.s32 @!p0 s3, s7;
	s7 =	simm.s32 @!p0 $0x108  }
0x21: {  	s3 =	sadd.s32 s3, s9;
	s6 =	sadd.s32 @!p0 $0x88, s6;
	s7 =	simm.s32 @p2 $0x1082  }
0x22: {  	[simem:s7], [sflag:s8] =	dma.local @!p0 [hbm:s6], $0xF7A  }
0x23: {  	s9 =	sor.u32 $0xD0000000, s2;
	s6 =	simm.s32 $0x108;
	_ =	swait.ge @!p0 [sflag:s8], $0x0  }
0x24: {  	s3 =	sadd.s32 $0x88, s3;
	s6 =	simm.s32 @!p1 $0x1082;
	[sflag:s4] =	ssyncset.s32 $0xFFFFF086  }
0x25: {  	[simem:s6], [sflag:s4] =	dma.local [hbm:s3], $0xF7A  }
0x26: {  	[smem:$0x3F98] =	sst s1;
	(tag) =	ssettag s2;
	_ =	strace s9  }
0x27: {  	s1 =	sld [smem:$0x3FA8]  }
0x28: {  	s2 =	sld [smem:$0x3FA9]  }
0x29: {  	s4 =	sld [smem:$0x3FAB]  }
0x2a: {  	p0 =	seq.s32 s5, $0x0;
	s5 =	sld [smem:$0x3FAC]  }
0x2b: {  	s6 =	sld [smem:$0x3FAD]  }
0x2c: {  	s7 =	sld [smem:$0x3FAE]  }
0x2d: {  	s3 =	simm.s32 $0x108;
	s8 =	sld [smem:$0x3FAF]  }
0x2e: {  	s3 =	simm.s32 @!p0 $0x1082;
	s9 =	sld [smem:$0x3FB0]  }
0x2f: {  	lr =	sadd.s32 s0, s3;
	s0 =	sld [smem:$0x3FA7]  }
0x30: {  	s3 =	sld [smem:$0x3FAA]  }
0x31: {  	[smem:$0x3FB3] =	sst s10  }
0x32: {  	s10 =	sld [smem:$0x3FB1];
	_ =	sdelay $0x3  }
0x33: {  	p0 =	seq.s32 s10, $0x1;
	s10 =	sld [smem:$0x3FB3];
	_ =	sdelay $0x3  }
0x34: {  	[smem:$0x3FB3] =	sst s10  }
0x35: {  	s10 =	sld [smem:$0x3FB2];
	_ =	sdelay $0x3  }
0x36: {  	p1 =	seq.s32 s10, $0x1;
	s10 =	sld [smem:$0x3FB3];
	_ =	sdelay $0x3  }
0x37: {  	[smem:$0x3FB3] =	sst s10  }
0x38: {  	s10 =	sld [smem:$0x3FB4]  }
0x39: {  	_ = 	snop;
	(pc) =	sbr.ind lr, $3  }
0x3a: {  	_ = 	snop  }
0x3b: {  	_ = 	snop  }
0x3c: {  	p2 =	seq.s32 s10, $0x1;
	s10 =	sld [smem:$0x3FB3]  }
0x3d: {  	_ =	shalt  }
0x3e: {  	_ =	shalt  }
0x3f: {  	_ =	shalt  }
0x40: {  	_ =	shalt  }
0x41: {  	_ =	shalt  }
0x42: {  	_ =	shalt  }
0x43: {  	_ =	shalt  }
0x44: {  	_ =	shalt  }
0x45: {  	_ =	shalt  }
0x46: {  	_ =	shalt  }
0x47: {  	_ =	shalt  }
0x48: {  	_ =	shalt  }
0x49: {  	_ =	shalt  }
0x4a: {  	_ =	shalt  }
0x4b: {  	_ =	shalt  }
0x4c: {  	_ =	shalt  }
0x4d: {  	_ =	shalt  }
0x4e: {  	_ =	shalt  }
0x4f: {  	_ =	shalt  }
0x50: {  	_ =	shalt  }
0x51: {  	_ =	shalt  }
0x52: {  	_ =	shalt  }
0x53: {  	_ =	shalt  }
0x54: {  	_ =	shalt  }
0x55: {  	_ =	shalt  }
0x56: {  	_ =	shalt  }
0x57: {  	_ =	shalt  }
0x58: {  	_ =	shalt  }
0x59: {  	_ =	shalt  }
0x5a: {  	_ =	shalt  }
0x5b: {  	_ =	shalt  }
0x5c: {  	_ =	shalt  }
0x5d: {  	_ =	shalt  }
0x5e: {  	_ =	shalt  }
0x5f: {  	_ =	shalt  }
0x60: {  	_ =	shalt  }
0x61: {  	_ =	shalt  }
0x62: {  	_ =	shalt  }
0x63: {  	_ =	shalt  }
0x64: {  	_ =	shalt  }
0x65: {  	_ =	shalt  }
0x66: {  	_ =	shalt  }
0x67: {  	_ =	shalt  }
0x68: {  	_ =	shalt  }
0x69: {  	_ =	shalt  }
0x6a: {  	_ =	shalt  }
0x6b: {  	_ =	shalt  }
0x6c: {  	_ =	shalt  }
0x6d: {  	_ =	shalt  }
0x6e: {  	_ =	shalt  }
0x6f: {  	_ =	shalt  }
0x70: {  	_ =	shalt  }
0x71: {  	_ =	shalt  }
0x72: {  	_ =	shalt  }
0x73: {  	_ =	shalt  }
0x74: {  	_ =	shalt  }
0x75: {  	_ =	shalt  }
0x76: {  	_ =	shalt  }
0x77: {  	_ =	shalt  }
0x78: {  	_ =	shalt  }
0x79: {  	_ =	shalt  }
0x7a: {  	_ =	shalt  }
0x7b: {  	_ =	shalt  }
0x7c: {  	_ =	shalt  }
0x7d: {  	_ =	shalt  }
0x7e: {  	_ =	shalt  }
0x7f: {  	_ =	shalt  }
0x80: {  	_ =	shalt  }
0x81: {  	_ =	shalt  }
0x82: {  	_ =	shalt  }
0x83: {  	_ =	shalt  }
0x84: {  	_ =	shalt  }
0x85: {  	_ =	shalt  }
0x86: {  	_ =	shalt  }
0x87: {  	_ =	shalt  }
.Lfunc_end0:
.L_simem_size_0:
called_computation.1_lowered:
.L_overlay_start_0:
0x88: {  	s2 =	sld [smem:$0x3FD9]  }
0x89: {  	s3 =	sld [smem:$0x3FFE];
	_ =	sdelay $0x1  }
0x8a: {  	s1 =	srdreg.scid  }
0x8b: {  	s0 =	sand.u32 $0x1, s1  }
0x8c: {  	s17 =	sshll.u32 s0, $0xA;
	s2 =	sadd.s32 s3, s2  }
0x8d: {  	s2 =	sadd.s32 s2, s17  }
0x8e: {  	[smem:$0x3FBF] =	sst s2  }
0x8f: {  	_ = 	snop  }
0x90: {  	s2 =	sld [smem:$0x3FD0];
	(tm) =	ssettm $0x1  }
0x91: {  	s18 =	sld [smem:$0x3FFB];
	_ =	sdelay $0x3  }
0x92: {  	_ =	strace s18  }
0x93: {  	s3 =	sld [smem:$0x3FFC];
	_ =	sdelay $0x3  }
0x94: {  	_ =	strace s3  }
0x95: {  	s3 =	sld [smem:$0x3FFD];
	_ =	sdelay $0x3  }
0x96: {  	_ =	strace s3  }
0x97: {  	_ =	strace $0x8FFFFFFF  }
0x98: {  	s19 =	sld [smem:$0x3FDB];
	_ =	sdelay $0x1  }
0x99: {  	s4 =	simm.s32 $_scs_section_size  }
0x9a: {  	s5 =	simm.s32 $_size__tile_overlayer_lowered;
	s6 =	simm.s32 $_tile_overlayer_lowered  }
0x9b: {  	s22 =	simm.s32 $0x1BFF;
	s21 =	sshll.u32 s6, $0x1;
	s3 =	sadd.s32 s4, s19  }
0x9c: {  	s7 =	simm.s32 $0x0;
	s20 =	sshll.u32 s5, $0x1;
	s5 =	sadd.s32 s21, s3  }
0x9d: {  	[timem:s7], [sflag:s22] =	dma.local [hbm:s5], s20  }
0x9e: {  	_ =	swait.ge [sflag:s22], s20  }
0x9f: {  	s4 =	ssub.s32 $0x0, s20;
	[sflag:s22] =	ssyncset.done $0x0  }
0xa0: {  	[sflag:s22] =	ssyncadd.s32 s4;
	_ =	sdelay $0x1  }
0xa1: {  	s23 =	simm.s32 $0x1B8B  }
0xa2: {  	_ =	swait.ge [sflag:s23], $0x1  }
0xa3: {  	[sflag:s23] =	ssyncset.done $0x0  }
0xa4: {  	s25 =	simm.s32 $0x1B8E;
	s24 =	sld [smem:$0x3FFE];
	[sflag:s23] =	ssyncadd.s32 $0xFFFFFFFF  }
0xa5: {  	s26 =	simm.s32 $execute0_lowered;
	[smem:$0x3FD2] =	sst s25  }
0xa6: {  	s5 =	sshll.u32 s26, $0x1;
	_ =	strace $0x80000049;
	[dreg:$0x1] =	wrdreg $0xFFFFFFFF  }
0xa7: {  	s28 =	simm.s32 $_size_execute0_lowered;
	s3 =	sadd.s32 s3, s5;
	[dreg:$0x0] =	wrdreg $0x0  }
0xa8: {  	s5 =	sshll.u32 s28, $0x1;
	[dreg:$0x2] =	wrdreg s3  }
0xa9: {  	[dreg:$0x3] =	wrdreg s5  }
0xaa: {  	[dreg:$0x4] =	wrdreg $0xC0  }
0xab: {  	_ =	task [dreg:s7], $0x5FFFF  }
0xac: {  	[dreg:$0x1] =	wrdreg $0xFFFFFFFF  }
0xad: {  	[dreg:$0x0] =	wrdreg $0x60  }
0xae: {  	[dreg:$0x2] =	wrdreg s2  }
0xaf: {  	[dreg:$0x3] =	wrdreg s24  }
0xb0: {  	[dreg:$0x4] =	wrdreg $0x9  }
0xb1: {  	_ =	task.clear_ibuf [dreg:s7], $0x5FFFF;
	_ =	strace $0x90000049  }
0xb2: {  	s29 =	simm.s32 $0x9;
	_ =	strace $0x8000004B  }
0xb3: {  	_ =	swait.ge [sflag:s29], $0x1  }
0xb4: {  	[sflag:s29] =	ssyncadd.s32 $0xFFFFFFFF  }
0xb5: {  	_ =	strace $0x9000004B  }
0xb6: {  	_ =	sfence  }
0xb7: {  	s30 =	sld [smem:$0x0];
	_ =	sdelay $0x2  }
0xb8: {  	s31 =	sshll.u32 s1, $0xD;
	s1 =	sshrl.u32 s1, $0x2  }
0xb9: {  	s3 =	sand.u32 $0x4000, s31;
	s1 =	sadd.s32 s1, s30  }
0xba: {  	s0 =	sor.u32 s3, s0;
	s1 =	sshll.u32 s1, $0x11  }
0xbb: {  	s0 =	sor.u32 s1, s0  }
0xbc: {  	s0 =	sadd.s32 $0x8F2B, s0  }
0xbd: {  	[sflag:s0] =	ssyncadd.remote.s32 $0x1  }
0xbe: {  	_ =	sfence.sel $0xFFFF  }
0xbf: {  	[dreg:$0x0] =	wrdreg $0xFFFFFFFF;
	(pc) =	sbr.abs _section_cstart, $3  }
0xc0: {  	[dreg:$0x1] =	wrdreg $0xFFFFFFFF  }
0xc1: {  	_ =	task.clear_ibuf [dreg:s7], $0x2FFFF;
	_ =	strace $0x9FFFFFFF  }
0xc2: {  	(tm) =	ssettm $0x7FFFFFFF  }
0xc3: {  	_ =	shalt  }
tec
execute0_lowered:
.L_overlay_start_1:
0x0: {  	(tag) =	ssettag $0x1  }
0x1: {  	s1 =	rddreg [dreg:$0x0]  }
0x2: {  	s0 =	rddreg [dreg:$0x1];
	s2 =	srdreg.scid  }
0x3: {  	s3 =	simm.s32 $0x0;
	s9 =	stileid.u32;
	s15 =	simm.s32 $0x1  }
0x4: {  	s16 =	simm.s32 $0xE800;
	s17 =	simm.s32 $0xF000;
	s18 =	simm.s32 $0xF800  }
0x5: {  	s19 =	simm.s32 $0x2800;
	s20 =	simm.s32 $0x10000;
	s2 =	sand.u32 $0x1, s2  }
0x6: {  	s23 =	simm.s32 $0x0;
	[smem:$0x7FF] =	sst s3;
	s5 =	sshll.u32 s2, $0x4  }
0x7: {  	s4 =	sadd.s32 $0x516A00, s0;
	s6 =	sadd.s32 $0x53EA00, s0;
	s12 =	sor.u32 s9, s5  }
0x8: {  	s7 =	sadd.s32 $0x548A00, s0;
	s31 =	sadd.s32 $0x520A00, s0;
	s8 =	sshrl.u32 s12, $0x3  }
0x9: {  	_ =	strace $0x8000004A;
	s9 =	sshll.u32 s9, $0x7;
	s10 =	smul.u32 $0x50000, s8  }
0xa: {  	s2 =	ssub.s32 $0x2, s2;
	[dreg:$0x3] =	wrdreg s31;
	s11 =	sand.u32 $0x380, s9  }
0xb: {  	s5 =	sadd.s32 $0x52AA00, s0;
	s14 =	sshrl.u32 s2, $0x1;
	s11 =	sor.u32 s11, s10  }
0xc: {  	s9 =	sadd.s32 $0x534A00, s0;
	s2 =	ssub.s32 s2, s14;
	s13 =	sshrl.u32 s11, $0x3  }
0xd: {  	s8 =	sadd.s32 $0x552A00, s0;
	s11 =	sadd.s32 $0x584A00, s0;
	s0 =	sadd.s32 s13, s0  }
0xe: {  	v0 =	vimm.f32 $0.0e+00;
	s12 =	smul.u32 $0x2800, s12;
	s14 =	smax.u32 s2, $0x1;
	s13 =	sadd.s32 $0x55CA00, s0  }
.LBB2_1:
0xf: {  	s0 =	rddreg [dreg:$0x3]  }
0x10: {  	[tilespmem:s3], [sflag:$0x1] =	stream.linear.gather [hbm4b:s0+s3], $0x2800, $0x38;
	[tilespmem:$0x14000] =	vst v63  }
0x11: {  	_ =	swait.ge [sflag:s15], $0x2800  }
0x12: {  	[sflag:s15] =	ssyncset.done $0x0  }
0x13: {  	s24 =	simm.s32 $0x0;
	s0 =	simm.s32 $0x40;
	[sflag:s15] =	ssyncadd.s32 $0xFFFFD800  }
.LBB2_2:
0x14: {  	p0 =	sne.s32 s0, $0x27FC0;
	[tilespmem:s24+$0x2800] =	vst v0;
	s2 =	smov.u32 s0;
	s0 =	sadd.s32 $0x40, s0  }
.Ltmp0:
0x15: {  	(pc) =	sbr.rel @p0 .LBB2_2-.Ltmp0, $2  }
0x16: {  	_ =	sdelay $0x2  }
0x17: {  	s24 =	sshra.s32 s2, $0x2  }
0x18: {  	s2 =	simm.s32 $0x0  }
0x19: {  	s0 =	sand.u32 $0x70, s2;
	s25 =	sand.u32 $0x3C00, s2  }
0x1a: {  	[tilespmem:s24+$0x2800] =	vst v0;
	s0 =	sor.u32 s0, s25  }
0x1b: {  	s24 =	simm.s32 $0x10;
	s25 =	simm.s32 $0x0;
	[tilespmem:s0+$0x10200] =	vst v0  }
.LBB2_4:
0x1c: {  	p0 =	sne.s32 s24, $0x7F0  }
.Ltmp1:
0x1d: {  	_ = 	snop;
	(pc) =	sbr.rel @p0 .LBB2_4-.Ltmp1, $4  }
0x1e: {  	s25 =	sadd.s32 $0x80, s25  }
0x1f: {  	s26 =	sand.u32 $0x70, s24;
	s28 =	sand.u32 $0x3C00, s25  }
0x20: {  	s26 =	sor.u32 s26, s28  }
0x21: {  	s24 =	sadd.s32 $0x10, s24;
	[tilespmem:s26+$0x10200] =	vst v0  }
0x22: {  	s24 =	simm.s32 $0x10;
	[tilespmem:s0+$0x10280] =	vst v0  }
.LBB2_6:
0x23: {  	p0 =	sne.s32 s24, $0x7F0  }
.Ltmp2:
0x24: {  	_ = 	snop;
	(pc) =	sbr.rel @p0 .LBB2_6-.Ltmp2, $4  }
0x25: {  	s2 =	sadd.s32 $0x80, s2  }
0x26: {  	s0 =	sand.u32 $0x70, s24;
	s25 =	sand.u32 $0x3C00, s2  }
0x27: {  	s0 =	sor.u32 s0, s25  }
0x28: {  	s24 =	sadd.s32 $0x10, s24;
	[tilespmem:s0+$0x10280] =	vst v0;
	s0 =	simm.s32 $0x0  }
0x29: {  	s2 =	sand.u32 $0x70, s0;
	s24 =	sand.u32 $0x3C00, s0  }
0x2a: {  	s24 =	sor.u32 s2, s24  }
0x2b: {  	s2 =	simm.s32 $0x10;
	[tilespmem:s24+$0x10300] =	vst v0;
	s24 =	simm.s32 $0x0  }
.LBB2_8:
0x2c: {  	p0 =	sne.s32 s2, $0x7F0  }
.Ltmp3:
0x2d: {  	_ = 	snop;
	(pc) =	sbr.rel @p0 .LBB2_8-.Ltmp3, $4  }
0x2e: {  	s24 =	sadd.s32 $0x80, s24  }
0x2f: {  	s25 =	sand.u32 $0x70, s2;
	s26 =	sand.u32 $0x3C00, s24  }
0x30: {  	s25 =	sor.u32 s25, s26  }
0x31: {  	s2 =	sadd.s32 $0x10, s2;
	[tilespmem:s25+$0x10300] =	vst v0  }
0x32: {  	s2 =	sand.u32 $0x7, s0  }
0x33: {  	s2 =	sshll.u32 s2, $0x4  }
0x34: {  	s2 =	sadd.s32 $0x0, s2  }
0x35: {  	s24 =	sor.u32 $0x380, s2  }
0x36: {  	s25 =	simm.s32 $0x1;
	s2 =	simm.s32 $0x10;
	[tilespmem:s24+$0x10000] =	vst v0  }
.LBB2_10:
0x37: {  	s24 =	sand.u32 $0x7, s25;
	p0 =	sne.s32 s2, $0x7F0;
	s2 =	sadd.s32 $0x10, s2  }
.Ltmp4:
0x38: {  	s0 =	sadd.s32 $0x80, s0;
	s24 =	sshll.u32 s24, $0x4;
	(pc) =	sbr.rel @p0 .LBB2_10-.Ltmp4, $4  }
0x39: {  	s24 =	sadd.s32 s24, s0  }
0x3a: {  	s24 =	sor.u32 $0x380, s24  }
0x3b: {  	[tilespmem:s24+$0x10000] =	vst v0;
	s24 =	simm.s32 $0x0  }
0x3c: {  	s25 =	sadd.s32 $0x1, s25  }
0x3d: {  	s25 =	simm.s32 $0x0  }
.LBB2_12:
0x3e: {  	s0 =	sshll.u32 s25, $0xB  }
0x3f: {  	s26 =	sadd.s32 s12, s0  }
0x40: {  	s0 =	sshrl.u32 s26, $0x3  }
0x41: {  	s28 =	simm.s32 $0xC800;
	s2 =	sadd.s32 s1, s0  }
0x42: {  	[tilespmem:s28], [sflag:$0x1] =	stream.linear.gather [hbm4b:s2+s24], $0x800, $0x38;
	[tilespmem:$0x14000] =	vst v63  }
0x43: {  	_ =	swait.ge [sflag:s15], $0x800  }
0x44: {  	[sflag:s15] =	ssyncset.done $0x0  }
0x45: {  	s29 =	simm.s32 $0xD000;
	s21 =	sadd.s32 s4, s0;
	[sflag:s15] =	ssyncadd.s32 $0xFFFFF800  }
0x46: {  	[tilespmem:s29], [sflag:$0x1] =	stream.linear.gather [hbm4b:s21+s24], $0x800, $0x38;
	[tilespmem:$0x14000] =	vst v63  }
0x47: {  	_ =	swait.ge [sflag:s15], $0x800  }
0x48: {  	[sflag:s15] =	ssyncset.done $0x0  }
0x49: {  	s30 =	simm.s32 $0xD800;
	s22 =	sadd.s32 s5, s0;
	[sflag:s15] =	ssyncadd.s32 $0xFFFFF800  }
0x4a: {  	[tilespmem:s30], [sflag:$0x1] =	stream.linear.gather [hbm4b:s22+s24], $0x800, $0x38;
	[tilespmem:$0x14000] =	vst v63  }
0x4b: {  	_ =	swait.ge [sflag:s15], $0x800  }
0x4c: {  	[sflag:s15] =	ssyncset.done $0x0  }
0x4d: {  	s31 =	simm.s32 $0xE000;
	s10 =	sadd.s32 s6, s0;
	[sflag:s15] =	ssyncadd.s32 $0xFFFFF800  }
0x4e: {  	[tilespmem:s31], [sflag:$0x1] =	stream.linear.gather [hbm4b:s10+s24], $0x800, $0x38;
	[tilespmem:$0x14000] =	vst v63  }
0x4f: {  	_ =	swait.ge [sflag:s15], $0x800  }
0x50: {  	[sflag:s15] =	ssyncset.done $0x0  }
0x51: {  	s21 =	sadd.s32 s7, s0;
	[sflag:s15] =	ssyncadd.s32 $0xFFFFF800  }
0x52: {  	[tilespmem:s16], [sflag:$0x1] =	stream.linear.gather [hbm4b:s21+s24], $0x800, $0x38;
	[tilespmem:$0x14000] =	vst v63  }
0x53: {  	_ =	swait.ge [sflag:s15], $0x800  }
0x54: {  	[sflag:s15] =	ssyncset.done $0x0  }
0x55: {  	s22 =	sadd.s32 s8, s0;
	[sflag:s15] =	ssyncadd.s32 $0xFFFFF800  }
0x56: {  	[tilespmem:s17], [sflag:$0x1] =	stream.linear.gather [hbm4b:s22+s24], $0x800, $0x38;
	[tilespmem:$0x14000] =	vst v63  }
0x57: {  	_ =	swait.ge [sflag:s15], $0x800  }
0x58: {  	[sflag:s15] =	ssyncset.done $0x0  }
0x59: {  	s0 =	sadd.s32 s9, s0;
	[sflag:s15] =	ssyncadd.s32 $0xFFFFF800  }
0x5a: {  	[tilespmem:s18], [sflag:$0x1] =	stream.linear.gather [hbm4b:s0+s24], $0x800, $0x38;
	[tilespmem:$0x14000] =	vst v63  }
0x5b: {  	_ =	swait.ge [sflag:s15], $0x800  }
0x5c: {  	[sflag:s15] =	ssyncset.done $0x0  }
0x5d: {  	[sflag:s15] =	ssyncadd.s32 $0xFFFFF800  }
0x5e: {  	v1 =	vld [tilespmem:s29+$0x0];
	_ =	sdelay $0x7  }
0x5f: {  	v1 =	vld.idx.msk [tilespmem:v1+s3+$0x0], $0xffff;
	_ =	sdelay $0x4  }
0x60: {  	v1 =	vadd.f32 $1.000000020e-16, v1;
	_ =	sdelay $0x1  }
0x61: {  	(erf) = vrcp.f32 v1;
	_ =	sdelay $0x4  }
0x62: {  	v1 =	vld [tilespmem:s30+$0x0]  }
0x63: {  	v2 =	vld [tilespmem:s31+$0x0]  }
0x64: {  	v3 =	vld [tilespmem:s28+$0x0];
	_ =	sdelay $0x1  }
0x65: {  	v4 =	vpop (erf)  }
0x66: {  	v1 =	vmul.f32 v4, v1;
	_ =	sdelay $0x1  }
0x67: {  	s10 =	sand.u32 $0x70, s24;
	s21 =	sand.u32 $0x3C00, s24;
	v2 =	vmul.f32 v1, v2  }
0x68: {  	s0 =	sor.u32 s10, s21  }
0x69: {  	[tilespmem:s0+$0x10000] =	vst v2  }
0x6a: {  	s22 =	sand.u32 $0x7F0, s24;
	[tilespmem:v3+s19+$0x0] =	vst.idx.add.f32.msk $0xffff, v2  }
0x6b: {  	v2 =	vld [tilespmem:s22+$0xE800];
	_ =	sdelay $0x2  }
0x6c: {  	v62 =	vadd.s32 $0x2800, v3;
	_ =	sdelay $0x1  }
0x6d: {  	v2 =	vmul.f32 v2, v1;
	_ =	sdelay $0x1  }
0x6e: {  	[tilespmem:s0+$0x10080] =	vst v2  }
0x6f: {  	[tilespmem:v62+s19+$0x0] =	vst.idx.add.f32.msk $0xffff, v2  }
0x70: {  	v2 =	vld [tilespmem:s22+$0xF000];
	_ =	sdelay $0x2  }
0x71: {  	v63 =	vadd.s32 $0x5000, v3;
	_ =	sdelay $0x1  }
0x72: {  	v2 =	vmul.f32 v2, v1;
	_ =	sdelay $0x1  }
0x73: {  	[tilespmem:s0+$0x10100] =	vst v2  }
0x74: {  	[tilespmem:v63+s19+$0x0] =	vst.idx.add.f32.msk $0xffff, v2  }
0x75: {  	v2 =	vld [tilespmem:s22+$0xF800];
	_ =	sdelay $0x4  }
0x76: {  	v2 =	vmul.f32 v2, v1;
	v1 =	vadd.s32 $0x7800, v3;
	_ =	sdelay $0x2  }
0x77: {  	s2 =	simm.s32 $0x0  }
0x78: {  	s31 =	simm.s32 $0xD810;
	s30 =	simm.s32 $0x10;
	[tilespmem:s0+$0x10180] =	vst v2;
	s0 =	simm.s32 $0xE010  }
.LBB2_13:
0x79: {  	[tilespmem:v1+s19+$0x0] =	vst.idx.add.f32.msk $0xffff, v2;
	s2 =	sadd.s32 $0x80, s2;
	s29 =	sadd.s32 $0x10, s29;
	s28 =	sadd.s32 $0x10, s28  }
0x7a: {  	p0 =	sne.s32 s30, $0x7F0;
	s21 =	smov.u32 s30;
	s30 =	sadd.s32 $0x10, s30;
	v1 =	vld [tilespmem:s29+$0x0]  }
0x7b: {  	_ =	sdelay $0x6  }
0x7c: {  	v1 =	vld.idx.msk [tilespmem:v1+s3+$0x0], $0xffff;
	_ =	sdelay $0x5  }
0x7d: {  	v1 =	vadd.f32 $1.000000020e-16, v1;
	_ =	sdelay $0x1  }
0x7e: {  	(erf) = vrcp.f32 v1;
	_ =	sdelay $0x4  }
0x7f: {  	v1 =	vld [tilespmem:s31+$0x0]  }
0x80: {  	v2 =	vld [tilespmem:s0+$0x0]  }
0x81: {  	v3 =	vld [tilespmem:s28+$0x0];
	_ =	sdelay $0x1  }
0x82: {  	v4 =	vpop (erf)  }
0x83: {  	v4 =	vmul.f32 v4, v1;
	_ =	sdelay $0x1  }
0x84: {  	s22 =	sand.u32 $0x70, s21;
	s10 =	sand.u32 $0x3C00, s2;
	v1 =	vmul.f32 v4, v2  }
0x85: {  	s10 =	sor.u32 s22, s10  }
0x86: {  	[tilespmem:s10+$0x10000] =	vst v1  }
0x87: {  	s21 =	sand.u32 $0x7F0, s21;
	[tilespmem:v3+s19+$0x0] =	vst.idx.add.f32.msk $0xffff, v1  }
0x88: {  	v1 =	vld [tilespmem:s21+$0xE800];
	_ =	sdelay $0x2  }
0x89: {  	v2 =	vadd.s32 $0x2800, v3;
	_ =	sdelay $0x1  }
0x8a: {  	v1 =	vmul.f32 v1, v4;
	_ =	sdelay $0x1  }
0x8b: {  	[tilespmem:s10+$0x10080] =	vst v1  }
0x8c: {  	[tilespmem:v2+s19+$0x0] =	vst.idx.add.f32.msk $0xffff, v1  }
0x8d: {  	v1 =	vld [tilespmem:s21+$0xF000];
	_ =	sdelay $0x2  }
0x8e: {  	v2 =	vadd.s32 $0x5000, v3;
	_ =	sdelay $0x1  }
0x8f: {  	v1 =	vmul.f32 v1, v4;
	_ =	sdelay $0x1  }
0x90: {  	[tilespmem:s10+$0x10100] =	vst v1  }
0x91: {  	[tilespmem:v2+s19+$0x0] =	vst.idx.add.f32.msk $0xffff, v1  }
0x92: {  	v2 =	vld [tilespmem:s21+$0xF800];
	_ =	sdelay $0x2  }
.Ltmp5:
0x93: {  	v1 =	vadd.s32 $0x7800, v3;
	(pc) =	sbr.rel @p0 .LBB2_13-.Ltmp5, $3  }
0x94: {  	_ = 	snop  }
0x95: {  	v2 =	vmul.f32 v2, v4;
	_ =	sdelay $0x1  }
0x96: {  	s31 =	sadd.s32 $0x10, s31;
	s0 =	sadd.s32 $0x10, s0;
	[tilespmem:s10+$0x10180] =	vst v2  }
0x97: {  	_ =	sdelay $0x1  }
0x98: {  	s25 =	sadd.s32 $0x1, s25  }
0x99: {  	p0 =	sne.s32 s25, $0x5  }
.Ltmp6:
0x9a: {  	[tilespmem:v1+s19+$0x0] =	vst.idx.add.f32.msk $0xffff, v2;
	s0 =	sadd.s32 s11, s26;
	(pc) =	sbr.rel @p0 .LBB2_12-.Ltmp6, $4  }
0x9b: {  	[hbm4b:s0+s3] =	stream.linear.scatter [tilespmem:s20], [sflag:$0x1], $0x4000, $0x38;
	[tilespmem:$0x14000] =	vst v63  }
0x9c: {  	_ =	swait.ge [sflag:s15], $0x4000  }
0x9d: {  	[sflag:s15] =	ssyncset.done $0x0  }
0x9e: {  	[sflag:s15] =	ssyncadd.s32 $0xFFFFC000  }
0x9f: {  	s23 =	sadd.s32 $0x1, s23  }
0xa0: {  	p0 =	sne.s32 s23, s14  }
.Ltmp7:
0xa1: {  	s0 =	simm.s32 $0x80;
	s2 =	simm.s32 $0x400;
	(pc) =	sbr.rel @p0 .LBB2_1-.Ltmp7, $4  }
0xa2: {  	[hbm4b:s13+s0] =	stream.strided.scatter [tilespmem:s19], [sflag:$0x1], $0xA000, s2, s0, $0x38;
	[tilespmem:$0x14000] =	vst v63  }
0xa3: {  	_ =	swait.ge [sflag:s15], $0xA000  }
0xa4: {  	[sflag:s15] =	ssyncset.done $0x0  }
0xa5: {  	[sflag:s15] =	ssyncadd.s32 $0xFFFF6000  }
0xa6: {  	_ =	sfence.sel $0x180000  }
0xa7: {  	[bflag:$0x0] =	sbarrier.arrive $0xFFFF  }
0xa8: {  	_ =	strace $0x9000004A  }
0xa9: {  	s0 =	stileid.u32;
	[bflag:$0x2] =	sbarrier.arrive $0xFFFF  }
0xaa: {  	p0 =	sne.s32 s0, $0x0;
	s0 =	rddreg [dreg:$0x2]  }
0xab: {  	s0 =	sadd.s32 @!p0 $0x100000, s0  }
0xac: {  	[sflag:s0] =	ssyncadd.tile.s32 @!p0 $0x1;
	_ =	shalt  }
.Lfunc_end2:
_tile_overlayer_lowered:
.L_overlay_start_2:
0xad: {  	(tag) =	ssettag $0x2  }
0xae: {  	s0 =	rddreg [dreg:$0x0];
	s2 =	stileid.u32  }
0xaf: {  	s1 =	rddreg [dreg:$0x1];
	p0 =	sne.s32 s2, $0x0  }
0xb0: {  	s3 =	rddreg [dreg:$0x2];
	[bflag:$0x3] =	sbarrier.arrive $0xFFFF;
	s2 =	simm.s32 @!p0 $0x1C01  }
0xb1: {  	[timem:s3], [sflag:s2] =	dma.local @!p0 [hbm:s0], s1  }
0xb2: {  	s0 =	simm.s32 @!p0 $0x1  }
0xb3: {  	_ =	swait.ge @!p0 [sflag:s0], s1  }
0xb4: {  	s1 =	ssub.s32 @!p0 $0x0, s1;
	[sflag:s0] =	ssyncset.done @!p0 $0x0  }
0xb5: {  	[sflag:s0] =	ssyncadd.s32 @!p0 s1  }
0xb6: {  	[bflag:$0x3] =	sbarrier.arrive $0xFFFF  }
0xb7: {  	_ =	shalt  }

// kernel: kernel.16.cloned.1.call-start
scs
__scs_entry_jumppad:
0x0: {  	(pc) =	sbr.rel $0x88, $3  }
0x1: {  	(tag) =	ssettag $0x0;
	lr =	simm.s32 $0x1  }
0x2: {  	[smem:$0x3F98] =	sst lr;
	_ =	strace $0xD0000000  }
0x3: {  	_ = 	snop  }
0x4: {  	_ = 	snop  }
0x5: {  	_ = 	snop  }
0x6: {  	_ = 	snop  }
0x7: {  	_ = 	snop  }
__scs_overlays_trampoline_lowered:
0x8: {  	[smem:$0x3FA7] =	sst s0  }
0x9: {  	[smem:$0x3FA8] =	sst s1  }
0xa: {  	[smem:$0x3FA9] =	sst s2  }
0xb: {  	[smem:$0x3FAA] =	sst s3  }
0xc: {  	[smem:$0x3FAB] =	sst s4  }
0xd: {  	[smem:$0x3FAC] =	sst s5  }
0xe: {  	[smem:$0x3FAD] =	sst s6  }
0xf: {  	[smem:$0x3FAE] =	sst s7  }
0x10: {  	[smem:$0x3FAF] =	sst s8  }
0x11: {  	[smem:$0x3FB0] =	sst s9;
	s0 =	simm.s32 @!p0 $0x0  }
0x12: {  	s1 =	sld [smem:$0x3F96];
	s0 =	simm.s32 @p0 $0x1  }
0x13: {  	[smem:$0x3FB1] =	sst s0;
	s0 =	simm.s32 @!p1 $0x0  }
0x14: {  	s2 =	sld [smem:$0x3F95];
	s0 =	simm.s32 @p1 $0x1  }
0x15: {  	[smem:$0x3FB2] =	sst s0;
	s0 =	simm.s32 @!p2 $0x0  }
0x16: {  	s3 =	sld [smem:$0x3FDB];
	s0 =	simm.s32 @p2 $0x1  }
0x17: {  	s4 =	simm.s32 $0x1BF5;
	[smem:$0x3FB4] =	sst s0  }
0x18: {  	s0 =	sld [smem:$0x3F97];
	_ =	swait.ge [sflag:s4], $0x0  }
0x19: {  	s7 =	sld [smem:$0x3F98]  }
0x1a: {  	s8 =	sadd.s32 $0xFFFFE003, lr  }
0x1b: {  	s9 =	sadd.s32 $0xFFFFFEF7, lr;
	s5 =	simm.s32 $0xFFFFFFFF;
	p2 =	slt.u32 s8, $0xFFFFF086  }
0x1c: {  	p1 =	slt.u32 s9, $0xF7A;
	s5 =	simm.s32 @!p2 $0x0  }
0x1d: {  	s5 =	simm.s32 @p1 $0x1;
	p0 =	seq.s32 s7, s2  }
0x1e: {  	s7 =	smul.u32 @!p0 $0xF7A, s2;
	p2 =	seq.s32 @!p0 s5, $0x0  }
0x1f: {  	s9 =	smul.u32 $0xF7A, s1;
	s8 =	simm.s32 @!p0 $0x1BF5;
	p2 =	por !p2, p0  }
0x20: {  	[sflag:s8] =	ssyncset.s32 @!p0 $0xFFFFF086;
	s6 =	sadd.s32 @!p0 s3, s7;
	s7 =	simm.s32 @!p0 $0x108  }
0x21: {  	s3 =	sadd.s32 s3, s9;
	s6 =	sadd.s32 @!p0 $0x88, s6;
	s7 =	simm.s32 @p2 $0x1082  }
0x22: {  	[simem:s7], [sflag:s8] =	dma.local @!p0 [hbm:s6], $0xF7A  }
0x23: {  	s9 =	sor.u32 $0xD0000000, s2;
	s6 =	simm.s32 $0x108;
	_ =	swait.ge @!p0 [sflag:s8], $0x0  }
0x24: {  	s3 =	sadd.s32 $0x88, s3;
	s6 =	simm.s32 @!p1 $0x1082;
	[sflag:s4] =	ssyncset.s32 $0xFFFFF086  }
0x25: {  	[simem:s6], [sflag:s4] =	dma.local [hbm:s3], $0xF7A  }
0x26: {  	[smem:$0x3F98] =	sst s1;
	(tag) =	ssettag s2;
	_ =	strace s9  }
0x27: {  	s1 =	sld [smem:$0x3FA8]  }
0x28: {  	s2 =	sld [smem:$0x3FA9]  }
0x29: {  	s4 =	sld [smem:$0x3FAB]  }
0x2a: {  	p0 =	seq.s32 s5, $0x0;
	s5 =	sld [smem:$0x3FAC]  }
0x2b: {  	s6 =	sld [smem:$0x3FAD]  }
0x2c: {  	s7 =	sld [smem:$0x3FAE]  }
0x2d: {  	s3 =	simm.s32 $0x108;
	s8 =	sld [smem:$0x3FAF]  }
0x2e: {  	s3 =	simm.s32 @!p0 $0x1082;
	s9 =	sld [smem:$0x3FB0]  }
0x2f: {  	lr =	sadd.s32 s0, s3;
	s0 =	sld [smem:$0x3FA7]  }
0x30: {  	s3 =	sld [smem:$0x3FAA]  }
0x31: {  	[smem:$0x3FB3] =	sst s10  }
0x32: {  	s10 =	sld [smem:$0x3FB1];
	_ =	sdelay $0x3  }
0x33: {  	p0 =	seq.s32 s10, $0x1;
	s10 =	sld [smem:$0x3FB3];
	_ =	sdelay $0x3  }
0x34: {  	[smem:$0x3FB3] =	sst s10  }
0x35: {  	s10 =	sld [smem:$0x3FB2];
	_ =	sdelay $0x3  }
0x36: {  	p1 =	seq.s32 s10, $0x1;
	s10 =	sld [smem:$0x3FB3];
	_ =	sdelay $0x3  }
0x37: {  	[smem:$0x3FB3] =	sst s10  }
0x38: {  	s10 =	sld [smem:$0x3FB4]  }
0x39: {  	_ = 	snop;
	(pc) =	sbr.ind lr, $3  }
0x3a: {  	_ = 	snop  }
0x3b: {  	_ = 	snop  }
0x3c: {  	p2 =	seq.s32 s10, $0x1;
	s10 =	sld [smem:$0x3FB3]  }
0x3d: {  	_ =	shalt  }
0x3e: {  	_ =	shalt  }
0x3f: {  	_ =	shalt  }
0x40: {  	_ =	shalt  }
0x41: {  	_ =	shalt  }
0x42: {  	_ =	shalt  }
0x43: {  	_ =	shalt  }
0x44: {  	_ =	shalt  }
0x45: {  	_ =	shalt  }
0x46: {  	_ =	shalt  }
0x47: {  	_ =	shalt  }
0x48: {  	_ =	shalt  }
0x49: {  	_ =	shalt  }
0x4a: {  	_ =	shalt  }
0x4b: {  	_ =	shalt  }
0x4c: {  	_ =	shalt  }
0x4d: {  	_ =	shalt  }
0x4e: {  	_ =	shalt  }
0x4f: {  	_ =	shalt  }
0x50: {  	_ =	shalt  }
0x51: {  	_ =	shalt  }
0x52: {  	_ =	shalt  }
0x53: {  	_ =	shalt  }
0x54: {  	_ =	shalt  }
0x55: {  	_ =	shalt  }
0x56: {  	_ =	shalt  }
0x57: {  	_ =	shalt  }
0x58: {  	_ =	shalt  }
0x59: {  	_ =	shalt  }
0x5a: {  	_ =	shalt  }
0x5b: {  	_ =	shalt  }
0x5c: {  	_ =	shalt  }
0x5d: {  	_ =	shalt  }
0x5e: {  	_ =	shalt  }
0x5f: {  	_ =	shalt  }
0x60: {  	_ =	shalt  }
0x61: {  	_ =	shalt  }
0x62: {  	_ =	shalt  }
0x63: {  	_ =	shalt  }
0x64: {  	_ =	shalt  }
0x65: {  	_ =	shalt  }
0x66: {  	_ =	shalt  }
0x67: {  	_ =	shalt  }
0x68: {  	_ =	shalt  }
0x69: {  	_ =	shalt  }
0x6a: {  	_ =	shalt  }
0x6b: {  	_ =	shalt  }
0x6c: {  	_ =	shalt  }
0x6d: {  	_ =	shalt  }
0x6e: {  	_ =	shalt  }
0x6f: {  	_ =	shalt  }
0x70: {  	_ =	shalt  }
0x71: {  	_ =	shalt  }
0x72: {  	_ =	shalt  }
0x73: {  	_ =	shalt  }
0x74: {  	_ =	shalt  }
0x75: {  	_ =	shalt  }
0x76: {  	_ =	shalt  }
0x77: {  	_ =	shalt  }
0x78: {  	_ =	shalt  }
0x79: {  	_ =	shalt  }
0x7a: {  	_ =	shalt  }
0x7b: {  	_ =	shalt  }
0x7c: {  	_ =	shalt  }
0x7d: {  	_ =	shalt  }
0x7e: {  	_ =	shalt  }
0x7f: {  	_ =	shalt  }
0x80: {  	_ =	shalt  }
0x81: {  	_ =	shalt  }
0x82: {  	_ =	shalt  }
0x83: {  	_ =	shalt  }
0x84: {  	_ =	shalt  }
0x85: {  	_ =	shalt  }
0x86: {  	_ =	shalt  }
0x87: {  	_ =	shalt  }
.Lfunc_end0:
.L_simem_size_0:
called_computation.2_lowered:
.L_overlay_start_0:
0x88: {  	s2 =	sld [smem:$0x3FD9]  }
0x89: {  	s3 =	sld [smem:$0x3FFE];
	_ =	sdelay $0x1  }
0x8a: {  	s1 =	srdreg.scid  }
0x8b: {  	s0 =	sand.u32 $0x1, s1  }
0x8c: {  	s17 =	sshll.u32 s0, $0xA;
	s2 =	sadd.s32 s3, s2  }
0x8d: {  	s2 =	sadd.s32 s2, s17  }
0x8e: {  	[smem:$0x3FBF] =	sst s2  }
0x8f: {  	_ = 	snop  }
0x90: {  	s2 =	sld [smem:$0x3FD0];
	(tm) =	ssettm $0x1  }
0x91: {  	s18 =	sld [smem:$0x3FFB];
	_ =	sdelay $0x3  }
0x92: {  	_ =	strace s18  }
0x93: {  	s3 =	sld [smem:$0x3FFC];
	_ =	sdelay $0x3  }
0x94: {  	_ =	strace s3  }
0x95: {  	s3 =	sld [smem:$0x3FFD];
	_ =	sdelay $0x3  }
0x96: {  	_ =	strace s3  }
0x97: {  	_ =	strace $0x8FFFFFFF  }
0x98: {  	s19 =	sld [smem:$0x3FDB];
	_ =	sdelay $0x1  }
0x99: {  	s4 =	simm.s32 $_scs_section_size  }
0x9a: {  	s5 =	simm.s32 $_size__tile_overlayer_lowered;
	s6 =	simm.s32 $_tile_overlayer_lowered  }
0x9b: {  	s22 =	simm.s32 $0x1BFF;
	s21 =	sshll.u32 s6, $0x1;
	s3 =	sadd.s32 s4, s19  }
0x9c: {  	s7 =	simm.s32 $0x0;
	s20 =	sshll.u32 s5, $0x1;
	s5 =	sadd.s32 s21, s3  }
0x9d: {  	[timem:s7], [sflag:s22] =	dma.local [hbm:s5], s20  }
0x9e: {  	_ =	swait.ge [sflag:s22], s20  }
0x9f: {  	s4 =	ssub.s32 $0x0, s20;
	[sflag:s22] =	ssyncset.done $0x0  }
0xa0: {  	[sflag:s22] =	ssyncadd.s32 s4;
	_ =	sdelay $0x1  }
0xa1: {  	s23 =	simm.s32 $0x1B8B  }
0xa2: {  	_ =	swait.ge [sflag:s23], $0x1  }
0xa3: {  	[sflag:s23] =	ssyncset.done $0x0  }
0xa4: {  	s25 =	simm.s32 $0x1B8E;
	s24 =	sld [smem:$0x3FFE];
	[sflag:s23] =	ssyncadd.s32 $0xFFFFFFFF  }
0xa5: {  	s26 =	simm.s32 $execute0_lowered;
	[smem:$0x3FD2] =	sst s25  }
0xa6: {  	s5 =	sshll.u32 s26, $0x1;
	_ =	strace $0x8000004C;
	[dreg:$0x1] =	wrdreg $0xFFFFFFFF  }
0xa7: {  	s28 =	simm.s32 $_size_execute0_lowered;
	s3 =	sadd.s32 s3, s5;
	[dreg:$0x0] =	wrdreg $0x0  }
0xa8: {  	s5 =	sshll.u32 s28, $0x1;
	[dreg:$0x2] =	wrdreg s3  }
0xa9: {  	[dreg:$0x3] =	wrdreg s5  }
0xaa: {  	[dreg:$0x4] =	wrdreg $0xC0  }
0xab: {  	_ =	task [dreg:s7], $0x5FFFF  }
0xac: {  	[dreg:$0x1] =	wrdreg $0xFFFFFFFF  }
0xad: {  	[dreg:$0x0] =	wrdreg $0x60  }
0xae: {  	[dreg:$0x2] =	wrdreg s2  }
0xaf: {  	[dreg:$0x3] =	wrdreg s24  }
0xb0: {  	[dreg:$0x4] =	wrdreg $0xB9000  }
0xb1: {  	[dreg:$0x5] =	wrdreg $0x9  }
0xb2: {  	_ =	task.clear_ibuf [dreg:s7], $0x6FFFF;
	_ =	strace $0x9000004C  }
0xb3: {  	s29 =	simm.s32 $0x9;
	_ =	strace $0x8000004E  }
0xb4: {  	_ =	swait.ge [sflag:s29], $0x1  }
0xb5: {  	[sflag:s29] =	ssyncadd.s32 $0xFFFFFFFF  }
0xb6: {  	_ =	strace $0x9000004E  }
0xb7: {  	_ =	sfence  }
0xb8: {  	s30 =	sld [smem:$0x0];
	_ =	sdelay $0x2  }
0xb9: {  	s31 =	sshll.u32 s1, $0xD;
	s1 =	sshrl.u32 s1, $0x2  }
0xba: {  	s3 =	sand.u32 $0x4000, s31;
	s1 =	sadd.s32 s1, s30  }
0xbb: {  	s0 =	sor.u32 s3, s0;
	s1 =	sshll.u32 s1, $0x11  }
0xbc: {  	s0 =	sor.u32 s1, s0  }
0xbd: {  	s0 =	sadd.s32 $0x8F2B, s0  }
0xbe: {  	[sflag:s0] =	ssyncadd.remote.s32 $0x1  }
0xbf: {  	_ =	sfence.sel $0xFFFF  }
0xc0: {  	[dreg:$0x0] =	wrdreg $0xFFFFFFFF;
	(pc) =	sbr.abs _section_cstart, $3  }
0xc1: {  	[dreg:$0x1] =	wrdreg $0xFFFFFFFF  }
0xc2: {  	_ =	task.clear_ibuf [dreg:s7], $0x2FFFF;
	_ =	strace $0x9FFFFFFF  }
0xc3: {  	(tm) =	ssettm $0x7FFFFFFF  }
tec
execute0_lowered:
.L_overlay_start_1:
0x0: {  	(tag) =	ssettag $0x1  }
0x1: {  	s1 =	rddreg [dreg:$0x0]  }
0x2: {  	s0 =	rddreg [dreg:$0x1]  }
0x3: {  	s3 =	rddreg [dreg:$0x2]  }
0x4: {  	s4 =	simm.s32 $0x0;
	s2 =	srdreg.scid;
	s12 =	stileid.u32  }
0x5: {  	s28 =	simm.s32 $0x6;
	s29 =	simm.s32 $0xB100;
	s30 =	simm.s32 $0xB300  }
0x6: {  	[smem:$0x7FF] =	sst s4;
	s9 =	smul.u32 $0x280, s12;
	s5 =	sadd.s32 $0x516A00, s0  }
0x7: {  	s2 =	sand.u32 $0x1, s2;
	s7 =	sadd.s32 $0x4EEA00, s0;
	s8 =	sadd.s32 $0x584A00, s0  }
0x8: {  	s6 =	sadd.s32 $0x1E00, s0;
	s11 =	smul.u32 $0x50000, s12;
	s13 =	sadd.s32 $0x520A00, s0  }
0x9: {  	_ =	strace $0x8000004D;
	s10 =	smul.u32 $0x2800, s2;
	s25 =	sshll.u32 s2, $0x4  }
0xa: {  	[dreg:$0x4] =	wrdreg s13;
	s2 =	ssub.s32 $0x2, s2;
	s26 =	sor.u32 s12, s25  }
0xb: {  	s11 =	sshrl.u32 s11, $0x2;
	s31 =	sshrl.u32 s2, $0x1;
	s9 =	sadd.s32 s9, s10  }
0xc: {  	s10 =	smul.u32 $0x2800, s26;
	s13 =	sadd.s32 s11, s3;
	s2 =	ssub.s32 s2, s31  }
0xd: {  	s14 =	smul.u32 $0x500, s26;
	s31 =	smax.u32 s2, $0x1;
	[dreg:$0x5] =	wrdreg s13  }
0xe: {  	s9 =	sshll.u32 s9, $0x4;
	s15 =	sadd.s32 $0x8000, s13;
	[dreg:$0x11] =	wrdreg s31  }
0xf: {  	s21 =	sadd.s32 $0x10000, s13;
	s2 =	simm.s32 $0x0;
	[dreg:$0x6] =	wrdreg s15  }
0x10: {  	s0 =	sadd.s32 s9, s0;
	s17 =	sadd.s32 s1, s14;
	[dreg:$0x7] =	wrdreg s21  }
0x11: {  	s9 =	smul.u32 $0x5000, s26;
	s18 =	sadd.s32 s5, s14;
	[dreg:$0x8] =	wrdreg s17  }
0x12: {  	s19 =	sor.u32 $0x100, s10;
	s20 =	sadd.s32 s8, s10;
	[dreg:$0x9] =	wrdreg s18  }
0x13: {  	s11 =	sor.u32 $0x20, s14;
	s14 =	simm.s32 $0x80;
	[dreg:$0xa] =	wrdreg s20  }
0x14: {  	s1 =	sadd.s32 s1, s11;
	s22 =	sshll.u32 s19, $0x1;
	s23 =	sadd.s32 s5, s11  }
0x15: {  	s24 =	sadd.s32 $0x520C00, s0;
	s25 =	sadd.s32 s8, s19;
	[dreg:$0xb] =	wrdreg s1  }
0x16: {  	s26 =	sadd.s32 $0x521C00, s0;
	s0 =	sadd.s32 $0x522C00, s0;
	[dreg:$0xc] =	wrdreg s23  }
.Ltmp0:
0x17: {  	s17 =	simm.s32 $0x4000;
	[dreg:$0xd] =	wrdreg s24;
	(pc) =	sbr.rel .LBB2_1-.Ltmp0, $4  }
0x18: {  	s18 =	simm.s32 $0x4;
	s19 =	simm.s32 $0x1;
	[dreg:$0xe] =	wrdreg s25  }
0x19: {  	s16 =	sadd.s32 s6, s9;
	s20 =	sadd.s32 s6, s22;
	[dreg:$0xf] =	wrdreg s26  }
0x1a: {  	[dreg:$0x10] =	wrdreg s0;
	s0 =	simm.s32 $0xB200;
	s26 =	simm.s32 $0xB400  }
0x1b: {  	v0 =	vimm.f32 $0.0e+00;
	s9 =	simm.s32 $0x2;
	s22 =	simm.s32 $0x3;
	s24 =	simm.s32 $0x5  }
.LBB2_24:
0x1c: {  	s1 =	stileid.u32;
	[bflag:$0x0] =	sbarrier.arrive $0xFFFF  }
0x1d: {  	s1 =	sshll.u32 s1, $0x6;
	s13 =	rddreg [dreg:$0x5]  }
0x1e: {  	s11 =	rddreg [dreg:$0xd];
	s1 =	sor.u32 $0x1C06, s1;
	s2 =	sshrl.u32 s13, $0x3  }
0x1f: {  	[hbm:s11], [sflag:s1] =	dma.local [spmem:s2], $0x1000  }
0x20: {  	_ =	swait.ge [sflag:s28], $0x1000  }
0x21: {  	[sflag:s28] =	ssyncset.done $0x0;
	s15 =	rddreg [dreg:$0x6]  }
0x22: {  	s31 =	rddreg [dreg:$0xf];
	[sflag:s28] =	ssyncadd.s32 $0xFFFFF000;
	s25 =	sshrl.u32 s15, $0x3  }
0x23: {  	[hbm:s31], [sflag:s1] =	dma.local [spmem:s25], $0x1000  }
0x24: {  	_ =	swait.ge [sflag:s28], $0x1000  }
0x25: {  	[sflag:s28] =	ssyncset.done $0x0;
	s21 =	rddreg [dreg:$0x7]  }
0x26: {  	s23 =	rddreg [dreg:$0x10];
	[sflag:s28] =	ssyncadd.s32 $0xFFFFF000;
	s12 =	sshrl.u32 s21, $0x3  }
0x27: {  	[hbm:s23], [sflag:s1] =	dma.local [spmem:s12], $0x800  }
0x28: {  	_ =	swait.ge [sflag:s28], $0x800  }
0x29: {  	s25 =	rddreg [dreg:$0x12]  }
0x2a: {  	s31 =	rddreg [dreg:$0x11];
	s2 =	sadd.s32 $0x1, s25  }
0x2b: {  	p0 =	sne.s32 s2, s31  }
.Ltmp1:
0x2c: {  	_ = 	snop;
	(pc) =	sbr.rel @!p0 .LBB2_25-.Ltmp1, $3  }
0x2d: {  	_ =	sdelay $0x1  }
0x2e: {  	[sflag:s28] =	ssyncset.done $0x0  }
0x2f: {  	[sflag:s28] =	ssyncadd.s32 $0xFFFFF800  }
.LBB2_1:
0x30: {  	[dreg:$0x12] =	wrdreg s2  }
0x31: {  	s1 =	rddreg [dreg:$0x4];
	s31 =	simm.s32 $0xB500  }
0x32: {  	[tilespmem:s31], [sflag:$0x6] =	stream.linear.gather [hbm4b:s1+s4], $0x400, $0x38;
	[tilespmem:$0x1F900] =	vst v63  }
0x33: {  	_ =	swait.ge [sflag:s28], $0x400  }
0x34: {  	[sflag:s28] =	ssyncset.done $0x0  }
0x35: {  	s2 =	simm.s32 $0x0;
	s11 =	simm.s32 $0x200;
	[sflag:s28] =	ssyncadd.s32 $0xFFFFFC00  }
.LBB2_2:
0x36: {  	p0 =	sne.s32 s11, $0x1FE00;
	[tilespmem:s2+$0x70] =	vst v0  }
0x37: {  	[tilespmem:s2+$0x0] =	vst v0  }
0x38: {  	[tilespmem:s2+$0x10] =	vst v0  }
.Ltmp2:
0x39: {  	[tilespmem:s2+$0x20] =	vst v0;
	(pc) =	sbr.rel @p0 .LBB2_2-.Ltmp2, $4  }
0x3a: {  	[tilespmem:s2+$0x30] =	vst v0  }
0x3b: {  	[tilespmem:s2+$0x40] =	vst v0  }
0x3c: {  	[tilespmem:s2+$0x50] =	vst v0  }
0x3d: {  	[tilespmem:s2+$0x60] =	vst v0;
	s2 =	sshra.s32 s11, $0x2;
	s11 =	sadd.s32 $0x200, s11  }
0x3e: {  	[tilespmem:s2+$0x70] =	vst v0  }
0x3f: {  	[tilespmem:s2+$0x0] =	vst v0  }
0x40: {  	[tilespmem:s2+$0x10] =	vst v0  }
0x41: {  	[tilespmem:s2+$0x20] =	vst v0  }
0x42: {  	[tilespmem:s2+$0x30] =	vst v0  }
0x43: {  	[tilespmem:s2+$0x40] =	vst v0  }
0x44: {  	[tilespmem:s2+$0x50] =	vst v0  }
0x45: {  	[tilespmem:s2+$0x60] =	vst v0;
	s25 =	simm.s32 $0x0  }
0x46: {  	[spmem:s13] =	stream.linear.scatter [tilespmem:s25], [sflag:$0x6], $0x8000, $0x38;
	[tilespmem:$0x1F900] =	vst v63  }
0x47: {  	_ =	swait.ge [sflag:s28], $0x8000  }
0x48: {  	[sflag:s28] =	ssyncset.done $0x0  }
0x49: {  	[sflag:s28] =	ssyncadd.s32 $0xFFFF8000  }
0x4a: {  	[spmem:s15] =	stream.linear.scatter [tilespmem:s25], [sflag:$0x6], $0x8000, $0x38;
	[tilespmem:$0x1F900] =	vst v63  }
0x4b: {  	_ =	swait.ge [sflag:s28], $0x8000  }
0x4c: {  	[sflag:s28] =	ssyncset.done $0x0  }
0x4d: {  	[sflag:s28] =	ssyncadd.s32 $0xFFFF8000  }
0x4e: {  	[spmem:s21] =	stream.linear.scatter [tilespmem:s25], [sflag:$0x6], $0x4000, $0x38;
	[tilespmem:$0x1F900] =	vst v63  }
0x4f: {  	_ =	swait.ge [sflag:s28], $0x4000  }
0x50: {  	[sflag:s28] =	ssyncset.done $0x0  }
0x51: {  	[sflag:s28] =	ssyncadd.s32 $0xFFFFC000  }
0x52: {  	[bflag:$0x0] =	sbarrier.arrive $0xFFFF  }
0x53: {  	v1 =	vld [tilespmem:$0xB500]  }
0x54: {  	v2 =	vld [tilespmem:$0xB580]  }
0x55: {  	s2 =	simm.s32 $0x8000;
	s11 =	simm.s32 $0x10;
	v3 =	vld [tilespmem:$0xB600];
	s1 =	rddreg [dreg:$0x8]  }
0x56: {  	v4 =	vld [tilespmem:$0xB680];
	[tilespmem:s29], [sflag:$0x2] =	stream.linear.gather [hbm4b:s1+s25], $0x100, $0x38  }
0x57: {  	s12 =	simm.s32 $0x8100;
	s13 =	sadd.s32 $0x0, s16;
	s31 =	rddreg [dreg:$0x9]  }
0x58: {  	[tilespmem:s30], [sflag:$0x2] =	stream.linear.gather [hbm4b:s31+s25], $0x100, $0x38;
	[tilespmem:$0x1F900] =	vst v63  }
.LBB2_4:
0x59: {  	[tilespmem:s2], [sflag:$0x4] =	stream.linear.gather [hbm4b:s13+s4], $0x80, $0x38;
	[tilespmem:$0x1F900] =	vst v63  }
0x5a: {  	s13 =	smov.u32 s11;
	s2 =	smov.u32 s12;
	p0 =	sne.s32 s11, $0x1F0  }
.Ltmp3:
0x5b: {  	s11 =	sadd.s32 $0x10, s11;
	(pc) =	sbr.rel @p0 .LBB2_4-.Ltmp3, $2  }
0x5c: {  	_ =	sdelay $0x2  }
0x5d: {  	s12 =	sadd.s32 $0x100, s12;
	s13 =	sadd.s32 s13, s16  }
0x5e: {  	[tilespmem:s2], [sflag:$0x4] =	stream.linear.gather [hbm4b:s13+s4], $0x80, $0x38;
	[tilespmem:$0x1F900] =	vst v63  }
0x5f: {  	s1 =	rddreg [dreg:$0xa]  }
0x60: {  	s23 =	simm.s32 $0x0;
	s11 =	simm.s32 $0xA100;
	s25 =	rddreg [dreg:$0xb]  }
0x61: {  	[tilespmem:s11], [sflag:$0x4] =	stream.linear.gather [hbm4b:s1+s23], $0x800, $0x38;
	[tilespmem:$0x1F900] =	vst v63  }
0x62: {  	s31 =	rddreg [dreg:$0xc];
	s2 =	simm.s32 $0x8080  }
0x63: {  	[tilespmem:s0], [sflag:$0x3] =	stream.linear.gather [hbm4b:s25+s23], $0x100, $0x38;
	[tilespmem:$0x1F900] =	vst v63  }
0x64: {  	s13 =	sadd.s32 $0x0, s20;
	s12 =	simm.s32 $0x8180;
	s11 =	simm.s32 $0x10  }
0x65: {  	[tilespmem:s26], [sflag:$0x3] =	stream.linear.gather [hbm4b:s31+s23], $0x100, $0x38;
	[tilespmem:$0x1F900] =	vst v63  }
.LBB2_6:
0x66: {  	[tilespmem:s2], [sflag:$0x5] =	stream.linear.gather [hbm4b:s13+s4], $0x80, $0x38;
	[tilespmem:$0x1F900] =	vst v63  }
0x67: {  	s13 =	smov.u32 s11;
	s2 =	smov.u32 s12;
	p0 =	sne.s32 s11, $0x1F0  }
.Ltmp4:
0x68: {  	s11 =	sadd.s32 $0x10, s11;
	(pc) =	sbr.rel @p0 .LBB2_6-.Ltmp4, $2  }
0x69: {  	_ =	sdelay $0x2  }
0x6a: {  	s12 =	sadd.s32 $0x100, s12;
	s13 =	sadd.s32 s13, s20  }
0x6b: {  	[tilespmem:s2], [sflag:$0x5] =	stream.linear.gather [hbm4b:s13+s4], $0x80, $0x38;
	[tilespmem:$0x1F900] =	vst v63  }
0x6c: {  	s13 =	simm.s32 $0x0  }
0x6d: {  	s1 =	rddreg [dreg:$0xe];
	s31 =	simm.s32 $0xA900;
	v1 =	vbroadcast v1, $0x0;
	v2 =	vbroadcast v2, $0x0;
	s11 =	simm.s32 $0x0  }
0x6e: {  	v3 =	vbroadcast v3, $0x0;
	v4 =	vbroadcast v4, $0x0;
	[tilespmem:s31], [sflag:$0x5] =	stream.linear.gather [hbm4b:s1+s13], $0x800, $0x38;
	[tilespmem:$0x1F900] =	vst v63  }
.LBB2_8:
0x6f: {  	_ =	swait.ge [sflag:s9], $0x100  }
0x70: {  	[sflag:s9] =	ssyncset.done $0x0  }
0x71: {  	[sflag:s9] =	ssyncadd.s32 $0xFFFFFF00  }
0x72: {  	_ =	swait.ge [sflag:s9], $0x100  }
0x73: {  	[sflag:s9] =	ssyncset.done $0x0  }
0x74: {  	[sflag:s9] =	ssyncadd.s32 $0xFFFFFF00  }
0x75: {  	[tilespmem:s13], [sflag:$0x1] =	stream.indirect.gather [hbm4b:s7+s14], $0x80, s29, s14, $0xb8;
	[tilespmem:$0x1F900] =	vst v63  }
0x76: {  	s1 =	simm.s32 $0xB180  }
0x77: {  	[tilespmem:s17], [sflag:$0x1] =	stream.indirect.gather [hbm4b:s7+s14], $0x80, s1, s14, $0xb8;
	[tilespmem:$0x1F900] =	vst v63  }
0x78: {  	_ =	swait.ge [sflag:s18], $0x1000  }
0x79: {  	[sflag:s18] =	ssyncset.done $0x0  }
0x7a: {  	[sflag:s18] =	ssyncadd.s32 $0xFFFFF000  }
0x7b: {  	_ =	swait.ge [sflag:s18], $0x800  }
0x7c: {  	s2 =	sand.u32 $0x70, s13;
	s12 =	sand.u32 $0x400, s13;
	[sflag:s18] =	ssyncset.done $0x0  }
0x7d: {  	s2 =	sor.u32 s2, s12;
	[sflag:s18] =	ssyncadd.s32 $0xFFFFF800  }
0x7e: {  	v5 =	vld [tilespmem:s2+$0xA100]  }
0x7f: {  	v6 =	vld [tilespmem:s2+$0xA180];
	_ =	sdelay $0x1  }
0x80: {  	v7 =	vld [tilespmem:s2+$0xA200];
	_ =	sdelay $0x1  }
0x81: {  	v8 =	vld [tilespmem:s2+$0xA280]  }
0x82: {  	v5 =	vmul.f32 v5, v1;
	v6 =	vmul.f32 v6, v2;
	_ =	sdelay $0x1  }
0x83: {  	v5 =	vadd.f32 v6, v5;
	v6 =	vmul.f32 v7, v3;
	_ =	sdelay $0x1  }
0x84: {  	v5 =	vadd.f32 v6, v5;
	v6 =	vmul.f32 v8, v4;
	_ =	sdelay $0x1  }
0x85: {  	s15 =	simm.s32 $0x10;
	s12 =	simm.s32 $0x80;
	v5 =	vadd.f32 v6, v5  }
0x86: {  	s15 =	sand.u32 $0x70, s15;
	s21 =	sand.u32 $0x400, s12;
	s2 =	simm.s32 $0xA000  }
0x87: {  	s21 =	sor.u32 s15, s21;
	s15 =	simm.s32 $0x20;
	[tilespmem:s2+$0x0] =	vst v5  }
.LBB2_9:
0x88: {  	p0 =	sne.s32 s15, $0xF0;
	v5 =	vld [tilespmem:s21+$0xA100]  }
0x89: {  	v6 =	vld [tilespmem:s21+$0xA180];
	_ =	sdelay $0x1  }
0x8a: {  	v7 =	vld [tilespmem:s21+$0xA200];
	_ =	sdelay $0x1  }
0x8b: {  	v8 =	vld [tilespmem:s21+$0xA280]  }
0x8c: {  	v5 =	vmul.f32 v5, v1;
	v6 =	vmul.f32 v6, v2;
	_ =	sdelay $0x1  }
0x8d: {  	v5 =	vadd.f32 v6, v5;
	v6 =	vmul.f32 v7, v3;
	_ =	sdelay $0x1  }
.Ltmp5:
0x8e: {  	v5 =	vadd.f32 v6, v5;
	v6 =	vmul.f32 v8, v4;
	(pc) =	sbr.rel @p0 .LBB2_9-.Ltmp5, $4  }
0x8f: {  	_ = 	snop  }
0x90: {  	s12 =	sadd.s32 $0x80, s12;
	v5 =	vadd.f32 v6, v5  }
0x91: {  	s2 =	sadd.s32 $0x10, s2;
	s23 =	sand.u32 $0x400, s12;
	s21 =	sand.u32 $0x70, s15  }
0x92: {  	s15 =	sadd.s32 $0x10, s15;
	s21 =	sor.u32 s21, s23;
	[tilespmem:s2+$0x0] =	vst v5  }
0x93: {  	v5 =	vld [tilespmem:s21+$0xA100]  }
0x94: {  	v6 =	vld [tilespmem:s21+$0xA180];
	_ =	sdelay $0x1  }
0x95: {  	v7 =	vld [tilespmem:s21+$0xA200];
	_ =	sdelay $0x1  }
0x96: {  	v8 =	vld [tilespmem:s21+$0xA280]  }
0x97: {  	v5 =	vmul.f32 v5, v1;
	v6 =	vmul.f32 v6, v2;
	_ =	sdelay $0x1  }
0x98: {  	v5 =	vadd.f32 v6, v5;
	v6 =	vmul.f32 v7, v3;
	_ =	sdelay $0x1  }
0x99: {  	v5 =	vadd.f32 v6, v5;
	v6 =	vmul.f32 v8, v4;
	_ =	sdelay $0x1  }
0x9a: {  	v5 =	vadd.f32 v6, v5  }
0x9b: {  	s2 =	sadd.s32 $0x10, s2  }
0x9c: {  	[tilespmem:s2+$0x0] =	vst v5  }
0x9d: {  	_ =	swait.ge [sflag:s19], $0x4000  }
0x9e: {  	[sflag:s19] =	ssyncset.done $0x0  }
0x9f: {  	[sflag:s19] =	ssyncadd.s32 $0xFFFFC000  }
0xa0: {  	_ =	swait.ge [sflag:s19], $0x4000  }
0xa1: {  	[sflag:s19] =	ssyncset.done $0x0  }
0xa2: {  	s31 =	simm.s32 $0x0;
	[sflag:s19] =	ssyncadd.s32 $0xFFFFC000  }
0xa3: {  	v5 =	vld [tilespmem:s31+$0xA000]  }
0xa4: {  	s2 =	simm.s32 $0x400  }
0xa5: {  	v6 =	vld [tilespmem:s2+$0xFFFFFC30]  }
0xa6: {  	v7 =	vld [tilespmem:s2+$0xFFFFFC00]  }
0xa7: {  	v8 =	vld [tilespmem:s2+$0xFFFFFC10]  }
0xa8: {  	v9 =	vld [tilespmem:s2+$0xFFFFFC20];
	v10 =	vbroadcast v5, $0x0;
	_ =	sdelay $0x1  }
0xa9: {  	v6 =	vmul.f32 v6, v10  }
0xaa: {  	v7 =	vmul.f32 v10, v7  }
0xab: {  	v8 =	vmul.f32 v8, v10;
	[tilespmem:s2+$0xFFFFFC30] =	vst v6;
	v6 =	vld [tilespmem:s2+$0xFFFFFCB0]  }
0xac: {  	v9 =	vmul.f32 v9, v10;
	[tilespmem:s2+$0xFFFFFC00] =	vst v7;
	v7 =	vld [tilespmem:s2+$0xFFFFFCA0]  }
0xad: {  	[tilespmem:s2+$0xFFFFFC10] =	vst v8;
	v8 =	vld [tilespmem:s2+$0xFFFFFC90]  }
0xae: {  	s12 =	simm.s32 $0x8100;
	v24 =	vld [tilespmem:s2+$0xFFFFFC80];
	v11 =	vbroadcast v5, $0x1;
	[tilespmem:s2+$0xFFFFFC20] =	vst v9  }
0xaf: {  	v12 =	vld [tilespmem:s12+$0xFFFFFF00]  }
0xb0: {  	v6 =	vmul.f32 v6, v11  }
0xb1: {  	v7 =	vmul.f32 v7, v11  }
0xb2: {  	v8 =	vmul.f32 v8, v11;
	[tilespmem:s2+$0xFFFFFCB0] =	vst v6  }
0xb3: {  	v6 =	vmul.f32 v24, v11;
	[tilespmem:s2+$0xFFFFFCA0] =	vst v7;
	v7 =	vld [tilespmem:s2+$0xFFFFFD30]  }
0xb4: {  	v25 =	vmul.f32 v12, v10;
	[tilespmem:s2+$0xFFFFFC90] =	vst v8;
	v8 =	vld [tilespmem:s2+$0xFFFFFD20]  }
0xb5: {  	[tilespmem:s2+$0xFFFFFC80] =	vst v6;
	v6 =	vld [tilespmem:s2+$0xFFFFFD10]  }
0xb6: {  	v26 =	vld [tilespmem:s2+$0xFFFFFD00];
	v27 =	vbroadcast v5, $0x2;
	[tilespmem:s2+$0xFFFFFC40] =	vst v25  }
0xb7: {  	v28 =	vld [tilespmem:s12+$0xFFFFFF10]  }
0xb8: {  	v7 =	vmul.f32 v7, v27  }
0xb9: {  	v8 =	vmul.f32 v8, v27  }
0xba: {  	v6 =	vmul.f32 v6, v27;
	[tilespmem:s2+$0xFFFFFD30] =	vst v7  }
0xbb: {  	v7 =	vmul.f32 v26, v27;
	[tilespmem:s2+$0xFFFFFD20] =	vst v8;
	v8 =	vld [tilespmem:s2+$0xFFFFFDB0]  }
0xbc: {  	v29 =	vmul.f32 v28, v11;
	[tilespmem:s2+$0xFFFFFD10] =	vst v6;
	v6 =	vld [tilespmem:s2+$0xFFFFFDA0]  }
0xbd: {  	[tilespmem:s2+$0xFFFFFD00] =	vst v7;
	v7 =	vld [tilespmem:s2+$0xFFFFFD90]  }
0xbe: {  	v30 =	vld [tilespmem:s2+$0xFFFFFD80];
	v31 =	vbroadcast v5, $0x3;
	[tilespmem:s2+$0xFFFFFCC0] =	vst v29  }
0xbf: {  	v32 =	vld [tilespmem:s12+$0xFFFFFF20]  }
0xc0: {  	v8 =	vmul.f32 v8, v31  }
0xc1: {  	v6 =	vmul.f32 v6, v31  }
0xc2: {  	v7 =	vmul.f32 v7, v31;
	[tilespmem:s2+$0xFFFFFDB0] =	vst v8  }
0xc3: {  	v8 =	vmul.f32 v30, v31;
	[tilespmem:s2+$0xFFFFFDA0] =	vst v6;
	v6 =	vld [tilespmem:s2+$0xFFFFFE30]  }
0xc4: {  	v33 =	vmul.f32 v32, v27;
	[tilespmem:s2+$0xFFFFFD90] =	vst v7;
	v7 =	vld [tilespmem:s2+$0xFFFFFE20]  }
0xc5: {  	[tilespmem:s2+$0xFFFFFD80] =	vst v8;
	v8 =	vld [tilespmem:s2+$0xFFFFFE10]  }
0xc6: {  	v34 =	vld [tilespmem:s2+$0xFFFFFE00];
	v35 =	vbroadcast v5, $0x4;
	[tilespmem:s2+$0xFFFFFD40] =	vst v33  }
0xc7: {  	v36 =	vld [tilespmem:s12+$0xFFFFFF30]  }
0xc8: {  	v6 =	vmul.f32 v6, v35  }
0xc9: {  	v7 =	vmul.f32 v7, v35  }
0xca: {  	v8 =	vmul.f32 v8, v35;
	[tilespmem:s2+$0xFFFFFE30] =	vst v6  }
0xcb: {  	v6 =	vmul.f32 v34, v35;
	[tilespmem:s2+$0xFFFFFE20] =	vst v7;
	v7 =	vld [tilespmem:s2+$0xFFFFFEB0]  }
0xcc: {  	[tilespmem:s2+$0xFFFFFE10] =	vst v8;
	v8 =	vld [tilespmem:s2+$0xFFFFFEA0];
	v37 =	vmul.f32 v36, v31  }
0xcd: {  	[tilespmem:s2+$0xFFFFFE00] =	vst v6;
	v6 =	vld [tilespmem:s2+$0xFFFFFE90]  }
0xce: {  	v38 =	vld [tilespmem:s2+$0xFFFFFE80];
	v39 =	vbroadcast v5, $0x5;
	[tilespmem:s2+$0xFFFFFDC0] =	vst v37  }
0xcf: {  	v40 =	vld [tilespmem:s12+$0xFFFFFF40]  }
0xd0: {  	v7 =	vmul.f32 v7, v39  }
0xd1: {  	v8 =	vmul.f32 v8, v39  }
0xd2: {  	v6 =	vmul.f32 v6, v39;
	[tilespmem:s2+$0xFFFFFEB0] =	vst v7  }
0xd3: {  	v7 =	vmul.f32 v38, v39;
	[tilespmem:s2+$0xFFFFFEA0] =	vst v8;
	v8 =	vld [tilespmem:s2+$0xFFFFFF30]  }
0xd4: {  	v41 =	vmul.f32 v40, v35;
	[tilespmem:s2+$0xFFFFFE90] =	vst v6;
	v6 =	vld [tilespmem:s2+$0xFFFFFF20]  }
0xd5: {  	[tilespmem:s2+$0xFFFFFE80] =	vst v7;
	v7 =	vld [tilespmem:s2+$0xFFFFFF10]  }
0xd6: {  	v42 =	vld [tilespmem:s2+$0xFFFFFF00];
	v43 =	vbroadcast v5, $0x6;
	[tilespmem:s2+$0xFFFFFE40] =	vst v41  }
0xd7: {  	v44 =	vld [tilespmem:s12+$0xFFFFFF50]  }
0xd8: {  	v8 =	vmul.f32 v8, v43  }
0xd9: {  	v6 =	vmul.f32 v6, v43  }
0xda: {  	v7 =	vmul.f32 v7, v43;
	[tilespmem:s2+$0xFFFFFF30] =	vst v8  }
0xdb: {  	v46 =	vld [tilespmem:s2+$0xFFFFFF80];
	v8 =	vmul.f32 v42, v43;
	[tilespmem:s2+$0xFFFFFF20] =	vst v6  }
0xdc: {  	v6 =	vld [tilespmem:s2+$0xFFFFFFB0];
	[tilespmem:s2+$0xFFFFFF10] =	vst v7;
	v45 =	vmul.f32 v44, v39  }
0xdd: {  	v7 =	vld [tilespmem:s2+$0xFFFFFFA0];
	[tilespmem:s2+$0xFFFFFF00] =	vst v8  }
0xde: {  	v47 =	vbroadcast v5, $0x7;
	v8 =	vld [tilespmem:s2+$0xFFFFFF90];
	[tilespmem:s2+$0xFFFFFEC0] =	vst v45  }
0xdf: {  	v48 =	vld [tilespmem:s12+$0xFFFFFF60]  }
0xe0: {  	v9 =	vmul.f32 v46, v47  }
0xe1: {  	v6 =	vmul.f32 v6, v47  }
0xe2: {  	[tilespmem:s2+$0xFFFFFF80] =	vst v9;
	v7 =	vmul.f32 v7, v47  }
0xe3: {  	v8 =	vmul.f32 v8, v47;
	[tilespmem:s2+$0xFFFFFFB0] =	vst v6;
	v6 =	vld [tilespmem:s2+$0x0]  }
0xe4: {  	[tilespmem:s2+$0xFFFFFFA0] =	vst v7;
	v7 =	vld [tilespmem:s2+$0x10];
	v10 =	vmul.f32 v48, v43  }
0xe5: {  	[tilespmem:s2+$0xFFFFFF90] =	vst v8;
	v8 =	vld [tilespmem:s2+$0x20]  }
0xe6: {  	v50 =	vld [tilespmem:s2+$0x30];
	v49 =	vbroadcast v5, $0x8;
	[tilespmem:s2+$0xFFFFFF40] =	vst v10  }
0xe7: {  	v10 =	vld [tilespmem:s12+$0xFFFFFF70]  }
0xe8: {  	v6 =	vmul.f32 v6, v49  }
0xe9: {  	v7 =	vmul.f32 v7, v49  }
0xea: {  	[tilespmem:s2+$0x0] =	vst v6;
	v6 =	vmul.f32 v8, v49  }
0xeb: {  	[tilespmem:s2+$0x10] =	vst v7;
	v7 =	vmul.f32 v50, v49;
	v8 =	vld [tilespmem:s2+$0x80]  }
0xec: {  	[tilespmem:s2+$0x20] =	vst v6;
	v6 =	vld [tilespmem:s2+$0x90];
	v10 =	vmul.f32 v10, v47  }
0xed: {  	[tilespmem:s2+$0x30] =	vst v7;
	v7 =	vld [tilespmem:s2+$0xA0]  }
0xee: {  	v52 =	vld [tilespmem:s2+$0xB0];
	v51 =	vbroadcast v5, $0x9;
	[tilespmem:s2+$0xFFFFFFC0] =	vst v10  }
0xef: {  	v10 =	vld [tilespmem:s12+$0x0]  }
0xf0: {  	v8 =	vmul.f32 v8, v51  }
0xf1: {  	v6 =	vmul.f32 v6, v51  }
0xf2: {  	[tilespmem:s2+$0x80] =	vst v8;
	v7 =	vmul.f32 v7, v51  }
0xf3: {  	v8 =	vld [tilespmem:s2+$0x100];
	[tilespmem:s2+$0x90] =	vst v6;
	v6 =	vmul.f32 v52, v51  }
0xf4: {  	[tilespmem:s2+$0xA0] =	vst v7;
	v7 =	vld [tilespmem:s2+$0x110];
	v9 =	vmul.f32 v10, v49  }
0xf5: {  	[tilespmem:s2+$0xB0] =	vst v6;
	v6 =	vld [tilespmem:s2+$0x120]  }
0xf6: {  	v54 =	vld [tilespmem:s2+$0x130];
	v53 =	vbroadcast v5, $0xA;
	[tilespmem:s2+$0x40] =	vst v9  }
0xf7: {  	v9 =	vld [tilespmem:s12+$0x10]  }
0xf8: {  	v8 =	vmul.f32 v8, v53  }
0xf9: {  	v7 =	vmul.f32 v7, v53  }
0xfa: {  	[tilespmem:s2+$0x100] =	vst v8;
	v6 =	vmul.f32 v6, v53  }
0xfb: {  	v8 =	vld [tilespmem:s2+$0x180];
	[tilespmem:s2+$0x110] =	vst v7;
	v7 =	vmul.f32 v54, v53  }
0xfc: {  	[tilespmem:s2+$0x120] =	vst v6;
	v6 =	vld [tilespmem:s2+$0x190];
	v9 =	vmul.f32 v9, v51  }
0xfd: {  	[tilespmem:s2+$0x130] =	vst v7;
	v7 =	vld [tilespmem:s2+$0x1A0]  }
0xfe: {  	v56 =	vld [tilespmem:s2+$0x1B0];
	v55 =	vbroadcast v5, $0xB;
	[tilespmem:s2+$0xC0] =	vst v9  }
0xff: {  	v9 =	vld [tilespmem:s12+$0x20]  }
0x100: {  	v8 =	vmul.f32 v8, v55  }
0x101: {  	v6 =	vmul.f32 v6, v55  }
0x102: {  	[tilespmem:s2+$0x180] =	vst v8;
	v7 =	vmul.f32 v7, v55  }
0x103: {  	v8 =	vld [tilespmem:s2+$0x200];
	[tilespmem:s2+$0x190] =	vst v6;
	v6 =	vmul.f32 v56, v55  }
0x104: {  	[tilespmem:s2+$0x1A0] =	vst v7;
	v7 =	vld [tilespmem:s2+$0x210];
	v9 =	vmul.f32 v9, v53  }
0x105: {  	[tilespmem:s2+$0x1B0] =	vst v6;
	v6 =	vld [tilespmem:s2+$0x220]  }
0x106: {  	v58 =	vld [tilespmem:s2+$0x230];
	v57 =	vbroadcast v5, $0xC;
	[tilespmem:s2+$0x140] =	vst v9  }
0x107: {  	v9 =	vld [tilespmem:s12+$0x30]  }
0x108: {  	v8 =	vmul.f32 v8, v57  }
0x109: {  	v7 =	vmul.f32 v7, v57  }
0x10a: {  	[tilespmem:s2+$0x200] =	vst v8;
	v6 =	vmul.f32 v6, v57  }
0x10b: {  	v8 =	vld [tilespmem:s2+$0x280];
	[tilespmem:s2+$0x210] =	vst v7;
	v7 =	vmul.f32 v58, v57  }
0x10c: {  	[tilespmem:s2+$0x220] =	vst v6;
	v6 =	vld [tilespmem:s2+$0x290];
	v9 =	vmul.f32 v9, v55  }
0x10d: {  	[tilespmem:s2+$0x230] =	vst v7;
	v7 =	vld [tilespmem:s2+$0x2A0]  }
0x10e: {  	v60 =	vld [tilespmem:s2+$0x2B0];
	v59 =	vbroadcast v5, $0xD;
	[tilespmem:s2+$0x1C0] =	vst v9  }
0x10f: {  	v9 =	vld [tilespmem:s12+$0x40]  }
0x110: {  	v8 =	vmul.f32 v8, v59  }
0x111: {  	v6 =	vmul.f32 v6, v59  }
0x112: {  	[tilespmem:s2+$0x280] =	vst v8;
	v7 =	vmul.f32 v7, v59  }
0x113: {  	v8 =	vld [tilespmem:s2+$0x300];
	[tilespmem:s2+$0x290] =	vst v6;
	v6 =	vmul.f32 v60, v59  }
0x114: {  	[tilespmem:s2+$0x2A0] =	vst v7;
	v7 =	vld [tilespmem:s2+$0x310];
	v9 =	vmul.f32 v9, v57  }
0x115: {  	[tilespmem:s2+$0x2B0] =	vst v6;
	v6 =	vld [tilespmem:s2+$0x320]  }
0x116: {  	v62 =	vld [tilespmem:s2+$0x330];
	v61 =	vbroadcast v5, $0xE;
	[tilespmem:s2+$0x240] =	vst v9  }
0x117: {  	v9 =	vld [tilespmem:s12+$0x50]  }
0x118: {  	v8 =	vmul.f32 v8, v61  }
0x119: {  	v7 =	vmul.f32 v7, v61  }
0x11a: {  	[tilespmem:s2+$0x300] =	vst v8;
	v6 =	vmul.f32 v6, v61  }
0x11b: {  	v8 =	vld [tilespmem:s2+$0x380];
	[tilespmem:s2+$0x310] =	vst v7;
	v7 =	vmul.f32 v62, v61  }
0x11c: {  	[tilespmem:s2+$0x320] =	vst v6;
	v6 =	vld [tilespmem:s2+$0x390];
	v9 =	vmul.f32 v9, v59  }
0x11d: {  	[tilespmem:s2+$0x330] =	vst v7;
	v7 =	vld [tilespmem:s2+$0x3A0]  }
0x11e: {  	v63 =	vld [tilespmem:s2+$0x3B0];
	v5 =	vbroadcast v5, $0xF;
	[tilespmem:s2+$0x2C0] =	vst v9  }
0x11f: {  	v9 =	vld [tilespmem:s12+$0x60]  }
0x120: {  	v8 =	vmul.f32 v8, v5  }
0x121: {  	v6 =	vmul.f32 v6, v5  }
0x122: {  	[tilespmem:s2+$0x380] =	vst v8;
	v7 =	vmul.f32 v7, v5  }
0x123: {  	[tilespmem:s2+$0x390] =	vst v6;
	v6 =	vmul.f32 v63, v5  }
0x124: {  	[tilespmem:s2+$0x3A0] =	vst v7;
	v7 =	vmul.f32 v9, v61  }
0x125: {  	[tilespmem:s2+$0x3B0] =	vst v6  }
0x126: {  	[tilespmem:s2+$0x340] =	vst v7  }
0x127: {  	s15 =	simm.s32 $0x40;
	s21 =	simm.s32 $0x400;
	v6 =	vld [tilespmem:s12+$0x70]  }
.LBB2_11:
0x128: {  	_ =	sdelay $0x2  }
0x129: {  	p0 =	sne.s32 s15, $0x3C0;
	s12 =	sadd.s32 $0x200, s12;
	s2 =	sadd.s32 $0x800, s2  }
0x12a: {  	s23 =	smov.u32 s15;
	s15 =	sadd.s32 $0x40, s15;
	v5 =	vmul.f32 v6, v5;
	_ =	sdelay $0x1  }
0x12b: {  	s23 =	sshra.s32 s23, $0x2;
	v6 =	vld [tilespmem:s2+$0xFFFFFC20];
	[tilespmem:s21+$0x3C0] =	vst v5;
	s21 =	smov.u32 s2  }
0x12c: {  	v5 =	vld [tilespmem:s23+$0xA000]  }
0x12d: {  	v7 =	vld [tilespmem:s2+$0xFFFFFC30]  }
0x12e: {  	v8 =	vld [tilespmem:s2+$0xFFFFFC00]  }
0x12f: {  	v9 =	vld [tilespmem:s2+$0xFFFFFC10];
	_ =	sdelay $0x1  }
0x130: {  	v10 =	vbroadcast v5, $0x0;
	_ =	sdelay $0x1  }
0x131: {  	v8 =	vmul.f32 v10, v8;
	v7 =	vmul.f32 v7, v10  }
0x132: {  	v6 =	vmul.f32 v6, v10;
	v9 =	vmul.f32 v9, v10  }
0x133: {  	[tilespmem:s2+$0xFFFFFC30] =	vst v7;
	v7 =	vld [tilespmem:s2+$0xFFFFFCB0]  }
0x134: {  	[tilespmem:s2+$0xFFFFFC00] =	vst v8;
	v8 =	vld [tilespmem:s2+$0xFFFFFCA0]  }
0x135: {  	[tilespmem:s2+$0xFFFFFC10] =	vst v9;
	v9 =	vld [tilespmem:s2+$0xFFFFFC90]  }
0x136: {  	v11 =	vbroadcast v5, $0x1;
	[tilespmem:s2+$0xFFFFFC20] =	vst v6;
	v6 =	vld [tilespmem:s2+$0xFFFFFC80]  }
0x137: {  	v12 =	vld [tilespmem:s12+$0xFFFFFF00]  }
0x138: {  	v7 =	vmul.f32 v7, v11  }
0x139: {  	v8 =	vmul.f32 v8, v11  }
0x13a: {  	v9 =	vmul.f32 v9, v11;
	[tilespmem:s2+$0xFFFFFCB0] =	vst v7  }
0x13b: {  	v6 =	vmul.f32 v6, v11;
	[tilespmem:s2+$0xFFFFFCA0] =	vst v8;
	v7 =	vld [tilespmem:s2+$0xFFFFFD30]  }
0x13c: {  	v8 =	vmul.f32 v12, v10;
	[tilespmem:s2+$0xFFFFFC90] =	vst v9;
	v9 =	vld [tilespmem:s2+$0xFFFFFD20]  }
0x13d: {  	[tilespmem:s2+$0xFFFFFC80] =	vst v6;
	v6 =	vld [tilespmem:s2+$0xFFFFFD10]  }
0x13e: {  	v10 =	vbroadcast v5, $0x2;
	[tilespmem:s2+$0xFFFFFC40] =	vst v8;
	v8 =	vld [tilespmem:s2+$0xFFFFFD00]  }
0x13f: {  	v12 =	vld [tilespmem:s12+$0xFFFFFF10]  }
0x140: {  	v7 =	vmul.f32 v7, v10  }
0x141: {  	v9 =	vmul.f32 v9, v10  }
0x142: {  	v6 =	vmul.f32 v6, v10;
	[tilespmem:s2+$0xFFFFFD30] =	vst v7  }
0x143: {  	v7 =	vmul.f32 v8, v10;
	[tilespmem:s2+$0xFFFFFD20] =	vst v9;
	v8 =	vld [tilespmem:s2+$0xFFFFFDB0]  }
0x144: {  	v9 =	vmul.f32 v12, v11;
	[tilespmem:s2+$0xFFFFFD10] =	vst v6;
	v6 =	vld [tilespmem:s2+$0xFFFFFDA0]  }
0x145: {  	[tilespmem:s2+$0xFFFFFD00] =	vst v7;
	v7 =	vld [tilespmem:s2+$0xFFFFFD90]  }
0x146: {  	v11 =	vbroadcast v5, $0x3;
	[tilespmem:s2+$0xFFFFFCC0] =	vst v9;
	v9 =	vld [tilespmem:s2+$0xFFFFFD80]  }
0x147: {  	v12 =	vld [tilespmem:s12+$0xFFFFFF20]  }
0x148: {  	v8 =	vmul.f32 v8, v11  }
0x149: {  	v6 =	vmul.f32 v6, v11  }
0x14a: {  	v7 =	vmul.f32 v7, v11;
	[tilespmem:s2+$0xFFFFFDB0] =	vst v8  }
0x14b: {  	v8 =	vmul.f32 v9, v11;
	[tilespmem:s2+$0xFFFFFDA0] =	vst v6;
	v6 =	vld [tilespmem:s2+$0xFFFFFE30]  }
0x14c: {  	v9 =	vmul.f32 v12, v10;
	[tilespmem:s2+$0xFFFFFD90] =	vst v7;
	v7 =	vld [tilespmem:s2+$0xFFFFFE20]  }
0x14d: {  	[tilespmem:s2+$0xFFFFFD80] =	vst v8;
	v8 =	vld [tilespmem:s2+$0xFFFFFE10]  }
0x14e: {  	v10 =	vbroadcast v5, $0x4;
	[tilespmem:s2+$0xFFFFFD40] =	vst v9;
	v9 =	vld [tilespmem:s2+$0xFFFFFE00]  }
0x14f: {  	v12 =	vld [tilespmem:s12+$0xFFFFFF30]  }
0x150: {  	v6 =	vmul.f32 v6, v10  }
0x151: {  	v7 =	vmul.f32 v7, v10  }
0x152: {  	v8 =	vmul.f32 v8, v10;
	[tilespmem:s2+$0xFFFFFE30] =	vst v6  }
0x153: {  	v6 =	vmul.f32 v9, v10;
	[tilespmem:s2+$0xFFFFFE20] =	vst v7;
	v7 =	vld [tilespmem:s2+$0xFFFFFEB0]  }
0x154: {  	v9 =	vmul.f32 v12, v11;
	[tilespmem:s2+$0xFFFFFE10] =	vst v8;
	v8 =	vld [tilespmem:s2+$0xFFFFFEA0]  }
0x155: {  	[tilespmem:s2+$0xFFFFFE00] =	vst v6;
	v6 =	vld [tilespmem:s2+$0xFFFFFE90]  }
0x156: {  	v11 =	vbroadcast v5, $0x5;
	[tilespmem:s2+$0xFFFFFDC0] =	vst v9;
	v9 =	vld [tilespmem:s2+$0xFFFFFE80]  }
0x157: {  	v12 =	vld [tilespmem:s12+$0xFFFFFF40]  }
0x158: {  	v7 =	vmul.f32 v7, v11  }
0x159: {  	v8 =	vmul.f32 v8, v11  }
0x15a: {  	v6 =	vmul.f32 v6, v11;
	[tilespmem:s2+$0xFFFFFEB0] =	vst v7  }
0x15b: {  	v7 =	vmul.f32 v9, v11;
	[tilespmem:s2+$0xFFFFFEA0] =	vst v8;
	v8 =	vld [tilespmem:s2+$0xFFFFFF30]  }
0x15c: {  	v9 =	vmul.f32 v12, v10;
	[tilespmem:s2+$0xFFFFFE90] =	vst v6;
	v6 =	vld [tilespmem:s2+$0xFFFFFF20]  }
0x15d: {  	[tilespmem:s2+$0xFFFFFE80] =	vst v7;
	v7 =	vld [tilespmem:s2+$0xFFFFFF10]  }
0x15e: {  	v10 =	vbroadcast v5, $0x6;
	[tilespmem:s2+$0xFFFFFE40] =	vst v9;
	v9 =	vld [tilespmem:s2+$0xFFFFFF00]  }
0x15f: {  	v12 =	vld [tilespmem:s12+$0xFFFFFF50]  }
0x160: {  	v8 =	vmul.f32 v8, v10  }
0x161: {  	v6 =	vmul.f32 v6, v10  }
0x162: {  	v7 =	vmul.f32 v7, v10;
	[tilespmem:s2+$0xFFFFFF30] =	vst v8  }
0x163: {  	v8 =	vmul.f32 v9, v10;
	[tilespmem:s2+$0xFFFFFF20] =	vst v6;
	v6 =	vld [tilespmem:s2+$0xFFFFFFB0]  }
0x164: {  	v9 =	vmul.f32 v12, v11;
	[tilespmem:s2+$0xFFFFFF10] =	vst v7;
	v7 =	vld [tilespmem:s2+$0xFFFFFFA0]  }
0x165: {  	[tilespmem:s2+$0xFFFFFF00] =	vst v8;
	v8 =	vld [tilespmem:s2+$0xFFFFFF90]  }
0x166: {  	v11 =	vbroadcast v5, $0x7;
	[tilespmem:s2+$0xFFFFFEC0] =	vst v9;
	v9 =	vld [tilespmem:s2+$0xFFFFFF80]  }
0x167: {  	v12 =	vld [tilespmem:s12+$0xFFFFFF60]  }
0x168: {  	v6 =	vmul.f32 v6, v11  }
0x169: {  	v7 =	vmul.f32 v7, v11;
	v13 =	vld [tilespmem:s2+$0x0]  }
0x16a: {  	v8 =	vmul.f32 v8, v11;
	[tilespmem:s2+$0xFFFFFFB0] =	vst v6;
	v6 =	vld [tilespmem:s2+$0x10]  }
0x16b: {  	v9 =	vmul.f32 v9, v11;
	[tilespmem:s2+$0xFFFFFFA0] =	vst v7;
	v7 =	vld [tilespmem:s2+$0x20]  }
0x16c: {  	v10 =	vmul.f32 v12, v10;
	[tilespmem:s2+$0xFFFFFF90] =	vst v8;
	v8 =	vbroadcast v5, $0x8;
	v12 =	vld [tilespmem:s2+$0x30]  }
0x16d: {  	[tilespmem:s2+$0xFFFFFF80] =	vst v9  }
0x16e: {  	[tilespmem:s2+$0xFFFFFF40] =	vst v10;
	v9 =	vmul.f32 v13, v8  }
0x16f: {  	v10 =	vld [tilespmem:s12+$0xFFFFFF70];
	v6 =	vmul.f32 v6, v8  }
0x170: {  	[tilespmem:s2+$0x0] =	vst v9;
	v7 =	vmul.f32 v7, v8  }
0x171: {  	[tilespmem:s2+$0x10] =	vst v6;
	v6 =	vmul.f32 v12, v8;
	v9 =	vld [tilespmem:s2+$0x80]  }
0x172: {  	[tilespmem:s2+$0x20] =	vst v7;
	v7 =	vld [tilespmem:s2+$0x90]  }
0x173: {  	[tilespmem:s2+$0x30] =	vst v6;
	v6 =	vld [tilespmem:s2+$0xA0]  }
0x174: {  	v10 =	vmul.f32 v10, v11;
	v11 =	vbroadcast v5, $0x9;
	v12 =	vld [tilespmem:s2+$0xB0];
	_ =	sdelay $0x1  }
0x175: {  	[tilespmem:s2+$0xFFFFFFC0] =	vst v10;
	v9 =	vmul.f32 v9, v11  }
0x176: {  	v10 =	vld [tilespmem:s12+$0x0];
	v7 =	vmul.f32 v7, v11  }
0x177: {  	[tilespmem:s2+$0x80] =	vst v9;
	v6 =	vmul.f32 v6, v11  }
0x178: {  	[tilespmem:s2+$0x90] =	vst v7;
	v7 =	vmul.f32 v12, v11;
	v9 =	vld [tilespmem:s2+$0x100]  }
0x179: {  	[tilespmem:s2+$0xA0] =	vst v6;
	v6 =	vld [tilespmem:s2+$0x110]  }
0x17a: {  	[tilespmem:s2+$0xB0] =	vst v7;
	v7 =	vld [tilespmem:s2+$0x120]  }
0x17b: {  	v8 =	vmul.f32 v10, v8;
	v10 =	vbroadcast v5, $0xA;
	v12 =	vld [tilespmem:s2+$0x130];
	_ =	sdelay $0x1  }
0x17c: {  	[tilespmem:s2+$0x40] =	vst v8;
	v8 =	vmul.f32 v9, v10  }
0x17d: {  	v9 =	vld [tilespmem:s12+$0x10];
	v6 =	vmul.f32 v6, v10  }
0x17e: {  	[tilespmem:s2+$0x100] =	vst v8;
	v7 =	vmul.f32 v7, v10  }
0x17f: {  	[tilespmem:s2+$0x110] =	vst v6;
	v6 =	vmul.f32 v12, v10;
	v8 =	vld [tilespmem:s2+$0x180]  }
0x180: {  	[tilespmem:s2+$0x120] =	vst v7;
	v7 =	vld [tilespmem:s2+$0x190]  }
0x181: {  	[tilespmem:s2+$0x130] =	vst v6;
	v6 =	vld [tilespmem:s2+$0x1A0]  }
0x182: {  	v9 =	vmul.f32 v9, v11;
	v11 =	vbroadcast v5, $0xB;
	v12 =	vld [tilespmem:s2+$0x1B0];
	_ =	sdelay $0x1  }
0x183: {  	[tilespmem:s2+$0xC0] =	vst v9;
	v8 =	vmul.f32 v8, v11  }
0x184: {  	v9 =	vld [tilespmem:s12+$0x20];
	v7 =	vmul.f32 v7, v11  }
0x185: {  	[tilespmem:s2+$0x180] =	vst v8;
	v6 =	vmul.f32 v6, v11  }
0x186: {  	[tilespmem:s2+$0x190] =	vst v7;
	v7 =	vmul.f32 v12, v11;
	v8 =	vld [tilespmem:s2+$0x200]  }
0x187: {  	[tilespmem:s2+$0x1A0] =	vst v6;
	v6 =	vld [tilespmem:s2+$0x210]  }
0x188: {  	[tilespmem:s2+$0x1B0] =	vst v7;
	v7 =	vld [tilespmem:s2+$0x220]  }
0x189: {  	v9 =	vmul.f32 v9, v10;
	v10 =	vbroadcast v5, $0xC;
	v12 =	vld [tilespmem:s2+$0x230];
	_ =	sdelay $0x1  }
0x18a: {  	[tilespmem:s2+$0x140] =	vst v9;
	v8 =	vmul.f32 v8, v10  }
0x18b: {  	v9 =	vld [tilespmem:s12+$0x30];
	v6 =	vmul.f32 v6, v10  }
0x18c: {  	[tilespmem:s2+$0x200] =	vst v8;
	v7 =	vmul.f32 v7, v10  }
0x18d: {  	[tilespmem:s2+$0x210] =	vst v6;
	v6 =	vmul.f32 v12, v10;
	v8 =	vld [tilespmem:s2+$0x280]  }
0x18e: {  	[tilespmem:s2+$0x220] =	vst v7;
	v7 =	vld [tilespmem:s2+$0x290]  }
0x18f: {  	[tilespmem:s2+$0x230] =	vst v6;
	v6 =	vld [tilespmem:s2+$0x2A0]  }
0x190: {  	v9 =	vmul.f32 v9, v11;
	v11 =	vbroadcast v5, $0xD;
	v12 =	vld [tilespmem:s2+$0x2B0];
	_ =	sdelay $0x1  }
0x191: {  	[tilespmem:s2+$0x1C0] =	vst v9;
	v8 =	vmul.f32 v8, v11  }
0x192: {  	v9 =	vld [tilespmem:s12+$0x40];
	v7 =	vmul.f32 v7, v11  }
0x193: {  	[tilespmem:s2+$0x280] =	vst v8;
	v6 =	vmul.f32 v6, v11  }
0x194: {  	[tilespmem:s2+$0x290] =	vst v7;
	v7 =	vmul.f32 v12, v11;
	v8 =	vld [tilespmem:s2+$0x300]  }
0x195: {  	[tilespmem:s2+$0x2A0] =	vst v6;
	v6 =	vld [tilespmem:s2+$0x310]  }
0x196: {  	[tilespmem:s2+$0x2B0] =	vst v7;
	v7 =	vld [tilespmem:s2+$0x320]  }
0x197: {  	v9 =	vmul.f32 v9, v10;
	v10 =	vbroadcast v5, $0xE;
	v12 =	vld [tilespmem:s2+$0x330];
	_ =	sdelay $0x1  }
0x198: {  	[tilespmem:s2+$0x240] =	vst v9;
	v8 =	vmul.f32 v8, v10  }
0x199: {  	v9 =	vld [tilespmem:s12+$0x50];
	v6 =	vmul.f32 v6, v10  }
0x19a: {  	[tilespmem:s2+$0x300] =	vst v8;
	v7 =	vmul.f32 v7, v10  }
0x19b: {  	[tilespmem:s2+$0x310] =	vst v6;
	v6 =	vmul.f32 v12, v10;
	v8 =	vld [tilespmem:s2+$0x380]  }
0x19c: {  	[tilespmem:s2+$0x320] =	vst v7;
	v7 =	vld [tilespmem:s2+$0x390]  }
0x19d: {  	[tilespmem:s2+$0x330] =	vst v6;
	v6 =	vld [tilespmem:s2+$0x3A0]  }
0x19e: {  	v5 =	vbroadcast v5, $0xF;
	v9 =	vmul.f32 v9, v11;
	v11 =	vld [tilespmem:s2+$0x3B0];
	_ =	sdelay $0x1  }
0x19f: {  	[tilespmem:s2+$0x2C0] =	vst v9;
	v8 =	vmul.f32 v8, v5  }
0x1a0: {  	v9 =	vld [tilespmem:s12+$0x60];
	v7 =	vmul.f32 v7, v5  }
0x1a1: {  	[tilespmem:s2+$0x380] =	vst v8;
	v6 =	vmul.f32 v6, v5  }
0x1a2: {  	[tilespmem:s2+$0x390] =	vst v7;
	v7 =	vmul.f32 v11, v5  }
0x1a3: {  	[tilespmem:s2+$0x3A0] =	vst v6  }
.Ltmp6:
0x1a4: {  	[tilespmem:s2+$0x3B0] =	vst v7;
	(pc) =	sbr.rel @p0 .LBB2_11-.Ltmp6, $3  }
0x1a5: {  	v6 =	vmul.f32 v9, v10;
	_ =	sdelay $0x1  }
0x1a6: {  	[tilespmem:s2+$0x340] =	vst v6  }
0x1a7: {  	v6 =	vld [tilespmem:s12+$0x70]  }
0x1a8: {  	_ =	sdelay $0x3  }
0x1a9: {  	v5 =	vmul.f32 v6, v5;
	_ =	sdelay $0x1  }
0x1aa: {  	[tilespmem:s21+$0x3C0] =	vst v5  }
0x1ab: {  	[spmem:s3] =	stream.indirect.scatter.add.f32 [tilespmem:s4], [sflag:$0x6], $0x80, s30, s14, $0xb8;
	[tilespmem:$0x1F900] =	vst v63  }
0x1ac: {  	_ =	swait.ge [sflag:s28], $0x4000  }
0x1ad: {  	p0 =	seq.s32 s11, $0x13;
	[sflag:s28] =	ssyncset.done $0x0  }
.Ltmp7:
0x1ae: {  	s1 =	simm.s32 $0xB380;
	[sflag:s28] =	ssyncadd.s32 $0xFFFFC000;
	(pc) =	sbr.rel @p0 .LBB2_16-.Ltmp7, $4  }
0x1af: {  	[spmem:s3] =	stream.indirect.scatter.add.f32 [tilespmem:s17], [sflag:$0x6], $0x80, s1, s14, $0xb8;
	[tilespmem:$0x1F900] =	vst v63  }
0x1b0: {  	_ =	swait.ge [sflag:s28], $0x4000  }
0x1b1: {  	[sflag:s28] =	ssyncset.done $0x0  }
0x1b2: {  	s12 =	sshll.u32 s11, $0x9;
	[sflag:s28] =	ssyncadd.s32 $0xFFFFC000  }
0x1b3: {  	s15 =	sadd.s32 $0x200, s12  }
0x1b4: {  	s2 =	sadd.s32 s10, s15  }
0x1b5: {  	s15 =	sand.u32 $0x200, s15;
	s21 =	sand.u32 $0xFFC00, s2  }
0x1b6: {  	s15 =	sor.u32 s15, s21  }
0x1b7: {  	s1 =	rddreg [dreg:$0x0];
	s15 =	sshrl.u32 s15, $0x3  }
0x1b8: {  	s23 =	simm.s32 $0x0;
	s1 =	sadd.s32 s1, s15  }
0x1b9: {  	[tilespmem:s29], [sflag:$0x2] =	stream.linear.gather [hbm4b:s1+s23], $0x100, $0x38;
	[tilespmem:$0x1F900] =	vst v63  }
0x1ba: {  	s25 =	sshll.u32 s2, $0x1;
	s15 =	sadd.s32 s5, s15  }
0x1bb: {  	[tilespmem:s30], [sflag:$0x2] =	stream.linear.gather [hbm4b:s15+s23], $0x100, $0x38;
	[tilespmem:$0x1F900] =	vst v63  }
0x1bc: {  	s15 =	sand.u32 $0x1FFFFC00, s25  }
0x1bd: {  	s21 =	simm.s32 $0x8000;
	s15 =	sadd.s32 s6, s15  }
0x1be: {  	s23 =	simm.s32 $0x10;
	s25 =	simm.s32 $0x8100;
	s31 =	sadd.s32 $0x0, s15  }
.LBB2_14:
0x1bf: {  	[tilespmem:s21], [sflag:$0x4] =	stream.linear.gather [hbm4b:s31+s4], $0x80, $0x38;
	[tilespmem:$0x1F900] =	vst v63  }
0x1c0: {  	s31 =	smov.u32 s23;
	s21 =	smov.u32 s25;
	p1 =	sne.s32 s23, $0x1F0  }
.Ltmp8:
0x1c1: {  	s23 =	sadd.s32 $0x10, s23;
	(pc) =	sbr.rel @p1 .LBB2_14-.Ltmp8, $2  }
0x1c2: {  	_ =	sdelay $0x2  }
0x1c3: {  	s25 =	sadd.s32 $0x100, s25;
	s31 =	sadd.s32 s31, s15  }
0x1c4: {  	[tilespmem:s21], [sflag:$0x4] =	stream.linear.gather [hbm4b:s31+s4], $0x80, $0x38;
	[tilespmem:$0x1F900] =	vst v63  }
0x1c5: {  	s2 =	sadd.s32 s8, s2;
	s1 =	simm.s32 $0xA100  }
0x1c6: {  	[tilespmem:s1], [sflag:$0x4] =	stream.linear.gather [hbm4b:s2+s4], $0x800, $0x38;
	[tilespmem:$0x1F900] =	vst v63  }
.LBB2_16:
0x1c7: {  	_ =	swait.ge [sflag:s22], $0x100  }
0x1c8: {  	[sflag:s22] =	ssyncset.done $0x0  }
0x1c9: {  	[sflag:s22] =	ssyncadd.s32 $0xFFFFFF00  }
0x1ca: {  	_ =	swait.ge [sflag:s22], $0x100  }
0x1cb: {  	[sflag:s22] =	ssyncset.done $0x0  }
0x1cc: {  	s2 =	simm.s32 $0x0;
	[sflag:s22] =	ssyncadd.s32 $0xFFFFFF00  }
0x1cd: {  	[tilespmem:s2], [sflag:$0x1] =	stream.indirect.gather [hbm4b:s7+s14], $0x80, s0, s14, $0xb8;
	[tilespmem:$0x1F900] =	vst v63  }
0x1ce: {  	s1 =	simm.s32 $0xB280  }
0x1cf: {  	[tilespmem:s17], [sflag:$0x1] =	stream.indirect.gather [hbm4b:s7+s14], $0x80, s1, s14, $0xb8;
	[tilespmem:$0x1F900] =	vst v63  }
0x1d0: {  	_ =	swait.ge [sflag:s24], $0x1000  }
0x1d1: {  	[sflag:s24] =	ssyncset.done $0x0  }
0x1d2: {  	[sflag:s24] =	ssyncadd.s32 $0xFFFFF000  }
0x1d3: {  	_ =	swait.ge [sflag:s24], $0x800  }
0x1d4: {  	s15 =	sand.u32 $0x70, s2;
	s2 =	sand.u32 $0x400, s2;
	[sflag:s24] =	ssyncset.done $0x0  }
0x1d5: {  	s2 =	sor.u32 s15, s2;
	[sflag:s24] =	ssyncadd.s32 $0xFFFFF800  }
0x1d6: {  	v5 =	vld [tilespmem:s2+$0xA900]  }
0x1d7: {  	v6 =	vld [tilespmem:s2+$0xA980];
	_ =	sdelay $0x1  }
0x1d8: {  	v7 =	vld [tilespmem:s2+$0xAA00];
	_ =	sdelay $0x1  }
0x1d9: {  	v8 =	vld [tilespmem:s2+$0xAA80]  }
0x1da: {  	v5 =	vmul.f32 v5, v1;
	v6 =	vmul.f32 v6, v2;
	_ =	sdelay $0x1  }
0x1db: {  	v5 =	vadd.f32 v6, v5;
	v6 =	vmul.f32 v7, v3;
	_ =	sdelay $0x1  }
0x1dc: {  	v5 =	vadd.f32 v6, v5;
	v6 =	vmul.f32 v8, v4;
	_ =	sdelay $0x1  }
0x1dd: {  	s21 =	simm.s32 $0x10;
	s15 =	simm.s32 $0x80;
	v5 =	vadd.f32 v6, v5  }
0x1de: {  	s21 =	sand.u32 $0x70, s21;
	s23 =	sand.u32 $0x400, s15;
	s2 =	simm.s32 $0xA000  }
0x1df: {  	s23 =	sor.u32 s21, s23;
	s21 =	simm.s32 $0x20;
	[tilespmem:s2+$0x0] =	vst v5  }
.LBB2_17:
0x1e0: {  	p1 =	sne.s32 s21, $0xF0;
	v5 =	vld [tilespmem:s23+$0xA900]  }
0x1e1: {  	v6 =	vld [tilespmem:s23+$0xA980];
	_ =	sdelay $0x1  }
0x1e2: {  	v7 =	vld [tilespmem:s23+$0xAA00];
	_ =	sdelay $0x1  }
0x1e3: {  	v8 =	vld [tilespmem:s23+$0xAA80]  }
0x1e4: {  	v5 =	vmul.f32 v5, v1;
	v6 =	vmul.f32 v6, v2;
	_ =	sdelay $0x1  }
0x1e5: {  	v5 =	vadd.f32 v6, v5;
	v6 =	vmul.f32 v7, v3;
	_ =	sdelay $0x1  }
.Ltmp9:
0x1e6: {  	v5 =	vadd.f32 v6, v5;
	v6 =	vmul.f32 v8, v4;
	(pc) =	sbr.rel @p1 .LBB2_17-.Ltmp9, $4  }
0x1e7: {  	_ = 	snop  }
0x1e8: {  	s15 =	sadd.s32 $0x80, s15;
	v5 =	vadd.f32 v6, v5  }
0x1e9: {  	s2 =	sadd.s32 $0x10, s2;
	s25 =	sand.u32 $0x400, s15;
	s23 =	sand.u32 $0x70, s21  }
0x1ea: {  	s21 =	sadd.s32 $0x10, s21;
	s23 =	sor.u32 s23, s25;
	[tilespmem:s2+$0x0] =	vst v5  }
0x1eb: {  	v5 =	vld [tilespmem:s23+$0xA900]  }
0x1ec: {  	v6 =	vld [tilespmem:s23+$0xA980];
	_ =	sdelay $0x1  }
0x1ed: {  	v7 =	vld [tilespmem:s23+$0xAA00];
	_ =	sdelay $0x1  }
0x1ee: {  	v8 =	vld [tilespmem:s23+$0xAA80]  }
0x1ef: {  	v5 =	vmul.f32 v5, v1;
	v6 =	vmul.f32 v6, v2;
	_ =	sdelay $0x1  }
0x1f0: {  	v5 =	vadd.f32 v6, v5;
	v6 =	vmul.f32 v7, v3;
	_ =	sdelay $0x1  }
0x1f1: {  	v5 =	vadd.f32 v6, v5;
	v6 =	vmul.f32 v8, v4;
	_ =	sdelay $0x1  }
0x1f2: {  	v5 =	vadd.f32 v6, v5  }
0x1f3: {  	s2 =	sadd.s32 $0x10, s2  }
0x1f4: {  	[tilespmem:s2+$0x0] =	vst v5  }
0x1f5: {  	_ =	swait.ge [sflag:s19], $0x4000  }
0x1f6: {  	[sflag:s19] =	ssyncset.done $0x0  }
0x1f7: {  	[sflag:s19] =	ssyncadd.s32 $0xFFFFC000  }
0x1f8: {  	_ =	swait.ge [sflag:s19], $0x4000  }
0x1f9: {  	[sflag:s19] =	ssyncset.done $0x0  }
0x1fa: {  	s31 =	simm.s32 $0xA000;
	[sflag:s19] =	ssyncadd.s32 $0xFFFFC000  }
0x1fb: {  	v5 =	vld [tilespmem:s31+$0x0]  }
0x1fc: {  	s2 =	simm.s32 $0x400  }
0x1fd: {  	v6 =	vld [tilespmem:s2+$0xFFFFFC30]  }
0x1fe: {  	v7 =	vld [tilespmem:s2+$0xFFFFFC00]  }
0x1ff: {  	v8 =	vld [tilespmem:s2+$0xFFFFFC10]  }
0x200: {  	v9 =	vld [tilespmem:s2+$0xFFFFFC20];
	v10 =	vbroadcast v5, $0x0;
	_ =	sdelay $0x1  }
0x201: {  	v6 =	vmul.f32 v6, v10  }
0x202: {  	v7 =	vmul.f32 v10, v7  }
0x203: {  	v8 =	vmul.f32 v8, v10;
	[tilespmem:s2+$0xFFFFFC30] =	vst v6;
	v6 =	vld [tilespmem:s2+$0xFFFFFCB0]  }
0x204: {  	v9 =	vmul.f32 v9, v10;
	[tilespmem:s2+$0xFFFFFC00] =	vst v7;
	v7 =	vld [tilespmem:s2+$0xFFFFFCA0]  }
0x205: {  	[tilespmem:s2+$0xFFFFFC10] =	vst v8;
	v8 =	vld [tilespmem:s2+$0xFFFFFC90]  }
0x206: {  	s15 =	simm.s32 $0x80F0;
	v24 =	vld [tilespmem:s2+$0xFFFFFC80];
	v11 =	vbroadcast v5, $0x1;
	[tilespmem:s2+$0xFFFFFC20] =	vst v9  }
0x207: {  	v12 =	vld [tilespmem:s15+$0xFFFFFF90]  }
0x208: {  	v6 =	vmul.f32 v6, v11  }
0x209: {  	v7 =	vmul.f32 v7, v11  }
0x20a: {  	v8 =	vmul.f32 v8, v11;
	[tilespmem:s2+$0xFFFFFCB0] =	vst v6  }
0x20b: {  	v6 =	vmul.f32 v24, v11;
	[tilespmem:s2+$0xFFFFFCA0] =	vst v7;
	v7 =	vld [tilespmem:s2+$0xFFFFFD30]  }
0x20c: {  	v25 =	vmul.f32 v12, v10;
	[tilespmem:s2+$0xFFFFFC90] =	vst v8;
	v8 =	vld [tilespmem:s2+$0xFFFFFD20]  }
0x20d: {  	[tilespmem:s2+$0xFFFFFC80] =	vst v6;
	v6 =	vld [tilespmem:s2+$0xFFFFFD10]  }
0x20e: {  	v26 =	vld [tilespmem:s2+$0xFFFFFD00];
	v27 =	vbroadcast v5, $0x2;
	[tilespmem:s2+$0xFFFFFC40] =	vst v25  }
0x20f: {  	v28 =	vld [tilespmem:s15+$0xFFFFFFA0]  }
0x210: {  	v7 =	vmul.f32 v7, v27  }
0x211: {  	v8 =	vmul.f32 v8, v27  }
0x212: {  	v6 =	vmul.f32 v6, v27;
	[tilespmem:s2+$0xFFFFFD30] =	vst v7  }
0x213: {  	v7 =	vmul.f32 v26, v27;
	[tilespmem:s2+$0xFFFFFD20] =	vst v8;
	v8 =	vld [tilespmem:s2+$0xFFFFFDB0]  }
0x214: {  	v29 =	vmul.f32 v28, v11;
	[tilespmem:s2+$0xFFFFFD10] =	vst v6;
	v6 =	vld [tilespmem:s2+$0xFFFFFDA0]  }
0x215: {  	[tilespmem:s2+$0xFFFFFD00] =	vst v7;
	v7 =	vld [tilespmem:s2+$0xFFFFFD90]  }
0x216: {  	v30 =	vld [tilespmem:s2+$0xFFFFFD80];
	v31 =	vbroadcast v5, $0x3;
	[tilespmem:s2+$0xFFFFFCC0] =	vst v29  }
0x217: {  	v32 =	vld [tilespmem:s15+$0xFFFFFFB0]  }
0x218: {  	v8 =	vmul.f32 v8, v31  }
0x219: {  	v6 =	vmul.f32 v6, v31  }
0x21a: {  	v7 =	vmul.f32 v7, v31;
	[tilespmem:s2+$0xFFFFFDB0] =	vst v8  }
0x21b: {  	v8 =	vmul.f32 v30, v31;
	[tilespmem:s2+$0xFFFFFDA0] =	vst v6;
	v6 =	vld [tilespmem:s2+$0xFFFFFE30]  }
0x21c: {  	v33 =	vmul.f32 v32, v27;
	[tilespmem:s2+$0xFFFFFD90] =	vst v7;
	v7 =	vld [tilespmem:s2+$0xFFFFFE20]  }
0x21d: {  	[tilespmem:s2+$0xFFFFFD80] =	vst v8;
	v8 =	vld [tilespmem:s2+$0xFFFFFE10]  }
0x21e: {  	v34 =	vld [tilespmem:s2+$0xFFFFFE00];
	v35 =	vbroadcast v5, $0x4;
	[tilespmem:s2+$0xFFFFFD40] =	vst v33  }
0x21f: {  	v36 =	vld [tilespmem:s15+$0xFFFFFFC0]  }
0x220: {  	v6 =	vmul.f32 v6, v35  }
0x221: {  	v7 =	vmul.f32 v7, v35  }
0x222: {  	v8 =	vmul.f32 v8, v35;
	[tilespmem:s2+$0xFFFFFE30] =	vst v6  }
0x223: {  	v6 =	vmul.f32 v34, v35;
	[tilespmem:s2+$0xFFFFFE20] =	vst v7;
	v7 =	vld [tilespmem:s2+$0xFFFFFEB0]  }
0x224: {  	[tilespmem:s2+$0xFFFFFE10] =	vst v8;
	v8 =	vld [tilespmem:s2+$0xFFFFFEA0];
	v37 =	vmul.f32 v36, v31  }
0x225: {  	[tilespmem:s2+$0xFFFFFE00] =	vst v6;
	v6 =	vld [tilespmem:s2+$0xFFFFFE90]  }
0x226: {  	v38 =	vld [tilespmem:s2+$0xFFFFFE80];
	v39 =	vbroadcast v5, $0x5;
	[tilespmem:s2+$0xFFFFFDC0] =	vst v37  }
0x227: {  	v40 =	vld [tilespmem:s15+$0xFFFFFFD0]  }
0x228: {  	v7 =	vmul.f32 v7, v39  }
0x229: {  	v8 =	vmul.f32 v8, v39  }
0x22a: {  	v6 =	vmul.f32 v6, v39;
	[tilespmem:s2+$0xFFFFFEB0] =	vst v7  }
0x22b: {  	v7 =	vmul.f32 v38, v39;
	[tilespmem:s2+$0xFFFFFEA0] =	vst v8;
	v8 =	vld [tilespmem:s2+$0xFFFFFF30]  }
0x22c: {  	v41 =	vmul.f32 v40, v35;
	[tilespmem:s2+$0xFFFFFE90] =	vst v6;
	v6 =	vld [tilespmem:s2+$0xFFFFFF20]  }
0x22d: {  	[tilespmem:s2+$0xFFFFFE80] =	vst v7;
	v7 =	vld [tilespmem:s2+$0xFFFFFF10]  }
0x22e: {  	v42 =	vld [tilespmem:s2+$0xFFFFFF00];
	v43 =	vbroadcast v5, $0x6;
	[tilespmem:s2+$0xFFFFFE40] =	vst v41  }
0x22f: {  	v44 =	vld [tilespmem:s15+$0xFFFFFFE0]  }
0x230: {  	v8 =	vmul.f32 v8, v43  }
0x231: {  	v6 =	vmul.f32 v6, v43  }
0x232: {  	v7 =	vmul.f32 v7, v43;
	[tilespmem:s2+$0xFFFFFF30] =	vst v8  }
0x233: {  	v46 =	vld [tilespmem:s2+$0xFFFFFF80];
	v8 =	vmul.f32 v42, v43;
	[tilespmem:s2+$0xFFFFFF20] =	vst v6  }
0x234: {  	v6 =	vld [tilespmem:s2+$0xFFFFFFB0];
	[tilespmem:s2+$0xFFFFFF10] =	vst v7;
	v45 =	vmul.f32 v44, v39  }
0x235: {  	v7 =	vld [tilespmem:s2+$0xFFFFFFA0];
	[tilespmem:s2+$0xFFFFFF00] =	vst v8  }
0x236: {  	v47 =	vbroadcast v5, $0x7;
	v8 =	vld [tilespmem:s2+$0xFFFFFF90];
	[tilespmem:s2+$0xFFFFFEC0] =	vst v45  }
0x237: {  	v48 =	vld [tilespmem:s15+$0xFFFFFFF0]  }
0x238: {  	v9 =	vmul.f32 v46, v47  }
0x239: {  	v6 =	vmul.f32 v6, v47  }
0x23a: {  	[tilespmem:s2+$0xFFFFFF80] =	vst v9;
	v7 =	vmul.f32 v7, v47  }
0x23b: {  	v8 =	vmul.f32 v8, v47;
	[tilespmem:s2+$0xFFFFFFB0] =	vst v6;
	v6 =	vld [tilespmem:s2+$0x0]  }
0x23c: {  	[tilespmem:s2+$0xFFFFFFA0] =	vst v7;
	v7 =	vld [tilespmem:s2+$0x10];
	v10 =	vmul.f32 v48, v43  }
0x23d: {  	[tilespmem:s2+$0xFFFFFF90] =	vst v8;
	v8 =	vld [tilespmem:s2+$0x20]  }
0x23e: {  	v50 =	vld [tilespmem:s2+$0x30];
	v49 =	vbroadcast v5, $0x8;
	[tilespmem:s2+$0xFFFFFF40] =	vst v10  }
0x23f: {  	v10 =	vld [tilespmem:s15+$0x0]  }
0x240: {  	v6 =	vmul.f32 v6, v49  }
0x241: {  	v7 =	vmul.f32 v7, v49  }
0x242: {  	[tilespmem:s2+$0x0] =	vst v6;
	v6 =	vmul.f32 v8, v49  }
0x243: {  	[tilespmem:s2+$0x10] =	vst v7;
	v7 =	vmul.f32 v50, v49;
	v8 =	vld [tilespmem:s2+$0x80]  }
0x244: {  	[tilespmem:s2+$0x20] =	vst v6;
	v6 =	vld [tilespmem:s2+$0x90];
	v10 =	vmul.f32 v10, v47  }
0x245: {  	[tilespmem:s2+$0x30] =	vst v7;
	v7 =	vld [tilespmem:s2+$0xA0]  }
0x246: {  	v52 =	vld [tilespmem:s2+$0xB0];
	v51 =	vbroadcast v5, $0x9;
	[tilespmem:s2+$0xFFFFFFC0] =	vst v10  }
0x247: {  	v10 =	vld [tilespmem:s15+$0x90]  }
0x248: {  	v8 =	vmul.f32 v8, v51  }
0x249: {  	v6 =	vmul.f32 v6, v51  }
0x24a: {  	[tilespmem:s2+$0x80] =	vst v8;
	v7 =	vmul.f32 v7, v51  }
0x24b: {  	v8 =	vld [tilespmem:s2+$0x100];
	[tilespmem:s2+$0x90] =	vst v6;
	v6 =	vmul.f32 v52, v51  }
0x24c: {  	[tilespmem:s2+$0xA0] =	vst v7;
	v7 =	vld [tilespmem:s2+$0x110];
	v9 =	vmul.f32 v10, v49  }
0x24d: {  	[tilespmem:s2+$0xB0] =	vst v6;
	v6 =	vld [tilespmem:s2+$0x120]  }
0x24e: {  	v54 =	vld [tilespmem:s2+$0x130];
	v53 =	vbroadcast v5, $0xA;
	[tilespmem:s2+$0x40] =	vst v9  }
0x24f: {  	v9 =	vld [tilespmem:s15+$0xA0]  }
0x250: {  	v8 =	vmul.f32 v8, v53  }
0x251: {  	v7 =	vmul.f32 v7, v53  }
0x252: {  	[tilespmem:s2+$0x100] =	vst v8;
	v6 =	vmul.f32 v6, v53  }
0x253: {  	v8 =	vld [tilespmem:s2+$0x180];
	[tilespmem:s2+$0x110] =	vst v7;
	v7 =	vmul.f32 v54, v53  }
0x254: {  	[tilespmem:s2+$0x120] =	vst v6;
	v6 =	vld [tilespmem:s2+$0x190];
	v9 =	vmul.f32 v9, v51  }
0x255: {  	[tilespmem:s2+$0x130] =	vst v7;
	v7 =	vld [tilespmem:s2+$0x1A0]  }
0x256: {  	v56 =	vld [tilespmem:s2+$0x1B0];
	v55 =	vbroadcast v5, $0xB;
	[tilespmem:s2+$0xC0] =	vst v9  }
0x257: {  	v9 =	vld [tilespmem:s15+$0xB0]  }
0x258: {  	v8 =	vmul.f32 v8, v55  }
0x259: {  	v6 =	vmul.f32 v6, v55  }
0x25a: {  	[tilespmem:s2+$0x180] =	vst v8;
	v7 =	vmul.f32 v7, v55  }
0x25b: {  	v8 =	vld [tilespmem:s2+$0x200];
	[tilespmem:s2+$0x190] =	vst v6;
	v6 =	vmul.f32 v56, v55  }
0x25c: {  	[tilespmem:s2+$0x1A0] =	vst v7;
	v7 =	vld [tilespmem:s2+$0x210];
	v9 =	vmul.f32 v9, v53  }
0x25d: {  	[tilespmem:s2+$0x1B0] =	vst v6;
	v6 =	vld [tilespmem:s2+$0x220]  }
0x25e: {  	v58 =	vld [tilespmem:s2+$0x230];
	v57 =	vbroadcast v5, $0xC;
	[tilespmem:s2+$0x140] =	vst v9  }
0x25f: {  	v9 =	vld [tilespmem:s15+$0xC0]  }
0x260: {  	v8 =	vmul.f32 v8, v57  }
0x261: {  	v7 =	vmul.f32 v7, v57  }
0x262: {  	[tilespmem:s2+$0x200] =	vst v8;
	v6 =	vmul.f32 v6, v57  }
0x263: {  	v8 =	vld [tilespmem:s2+$0x280];
	[tilespmem:s2+$0x210] =	vst v7;
	v7 =	vmul.f32 v58, v57  }
0x264: {  	[tilespmem:s2+$0x220] =	vst v6;
	v6 =	vld [tilespmem:s2+$0x290];
	v9 =	vmul.f32 v9, v55  }
0x265: {  	[tilespmem:s2+$0x230] =	vst v7;
	v7 =	vld [tilespmem:s2+$0x2A0]  }
0x266: {  	v60 =	vld [tilespmem:s2+$0x2B0];
	v59 =	vbroadcast v5, $0xD;
	[tilespmem:s2+$0x1C0] =	vst v9  }
0x267: {  	v9 =	vld [tilespmem:s15+$0xD0]  }
0x268: {  	v8 =	vmul.f32 v8, v59  }
0x269: {  	v6 =	vmul.f32 v6, v59  }
0x26a: {  	[tilespmem:s2+$0x280] =	vst v8;
	v7 =	vmul.f32 v7, v59  }
0x26b: {  	v8 =	vld [tilespmem:s2+$0x300];
	[tilespmem:s2+$0x290] =	vst v6;
	v6 =	vmul.f32 v60, v59  }
0x26c: {  	[tilespmem:s2+$0x2A0] =	vst v7;
	v7 =	vld [tilespmem:s2+$0x310];
	v9 =	vmul.f32 v9, v57  }
0x26d: {  	[tilespmem:s2+$0x2B0] =	vst v6;
	v6 =	vld [tilespmem:s2+$0x320]  }
0x26e: {  	v62 =	vld [tilespmem:s2+$0x330];
	v61 =	vbroadcast v5, $0xE;
	[tilespmem:s2+$0x240] =	vst v9  }
0x26f: {  	v9 =	vld [tilespmem:s15+$0xE0]  }
0x270: {  	v8 =	vmul.f32 v8, v61  }
0x271: {  	v7 =	vmul.f32 v7, v61  }
0x272: {  	[tilespmem:s2+$0x300] =	vst v8;
	v6 =	vmul.f32 v6, v61  }
0x273: {  	v8 =	vld [tilespmem:s2+$0x380];
	[tilespmem:s2+$0x310] =	vst v7;
	v7 =	vmul.f32 v62, v61  }
0x274: {  	[tilespmem:s2+$0x320] =	vst v6;
	v6 =	vld [tilespmem:s2+$0x390];
	v9 =	vmul.f32 v9, v59  }
0x275: {  	s21 =	simm.s32 $0x1C0;
	[tilespmem:s2+$0x330] =	vst v7;
	v7 =	vld [tilespmem:s2+$0x3A0]  }
0x276: {  	s21 =	sor.u32 $0x60, s21;
	v63 =	vld [tilespmem:s2+$0x3B0];
	v5 =	vbroadcast v5, $0xF;
	[tilespmem:s2+$0x2C0] =	vst v9  }
0x277: {  	v9 =	vld [tilespmem:s21+$0x8000]  }
0x278: {  	v8 =	vmul.f32 v8, v5  }
0x279: {  	v6 =	vmul.f32 v6, v5  }
0x27a: {  	[tilespmem:s2+$0x380] =	vst v8;
	v7 =	vmul.f32 v7, v5  }
0x27b: {  	[tilespmem:s2+$0x390] =	vst v6;
	v6 =	vmul.f32 v63, v5  }
0x27c: {  	[tilespmem:s2+$0x3A0] =	vst v7;
	v7 =	vmul.f32 v9, v61  }
0x27d: {  	s23 =	simm.s32 $0x1E0;
	[tilespmem:s2+$0x3B0] =	vst v6  }
0x27e: {  	s25 =	sor.u32 $0x70, s23;
	[tilespmem:s2+$0x340] =	vst v7  }
0x27f: {  	s23 =	simm.s32 $0x400;
	s21 =	simm.s32 $0x3E0;
	v6 =	vld [tilespmem:s25+$0x8000]  }
.LBB2_19:
0x280: {  	_ =	sdelay $0x2  }
0x281: {  	s31 =	sadd.s32 $0x10, s31;
	s15 =	sadd.s32 $0x200, s15;
	s2 =	sadd.s32 $0x800, s2  }
0x282: {  	p1 =	sne.s32 s21, $0x1FE0;
	s25 =	smov.u32 s21;
	s21 =	sadd.s32 $0x200, s21;
	v5 =	vmul.f32 v6, v5  }
0x283: {  	_ = 	snop  }
0x284: {  	v6 =	vld [tilespmem:s2+$0xFFFFFC20];
	[tilespmem:s23+$0x3C0] =	vst v5;
	s23 =	smov.u32 s2  }
0x285: {  	v5 =	vld [tilespmem:s31+$0x0]  }
0x286: {  	v7 =	vld [tilespmem:s2+$0xFFFFFC30]  }
0x287: {  	v8 =	vld [tilespmem:s2+$0xFFFFFC00]  }
0x288: {  	v9 =	vld [tilespmem:s2+$0xFFFFFC10];
	_ =	sdelay $0x1  }
0x289: {  	v10 =	vbroadcast v5, $0x0;
	_ =	sdelay $0x1  }
0x28a: {  	v8 =	vmul.f32 v10, v8;
	v7 =	vmul.f32 v7, v10  }
0x28b: {  	v6 =	vmul.f32 v6, v10;
	v9 =	vmul.f32 v9, v10  }
0x28c: {  	[tilespmem:s2+$0xFFFFFC30] =	vst v7;
	v7 =	vld [tilespmem:s2+$0xFFFFFCB0]  }
0x28d: {  	[tilespmem:s2+$0xFFFFFC00] =	vst v8;
	v8 =	vld [tilespmem:s2+$0xFFFFFCA0]  }
0x28e: {  	[tilespmem:s2+$0xFFFFFC10] =	vst v9;
	v9 =	vld [tilespmem:s2+$0xFFFFFC90]  }
0x28f: {  	v11 =	vbroadcast v5, $0x1;
	[tilespmem:s2+$0xFFFFFC20] =	vst v6;
	v6 =	vld [tilespmem:s2+$0xFFFFFC80]  }
0x290: {  	v12 =	vld [tilespmem:s15+$0xFFFFFF90]  }
0x291: {  	v7 =	vmul.f32 v7, v11  }
0x292: {  	v8 =	vmul.f32 v8, v11  }
0x293: {  	v9 =	vmul.f32 v9, v11;
	[tilespmem:s2+$0xFFFFFCB0] =	vst v7  }
0x294: {  	v6 =	vmul.f32 v6, v11;
	[tilespmem:s2+$0xFFFFFCA0] =	vst v8;
	v7 =	vld [tilespmem:s2+$0xFFFFFD30]  }
0x295: {  	v8 =	vmul.f32 v12, v10;
	[tilespmem:s2+$0xFFFFFC90] =	vst v9;
	v9 =	vld [tilespmem:s2+$0xFFFFFD20]  }
0x296: {  	[tilespmem:s2+$0xFFFFFC80] =	vst v6;
	v6 =	vld [tilespmem:s2+$0xFFFFFD10]  }
0x297: {  	v10 =	vbroadcast v5, $0x2;
	[tilespmem:s2+$0xFFFFFC40] =	vst v8;
	v8 =	vld [tilespmem:s2+$0xFFFFFD00]  }
0x298: {  	v12 =	vld [tilespmem:s15+$0xFFFFFFA0]  }
0x299: {  	v7 =	vmul.f32 v7, v10  }
0x29a: {  	v9 =	vmul.f32 v9, v10  }
0x29b: {  	v6 =	vmul.f32 v6, v10;
	[tilespmem:s2+$0xFFFFFD30] =	vst v7  }
0x29c: {  	v7 =	vmul.f32 v8, v10;
	[tilespmem:s2+$0xFFFFFD20] =	vst v9;
	v8 =	vld [tilespmem:s2+$0xFFFFFDB0]  }
0x29d: {  	v9 =	vmul.f32 v12, v11;
	[tilespmem:s2+$0xFFFFFD10] =	vst v6;
	v6 =	vld [tilespmem:s2+$0xFFFFFDA0]  }
0x29e: {  	[tilespmem:s2+$0xFFFFFD00] =	vst v7;
	v7 =	vld [tilespmem:s2+$0xFFFFFD90]  }
0x29f: {  	v11 =	vbroadcast v5, $0x3;
	[tilespmem:s2+$0xFFFFFCC0] =	vst v9;
	v9 =	vld [tilespmem:s2+$0xFFFFFD80]  }
0x2a0: {  	v12 =	vld [tilespmem:s15+$0xFFFFFFB0]  }
0x2a1: {  	v8 =	vmul.f32 v8, v11  }
0x2a2: {  	v6 =	vmul.f32 v6, v11  }
0x2a3: {  	v7 =	vmul.f32 v7, v11;
	[tilespmem:s2+$0xFFFFFDB0] =	vst v8  }
0x2a4: {  	v8 =	vmul.f32 v9, v11;
	[tilespmem:s2+$0xFFFFFDA0] =	vst v6;
	v6 =	vld [tilespmem:s2+$0xFFFFFE30]  }
0x2a5: {  	v9 =	vmul.f32 v12, v10;
	[tilespmem:s2+$0xFFFFFD90] =	vst v7;
	v7 =	vld [tilespmem:s2+$0xFFFFFE20]  }
0x2a6: {  	[tilespmem:s2+$0xFFFFFD80] =	vst v8;
	v8 =	vld [tilespmem:s2+$0xFFFFFE10]  }
0x2a7: {  	v10 =	vbroadcast v5, $0x4;
	[tilespmem:s2+$0xFFFFFD40] =	vst v9;
	v9 =	vld [tilespmem:s2+$0xFFFFFE00]  }
0x2a8: {  	v12 =	vld [tilespmem:s15+$0xFFFFFFC0]  }
0x2a9: {  	v6 =	vmul.f32 v6, v10  }
0x2aa: {  	v7 =	vmul.f32 v7, v10  }
0x2ab: {  	v8 =	vmul.f32 v8, v10;
	[tilespmem:s2+$0xFFFFFE30] =	vst v6  }
0x2ac: {  	v6 =	vmul.f32 v9, v10;
	[tilespmem:s2+$0xFFFFFE20] =	vst v7;
	v7 =	vld [tilespmem:s2+$0xFFFFFEB0]  }
0x2ad: {  	v9 =	vmul.f32 v12, v11;
	[tilespmem:s2+$0xFFFFFE10] =	vst v8;
	v8 =	vld [tilespmem:s2+$0xFFFFFEA0]  }
0x2ae: {  	[tilespmem:s2+$0xFFFFFE00] =	vst v6;
	v6 =	vld [tilespmem:s2+$0xFFFFFE90]  }
0x2af: {  	v11 =	vbroadcast v5, $0x5;
	[tilespmem:s2+$0xFFFFFDC0] =	vst v9;
	v9 =	vld [tilespmem:s2+$0xFFFFFE80]  }
0x2b0: {  	v12 =	vld [tilespmem:s15+$0xFFFFFFD0]  }
0x2b1: {  	v7 =	vmul.f32 v7, v11  }
0x2b2: {  	v8 =	vmul.f32 v8, v11  }
0x2b3: {  	v6 =	vmul.f32 v6, v11;
	[tilespmem:s2+$0xFFFFFEB0] =	vst v7  }
0x2b4: {  	v7 =	vmul.f32 v9, v11;
	[tilespmem:s2+$0xFFFFFEA0] =	vst v8;
	v8 =	vld [tilespmem:s2+$0xFFFFFF30]  }
0x2b5: {  	v9 =	vmul.f32 v12, v10;
	[tilespmem:s2+$0xFFFFFE90] =	vst v6;
	v6 =	vld [tilespmem:s2+$0xFFFFFF20]  }
0x2b6: {  	[tilespmem:s2+$0xFFFFFE80] =	vst v7;
	v7 =	vld [tilespmem:s2+$0xFFFFFF10]  }
0x2b7: {  	v10 =	vbroadcast v5, $0x6;
	[tilespmem:s2+$0xFFFFFE40] =	vst v9;
	v9 =	vld [tilespmem:s2+$0xFFFFFF00]  }
0x2b8: {  	v12 =	vld [tilespmem:s15+$0xFFFFFFE0]  }
0x2b9: {  	v8 =	vmul.f32 v8, v10  }
0x2ba: {  	v6 =	vmul.f32 v6, v10  }
0x2bb: {  	v7 =	vmul.f32 v7, v10;
	[tilespmem:s2+$0xFFFFFF30] =	vst v8  }
0x2bc: {  	v8 =	vmul.f32 v9, v10;
	[tilespmem:s2+$0xFFFFFF20] =	vst v6;
	v6 =	vld [tilespmem:s2+$0xFFFFFFB0]  }
0x2bd: {  	v9 =	vmul.f32 v12, v11;
	[tilespmem:s2+$0xFFFFFF10] =	vst v7;
	v7 =	vld [tilespmem:s2+$0xFFFFFFA0]  }
0x2be: {  	[tilespmem:s2+$0xFFFFFF00] =	vst v8;
	v8 =	vld [tilespmem:s2+$0xFFFFFF90]  }
0x2bf: {  	v11 =	vbroadcast v5, $0x7;
	[tilespmem:s2+$0xFFFFFEC0] =	vst v9;
	v9 =	vld [tilespmem:s2+$0xFFFFFF80]  }
0x2c0: {  	v12 =	vld [tilespmem:s15+$0xFFFFFFF0]  }
0x2c1: {  	v6 =	vmul.f32 v6, v11  }
0x2c2: {  	v7 =	vmul.f32 v7, v11;
	v13 =	vld [tilespmem:s2+$0x0]  }
0x2c3: {  	v8 =	vmul.f32 v8, v11;
	[tilespmem:s2+$0xFFFFFFB0] =	vst v6;
	v6 =	vld [tilespmem:s2+$0x10]  }
0x2c4: {  	v9 =	vmul.f32 v9, v11;
	[tilespmem:s2+$0xFFFFFFA0] =	vst v7;
	v7 =	vld [tilespmem:s2+$0x20]  }
0x2c5: {  	v10 =	vmul.f32 v12, v10;
	[tilespmem:s2+$0xFFFFFF90] =	vst v8;
	v8 =	vbroadcast v5, $0x8;
	v12 =	vld [tilespmem:s2+$0x30]  }
0x2c6: {  	[tilespmem:s2+$0xFFFFFF80] =	vst v9  }
0x2c7: {  	[tilespmem:s2+$0xFFFFFF40] =	vst v10;
	v9 =	vmul.f32 v13, v8  }
0x2c8: {  	v10 =	vld [tilespmem:s15+$0x0];
	v6 =	vmul.f32 v6, v8  }
0x2c9: {  	[tilespmem:s2+$0x0] =	vst v9;
	v7 =	vmul.f32 v7, v8  }
0x2ca: {  	[tilespmem:s2+$0x10] =	vst v6;
	v6 =	vmul.f32 v12, v8;
	v9 =	vld [tilespmem:s2+$0x80]  }
0x2cb: {  	[tilespmem:s2+$0x20] =	vst v7;
	v7 =	vld [tilespmem:s2+$0x90]  }
0x2cc: {  	[tilespmem:s2+$0x30] =	vst v6;
	v6 =	vld [tilespmem:s2+$0xA0]  }
0x2cd: {  	v10 =	vmul.f32 v10, v11;
	v11 =	vbroadcast v5, $0x9;
	v12 =	vld [tilespmem:s2+$0xB0];
	_ =	sdelay $0x1  }
0x2ce: {  	[tilespmem:s2+$0xFFFFFFC0] =	vst v10;
	v9 =	vmul.f32 v9, v11  }
0x2cf: {  	v10 =	vld [tilespmem:s15+$0x90];
	v7 =	vmul.f32 v7, v11  }
0x2d0: {  	[tilespmem:s2+$0x80] =	vst v9;
	v6 =	vmul.f32 v6, v11  }
0x2d1: {  	[tilespmem:s2+$0x90] =	vst v7;
	v7 =	vmul.f32 v12, v11;
	v9 =	vld [tilespmem:s2+$0x100]  }
0x2d2: {  	[tilespmem:s2+$0xA0] =	vst v6;
	v6 =	vld [tilespmem:s2+$0x110]  }
0x2d3: {  	[tilespmem:s2+$0xB0] =	vst v7;
	v7 =	vld [tilespmem:s2+$0x120]  }
0x2d4: {  	v8 =	vmul.f32 v10, v8;
	v10 =	vbroadcast v5, $0xA;
	v12 =	vld [tilespmem:s2+$0x130];
	_ =	sdelay $0x1  }
0x2d5: {  	[tilespmem:s2+$0x40] =	vst v8;
	v8 =	vmul.f32 v9, v10  }
0x2d6: {  	v9 =	vld [tilespmem:s15+$0xA0];
	v6 =	vmul.f32 v6, v10  }
0x2d7: {  	[tilespmem:s2+$0x100] =	vst v8;
	v7 =	vmul.f32 v7, v10  }
0x2d8: {  	[tilespmem:s2+$0x110] =	vst v6;
	v6 =	vmul.f32 v12, v10;
	v8 =	vld [tilespmem:s2+$0x180]  }
0x2d9: {  	[tilespmem:s2+$0x120] =	vst v7;
	v7 =	vld [tilespmem:s2+$0x190]  }
0x2da: {  	[tilespmem:s2+$0x130] =	vst v6;
	v6 =	vld [tilespmem:s2+$0x1A0]  }
0x2db: {  	v9 =	vmul.f32 v9, v11;
	v11 =	vbroadcast v5, $0xB;
	v12 =	vld [tilespmem:s2+$0x1B0];
	_ =	sdelay $0x1  }
0x2dc: {  	[tilespmem:s2+$0xC0] =	vst v9;
	v8 =	vmul.f32 v8, v11  }
0x2dd: {  	v9 =	vld [tilespmem:s15+$0xB0];
	v7 =	vmul.f32 v7, v11  }
0x2de: {  	[tilespmem:s2+$0x180] =	vst v8;
	v6 =	vmul.f32 v6, v11  }
0x2df: {  	[tilespmem:s2+$0x190] =	vst v7;
	v7 =	vmul.f32 v12, v11;
	v8 =	vld [tilespmem:s2+$0x200]  }
0x2e0: {  	[tilespmem:s2+$0x1A0] =	vst v6;
	v6 =	vld [tilespmem:s2+$0x210]  }
0x2e1: {  	[tilespmem:s2+$0x1B0] =	vst v7;
	v7 =	vld [tilespmem:s2+$0x220]  }
0x2e2: {  	v9 =	vmul.f32 v9, v10;
	v10 =	vbroadcast v5, $0xC;
	v12 =	vld [tilespmem:s2+$0x230];
	_ =	sdelay $0x1  }
0x2e3: {  	[tilespmem:s2+$0x140] =	vst v9;
	v8 =	vmul.f32 v8, v10  }
0x2e4: {  	v9 =	vld [tilespmem:s15+$0xC0];
	v6 =	vmul.f32 v6, v10  }
0x2e5: {  	[tilespmem:s2+$0x200] =	vst v8;
	v7 =	vmul.f32 v7, v10  }
0x2e6: {  	[tilespmem:s2+$0x210] =	vst v6;
	v6 =	vmul.f32 v12, v10;
	v8 =	vld [tilespmem:s2+$0x280]  }
0x2e7: {  	[tilespmem:s2+$0x220] =	vst v7;
	v7 =	vld [tilespmem:s2+$0x290]  }
0x2e8: {  	[tilespmem:s2+$0x230] =	vst v6;
	v6 =	vld [tilespmem:s2+$0x2A0]  }
0x2e9: {  	v9 =	vmul.f32 v9, v11;
	v11 =	vbroadcast v5, $0xD;
	v12 =	vld [tilespmem:s2+$0x2B0];
	_ =	sdelay $0x1  }
0x2ea: {  	[tilespmem:s2+$0x1C0] =	vst v9;
	v8 =	vmul.f32 v8, v11  }
0x2eb: {  	v9 =	vld [tilespmem:s15+$0xD0];
	v7 =	vmul.f32 v7, v11  }
0x2ec: {  	[tilespmem:s2+$0x280] =	vst v8;
	v6 =	vmul.f32 v6, v11  }
0x2ed: {  	[tilespmem:s2+$0x290] =	vst v7;
	v7 =	vmul.f32 v12, v11;
	v8 =	vld [tilespmem:s2+$0x300]  }
0x2ee: {  	[tilespmem:s2+$0x2A0] =	vst v6;
	v6 =	vld [tilespmem:s2+$0x310]  }
0x2ef: {  	[tilespmem:s2+$0x2B0] =	vst v7;
	v7 =	vld [tilespmem:s2+$0x320]  }
0x2f0: {  	v9 =	vmul.f32 v9, v10;
	v10 =	vbroadcast v5, $0xE;
	v12 =	vld [tilespmem:s2+$0x330];
	_ =	sdelay $0x1  }
0x2f1: {  	[tilespmem:s2+$0x240] =	vst v9;
	v8 =	vmul.f32 v8, v10  }
0x2f2: {  	v9 =	vld [tilespmem:s15+$0xE0];
	v6 =	vmul.f32 v6, v10  }
0x2f3: {  	[tilespmem:s2+$0x300] =	vst v8;
	v7 =	vmul.f32 v7, v10  }
0x2f4: {  	[tilespmem:s2+$0x310] =	vst v6;
	v6 =	vmul.f32 v12, v10;
	v8 =	vld [tilespmem:s2+$0x380]  }
0x2f5: {  	[tilespmem:s2+$0x320] =	vst v7;
	v7 =	vld [tilespmem:s2+$0x390]  }
0x2f6: {  	[tilespmem:s2+$0x330] =	vst v6;
	v6 =	vld [tilespmem:s2+$0x3A0]  }
0x2f7: {  	s1 =	sadd.s32 $0xFFFFFFE0, s25;
	v5 =	vbroadcast v5, $0xF;
	v9 =	vmul.f32 v9, v11;
	v11 =	vld [tilespmem:s2+$0x3B0]  }
0x2f8: {  	s1 =	sor.u32 $0x60, s1  }
0x2f9: {  	[tilespmem:s2+$0x2C0] =	vst v9;
	v8 =	vmul.f32 v8, v5  }
0x2fa: {  	v9 =	vld [tilespmem:s1+$0x8000];
	v7 =	vmul.f32 v7, v5  }
0x2fb: {  	[tilespmem:s2+$0x380] =	vst v8;
	v6 =	vmul.f32 v6, v5  }
0x2fc: {  	[tilespmem:s2+$0x390] =	vst v7;
	v7 =	vmul.f32 v11, v5  }
0x2fd: {  	[tilespmem:s2+$0x3A0] =	vst v6  }
.Ltmp10:
0x2fe: {  	[tilespmem:s2+$0x3B0] =	vst v7;
	(pc) =	sbr.rel @p1 .LBB2_19-.Ltmp10, $4  }
0x2ff: {  	v6 =	vmul.f32 v9, v10  }
0x300: {  	s1 =	sor.u32 $0x70, s25  }
0x301: {  	[tilespmem:s2+$0x340] =	vst v6  }
0x302: {  	v6 =	vld [tilespmem:s1+$0x8000]  }
0x303: {  	_ =	sdelay $0x3  }
0x304: {  	v5 =	vmul.f32 v6, v5;
	_ =	sdelay $0x1  }
0x305: {  	[tilespmem:s23+$0x3C0] =	vst v5  }
0x306: {  	[spmem:s3] =	stream.indirect.scatter.add.f32 [tilespmem:s4], [sflag:$0x6], $0x80, s26, s14, $0xb8;
	[tilespmem:$0x1F900] =	vst v63  }
0x307: {  	_ =	swait.ge [sflag:s28], $0x4000  }
0x308: {  	[sflag:s28] =	ssyncset.done $0x0  }
.Ltmp11:
0x309: {  	s1 =	simm.s32 $0xB480;
	[sflag:s28] =	ssyncadd.s32 $0xFFFFC000;
	(pc) =	sbr.rel @p0 .LBB2_24-.Ltmp11, $4  }
0x30a: {  	[spmem:s3] =	stream.indirect.scatter.add.f32 [tilespmem:s17], [sflag:$0x6], $0x80, s1, s14, $0xb8;
	[tilespmem:$0x1F900] =	vst v63  }
0x30b: {  	_ =	swait.ge [sflag:s28], $0x4000  }
0x30c: {  	[sflag:s28] =	ssyncset.done $0x0  }
0x30d: {  	[sflag:s28] =	ssyncadd.s32 $0xFFFFC000  }
0x30e: {  	s1 =	sadd.s32 $0x300, s12  }
0x30f: {  	s2 =	sadd.s32 s10, s1  }
0x310: {  	s1 =	sand.u32 $0x300, s1;
	s23 =	sand.u32 $0xFFC00, s2  }
0x311: {  	s1 =	sor.u32 s1, s23  }
0x312: {  	s25 =	rddreg [dreg:$0x0];
	s1 =	sshrl.u32 s1, $0x3  }
0x313: {  	s15 =	simm.s32 $0x0;
	s12 =	sadd.s32 s25, s1  }
0x314: {  	[tilespmem:s0], [sflag:$0x3] =	stream.linear.gather [hbm4b:s12+s15], $0x100, $0x38;
	[tilespmem:$0x1F900] =	vst v63  }
0x315: {  	s31 =	sshll.u32 s2, $0x1;
	s1 =	sadd.s32 s5, s1  }
0x316: {  	[tilespmem:s26], [sflag:$0x3] =	stream.linear.gather [hbm4b:s1+s15], $0x100, $0x38;
	[tilespmem:$0x1F900] =	vst v63  }
0x317: {  	s1 =	sand.u32 $0x1FFFFE00, s31  }
0x318: {  	s21 =	simm.s32 $0x10;
	s12 =	sadd.s32 s6, s1  }
0x319: {  	s23 =	simm.s32 $0x8180;
	s15 =	simm.s32 $0x8080;
	s25 =	sadd.s32 $0x0, s12  }
.LBB2_22:
0x31a: {  	[tilespmem:s15], [sflag:$0x5] =	stream.linear.gather [hbm4b:s25+s4], $0x80, $0x38;
	[tilespmem:$0x1F900] =	vst v63  }
0x31b: {  	s1 =	smov.u32 s21;
	s15 =	smov.u32 s23;
	p0 =	sne.s32 s21, $0x1F0  }
.Ltmp12:
0x31c: {  	s21 =	sadd.s32 $0x10, s21;
	(pc) =	sbr.rel @p0 .LBB2_22-.Ltmp12, $2  }
0x31d: {  	_ =	sdelay $0x2  }
0x31e: {  	s23 =	sadd.s32 $0x100, s23;
	s25 =	sadd.s32 s1, s12  }
.Ltmp13:
0x31f: {  	(pc) =	sbr.rel .LBB2_8-.Ltmp13, $4  }
0x320: {  	_ = 	snop  }
0x321: {  	[tilespmem:s15], [sflag:$0x5] =	stream.linear.gather [hbm4b:s25+s4], $0x80, $0x38;
	[tilespmem:$0x1F900] =	vst v63  }
0x322: {  	s1 =	sadd.s32 s8, s2;
	s31 =	simm.s32 $0xA900;
	s11 =	sadd.s32 $0x1, s11  }
0x323: {  	[tilespmem:s31], [sflag:$0x5] =	stream.linear.gather [hbm4b:s1+s4], $0x800, $0x38;
	[tilespmem:$0x1F900] =	vst v63  }
.LBB2_25:
0x324: {  	_ =	sfence.sel $0x180000  }
0x325: {  	[bflag:$0x0] =	sbarrier.arrive $0xFFFF  }
0x326: {  	_ =	strace $0x9000004D  }
0x327: {  	s0 =	stileid.u32;
	[bflag:$0x2] =	sbarrier.arrive $0xFFFF  }
0x328: {  	p0 =	sne.s32 s0, $0x0;
	s0 =	rddreg [dreg:$0x3]  }
0x329: {  	s0 =	sadd.s32 @!p0 $0x100000, s0  }
0x32a: {  	[sflag:s0] =	ssyncadd.tile.s32 @!p0 $0x1;
	_ =	shalt  }
.Lfunc_end2:
_tile_overlayer_lowered:
.L_overlay_start_2:
0x32b: {  	(tag) =	ssettag $0x2  }
0x32c: {  	s0 =	rddreg [dreg:$0x0];
	s2 =	stileid.u32  }
0x32d: {  	s1 =	rddreg [dreg:$0x1];
	p0 =	sne.s32 s2, $0x0  }
0x32e: {  	s3 =	rddreg [dreg:$0x2];
	[bflag:$0x3] =	sbarrier.arrive $0xFFFF;
	s2 =	simm.s32 @!p0 $0x1C06  }
0x32f: {  	[timem:s3], [sflag:s2] =	dma.local @!p0 [hbm:s0], s1  }
0x330: {  	s0 =	simm.s32 @!p0 $0x6  }
0x331: {  	_ =	swait.ge @!p0 [sflag:s0], s1  }
0x332: {  	s1 =	ssub.s32 @!p0 $0x0, s1;
	[sflag:s0] =	ssyncset.done @!p0 $0x0  }
0x333: {  	[sflag:s0] =	ssyncadd.s32 @!p0 s1  }
0x334: {  	[bflag:$0x3] =	sbarrier.arrive $0xFFFF  }
0x335: {  	_ =	shalt  }

</sc_bundles>
